<compile_context>
chip_gen: v7x
topology: tpu7x:2x2x1
jax: 0.10.2.dev20260603
libtpu: 0.0.44.dev20260713+nightly
codegen_flags: <defaults>
</compile_context>

<pallas_src>
import functools

import jax
import jax.numpy as jnp
from jax import lax
from jax.experimental import pallas as pl
from jax.experimental.pallas import tpu as pltpu
from jax.experimental.pallas import tpu_sc as plsc

VOCAB = 16
DIM = 64
NW = 32
PAIRS = 256
IDX_ROWS = PAIRS // 128


def _pair_table(table):
    pa = jnp.broadcast_to(table[:, None, :], (VOCAB, VOCAB, DIM))
    pb = jnp.broadcast_to(table[None, :, :], (VOCAB, VOCAB, DIM))
    return jnp.concatenate([pa, pb], axis=-1).reshape(VOCAB * VOCAB, 2 * DIM)


def _sc_gather(positions, ptable):
    S = positions.shape[0]
    n_pairs = S // 2
    pairs_per_w = n_pairs // NW
    n = pairs_per_w // PAIRS
    assert pairs_per_w % PAIRS == 0 and n >= 4 and n % 2 == 0
    mesh = plsc.VectorSubcoreMesh(core_axis_name="c", subcore_axis_name="s")

    @functools.partial(
        pl.kernel,
        mesh=mesh,
        out_type=jax.ShapeDtypeStruct((n_pairs, 2 * DIM), jnp.float32),
        scratch_types=(
            [pltpu.VMEM_SHARED((VOCAB * VOCAB, 2 * DIM), jnp.float32)]
            + [pltpu.VMEM((2 * PAIRS,), jnp.int32) for _ in range(2)]
            + [pltpu.VMEM((PAIRS, 2 * DIM), jnp.float32) for _ in range(2)]
            + [pltpu.VMEM((128,), jnp.int32) for _ in range(2 * IDX_ROWS)]
            + [pltpu.SemaphoreType.DMA for _ in range(6)]
        ),
    )
    def k(pos_hbm, ptable_hbm, out_hbm, ptable_sh,
          idx0, idx1, rows0, rows1, c00, c01, c10, c11,
          si0, si1, sg0, sg1, so0, so1):
        idx = (idx0, idx1)
        rows = (rows0, rows1)
        combs = ((c00, c01), (c10, c11))
        sem_i = (si0, si1)
        sem_g = (sg0, sg1)
        sem_o = (so0, so1)

        wid = lax.axis_index("s") * 2 + lax.axis_index("c")
        in_base = wid * (2 * pairs_per_w)
        out_base = wid * pairs_per_w
        lane = lax.iota(jnp.int32, 16)
        half = lane % 8
        dnums = lax.GatherDimensionNumbers(
            offset_dims=(), collapsed_slice_dims=(0,), start_index_map=(0,))

        def perm(v, i):
            return lax.gather(v, i[:, None], dnums, (1,),
                              mode=lax.GatherScatterMode.PROMISE_IN_BOUNDS)

        def idx_src(i):
            return pos_hbm.at[pl.ds(in_base + i * (2 * PAIRS), 2 * PAIRS)]

        def start_idx(i, p):
            pltpu.async_copy(idx_src(i), idx[p], sem_i[p])

        def wait_idx(p):
            pltpu.make_async_copy(idx_src(0), idx[p], sem_i[p]).wait()

        def combine(p):
            for m in range(PAIRS // 16):
                v_lo = idx[p][pl.ds(32 * m, 16)]
                v_hi = idx[p][pl.ds(32 * m + 16, 16)]
                c_lo = VOCAB * perm(v_lo, half * 2) + perm(v_lo, half * 2 + 1)
                c_hi = VOCAB * perm(v_hi, half * 2) + perm(v_hi, half * 2 + 1)
                combs[p][m // 8][pl.ds((m % 8) * 16, 16)] = jnp.where(
                    lane < 8, c_lo, c_hi)

        def fire_gathers(p):
            for j in range(IDX_ROWS):
                pltpu.async_copy(ptable_sh.at[combs[p][j]],
                                 rows[p].at[pl.ds(j * 128, 128)], sem_g[p])

        def wait_gathers(p):
            for j in range(IDX_ROWS):
                pltpu.make_async_copy(ptable_sh.at[combs[p][j]],
                                      rows[p].at[pl.ds(j * 128, 128)],
                                      sem_g[p]).wait()

        def start_out(i, p):
            pltpu.async_copy(rows[p],
                             out_hbm.at[pl.ds(out_base + i * PAIRS, PAIRS)],
                             sem_o[p])

        def wait_out(p):
            pltpu.make_async_copy(rows[p],
                                  out_hbm.at[pl.ds(out_base, PAIRS)],
                                  sem_o[p]).wait()

        @pl.when(lax.axis_index("s") == 0)
        def _stage_table():
            pltpu.sync_copy(ptable_hbm, ptable_sh)

        plsc.subcore_barrier()

        pltpu.sync_copy(idx_src(0), idx[0])
        combine(0)
        fire_gathers(0)
        start_idx(1, 1)

        wait_idx(1)
        combine(1)
        start_idx(2, 0)
        wait_gathers(0)
        fire_gathers(1)
        start_out(0, 0)

        def steady(i, p, q):
            wait_idx(q)
            combine(q)
            start_idx(i + 2, p)
            wait_out(q)
            wait_gathers(p)
            fire_gathers(q)
            start_out(i, p)

        def body(t, carry):
            steady(2 * t + 1, 1, 0)
            steady(2 * t + 2, 0, 1)
            return carry

        lax.fori_loop(0, (n - 4) // 2, body, 0)

        steady(n - 3, 1, 0)
        wait_idx(1)
        combine(1)
        wait_out(1)
        wait_gathers(0)
        fire_gathers(1)
        start_out(n - 2, 0)
        wait_out(0)
        wait_gathers(1)
        start_out(n - 1, 1)
        wait_out(1)

    return k(positions, ptable)


def kernel(positions, table):
    out2 = _sc_gather(positions.astype(jnp.int32), _pair_table(table))
    return out2.reshape(positions.shape[0], DIM)

# --- scband reference (transcript-rebuilt; emitter-appended) ---
"""Pipeline reference for scband-phrase-position-embedder-36971078484140 (READ-ONLY COPY).

The authoritative reference and input builder live on the scoring server;
editing this copy changes nothing except your own understanding.
"""

import jax, jax.numpy as jnp
import numpy as np

VOCAB = 16  # STEPS_PER_PHRASE
DIM = 64    # out_dim
S = 3276800


def setup_inputs(seed: int = 0) -> dict:
    key = jax.random.key(seed)
    k1, k2 = jax.random.split(key)
    positions = jax.random.randint(k1, (S,), 0, VOCAB)
    table = jax.random.normal(k2, (VOCAB, DIM), dtype=jnp.float32)
    return {"positions": positions, "table": table}


def reference(positions, table):
    # EnumEmbedder is a learned table lookup; vmap over positions reduces to a plain gather:
    # (S,) int indices -> (S, out_dim) rows of the embedding table.
    return jnp.take(table, positions, axis=0)

if __name__ == "__main__":
    import jax
    _d = setup_inputs()
    print(jax.jit(kernel)(*tuple(_d.values())))

</pallas_src>

<mosaic_0001>
#map = affine_map<(d0, d1) -> (0)>
#map1 = affine_map<(d0, d1) -> (0, 0)>
module attributes {stable_mosaic.version = 14 : i64} {
  func.func @k(%arg0: i32, %arg1: i32, %arg2: memref<3276800xi32, #tpu.memory_space<hbm>>, %arg3: memref<256x128xf32, #tpu.memory_space<hbm>>, %arg4: memref<1638400x128xf32, #tpu.memory_space<hbm>>, %arg5: memref<256x128xf32, #tpu.memory_space<vmem_shared>>, %arg6: memref<512xi32, #tpu.memory_space<vmem>>, %arg7: memref<512xi32, #tpu.memory_space<vmem>>, %arg8: memref<256x128xf32, #tpu.memory_space<vmem>>, %arg9: memref<256x128xf32, #tpu.memory_space<vmem>>, %arg10: memref<128xi32, #tpu.memory_space<vmem>>, %arg11: memref<128xi32, #tpu.memory_space<vmem>>, %arg12: memref<128xi32, #tpu.memory_space<vmem>>, %arg13: memref<128xi32, #tpu.memory_space<vmem>>, %arg14: memref<!tpu.dma_semaphore, #tpu.memory_space<semaphore_mem>>, %arg15: memref<!tpu.dma_semaphore, #tpu.memory_space<semaphore_mem>>, %arg16: memref<!tpu.dma_semaphore, #tpu.memory_space<semaphore_mem>>, %arg17: memref<!tpu.dma_semaphore, #tpu.memory_space<semaphore_mem>>, %arg18: memref<!tpu.dma_semaphore, #tpu.memory_space<semaphore_mem>>, %arg19: memref<!tpu.dma_semaphore, #tpu.memory_space<semaphore_mem>>) attributes {dimension_semantics = [#tpu.dimension_semantics<core_parallel>, #tpu.dimension_semantics<subcore_parallel>], iteration_bounds = array<i64: 2, 16>, scalar_prefetch = 0 : i64, scratch_operands = 15 : i64, tpu.core_type = #tpu.core_type<sc_vector_subcore>, window_params = [{transform_indices = #map}, {transform_indices = #map1}, {transform_indices = #map1}]} {
    %mul3A = arith.constant 2 : i32
    %mul3A_0 = arith.muli %arg1, %mul3A : i32
    %add3A = arith.addi %mul3A_0, %arg0 : i32
    %mul3A_1 = arith.constant 102400 : i32
    %mul3A_2 = arith.muli %add3A, %mul3A_1 : i32
    %mul3A_3 = arith.constant 51200 : i32
    %mul3A_4 = arith.muli %add3A, %mul3A_3 : i32
    %iota3A = tpu.iota {dimensions = array<i32: 0>} : vector<16xi32>
    %jit3A = arith.constant 8 : i32
    %eq3A = arith.constant 0 : i32
    %eq3A_5 = arith.cmpi eq, %jit3A, %eq3A : i32
    %jit3A_6 = arith.constant 1 : i32
    %select_n3A = arith.select %eq3A_5, %jit3A_6, %jit3A : i32
    %rem3A = vector.broadcast %select_n3A : i32 to vector<16xi32>
    %rem3A_7 = arith.remsi %iota3A, %rem3A : vector<16xi32>
    %ne3A = arith.constant 0 : i32
    %ne3A_8 = vector.broadcast %ne3A : i32 to vector<16xi32>
    %ne3A_9 = arith.cmpi ne, %rem3A_7, %ne3A_8 : vector<16xi32>
    %lt3A = arith.constant 0 : i32
    %lt3A_10 = vector.broadcast %lt3A : i32 to vector<16xi32>
    %lt3A_11 = arith.cmpi slt, %rem3A_7, %lt3A_10 : vector<16xi32>
    %lt3A_12 = arith.constant 0 : i32
    %lt3A_13 = arith.cmpi slt, %select_n3A, %lt3A_12 : i32
    %ne3A_14 = vector.broadcast %lt3A_13 : i1 to vector<16xi1>
    %ne3A_15 = vector.broadcast %ne3A_14 : vector<16xi1> to vector<16xi1>
    %ne3A_16 = arith.xori %lt3A_11, %ne3A_15 : vector<16xi1>
    %and3A = arith.andi %ne3A_16, %ne3A_9 : vector<16xi1>
    %add3A_17 = vector.broadcast %select_n3A : i32 to vector<16xi32>
    %add3A_18 = arith.addi %rem3A_7, %add3A_17 : vector<16xi32>
    %select_n3A_19 = arith.select %and3A, %add3A_18, %rem3A_7 : vector<16xi1>, vector<16xi32>
    %eq3A_20 = arith.constant 0 : i32
    %eq3A_21 = arith.cmpi eq, %arg1, %eq3A_20 : i32
    %convert_element_type3A = arith.extui %eq3A_21 : i1 to i32
    %cond3A = arith.constant 0 : i32
    %cond3A_22 = arith.cmpi ne, %convert_element_type3A, %cond3A : i32
    scf.if %cond3A_22 {
      "tpu.region"() ({
        %run_scoped3A = tpu.sem_alloc : memref<!tpu.dma_semaphore, #tpu.memory_space<semaphore_mem>>
        tpu.enqueue_dma source(%arg3 : memref<256x128xf32, #tpu.memory_space<hbm>>) target(%arg5 : memref<256x128xf32, #tpu.memory_space<vmem_shared>>) target_semaphore(%run_scoped3A : memref<!tpu.dma_semaphore, #tpu.memory_space<semaphore_mem>>)
        tpu.wait_dma2 semaphore(%run_scoped3A : memref<!tpu.dma_semaphore, #tpu.memory_space<semaphore_mem>>) src(%arg3 : memref<256x128xf32, #tpu.memory_space<hbm>>) dst(%arg5 : memref<256x128xf32, #tpu.memory_space<vmem_shared>>)
        tpu.yield
      }) : () -> ()
    } else {
    }
    %barrier3A = arith.constant 0 : index
    tpu.barrier barrier_id(%barrier3A)
    %add3A_23 = arith.constant 0 : i32
    %add3A_24 = arith.addi %mul3A_2, %add3A_23 : i32
    "tpu.region"() ({
      %run_scoped3A = tpu.sem_alloc : memref<!tpu.dma_semaphore, #tpu.memory_space<semaphore_mem>>
      %dma_start3A_3512 = tpu.memref_slice %arg2[%add3A_24] : memref<3276800xi32, #tpu.memory_space<hbm>> -> memref<512xi32, #tpu.memory_space<hbm>>
      %dma_start3A_3513 = tpu.memref_slice %arg2[%add3A_24] : memref<3276800xi32, #tpu.memory_space<hbm>> -> memref<512xi32, #tpu.memory_space<hbm>>
      tpu.enqueue_dma source(%dma_start3A_3513 : memref<512xi32, #tpu.memory_space<hbm>>) target(%arg6 : memref<512xi32, #tpu.memory_space<vmem>>) target_semaphore(%run_scoped3A : memref<!tpu.dma_semaphore, #tpu.memory_space<semaphore_mem>>)
      %dma_wait3A_3514 = tpu.memref_slice %arg2[%add3A_24] : memref<3276800xi32, #tpu.memory_space<hbm>> -> memref<512xi32, #tpu.memory_space<hbm>>
      %dma_wait3A_3515 = tpu.memref_slice %arg2[%add3A_24] : memref<3276800xi32, #tpu.memory_space<hbm>> -> memref<512xi32, #tpu.memory_space<hbm>>
      tpu.wait_dma2 semaphore(%run_scoped3A : memref<!tpu.dma_semaphore, #tpu.memory_space<semaphore_mem>>) src(%dma_wait3A_3515 : memref<512xi32, #tpu.memory_space<hbm>>) dst(%arg6 : memref<512xi32, #tpu.memory_space<vmem>>)
      tpu.yield
    }) : () -> ()
    %get3A = arith.constant 0 : index
    %get3A_25 = tpu.vector_load %arg6[%get3A] {strides = array<i32>} : memref<512xi32, #tpu.memory_space<vmem>>, vector<16xi32>,
    %get3A_26 = vector.shape_cast %get3A_25 : vector<16xi32> to vector<16xi32>
    %get3A_27 = arith.constant 16 : index
    %get3A_28 = tpu.vector_load %arg6[%get3A_27] {strides = array<i32>} : memref<512xi32, #tpu.memory_space<vmem>>, vector<16xi32>,
    %get3A_29 = vector.shape_cast %get3A_28 : vector<16xi32> to vector<16xi32>
    %mul3A_30 = arith.constant 2 : i32
    %mul3A_31 = vector.broadcast %mul3A_30 : i32 to vector<16xi32>
    %mul3A_32 = arith.muli %select_n3A_19, %mul3A_31 : vector<16xi32>
    %broadcast_in_dim3A = vector.shape_cast %mul3A_32 : vector<16xi32> to vector<16x1xi32>
    %gather3A = vector.shape_cast %broadcast_in_dim3A : vector<16x1xi32> to vector<16xi32>
    %gather3A_33 = tpu.dynamic_gather %get3A_26[%gather3A] in [0] : vector<16xi32>, vector<16xi32> -> vector<16xi32>
    %mul3A_34 = arith.constant 16 : i32
    %mul3A_35 = vector.broadcast %mul3A_34 : i32 to vector<16xi32>
    %mul3A_36 = arith.muli %mul3A_35, %gather3A_33 : vector<16xi32>
    %mul3A_37 = arith.constant 2 : i32
    %mul3A_38 = vector.broadcast %mul3A_37 : i32 to vector<16xi32>
    %mul3A_39 = arith.muli %select_n3A_19, %mul3A_38 : vector<16xi32>
    %add3A_40 = arith.constant 1 : i32
    %add3A_41 = vector.broadcast %add3A_40 : i32 to vector<16xi32>
    %add3A_42 = arith.addi %mul3A_39, %add3A_41 : vector<16xi32>
    %broadcast_in_dim3A_43 = vector.shape_cast %add3A_42 : vector<16xi32> to vector<16x1xi32>
    %gather3A_44 = vector.shape_cast %broadcast_in_dim3A_43 : vector<16x1xi32> to vector<16xi32>
    %gather3A_45 = tpu.dynamic_gather %get3A_26[%gather3A_44] in [0] : vector<16xi32>, vector<16xi32> -> vector<16xi32>
    %add3A_46 = arith.addi %mul3A_36, %gather3A_45 : vector<16xi32>
    %mul3A_47 = arith.constant 2 : i32
    %mul3A_48 = vector.broadcast %mul3A_47 : i32 to vector<16xi32>
    %mul3A_49 = arith.muli %select_n3A_19, %mul3A_48 : vector<16xi32>
    %broadcast_in_dim3A_50 = vector.shape_cast %mul3A_49 : vector<16xi32> to vector<16x1xi32>
    %gather3A_51 = vector.shape_cast %broadcast_in_dim3A_50 : vector<16x1xi32> to vector<16xi32>
    %gather3A_52 = tpu.dynamic_gather %get3A_29[%gather3A_51] in [0] : vector<16xi32>, vector<16xi32> -> vector<16xi32>
    %mul3A_53 = arith.constant 16 : i32
    %mul3A_54 = vector.broadcast %mul3A_53 : i32 to vector<16xi32>
    %mul3A_55 = arith.muli %mul3A_54, %gather3A_52 : vector<16xi32>
    %mul3A_56 = arith.constant 2 : i32
    %mul3A_57 = vector.broadcast %mul3A_56 : i32 to vector<16xi32>
    %mul3A_58 = arith.muli %select_n3A_19, %mul3A_57 : vector<16xi32>
    %add3A_59 = arith.constant 1 : i32
    %add3A_60 = vector.broadcast %add3A_59 : i32 to vector<16xi32>
    %add3A_61 = arith.addi %mul3A_58, %add3A_60 : vector<16xi32>
    %broadcast_in_dim3A_62 = vector.shape_cast %add3A_61 : vector<16xi32> to vector<16x1xi32>
    %gather3A_63 = vector.shape_cast %broadcast_in_dim3A_62 : vector<16x1xi32> to vector<16xi32>
    %gather3A_64 = tpu.dynamic_gather %get3A_29[%gather3A_63] in [0] : vector<16xi32>, vector<16xi32> -> vector<16xi32>
    %add3A_65 = arith.addi %mul3A_55, %gather3A_64 : vector<16xi32>
    %lt3A_66 = arith.constant 8 : i32
    %lt3A_67 = vector.broadcast %lt3A_66 : i32 to vector<16xi32>
    %lt3A_68 = arith.cmpi slt, %iota3A, %lt3A_67 : vector<16xi32>
    %select_n3A_69 = arith.select %lt3A_68, %add3A_46, %add3A_65 : vector<16xi1>, vector<16xi32>
    %swap3A = arith.constant 0 : index
    %swap3A_70 = tpu.vector_load %arg10[%swap3A] {strides = array<i32>} : memref<128xi32, #tpu.memory_space<vmem>>, vector<16xi32>,
    %swap3A_71 = vector.shape_cast %swap3A_70 : vector<16xi32> to vector<16xi32>
    %swap3A_72 = vector.shape_cast %select_n3A_69 : vector<16xi32> to vector<16xi32>
    tpu.vector_store %arg10[%swap3A], %swap3A_72 {strides = array<i32>} : memref<128xi32, #tpu.memory_space<vmem>>, vector<16xi32>,
    %get3A_73 = arith.constant 32 : index
    %get3A_74 = tpu.vector_load %arg6[%get3A_73] {strides = array<i32>} : memref<512xi32, #tpu.memory_space<vmem>>, vector<16xi32>,
    %get3A_75 = vector.shape_cast %get3A_74 : vector<16xi32> to vector<16xi32>
    %get3A_76 = arith.constant 48 : index
    %get3A_77 = tpu.vector_load %arg6[%get3A_76] {strides = array<i32>} : memref<512xi32, #tpu.memory_space<vmem>>, vector<16xi32>,
    %get3A_78 = vector.shape_cast %get3A_77 : vector<16xi32> to vector<16xi32>
    %mul3A_79 = arith.constant 2 : i32
    %mul3A_80 = vector.broadcast %mul3A_79 : i32 to vector<16xi32>
    %mul3A_81 = arith.muli %select_n3A_19, %mul3A_80 : vector<16xi32>
    %broadcast_in_dim3A_82 = vector.shape_cast %mul3A_81 : vector<16xi32> to vector<16x1xi32>
    %gather3A_83 = vector.shape_cast %broadcast_in_dim3A_82 : vector<16x1xi32> to vector<16xi32>
    %gather3A_84 = tpu.dynamic_gather %get3A_75[%gather3A_83] in [0] : vector<16xi32>, vector<16xi32> -> vector<16xi32>
    %mul3A_85 = arith.constant 16 : i32
    %mul3A_86 = vector.broadcast %mul3A_85 : i32 to vector<16xi32>
    %mul3A_87 = arith.muli %mul3A_86, %gather3A_84 : vector<16xi32>
    %mul3A_88 = arith.constant 2 : i32
    %mul3A_89 = vector.broadcast %mul3A_88 : i32 to vector<16xi32>
    %mul3A_90 = arith.muli %select_n3A_19, %mul3A_89 : vector<16xi32>
    %add3A_91 = arith.constant 1 : i32
    %add3A_92 = vector.broadcast %add3A_91 : i32 to vector<16xi32>
    %add3A_93 = arith.addi %mul3A_90, %add3A_92 : vector<16xi32>
    %broadcast_in_dim3A_94 = vector.shape_cast %add3A_93 : vector<16xi32> to vector<16x1xi32>
    %gather3A_95 = vector.shape_cast %broadcast_in_dim3A_94 : vector<16x1xi32> to vector<16xi32>
    %gather3A_96 = tpu.dynamic_gather %get3A_75[%gather3A_95] in [0] : vector<16xi32>, vector<16xi32> -> vector<16xi32>
    %add3A_97 = arith.addi %mul3A_87, %gather3A_96 : vector<16xi32>
    %mul3A_98 = arith.constant 2 : i32
    %mul3A_99 = vector.broadcast %mul3A_98 : i32 to vector<16xi32>
    %mul3A_100 = arith.muli %select_n3A_19, %mul3A_99 : vector<16xi32>
    %broadcast_in_dim3A_101 = vector.shape_cast %mul3A_100 : vector<16xi32> to vector<16x1xi32>
    %gather3A_102 = vector.shape_cast %broadcast_in_dim3A_101 : vector<16x1xi32> to vector<16xi32>
    %gather3A_103 = tpu.dynamic_gather %get3A_78[%gather3A_102] in [0] : vector<16xi32>, vector<16xi32> -> vector<16xi32>
    %mul3A_104 = arith.constant 16 : i32
    %mul3A_105 = vector.broadcast %mul3A_104 : i32 to vector<16xi32>
    %mul3A_106 = arith.muli %mul3A_105, %gather3A_103 : vector<16xi32>
    %mul3A_107 = arith.constant 2 : i32
    %mul3A_108 = vector.broadcast %mul3A_107 : i32 to vector<16xi32>
    %mul3A_109 = arith.muli %select_n3A_19, %mul3A_108 : vector<16xi32>
    %add3A_110 = arith.constant 1 : i32
    %add3A_111 = vector.broadcast %add3A_110 : i32 to vector<16xi32>
    %add3A_112 = arith.addi %mul3A_109, %add3A_111 : vector<16xi32>
    %broadcast_in_dim3A_113 = vector.shape_cast %add3A_112 : vector<16xi32> to vector<16x1xi32>
    %gather3A_114 = vector.shape_cast %broadcast_in_dim3A_113 : vector<16x1xi32> to vector<16xi32>
    %gather3A_115 = tpu.dynamic_gather %get3A_78[%gather3A_114] in [0] : vector<16xi32>, vector<16xi32> -> vector<16xi32>
    %add3A_116 = arith.addi %mul3A_106, %gather3A_115 : vector<16xi32>
    %lt3A_117 = arith.constant 8 : i32
    %lt3A_118 = vector.broadcast %lt3A_117 : i32 to vector<16xi32>
    %lt3A_119 = arith.cmpi slt, %iota3A, %lt3A_118 : vector<16xi32>
    %select_n3A_120 = arith.select %lt3A_119, %add3A_97, %add3A_116 : vector<16xi1>, vector<16xi32>
    %swap3A_121 = arith.constant 16 : index
    %swap3A_122 = tpu.vector_load %arg10[%swap3A_121] {strides = array<i32>} : memref<128xi32, #tpu.memory_space<vmem>>, vector<16xi32>,
    %swap3A_123 = vector.shape_cast %swap3A_122 : vector<16xi32> to vector<16xi32>
    %swap3A_124 = vector.shape_cast %select_n3A_120 : vector<16xi32> to vector<16xi32>
    tpu.vector_store %arg10[%swap3A_121], %swap3A_124 {strides = array<i32>} : memref<128xi32, #tpu.memory_space<vmem>>, vector<16xi32>,
    %get3A_125 = arith.constant 64 : index
    %get3A_126 = tpu.vector_load %arg6[%get3A_125] {strides = array<i32>} : memref<512xi32, #tpu.memory_space<vmem>>, vector<16xi32>,
    %get3A_127 = vector.shape_cast %get3A_126 : vector<16xi32> to vector<16xi32>
    %get3A_128 = arith.constant 80 : index
    %get3A_129 = tpu.vector_load %arg6[%get3A_128] {strides = array<i32>} : memref<512xi32, #tpu.memory_space<vmem>>, vector<16xi32>,
    %get3A_130 = vector.shape_cast %get3A_129 : vector<16xi32> to vector<16xi32>
    %mul3A_131 = arith.constant 2 : i32
    %mul3A_132 = vector.broadcast %mul3A_131 : i32 to vector<16xi32>
    %mul3A_133 = arith.muli %select_n3A_19, %mul3A_132 : vector<16xi32>
    %broadcast_in_dim3A_134 = vector.shape_cast %mul3A_133 : vector<16xi32> to vector<16x1xi32>
    %gather3A_135 = vector.shape_cast %broadcast_in_dim3A_134 : vector<16x1xi32> to vector<16xi32>
    %gather3A_136 = tpu.dynamic_gather %get3A_127[%gather3A_135] in [0] : vector<16xi32>, vector<16xi32> -> vector<16xi32>
    %mul3A_137 = arith.constant 16 : i32
    %mul3A_138 = vector.broadcast %mul3A_137 : i32 to vector<16xi32>
    %mul3A_139 = arith.muli %mul3A_138, %gather3A_136 : vector<16xi32>
    %mul3A_140 = arith.constant 2 : i32
    %mul3A_141 = vector.broadcast %mul3A_140 : i32 to vector<16xi32>
    %mul3A_142 = arith.muli %select_n3A_19, %mul3A_141 : vector<16xi32>
    %add3A_143 = arith.constant 1 : i32
    %add3A_144 = vector.broadcast %add3A_143 : i32 to vector<16xi32>
    %add3A_145 = arith.addi %mul3A_142, %add3A_144 : vector<16xi32>
    %broadcast_in_dim3A_146 = vector.shape_cast %add3A_145 : vector<16xi32> to vector<16x1xi32>
    %gather3A_147 = vector.shape_cast %broadcast_in_dim3A_146 : vector<16x1xi32> to vector<16xi32>
    %gather3A_148 = tpu.dynamic_gather %get3A_127[%gather3A_147] in [0] : vector<16xi32>, vector<16xi32> -> vector<16xi32>
    %add3A_149 = arith.addi %mul3A_139, %gather3A_148 : vector<16xi32>
    %mul3A_150 = arith.constant 2 : i32
    %mul3A_151 = vector.broadcast %mul3A_150 : i32 to vector<16xi32>
    %mul3A_152 = arith.muli %select_n3A_19, %mul3A_151 : vector<16xi32>
    %broadcast_in_dim3A_153 = vector.shape_cast %mul3A_152 : vector<16xi32> to vector<16x1xi32>
    %gather3A_154 = vector.shape_cast %broadcast_in_dim3A_153 : vector<16x1xi32> to vector<16xi32>
    %gather3A_155 = tpu.dynamic_gather %get3A_130[%gather3A_154] in [0] : vector<16xi32>, vector<16xi32> -> vector<16xi32>
    %mul3A_156 = arith.constant 16 : i32
    %mul3A_157 = vector.broadcast %mul3A_156 : i32 to vector<16xi32>
    %mul3A_158 = arith.muli %mul3A_157, %gather3A_155 : vector<16xi32>
    %mul3A_159 = arith.constant 2 : i32
    %mul3A_160 = vector.broadcast %mul3A_159 : i32 to vector<16xi32>
    %mul3A_161 = arith.muli %select_n3A_19, %mul3A_160 : vector<16xi32>
    %add3A_162 = arith.constant 1 : i32
    %add3A_163 = vector.broadcast %add3A_162 : i32 to vector<16xi32>
    %add3A_164 = arith.addi %mul3A_161, %add3A_163 : vector<16xi32>
    %broadcast_in_dim3A_165 = vector.shape_cast %add3A_164 : vector<16xi32> to vector<16x1xi32>
    %gather3A_166 = vector.shape_cast %broadcast_in_dim3A_165 : vector<16x1xi32> to vector<16xi32>
    %gather3A_167 = tpu.dynamic_gather %get3A_130[%gather3A_166] in [0] : vector<16xi32>, vector<16xi32> -> vector<16xi32>
    %add3A_168 = arith.addi %mul3A_158, %gather3A_167 : vector<16xi32>
    %lt3A_169 = arith.constant 8 : i32
    %lt3A_170 = vector.broadcast %lt3A_169 : i32 to vector<16xi32>
    %lt3A_171 = arith.cmpi slt, %iota3A, %lt3A_170 : vector<16xi32>
    %select_n3A_172 = arith.select %lt3A_171, %add3A_149, %add3A_168 : vector<16xi1>, vector<16xi32>
    %swap3A_173 = arith.constant 32 : index
    %swap3A_174 = tpu.vector_load %arg10[%swap3A_173] {strides = array<i32>} : memref<128xi32, #tpu.memory_space<vmem>>, vector<16xi32>,
    %swap3A_175 = vector.shape_cast %swap3A_174 : vector<16xi32> to vector<16xi32>
    %swap3A_176 = vector.shape_cast %select_n3A_172 : vector<16xi32> to vector<16xi32>
    tpu.vector_store %arg10[%swap3A_173], %swap3A_176 {strides = array<i32>} : memref<128xi32, #tpu.memory_space<vmem>>, vector<16xi32>,
    %get3A_177 = arith.constant 96 : index
    %get3A_178 = tpu.vector_load %arg6[%get3A_177] {strides = array<i32>} : memref<512xi32, #tpu.memory_space<vmem>>, vector<16xi32>,
    %get3A_179 = vector.shape_cast %get3A_178 : vector<16xi32> to vector<16xi32>
    %get3A_180 = arith.constant 112 : index
    %get3A_181 = tpu.vector_load %arg6[%get3A_180] {strides = array<i32>} : memref<512xi32, #tpu.memory_space<vmem>>, vector<16xi32>,
    %get3A_182 = vector.shape_cast %get3A_181 : vector<16xi32> to vector<16xi32>
    %mul3A_183 = arith.constant 2 : i32
    %mul3A_184 = vector.broadcast %mul3A_183 : i32 to vector<16xi32>
    %mul3A_185 = arith.muli %select_n3A_19, %mul3A_184 : vector<16xi32>
    %broadcast_in_dim3A_186 = vector.shape_cast %mul3A_185 : vector<16xi32> to vector<16x1xi32>
    %gather3A_187 = vector.shape_cast %broadcast_in_dim3A_186 : vector<16x1xi32> to vector<16xi32>
    %gather3A_188 = tpu.dynamic_gather %get3A_179[%gather3A_187] in [0] : vector<16xi32>, vector<16xi32> -> vector<16xi32>
    %mul3A_189 = arith.constant 16 : i32
    %mul3A_190 = vector.broadcast %mul3A_189 : i32 to vector<16xi32>
    %mul3A_191 = arith.muli %mul3A_190, %gather3A_188 : vector<16xi32>
    %mul3A_192 = arith.constant 2 : i32
    %mul3A_193 = vector.broadcast %mul3A_192 : i32 to vector<16xi32>
    %mul3A_194 = arith.muli %select_n3A_19, %mul3A_193 : vector<16xi32>
    %add3A_195 = arith.constant 1 : i32
    %add3A_196 = vector.broadcast %add3A_195 : i32 to vector<16xi32>
    %add3A_197 = arith.addi %mul3A_194, %add3A_196 : vector<16xi32>
    %broadcast_in_dim3A_198 = vector.shape_cast %add3A_197 : vector<16xi32> to vector<16x1xi32>
    %gather3A_199 = vector.shape_cast %broadcast_in_dim3A_198 : vector<16x1xi32> to vector<16xi32>
    %gather3A_200 = tpu.dynamic_gather %get3A_179[%gather3A_199] in [0] : vector<16xi32>, vector<16xi32> -> vector<16xi32>
    %add3A_201 = arith.addi %mul3A_191, %gather3A_200 : vector<16xi32>
    %mul3A_202 = arith.constant 2 : i32
    %mul3A_203 = vector.broadcast %mul3A_202 : i32 to vector<16xi32>
    %mul3A_204 = arith.muli %select_n3A_19, %mul3A_203 : vector<16xi32>
    %broadcast_in_dim3A_205 = vector.shape_cast %mul3A_204 : vector<16xi32> to vector<16x1xi32>
    %gather3A_206 = vector.shape_cast %broadcast_in_dim3A_205 : vector<16x1xi32> to vector<16xi32>
    %gather3A_207 = tpu.dynamic_gather %get3A_182[%gather3A_206] in [0] : vector<16xi32>, vector<16xi32> -> vector<16xi32>
    %mul3A_208 = arith.constant 16 : i32
    %mul3A_209 = vector.broadcast %mul3A_208 : i32 to vector<16xi32>
    %mul3A_210 = arith.muli %mul3A_209, %gather3A_207 : vector<16xi32>
    %mul3A_211 = arith.constant 2 : i32
    %mul3A_212 = vector.broadcast %mul3A_211 : i32 to vector<16xi32>
    %mul3A_213 = arith.muli %select_n3A_19, %mul3A_212 : vector<16xi32>
    %add3A_214 = arith.constant 1 : i32
    %add3A_215 = vector.broadcast %add3A_214 : i32 to vector<16xi32>
    %add3A_216 = arith.addi %mul3A_213, %add3A_215 : vector<16xi32>
    %broadcast_in_dim3A_217 = vector.shape_cast %add3A_216 : vector<16xi32> to vector<16x1xi32>
    %gather3A_218 = vector.shape_cast %broadcast_in_dim3A_217 : vector<16x1xi32> to vector<16xi32>
    %gather3A_219 = tpu.dynamic_gather %get3A_182[%gather3A_218] in [0] : vector<16xi32>, vector<16xi32> -> vector<16xi32>
    %add3A_220 = arith.addi %mul3A_210, %gather3A_219 : vector<16xi32>
    %lt3A_221 = arith.constant 8 : i32
    %lt3A_222 = vector.broadcast %lt3A_221 : i32 to vector<16xi32>
    %lt3A_223 = arith.cmpi slt, %iota3A, %lt3A_222 : vector<16xi32>
    %select_n3A_224 = arith.select %lt3A_223, %add3A_201, %add3A_220 : vector<16xi1>, vector<16xi32>
    %swap3A_225 = arith.constant 48 : index
    %swap3A_226 = tpu.vector_load %arg10[%swap3A_225] {strides = array<i32>} : memref<128xi32, #tpu.memory_space<vmem>>, vector<16xi32>,
    %swap3A_227 = vector.shape_cast %swap3A_226 : vector<16xi32> to vector<16xi32>
    %swap3A_228 = vector.shape_cast %select_n3A_224 : vector<16xi32> to vector<16xi32>
    tpu.vector_store %arg10[%swap3A_225], %swap3A_228 {strides = array<i32>} : memref<128xi32, #tpu.memory_space<vmem>>, vector<16xi32>,
    %get3A_229 = arith.constant 128 : index
    %get3A_230 = tpu.vector_load %arg6[%get3A_229] {strides = array<i32>} : memref<512xi32, #tpu.memory_space<vmem>>, vector<16xi32>,
    %get3A_231 = vector.shape_cast %get3A_230 : vector<16xi32> to vector<16xi32>
    %get3A_232 = arith.constant 144 : index
    %get3A_233 = tpu.vector_load %arg6[%get3A_232] {strides = array<i32>} : memref<512xi32, #tpu.memory_space<vmem>>, vector<16xi32>,
    %get3A_234 = vector.shape_cast %get3A_233 : vector<16xi32> to vector<16xi32>
    %mul3A_235 = arith.constant 2 : i32
    %mul3A_236 = vector.broadcast %mul3A_235 : i32 to vector<16xi32>
    %mul3A_237 = arith.muli %select_n3A_19, %mul3A_236 : vector<16xi32>
    %broadcast_in_dim3A_238 = vector.shape_cast %mul3A_237 : vector<16xi32> to vector<16x1xi32>
    %gather3A_239 = vector.shape_cast %broadcast_in_dim3A_238 : vector<16x1xi32> to vector<16xi32>
    %gather3A_240 = tpu.dynamic_gather %get3A_231[%gather3A_239] in [0] : vector<16xi32>, vector<16xi32> -> vector<16xi32>
    %mul3A_241 = arith.constant 16 : i32
    %mul3A_242 = vector.broadcast %mul3A_241 : i32 to vector<16xi32>
    %mul3A_243 = arith.muli %mul3A_242, %gather3A_240 : vector<16xi32>
    %mul3A_244 = arith.constant 2 : i32
    %mul3A_245 = vector.broadcast %mul3A_244 : i32 to vector<16xi32>
    %mul3A_246 = arith.muli %select_n3A_19, %mul3A_245 : vector<16xi32>
    %add3A_247 = arith.constant 1 : i32
    %add3A_248 = vector.broadcast %add3A_247 : i32 to vector<16xi32>
    %add3A_249 = arith.addi %mul3A_246, %add3A_248 : vector<16xi32>
    %broadcast_in_dim3A_250 = vector.shape_cast %add3A_249 : vector<16xi32> to vector<16x1xi32>
    %gather3A_251 = vector.shape_cast %broadcast_in_dim3A_250 : vector<16x1xi32> to vector<16xi32>
    %gather3A_252 = tpu.dynamic_gather %get3A_231[%gather3A_251] in [0] : vector<16xi32>, vector<16xi32> -> vector<16xi32>
    %add3A_253 = arith.addi %mul3A_243, %gather3A_252 : vector<16xi32>
    %mul3A_254 = arith.constant 2 : i32
    %mul3A_255 = vector.broadcast %mul3A_254 : i32 to vector<16xi32>
    %mul3A_256 = arith.muli %select_n3A_19, %mul3A_255 : vector<16xi32>
    %broadcast_in_dim3A_257 = vector.shape_cast %mul3A_256 : vector<16xi32> to vector<16x1xi32>
    %gather3A_258 = vector.shape_cast %broadcast_in_dim3A_257 : vector<16x1xi32> to vector<16xi32>
    %gather3A_259 = tpu.dynamic_gather %get3A_234[%gather3A_258] in [0] : vector<16xi32>, vector<16xi32> -> vector<16xi32>
    %mul3A_260 = arith.constant 16 : i32
    %mul3A_261 = vector.broadcast %mul3A_260 : i32 to vector<16xi32>
    %mul3A_262 = arith.muli %mul3A_261, %gather3A_259 : vector<16xi32>
    %mul3A_263 = arith.constant 2 : i32
    %mul3A_264 = vector.broadcast %mul3A_263 : i32 to vector<16xi32>
    %mul3A_265 = arith.muli %select_n3A_19, %mul3A_264 : vector<16xi32>
    %add3A_266 = arith.constant 1 : i32
    %add3A_267 = vector.broadcast %add3A_266 : i32 to vector<16xi32>
    %add3A_268 = arith.addi %mul3A_265, %add3A_267 : vector<16xi32>
    %broadcast_in_dim3A_269 = vector.shape_cast %add3A_268 : vector<16xi32> to vector<16x1xi32>
    %gather3A_270 = vector.shape_cast %broadcast_in_dim3A_269 : vector<16x1xi32> to vector<16xi32>
    %gather3A_271 = tpu.dynamic_gather %get3A_234[%gather3A_270] in [0] : vector<16xi32>, vector<16xi32> -> vector<16xi32>
    %add3A_272 = arith.addi %mul3A_262, %gather3A_271 : vector<16xi32>
    %lt3A_273 = arith.constant 8 : i32
    %lt3A_274 = vector.broadcast %lt3A_273 : i32 to vector<16xi32>
    %lt3A_275 = arith.cmpi slt, %iota3A, %lt3A_274 : vector<16xi32>
    %select_n3A_276 = arith.select %lt3A_275, %add3A_253, %add3A_272 : vector<16xi1>, vector<16xi32>
    %swap3A_277 = arith.constant 64 : index
    %swap3A_278 = tpu.vector_load %arg10[%swap3A_277] {strides = array<i32>} : memref<128xi32, #tpu.memory_space<vmem>>, vector<16xi32>,
    %swap3A_279 = vector.shape_cast %swap3A_278 : vector<16xi32> to vector<16xi32>
    %swap3A_280 = vector.shape_cast %select_n3A_276 : vector<16xi32> to vector<16xi32>
    tpu.vector_store %arg10[%swap3A_277], %swap3A_280 {strides = array<i32>} : memref<128xi32, #tpu.memory_space<vmem>>, vector<16xi32>,
    %get3A_281 = arith.constant 160 : index
    %get3A_282 = tpu.vector_load %arg6[%get3A_281] {strides = array<i32>} : memref<512xi32, #tpu.memory_space<vmem>>, vector<16xi32>,
    %get3A_283 = vector.shape_cast %get3A_282 : vector<16xi32> to vector<16xi32>
    %get3A_284 = arith.constant 176 : index
    %get3A_285 = tpu.vector_load %arg6[%get3A_284] {strides = array<i32>} : memref<512xi32, #tpu.memory_space<vmem>>, vector<16xi32>,
    %get3A_286 = vector.shape_cast %get3A_285 : vector<16xi32> to vector<16xi32>
    %mul3A_287 = arith.constant 2 : i32
    %mul3A_288 = vector.broadcast %mul3A_287 : i32 to vector<16xi32>
    %mul3A_289 = arith.muli %select_n3A_19, %mul3A_288 : vector<16xi32>
    %broadcast_in_dim3A_290 = vector.shape_cast %mul3A_289 : vector<16xi32> to vector<16x1xi32>
    %gather3A_291 = vector.shape_cast %broadcast_in_dim3A_290 : vector<16x1xi32> to vector<16xi32>
    %gather3A_292 = tpu.dynamic_gather %get3A_283[%gather3A_291] in [0] : vector<16xi32>, vector<16xi32> -> vector<16xi32>
    %mul3A_293 = arith.constant 16 : i32
    %mul3A_294 = vector.broadcast %mul3A_293 : i32 to vector<16xi32>
    %mul3A_295 = arith.muli %mul3A_294, %gather3A_292 : vector<16xi32>
    %mul3A_296 = arith.constant 2 : i32
    %mul3A_297 = vector.broadcast %mul3A_296 : i32 to vector<16xi32>
    %mul3A_298 = arith.muli %select_n3A_19, %mul3A_297 : vector<16xi32>
    %add3A_299 = arith.constant 1 : i32
    %add3A_300 = vector.broadcast %add3A_299 : i32 to vector<16xi32>
    %add3A_301 = arith.addi %mul3A_298, %add3A_300 : vector<16xi32>
    %broadcast_in_dim3A_302 = vector.shape_cast %add3A_301 : vector<16xi32> to vector<16x1xi32>
    %gather3A_303 = vector.shape_cast %broadcast_in_dim3A_302 : vector<16x1xi32> to vector<16xi32>
    %gather3A_304 = tpu.dynamic_gather %get3A_283[%gather3A_303] in [0] : vector<16xi32>, vector<16xi32> -> vector<16xi32>
    %add3A_305 = arith.addi %mul3A_295, %gather3A_304 : vector<16xi32>
    %mul3A_306 = arith.constant 2 : i32
    %mul3A_307 = vector.broadcast %mul3A_306 : i32 to vector<16xi32>
    %mul3A_308 = arith.muli %select_n3A_19, %mul3A_307 : vector<16xi32>
    %broadcast_in_dim3A_309 = vector.shape_cast %mul3A_308 : vector<16xi32> to vector<16x1xi32>
    %gather3A_310 = vector.shape_cast %broadcast_in_dim3A_309 : vector<16x1xi32> to vector<16xi32>
    %gather3A_311 = tpu.dynamic_gather %get3A_286[%gather3A_310] in [0] : vector<16xi32>, vector<16xi32> -> vector<16xi32>
    %mul3A_312 = arith.constant 16 : i32
    %mul3A_313 = vector.broadcast %mul3A_312 : i32 to vector<16xi32>
    %mul3A_314 = arith.muli %mul3A_313, %gather3A_311 : vector<16xi32>
    %mul3A_315 = arith.constant 2 : i32
    %mul3A_316 = vector.broadcast %mul3A_315 : i32 to vector<16xi32>
    %mul3A_317 = arith.muli %select_n3A_19, %mul3A_316 : vector<16xi32>
    %add3A_318 = arith.constant 1 : i32
    %add3A_319 = vector.broadcast %add3A_318 : i32 to vector<16xi32>
    %add3A_320 = arith.addi %mul3A_317, %add3A_319 : vector<16xi32>
    %broadcast_in_dim3A_321 = vector.shape_cast %add3A_320 : vector<16xi32> to vector<16x1xi32>
    %gather3A_322 = vector.shape_cast %broadcast_in_dim3A_321 : vector<16x1xi32> to vector<16xi32>
    %gather3A_323 = tpu.dynamic_gather %get3A_286[%gather3A_322] in [0] : vector<16xi32>, vector<16xi32> -> vector<16xi32>
    %add3A_324 = arith.addi %mul3A_314, %gather3A_323 : vector<16xi32>
    %lt3A_325 = arith.constant 8 : i32
    %lt3A_326 = vector.broadcast %lt3A_325 : i32 to vector<16xi32>
    %lt3A_327 = arith.cmpi slt, %iota3A, %lt3A_326 : vector<16xi32>
    %select_n3A_328 = arith.select %lt3A_327, %add3A_305, %add3A_324 : vector<16xi1>, vector<16xi32>
    %swap3A_329 = arith.constant 80 : index
    %swap3A_330 = tpu.vector_load %arg10[%swap3A_329] {strides = array<i32>} : memref<128xi32, #tpu.memory_space<vmem>>, vector<16xi32>,
    %swap3A_331 = vector.shape_cast %swap3A_330 : vector<16xi32> to vector<16xi32>
    %swap3A_332 = vector.shape_cast %select_n3A_328 : vector<16xi32> to vector<16xi32>
    tpu.vector_store %arg10[%swap3A_329], %swap3A_332 {strides = array<i32>} : memref<128xi32, #tpu.memory_space<vmem>>, vector<16xi32>,
    %get3A_333 = arith.constant 192 : index
    %get3A_334 = tpu.vector_load %arg6[%get3A_333] {strides = array<i32>} : memref<512xi32, #tpu.memory_space<vmem>>, vector<16xi32>,
    %get3A_335 = vector.shape_cast %get3A_334 : vector<16xi32> to vector<16xi32>
    %get3A_336 = arith.constant 208 : index
    %get3A_337 = tpu.vector_load %arg6[%get3A_336] {strides = array<i32>} : memref<512xi32, #tpu.memory_space<vmem>>, vector<16xi32>,
    %get3A_338 = vector.shape_cast %get3A_337 : vector<16xi32> to vector<16xi32>
    %mul3A_339 = arith.constant 2 : i32
    %mul3A_340 = vector.broadcast %mul3A_339 : i32 to vector<16xi32>
    %mul3A_341 = arith.muli %select_n3A_19, %mul3A_340 : vector<16xi32>
    %broadcast_in_dim3A_342 = vector.shape_cast %mul3A_341 : vector<16xi32> to vector<16x1xi32>
    %gather3A_343 = vector.shape_cast %broadcast_in_dim3A_342 : vector<16x1xi32> to vector<16xi32>
    %gather3A_344 = tpu.dynamic_gather %get3A_335[%gather3A_343] in [0] : vector<16xi32>, vector<16xi32> -> vector<16xi32>
    %mul3A_345 = arith.constant 16 : i32
    %mul3A_346 = vector.broadcast %mul3A_345 : i32 to vector<16xi32>
    %mul3A_347 = arith.muli %mul3A_346, %gather3A_344 : vector<16xi32>
    %mul3A_348 = arith.constant 2 : i32
    %mul3A_349 = vector.broadcast %mul3A_348 : i32 to vector<16xi32>
    %mul3A_350 = arith.muli %select_n3A_19, %mul3A_349 : vector<16xi32>
    %add3A_351 = arith.constant 1 : i32
    %add3A_352 = vector.broadcast %add3A_351 : i32 to vector<16xi32>
    %add3A_353 = arith.addi %mul3A_350, %add3A_352 : vector<16xi32>
    %broadcast_in_dim3A_354 = vector.shape_cast %add3A_353 : vector<16xi32> to vector<16x1xi32>
    %gather3A_355 = vector.shape_cast %broadcast_in_dim3A_354 : vector<16x1xi32> to vector<16xi32>
    %gather3A_356 = tpu.dynamic_gather %get3A_335[%gather3A_355] in [0] : vector<16xi32>, vector<16xi32> -> vector<16xi32>
    %add3A_357 = arith.addi %mul3A_347, %gather3A_356 : vector<16xi32>
    %mul3A_358 = arith.constant 2 : i32
    %mul3A_359 = vector.broadcast %mul3A_358 : i32 to vector<16xi32>
    %mul3A_360 = arith.muli %select_n3A_19, %mul3A_359 : vector<16xi32>
    %broadcast_in_dim3A_361 = vector.shape_cast %mul3A_360 : vector<16xi32> to vector<16x1xi32>
    %gather3A_362 = vector.shape_cast %broadcast_in_dim3A_361 : vector<16x1xi32> to vector<16xi32>
    %gather3A_363 = tpu.dynamic_gather %get3A_338[%gather3A_362] in [0] : vector<16xi32>, vector<16xi32> -> vector<16xi32>
    %mul3A_364 = arith.constant 16 : i32
    %mul3A_365 = vector.broadcast %mul3A_364 : i32 to vector<16xi32>
    %mul3A_366 = arith.muli %mul3A_365, %gather3A_363 : vector<16xi32>
    %mul3A_367 = arith.constant 2 : i32
    %mul3A_368 = vector.broadcast %mul3A_367 : i32 to vector<16xi32>
    %mul3A_369 = arith.muli %select_n3A_19, %mul3A_368 : vector<16xi32>
    %add3A_370 = arith.constant 1 : i32
    %add3A_371 = vector.broadcast %add3A_370 : i32 to vector<16xi32>
    %add3A_372 = arith.addi %mul3A_369, %add3A_371 : vector<16xi32>
    %broadcast_in_dim3A_373 = vector.shape_cast %add3A_372 : vector<16xi32> to vector<16x1xi32>
    %gather3A_374 = vector.shape_cast %broadcast_in_dim3A_373 : vector<16x1xi32> to vector<16xi32>
    %gather3A_375 = tpu.dynamic_gather %get3A_338[%gather3A_374] in [0] : vector<16xi32>, vector<16xi32> -> vector<16xi32>
    %add3A_376 = arith.addi %mul3A_366, %gather3A_375 : vector<16xi32>
    %lt3A_377 = arith.constant 8 : i32
    %lt3A_378 = vector.broadcast %lt3A_377 : i32 to vector<16xi32>
    %lt3A_379 = arith.cmpi slt, %iota3A, %lt3A_378 : vector<16xi32>
    %select_n3A_380 = arith.select %lt3A_379, %add3A_357, %add3A_376 : vector<16xi1>, vector<16xi32>
    %swap3A_381 = arith.constant 96 : index
    %swap3A_382 = tpu.vector_load %arg10[%swap3A_381] {strides = array<i32>} : memref<128xi32, #tpu.memory_space<vmem>>, vector<16xi32>,
    %swap3A_383 = vector.shape_cast %swap3A_382 : vector<16xi32> to vector<16xi32>
    %swap3A_384 = vector.shape_cast %select_n3A_380 : vector<16xi32> to vector<16xi32>
    tpu.vector_store %arg10[%swap3A_381], %swap3A_384 {strides = array<i32>} : memref<128xi32, #tpu.memory_space<vmem>>, vector<16xi32>,
    %get3A_385 = arith.constant 224 : index
    %get3A_386 = tpu.vector_load %arg6[%get3A_385] {strides = array<i32>} : memref<512xi32, #tpu.memory_space<vmem>>, vector<16xi32>,
    %get3A_387 = vector.shape_cast %get3A_386 : vector<16xi32> to vector<16xi32>
    %get3A_388 = arith.constant 240 : index
    %get3A_389 = tpu.vector_load %arg6[%get3A_388] {strides = array<i32>} : memref<512xi32, #tpu.memory_space<vmem>>, vector<16xi32>,
    %get3A_390 = vector.shape_cast %get3A_389 : vector<16xi32> to vector<16xi32>
    %mul3A_391 = arith.constant 2 : i32
    %mul3A_392 = vector.broadcast %mul3A_391 : i32 to vector<16xi32>
    %mul3A_393 = arith.muli %select_n3A_19, %mul3A_392 : vector<16xi32>
    %broadcast_in_dim3A_394 = vector.shape_cast %mul3A_393 : vector<16xi32> to vector<16x1xi32>
    %gather3A_395 = vector.shape_cast %broadcast_in_dim3A_394 : vector<16x1xi32> to vector<16xi32>
    %gather3A_396 = tpu.dynamic_gather %get3A_387[%gather3A_395] in [0] : vector<16xi32>, vector<16xi32> -> vector<16xi32>
    %mul3A_397 = arith.constant 16 : i32
    %mul3A_398 = vector.broadcast %mul3A_397 : i32 to vector<16xi32>
    %mul3A_399 = arith.muli %mul3A_398, %gather3A_396 : vector<16xi32>
    %mul3A_400 = arith.constant 2 : i32
    %mul3A_401 = vector.broadcast %mul3A_400 : i32 to vector<16xi32>
    %mul3A_402 = arith.muli %select_n3A_19, %mul3A_401 : vector<16xi32>
    %add3A_403 = arith.constant 1 : i32
    %add3A_404 = vector.broadcast %add3A_403 : i32 to vector<16xi32>
    %add3A_405 = arith.addi %mul3A_402, %add3A_404 : vector<16xi32>
    %broadcast_in_dim3A_406 = vector.shape_cast %add3A_405 : vector<16xi32> to vector<16x1xi32>
    %gather3A_407 = vector.shape_cast %broadcast_in_dim3A_406 : vector<16x1xi32> to vector<16xi32>
    %gather3A_408 = tpu.dynamic_gather %get3A_387[%gather3A_407] in [0] : vector<16xi32>, vector<16xi32> -> vector<16xi32>
    %add3A_409 = arith.addi %mul3A_399, %gather3A_408 : vector<16xi32>
    %mul3A_410 = arith.constant 2 : i32
    %mul3A_411 = vector.broadcast %mul3A_410 : i32 to vector<16xi32>
    %mul3A_412 = arith.muli %select_n3A_19, %mul3A_411 : vector<16xi32>
    %broadcast_in_dim3A_413 = vector.shape_cast %mul3A_412 : vector<16xi32> to vector<16x1xi32>
    %gather3A_414 = vector.shape_cast %broadcast_in_dim3A_413 : vector<16x1xi32> to vector<16xi32>
    %gather3A_415 = tpu.dynamic_gather %get3A_390[%gather3A_414] in [0] : vector<16xi32>, vector<16xi32> -> vector<16xi32>
    %mul3A_416 = arith.constant 16 : i32
    %mul3A_417 = vector.broadcast %mul3A_416 : i32 to vector<16xi32>
    %mul3A_418 = arith.muli %mul3A_417, %gather3A_415 : vector<16xi32>
    %mul3A_419 = arith.constant 2 : i32
    %mul3A_420 = vector.broadcast %mul3A_419 : i32 to vector<16xi32>
    %mul3A_421 = arith.muli %select_n3A_19, %mul3A_420 : vector<16xi32>
    %add3A_422 = arith.constant 1 : i32
    %add3A_423 = vector.broadcast %add3A_422 : i32 to vector<16xi32>
    %add3A_424 = arith.addi %mul3A_421, %add3A_423 : vector<16xi32>
    %broadcast_in_dim3A_425 = vector.shape_cast %add3A_424 : vector<16xi32> to vector<16x1xi32>
    %gather3A_426 = vector.shape_cast %broadcast_in_dim3A_425 : vector<16x1xi32> to vector<16xi32>
    %gather3A_427 = tpu.dynamic_gather %get3A_390[%gather3A_426] in [0] : vector<16xi32>, vector<16xi32> -> vector<16xi32>
    %add3A_428 = arith.addi %mul3A_418, %gather3A_427 : vector<16xi32>
    %lt3A_429 = arith.constant 8 : i32
    %lt3A_430 = vector.broadcast %lt3A_429 : i32 to vector<16xi32>
    %lt3A_431 = arith.cmpi slt, %iota3A, %lt3A_430 : vector<16xi32>
    %select_n3A_432 = arith.select %lt3A_431, %add3A_409, %add3A_428 : vector<16xi1>, vector<16xi32>
    %swap3A_433 = arith.constant 112 : index
    %swap3A_434 = tpu.vector_load %arg10[%swap3A_433] {strides = array<i32>} : memref<128xi32, #tpu.memory_space<vmem>>, vector<16xi32>,
    %swap3A_435 = vector.shape_cast %swap3A_434 : vector<16xi32> to vector<16xi32>
    %swap3A_436 = vector.shape_cast %select_n3A_432 : vector<16xi32> to vector<16xi32>
    tpu.vector_store %arg10[%swap3A_433], %swap3A_436 {strides = array<i32>} : memref<128xi32, #tpu.memory_space<vmem>>, vector<16xi32>,
    %get3A_437 = arith.constant 256 : index
    %get3A_438 = tpu.vector_load %arg6[%get3A_437] {strides = array<i32>} : memref<512xi32, #tpu.memory_space<vmem>>, vector<16xi32>,
    %get3A_439 = vector.shape_cast %get3A_438 : vector<16xi32> to vector<16xi32>
    %get3A_440 = arith.constant 272 : index
    %get3A_441 = tpu.vector_load %arg6[%get3A_440] {strides = array<i32>} : memref<512xi32, #tpu.memory_space<vmem>>, vector<16xi32>,
    %get3A_442 = vector.shape_cast %get3A_441 : vector<16xi32> to vector<16xi32>
    %mul3A_443 = arith.constant 2 : i32
    %mul3A_444 = vector.broadcast %mul3A_443 : i32 to vector<16xi32>
    %mul3A_445 = arith.muli %select_n3A_19, %mul3A_444 : vector<16xi32>
    %broadcast_in_dim3A_446 = vector.shape_cast %mul3A_445 : vector<16xi32> to vector<16x1xi32>
    %gather3A_447 = vector.shape_cast %broadcast_in_dim3A_446 : vector<16x1xi32> to vector<16xi32>
    %gather3A_448 = tpu.dynamic_gather %get3A_439[%gather3A_447] in [0] : vector<16xi32>, vector<16xi32> -> vector<16xi32>
    %mul3A_449 = arith.constant 16 : i32
    %mul3A_450 = vector.broadcast %mul3A_449 : i32 to vector<16xi32>
    %mul3A_451 = arith.muli %mul3A_450, %gather3A_448 : vector<16xi32>
    %mul3A_452 = arith.constant 2 : i32
    %mul3A_453 = vector.broadcast %mul3A_452 : i32 to vector<16xi32>
    %mul3A_454 = arith.muli %select_n3A_19, %mul3A_453 : vector<16xi32>
    %add3A_455 = arith.constant 1 : i32
    %add3A_456 = vector.broadcast %add3A_455 : i32 to vector<16xi32>
    %add3A_457 = arith.addi %mul3A_454, %add3A_456 : vector<16xi32>
    %broadcast_in_dim3A_458 = vector.shape_cast %add3A_457 : vector<16xi32> to vector<16x1xi32>
    %gather3A_459 = vector.shape_cast %broadcast_in_dim3A_458 : vector<16x1xi32> to vector<16xi32>
    %gather3A_460 = tpu.dynamic_gather %get3A_439[%gather3A_459] in [0] : vector<16xi32>, vector<16xi32> -> vector<16xi32>
    %add3A_461 = arith.addi %mul3A_451, %gather3A_460 : vector<16xi32>
    %mul3A_462 = arith.constant 2 : i32
    %mul3A_463 = vector.broadcast %mul3A_462 : i32 to vector<16xi32>
    %mul3A_464 = arith.muli %select_n3A_19, %mul3A_463 : vector<16xi32>
    %broadcast_in_dim3A_465 = vector.shape_cast %mul3A_464 : vector<16xi32> to vector<16x1xi32>
    %gather3A_466 = vector.shape_cast %broadcast_in_dim3A_465 : vector<16x1xi32> to vector<16xi32>
    %gather3A_467 = tpu.dynamic_gather %get3A_442[%gather3A_466] in [0] : vector<16xi32>, vector<16xi32> -> vector<16xi32>
    %mul3A_468 = arith.constant 16 : i32
    %mul3A_469 = vector.broadcast %mul3A_468 : i32 to vector<16xi32>
    %mul3A_470 = arith.muli %mul3A_469, %gather3A_467 : vector<16xi32>
    %mul3A_471 = arith.constant 2 : i32
    %mul3A_472 = vector.broadcast %mul3A_471 : i32 to vector<16xi32>
    %mul3A_473 = arith.muli %select_n3A_19, %mul3A_472 : vector<16xi32>
    %add3A_474 = arith.constant 1 : i32
    %add3A_475 = vector.broadcast %add3A_474 : i32 to vector<16xi32>
    %add3A_476 = arith.addi %mul3A_473, %add3A_475 : vector<16xi32>
    %broadcast_in_dim3A_477 = vector.shape_cast %add3A_476 : vector<16xi32> to vector<16x1xi32>
    %gather3A_478 = vector.shape_cast %broadcast_in_dim3A_477 : vector<16x1xi32> to vector<16xi32>
    %gather3A_479 = tpu.dynamic_gather %get3A_442[%gather3A_478] in [0] : vector<16xi32>, vector<16xi32> -> vector<16xi32>
    %add3A_480 = arith.addi %mul3A_470, %gather3A_479 : vector<16xi32>
    %lt3A_481 = arith.constant 8 : i32
    %lt3A_482 = vector.broadcast %lt3A_481 : i32 to vector<16xi32>
    %lt3A_483 = arith.cmpi slt, %iota3A, %lt3A_482 : vector<16xi32>
    %select_n3A_484 = arith.select %lt3A_483, %add3A_461, %add3A_480 : vector<16xi1>, vector<16xi32>
    %swap3A_485 = arith.constant 0 : index
    %swap3A_486 = tpu.vector_load %arg11[%swap3A_485] {strides = array<i32>} : memref<128xi32, #tpu.memory_space<vmem>>, vector<16xi32>,
    %swap3A_487 = vector.shape_cast %swap3A_486 : vector<16xi32> to vector<16xi32>
    %swap3A_488 = vector.shape_cast %select_n3A_484 : vector<16xi32> to vector<16xi32>
    tpu.vector_store %arg11[%swap3A_485], %swap3A_488 {strides = array<i32>} : memref<128xi32, #tpu.memory_space<vmem>>, vector<16xi32>,
    %get3A_489 = arith.constant 288 : index
    %get3A_490 = tpu.vector_load %arg6[%get3A_489] {strides = array<i32>} : memref<512xi32, #tpu.memory_space<vmem>>, vector<16xi32>,
    %get3A_491 = vector.shape_cast %get3A_490 : vector<16xi32> to vector<16xi32>
    %get3A_492 = arith.constant 304 : index
    %get3A_493 = tpu.vector_load %arg6[%get3A_492] {strides = array<i32>} : memref<512xi32, #tpu.memory_space<vmem>>, vector<16xi32>,
    %get3A_494 = vector.shape_cast %get3A_493 : vector<16xi32> to vector<16xi32>
    %mul3A_495 = arith.constant 2 : i32
    %mul3A_496 = vector.broadcast %mul3A_495 : i32 to vector<16xi32>
    %mul3A_497 = arith.muli %select_n3A_19, %mul3A_496 : vector<16xi32>
    %broadcast_in_dim3A_498 = vector.shape_cast %mul3A_497 : vector<16xi32> to vector<16x1xi32>
    %gather3A_499 = vector.shape_cast %broadcast_in_dim3A_498 : vector<16x1xi32> to vector<16xi32>
    %gather3A_500 = tpu.dynamic_gather %get3A_491[%gather3A_499] in [0] : vector<16xi32>, vector<16xi32> -> vector<16xi32>
    %mul3A_501 = arith.constant 16 : i32
    %mul3A_502 = vector.broadcast %mul3A_501 : i32 to vector<16xi32>
    %mul3A_503 = arith.muli %mul3A_502, %gather3A_500 : vector<16xi32>
    %mul3A_504 = arith.constant 2 : i32
    %mul3A_505 = vector.broadcast %mul3A_504 : i32 to vector<16xi32>
    %mul3A_506 = arith.muli %select_n3A_19, %mul3A_505 : vector<16xi32>
    %add3A_507 = arith.constant 1 : i32
    %add3A_508 = vector.broadcast %add3A_507 : i32 to vector<16xi32>
    %add3A_509 = arith.addi %mul3A_506, %add3A_508 : vector<16xi32>
    %broadcast_in_dim3A_510 = vector.shape_cast %add3A_509 : vector<16xi32> to vector<16x1xi32>
    %gather3A_511 = vector.shape_cast %broadcast_in_dim3A_510 : vector<16x1xi32> to vector<16xi32>
    %gather3A_512 = tpu.dynamic_gather %get3A_491[%gather3A_511] in [0] : vector<16xi32>, vector<16xi32> -> vector<16xi32>
    %add3A_513 = arith.addi %mul3A_503, %gather3A_512 : vector<16xi32>
    %mul3A_514 = arith.constant 2 : i32
    %mul3A_515 = vector.broadcast %mul3A_514 : i32 to vector<16xi32>
    %mul3A_516 = arith.muli %select_n3A_19, %mul3A_515 : vector<16xi32>
    %broadcast_in_dim3A_517 = vector.shape_cast %mul3A_516 : vector<16xi32> to vector<16x1xi32>
    %gather3A_518 = vector.shape_cast %broadcast_in_dim3A_517 : vector<16x1xi32> to vector<16xi32>
    %gather3A_519 = tpu.dynamic_gather %get3A_494[%gather3A_518] in [0] : vector<16xi32>, vector<16xi32> -> vector<16xi32>
    %mul3A_520 = arith.constant 16 : i32
    %mul3A_521 = vector.broadcast %mul3A_520 : i32 to vector<16xi32>
    %mul3A_522 = arith.muli %mul3A_521, %gather3A_519 : vector<16xi32>
    %mul3A_523 = arith.constant 2 : i32
    %mul3A_524 = vector.broadcast %mul3A_523 : i32 to vector<16xi32>
    %mul3A_525 = arith.muli %select_n3A_19, %mul3A_524 : vector<16xi32>
    %add3A_526 = arith.constant 1 : i32
    %add3A_527 = vector.broadcast %add3A_526 : i32 to vector<16xi32>
    %add3A_528 = arith.addi %mul3A_525, %add3A_527 : vector<16xi32>
    %broadcast_in_dim3A_529 = vector.shape_cast %add3A_528 : vector<16xi32> to vector<16x1xi32>
    %gather3A_530 = vector.shape_cast %broadcast_in_dim3A_529 : vector<16x1xi32> to vector<16xi32>
    %gather3A_531 = tpu.dynamic_gather %get3A_494[%gather3A_530] in [0] : vector<16xi32>, vector<16xi32> -> vector<16xi32>
    %add3A_532 = arith.addi %mul3A_522, %gather3A_531 : vector<16xi32>
    %lt3A_533 = arith.constant 8 : i32
    %lt3A_534 = vector.broadcast %lt3A_533 : i32 to vector<16xi32>
    %lt3A_535 = arith.cmpi slt, %iota3A, %lt3A_534 : vector<16xi32>
    %select_n3A_536 = arith.select %lt3A_535, %add3A_513, %add3A_532 : vector<16xi1>, vector<16xi32>
    %swap3A_537 = arith.constant 16 : index
    %swap3A_538 = tpu.vector_load %arg11[%swap3A_537] {strides = array<i32>} : memref<128xi32, #tpu.memory_space<vmem>>, vector<16xi32>,
    %swap3A_539 = vector.shape_cast %swap3A_538 : vector<16xi32> to vector<16xi32>
    %swap3A_540 = vector.shape_cast %select_n3A_536 : vector<16xi32> to vector<16xi32>
    tpu.vector_store %arg11[%swap3A_537], %swap3A_540 {strides = array<i32>} : memref<128xi32, #tpu.memory_space<vmem>>, vector<16xi32>,
    %get3A_541 = arith.constant 320 : index
    %get3A_542 = tpu.vector_load %arg6[%get3A_541] {strides = array<i32>} : memref<512xi32, #tpu.memory_space<vmem>>, vector<16xi32>,
    %get3A_543 = vector.shape_cast %get3A_542 : vector<16xi32> to vector<16xi32>
    %get3A_544 = arith.constant 336 : index
    %get3A_545 = tpu.vector_load %arg6[%get3A_544] {strides = array<i32>} : memref<512xi32, #tpu.memory_space<vmem>>, vector<16xi32>,
    %get3A_546 = vector.shape_cast %get3A_545 : vector<16xi32> to vector<16xi32>
    %mul3A_547 = arith.constant 2 : i32
    %mul3A_548 = vector.broadcast %mul3A_547 : i32 to vector<16xi32>
    %mul3A_549 = arith.muli %select_n3A_19, %mul3A_548 : vector<16xi32>
    %broadcast_in_dim3A_550 = vector.shape_cast %mul3A_549 : vector<16xi32> to vector<16x1xi32>
    %gather3A_551 = vector.shape_cast %broadcast_in_dim3A_550 : vector<16x1xi32> to vector<16xi32>
    %gather3A_552 = tpu.dynamic_gather %get3A_543[%gather3A_551] in [0] : vector<16xi32>, vector<16xi32> -> vector<16xi32>
    %mul3A_553 = arith.constant 16 : i32
    %mul3A_554 = vector.broadcast %mul3A_553 : i32 to vector<16xi32>
    %mul3A_555 = arith.muli %mul3A_554, %gather3A_552 : vector<16xi32>
    %mul3A_556 = arith.constant 2 : i32
    %mul3A_557 = vector.broadcast %mul3A_556 : i32 to vector<16xi32>
    %mul3A_558 = arith.muli %select_n3A_19, %mul3A_557 : vector<16xi32>
    %add3A_559 = arith.constant 1 : i32
    %add3A_560 = vector.broadcast %add3A_559 : i32 to vector<16xi32>
    %add3A_561 = arith.addi %mul3A_558, %add3A_560 : vector<16xi32>
    %broadcast_in_dim3A_562 = vector.shape_cast %add3A_561 : vector<16xi32> to vector<16x1xi32>
    %gather3A_563 = vector.shape_cast %broadcast_in_dim3A_562 : vector<16x1xi32> to vector<16xi32>
    %gather3A_564 = tpu.dynamic_gather %get3A_543[%gather3A_563] in [0] : vector<16xi32>, vector<16xi32> -> vector<16xi32>
    %add3A_565 = arith.addi %mul3A_555, %gather3A_564 : vector<16xi32>
    %mul3A_566 = arith.constant 2 : i32
    %mul3A_567 = vector.broadcast %mul3A_566 : i32 to vector<16xi32>
    %mul3A_568 = arith.muli %select_n3A_19, %mul3A_567 : vector<16xi32>
    %broadcast_in_dim3A_569 = vector.shape_cast %mul3A_568 : vector<16xi32> to vector<16x1xi32>
    %gather3A_570 = vector.shape_cast %broadcast_in_dim3A_569 : vector<16x1xi32> to vector<16xi32>
    %gather3A_571 = tpu.dynamic_gather %get3A_546[%gather3A_570] in [0] : vector<16xi32>, vector<16xi32> -> vector<16xi32>
    %mul3A_572 = arith.constant 16 : i32
    %mul3A_573 = vector.broadcast %mul3A_572 : i32 to vector<16xi32>
    %mul3A_574 = arith.muli %mul3A_573, %gather3A_571 : vector<16xi32>
    %mul3A_575 = arith.constant 2 : i32
    %mul3A_576 = vector.broadcast %mul3A_575 : i32 to vector<16xi32>
    %mul3A_577 = arith.muli %select_n3A_19, %mul3A_576 : vector<16xi32>
    %add3A_578 = arith.constant 1 : i32
    %add3A_579 = vector.broadcast %add3A_578 : i32 to vector<16xi32>
    %add3A_580 = arith.addi %mul3A_577, %add3A_579 : vector<16xi32>
    %broadcast_in_dim3A_581 = vector.shape_cast %add3A_580 : vector<16xi32> to vector<16x1xi32>
    %gather3A_582 = vector.shape_cast %broadcast_in_dim3A_581 : vector<16x1xi32> to vector<16xi32>
    %gather3A_583 = tpu.dynamic_gather %get3A_546[%gather3A_582] in [0] : vector<16xi32>, vector<16xi32> -> vector<16xi32>
    %add3A_584 = arith.addi %mul3A_574, %gather3A_583 : vector<16xi32>
    %lt3A_585 = arith.constant 8 : i32
    %lt3A_586 = vector.broadcast %lt3A_585 : i32 to vector<16xi32>
    %lt3A_587 = arith.cmpi slt, %iota3A, %lt3A_586 : vector<16xi32>
    %select_n3A_588 = arith.select %lt3A_587, %add3A_565, %add3A_584 : vector<16xi1>, vector<16xi32>
    %swap3A_589 = arith.constant 32 : index
    %swap3A_590 = tpu.vector_load %arg11[%swap3A_589] {strides = array<i32>} : memref<128xi32, #tpu.memory_space<vmem>>, vector<16xi32>,
    %swap3A_591 = vector.shape_cast %swap3A_590 : vector<16xi32> to vector<16xi32>
    %swap3A_592 = vector.shape_cast %select_n3A_588 : vector<16xi32> to vector<16xi32>
    tpu.vector_store %arg11[%swap3A_589], %swap3A_592 {strides = array<i32>} : memref<128xi32, #tpu.memory_space<vmem>>, vector<16xi32>,
    %get3A_593 = arith.constant 352 : index
    %get3A_594 = tpu.vector_load %arg6[%get3A_593] {strides = array<i32>} : memref<512xi32, #tpu.memory_space<vmem>>, vector<16xi32>,
    %get3A_595 = vector.shape_cast %get3A_594 : vector<16xi32> to vector<16xi32>
    %get3A_596 = arith.constant 368 : index
    %get3A_597 = tpu.vector_load %arg6[%get3A_596] {strides = array<i32>} : memref<512xi32, #tpu.memory_space<vmem>>, vector<16xi32>,
    %get3A_598 = vector.shape_cast %get3A_597 : vector<16xi32> to vector<16xi32>
    %mul3A_599 = arith.constant 2 : i32
    %mul3A_600 = vector.broadcast %mul3A_599 : i32 to vector<16xi32>
    %mul3A_601 = arith.muli %select_n3A_19, %mul3A_600 : vector<16xi32>
    %broadcast_in_dim3A_602 = vector.shape_cast %mul3A_601 : vector<16xi32> to vector<16x1xi32>
    %gather3A_603 = vector.shape_cast %broadcast_in_dim3A_602 : vector<16x1xi32> to vector<16xi32>
    %gather3A_604 = tpu.dynamic_gather %get3A_595[%gather3A_603] in [0] : vector<16xi32>, vector<16xi32> -> vector<16xi32>
    %mul3A_605 = arith.constant 16 : i32
    %mul3A_606 = vector.broadcast %mul3A_605 : i32 to vector<16xi32>
    %mul3A_607 = arith.muli %mul3A_606, %gather3A_604 : vector<16xi32>
    %mul3A_608 = arith.constant 2 : i32
    %mul3A_609 = vector.broadcast %mul3A_608 : i32 to vector<16xi32>
    %mul3A_610 = arith.muli %select_n3A_19, %mul3A_609 : vector<16xi32>
    %add3A_611 = arith.constant 1 : i32
    %add3A_612 = vector.broadcast %add3A_611 : i32 to vector<16xi32>
    %add3A_613 = arith.addi %mul3A_610, %add3A_612 : vector<16xi32>
    %broadcast_in_dim3A_614 = vector.shape_cast %add3A_613 : vector<16xi32> to vector<16x1xi32>
    %gather3A_615 = vector.shape_cast %broadcast_in_dim3A_614 : vector<16x1xi32> to vector<16xi32>
    %gather3A_616 = tpu.dynamic_gather %get3A_595[%gather3A_615] in [0] : vector<16xi32>, vector<16xi32> -> vector<16xi32>
    %add3A_617 = arith.addi %mul3A_607, %gather3A_616 : vector<16xi32>
    %mul3A_618 = arith.constant 2 : i32
    %mul3A_619 = vector.broadcast %mul3A_618 : i32 to vector<16xi32>
    %mul3A_620 = arith.muli %select_n3A_19, %mul3A_619 : vector<16xi32>
    %broadcast_in_dim3A_621 = vector.shape_cast %mul3A_620 : vector<16xi32> to vector<16x1xi32>
    %gather3A_622 = vector.shape_cast %broadcast_in_dim3A_621 : vector<16x1xi32> to vector<16xi32>
    %gather3A_623 = tpu.dynamic_gather %get3A_598[%gather3A_622] in [0] : vector<16xi32>, vector<16xi32> -> vector<16xi32>
    %mul3A_624 = arith.constant 16 : i32
    %mul3A_625 = vector.broadcast %mul3A_624 : i32 to vector<16xi32>
    %mul3A_626 = arith.muli %mul3A_625, %gather3A_623 : vector<16xi32>
    %mul3A_627 = arith.constant 2 : i32
    %mul3A_628 = vector.broadcast %mul3A_627 : i32 to vector<16xi32>
    %mul3A_629 = arith.muli %select_n3A_19, %mul3A_628 : vector<16xi32>
    %add3A_630 = arith.constant 1 : i32
    %add3A_631 = vector.broadcast %add3A_630 : i32 to vector<16xi32>
    %add3A_632 = arith.addi %mul3A_629, %add3A_631 : vector<16xi32>
    %broadcast_in_dim3A_633 = vector.shape_cast %add3A_632 : vector<16xi32> to vector<16x1xi32>
    %gather3A_634 = vector.shape_cast %broadcast_in_dim3A_633 : vector<16x1xi32> to vector<16xi32>
    %gather3A_635 = tpu.dynamic_gather %get3A_598[%gather3A_634] in [0] : vector<16xi32>, vector<16xi32> -> vector<16xi32>
    %add3A_636 = arith.addi %mul3A_626, %gather3A_635 : vector<16xi32>
    %lt3A_637 = arith.constant 8 : i32
    %lt3A_638 = vector.broadcast %lt3A_637 : i32 to vector<16xi32>
    %lt3A_639 = arith.cmpi slt, %iota3A, %lt3A_638 : vector<16xi32>
    %select_n3A_640 = arith.select %lt3A_639, %add3A_617, %add3A_636 : vector<16xi1>, vector<16xi32>
    %swap3A_641 = arith.constant 48 : index
    %swap3A_642 = tpu.vector_load %arg11[%swap3A_641] {strides = array<i32>} : memref<128xi32, #tpu.memory_space<vmem>>, vector<16xi32>,
    %swap3A_643 = vector.shape_cast %swap3A_642 : vector<16xi32> to vector<16xi32>
    %swap3A_644 = vector.shape_cast %select_n3A_640 : vector<16xi32> to vector<16xi32>
    tpu.vector_store %arg11[%swap3A_641], %swap3A_644 {strides = array<i32>} : memref<128xi32, #tpu.memory_space<vmem>>, vector<16xi32>,
    %get3A_645 = arith.constant 384 : index
    %get3A_646 = tpu.vector_load %arg6[%get3A_645] {strides = array<i32>} : memref<512xi32, #tpu.memory_space<vmem>>, vector<16xi32>,
    %get3A_647 = vector.shape_cast %get3A_646 : vector<16xi32> to vector<16xi32>
    %get3A_648 = arith.constant 400 : index
    %get3A_649 = tpu.vector_load %arg6[%get3A_648] {strides = array<i32>} : memref<512xi32, #tpu.memory_space<vmem>>, vector<16xi32>,
    %get3A_650 = vector.shape_cast %get3A_649 : vector<16xi32> to vector<16xi32>
    %mul3A_651 = arith.constant 2 : i32
    %mul3A_652 = vector.broadcast %mul3A_651 : i32 to vector<16xi32>
    %mul3A_653 = arith.muli %select_n3A_19, %mul3A_652 : vector<16xi32>
    %broadcast_in_dim3A_654 = vector.shape_cast %mul3A_653 : vector<16xi32> to vector<16x1xi32>
    %gather3A_655 = vector.shape_cast %broadcast_in_dim3A_654 : vector<16x1xi32> to vector<16xi32>
    %gather3A_656 = tpu.dynamic_gather %get3A_647[%gather3A_655] in [0] : vector<16xi32>, vector<16xi32> -> vector<16xi32>
    %mul3A_657 = arith.constant 16 : i32
    %mul3A_658 = vector.broadcast %mul3A_657 : i32 to vector<16xi32>
    %mul3A_659 = arith.muli %mul3A_658, %gather3A_656 : vector<16xi32>
    %mul3A_660 = arith.constant 2 : i32
    %mul3A_661 = vector.broadcast %mul3A_660 : i32 to vector<16xi32>
    %mul3A_662 = arith.muli %select_n3A_19, %mul3A_661 : vector<16xi32>
    %add3A_663 = arith.constant 1 : i32
    %add3A_664 = vector.broadcast %add3A_663 : i32 to vector<16xi32>
    %add3A_665 = arith.addi %mul3A_662, %add3A_664 : vector<16xi32>
    %broadcast_in_dim3A_666 = vector.shape_cast %add3A_665 : vector<16xi32> to vector<16x1xi32>
    %gather3A_667 = vector.shape_cast %broadcast_in_dim3A_666 : vector<16x1xi32> to vector<16xi32>
    %gather3A_668 = tpu.dynamic_gather %get3A_647[%gather3A_667] in [0] : vector<16xi32>, vector<16xi32> -> vector<16xi32>
    %add3A_669 = arith.addi %mul3A_659, %gather3A_668 : vector<16xi32>
    %mul3A_670 = arith.constant 2 : i32
    %mul3A_671 = vector.broadcast %mul3A_670 : i32 to vector<16xi32>
    %mul3A_672 = arith.muli %select_n3A_19, %mul3A_671 : vector<16xi32>
    %broadcast_in_dim3A_673 = vector.shape_cast %mul3A_672 : vector<16xi32> to vector<16x1xi32>
    %gather3A_674 = vector.shape_cast %broadcast_in_dim3A_673 : vector<16x1xi32> to vector<16xi32>
    %gather3A_675 = tpu.dynamic_gather %get3A_650[%gather3A_674] in [0] : vector<16xi32>, vector<16xi32> -> vector<16xi32>
    %mul3A_676 = arith.constant 16 : i32
    %mul3A_677 = vector.broadcast %mul3A_676 : i32 to vector<16xi32>
    %mul3A_678 = arith.muli %mul3A_677, %gather3A_675 : vector<16xi32>
    %mul3A_679 = arith.constant 2 : i32
    %mul3A_680 = vector.broadcast %mul3A_679 : i32 to vector<16xi32>
    %mul3A_681 = arith.muli %select_n3A_19, %mul3A_680 : vector<16xi32>
    %add3A_682 = arith.constant 1 : i32
    %add3A_683 = vector.broadcast %add3A_682 : i32 to vector<16xi32>
    %add3A_684 = arith.addi %mul3A_681, %add3A_683 : vector<16xi32>
    %broadcast_in_dim3A_685 = vector.shape_cast %add3A_684 : vector<16xi32> to vector<16x1xi32>
    %gather3A_686 = vector.shape_cast %broadcast_in_dim3A_685 : vector<16x1xi32> to vector<16xi32>
    %gather3A_687 = tpu.dynamic_gather %get3A_650[%gather3A_686] in [0] : vector<16xi32>, vector<16xi32> -> vector<16xi32>
    %add3A_688 = arith.addi %mul3A_678, %gather3A_687 : vector<16xi32>
    %lt3A_689 = arith.constant 8 : i32
    %lt3A_690 = vector.broadcast %lt3A_689 : i32 to vector<16xi32>
    %lt3A_691 = arith.cmpi slt, %iota3A, %lt3A_690 : vector<16xi32>
    %select_n3A_692 = arith.select %lt3A_691, %add3A_669, %add3A_688 : vector<16xi1>, vector<16xi32>
    %swap3A_693 = arith.constant 64 : index
    %swap3A_694 = tpu.vector_load %arg11[%swap3A_693] {strides = array<i32>} : memref<128xi32, #tpu.memory_space<vmem>>, vector<16xi32>,
    %swap3A_695 = vector.shape_cast %swap3A_694 : vector<16xi32> to vector<16xi32>
    %swap3A_696 = vector.shape_cast %select_n3A_692 : vector<16xi32> to vector<16xi32>
    tpu.vector_store %arg11[%swap3A_693], %swap3A_696 {strides = array<i32>} : memref<128xi32, #tpu.memory_space<vmem>>, vector<16xi32>,
    %get3A_697 = arith.constant 416 : index
    %get3A_698 = tpu.vector_load %arg6[%get3A_697] {strides = array<i32>} : memref<512xi32, #tpu.memory_space<vmem>>, vector<16xi32>,
    %get3A_699 = vector.shape_cast %get3A_698 : vector<16xi32> to vector<16xi32>
    %get3A_700 = arith.constant 432 : index
    %get3A_701 = tpu.vector_load %arg6[%get3A_700] {strides = array<i32>} : memref<512xi32, #tpu.memory_space<vmem>>, vector<16xi32>,
    %get3A_702 = vector.shape_cast %get3A_701 : vector<16xi32> to vector<16xi32>
    %mul3A_703 = arith.constant 2 : i32
    %mul3A_704 = vector.broadcast %mul3A_703 : i32 to vector<16xi32>
    %mul3A_705 = arith.muli %select_n3A_19, %mul3A_704 : vector<16xi32>
    %broadcast_in_dim3A_706 = vector.shape_cast %mul3A_705 : vector<16xi32> to vector<16x1xi32>
    %gather3A_707 = vector.shape_cast %broadcast_in_dim3A_706 : vector<16x1xi32> to vector<16xi32>
    %gather3A_708 = tpu.dynamic_gather %get3A_699[%gather3A_707] in [0] : vector<16xi32>, vector<16xi32> -> vector<16xi32>
    %mul3A_709 = arith.constant 16 : i32
    %mul3A_710 = vector.broadcast %mul3A_709 : i32 to vector<16xi32>
    %mul3A_711 = arith.muli %mul3A_710, %gather3A_708 : vector<16xi32>
    %mul3A_712 = arith.constant 2 : i32
    %mul3A_713 = vector.broadcast %mul3A_712 : i32 to vector<16xi32>
    %mul3A_714 = arith.muli %select_n3A_19, %mul3A_713 : vector<16xi32>
    %add3A_715 = arith.constant 1 : i32
    %add3A_716 = vector.broadcast %add3A_715 : i32 to vector<16xi32>
    %add3A_717 = arith.addi %mul3A_714, %add3A_716 : vector<16xi32>
    %broadcast_in_dim3A_718 = vector.shape_cast %add3A_717 : vector<16xi32> to vector<16x1xi32>
    %gather3A_719 = vector.shape_cast %broadcast_in_dim3A_718 : vector<16x1xi32> to vector<16xi32>
    %gather3A_720 = tpu.dynamic_gather %get3A_699[%gather3A_719] in [0] : vector<16xi32>, vector<16xi32> -> vector<16xi32>
    %add3A_721 = arith.addi %mul3A_711, %gather3A_720 : vector<16xi32>
    %mul3A_722 = arith.constant 2 : i32
    %mul3A_723 = vector.broadcast %mul3A_722 : i32 to vector<16xi32>
    %mul3A_724 = arith.muli %select_n3A_19, %mul3A_723 : vector<16xi32>
    %broadcast_in_dim3A_725 = vector.shape_cast %mul3A_724 : vector<16xi32> to vector<16x1xi32>
    %gather3A_726 = vector.shape_cast %broadcast_in_dim3A_725 : vector<16x1xi32> to vector<16xi32>
    %gather3A_727 = tpu.dynamic_gather %get3A_702[%gather3A_726] in [0] : vector<16xi32>, vector<16xi32> -> vector<16xi32>
    %mul3A_728 = arith.constant 16 : i32
    %mul3A_729 = vector.broadcast %mul3A_728 : i32 to vector<16xi32>
    %mul3A_730 = arith.muli %mul3A_729, %gather3A_727 : vector<16xi32>
    %mul3A_731 = arith.constant 2 : i32
    %mul3A_732 = vector.broadcast %mul3A_731 : i32 to vector<16xi32>
    %mul3A_733 = arith.muli %select_n3A_19, %mul3A_732 : vector<16xi32>
    %add3A_734 = arith.constant 1 : i32
    %add3A_735 = vector.broadcast %add3A_734 : i32 to vector<16xi32>
    %add3A_736 = arith.addi %mul3A_733, %add3A_735 : vector<16xi32>
    %broadcast_in_dim3A_737 = vector.shape_cast %add3A_736 : vector<16xi32> to vector<16x1xi32>
    %gather3A_738 = vector.shape_cast %broadcast_in_dim3A_737 : vector<16x1xi32> to vector<16xi32>
    %gather3A_739 = tpu.dynamic_gather %get3A_702[%gather3A_738] in [0] : vector<16xi32>, vector<16xi32> -> vector<16xi32>
    %add3A_740 = arith.addi %mul3A_730, %gather3A_739 : vector<16xi32>
    %lt3A_741 = arith.constant 8 : i32
    %lt3A_742 = vector.broadcast %lt3A_741 : i32 to vector<16xi32>
    %lt3A_743 = arith.cmpi slt, %iota3A, %lt3A_742 : vector<16xi32>
    %select_n3A_744 = arith.select %lt3A_743, %add3A_721, %add3A_740 : vector<16xi1>, vector<16xi32>
    %swap3A_745 = arith.constant 80 : index
    %swap3A_746 = tpu.vector_load %arg11[%swap3A_745] {strides = array<i32>} : memref<128xi32, #tpu.memory_space<vmem>>, vector<16xi32>,
    %swap3A_747 = vector.shape_cast %swap3A_746 : vector<16xi32> to vector<16xi32>
    %swap3A_748 = vector.shape_cast %select_n3A_744 : vector<16xi32> to vector<16xi32>
    tpu.vector_store %arg11[%swap3A_745], %swap3A_748 {strides = array<i32>} : memref<128xi32, #tpu.memory_space<vmem>>, vector<16xi32>,
    %get3A_749 = arith.constant 448 : index
    %get3A_750 = tpu.vector_load %arg6[%get3A_749] {strides = array<i32>} : memref<512xi32, #tpu.memory_space<vmem>>, vector<16xi32>,
    %get3A_751 = vector.shape_cast %get3A_750 : vector<16xi32> to vector<16xi32>
    %get3A_752 = arith.constant 464 : index
    %get3A_753 = tpu.vector_load %arg6[%get3A_752] {strides = array<i32>} : memref<512xi32, #tpu.memory_space<vmem>>, vector<16xi32>,
    %get3A_754 = vector.shape_cast %get3A_753 : vector<16xi32> to vector<16xi32>
    %mul3A_755 = arith.constant 2 : i32
    %mul3A_756 = vector.broadcast %mul3A_755 : i32 to vector<16xi32>
    %mul3A_757 = arith.muli %select_n3A_19, %mul3A_756 : vector<16xi32>
    %broadcast_in_dim3A_758 = vector.shape_cast %mul3A_757 : vector<16xi32> to vector<16x1xi32>
    %gather3A_759 = vector.shape_cast %broadcast_in_dim3A_758 : vector<16x1xi32> to vector<16xi32>
    %gather3A_760 = tpu.dynamic_gather %get3A_751[%gather3A_759] in [0] : vector<16xi32>, vector<16xi32> -> vector<16xi32>
    %mul3A_761 = arith.constant 16 : i32
    %mul3A_762 = vector.broadcast %mul3A_761 : i32 to vector<16xi32>
    %mul3A_763 = arith.muli %mul3A_762, %gather3A_760 : vector<16xi32>
    %mul3A_764 = arith.constant 2 : i32
    %mul3A_765 = vector.broadcast %mul3A_764 : i32 to vector<16xi32>
    %mul3A_766 = arith.muli %select_n3A_19, %mul3A_765 : vector<16xi32>
    %add3A_767 = arith.constant 1 : i32
    %add3A_768 = vector.broadcast %add3A_767 : i32 to vector<16xi32>
    %add3A_769 = arith.addi %mul3A_766, %add3A_768 : vector<16xi32>
    %broadcast_in_dim3A_770 = vector.shape_cast %add3A_769 : vector<16xi32> to vector<16x1xi32>
    %gather3A_771 = vector.shape_cast %broadcast_in_dim3A_770 : vector<16x1xi32> to vector<16xi32>
    %gather3A_772 = tpu.dynamic_gather %get3A_751[%gather3A_771] in [0] : vector<16xi32>, vector<16xi32> -> vector<16xi32>
    %add3A_773 = arith.addi %mul3A_763, %gather3A_772 : vector<16xi32>
    %mul3A_774 = arith.constant 2 : i32
    %mul3A_775 = vector.broadcast %mul3A_774 : i32 to vector<16xi32>
    %mul3A_776 = arith.muli %select_n3A_19, %mul3A_775 : vector<16xi32>
    %broadcast_in_dim3A_777 = vector.shape_cast %mul3A_776 : vector<16xi32> to vector<16x1xi32>
    %gather3A_778 = vector.shape_cast %broadcast_in_dim3A_777 : vector<16x1xi32> to vector<16xi32>
    %gather3A_779 = tpu.dynamic_gather %get3A_754[%gather3A_778] in [0] : vector<16xi32>, vector<16xi32> -> vector<16xi32>
    %mul3A_780 = arith.constant 16 : i32
    %mul3A_781 = vector.broadcast %mul3A_780 : i32 to vector<16xi32>
    %mul3A_782 = arith.muli %mul3A_781, %gather3A_779 : vector<16xi32>
    %mul3A_783 = arith.constant 2 : i32
    %mul3A_784 = vector.broadcast %mul3A_783 : i32 to vector<16xi32>
    %mul3A_785 = arith.muli %select_n3A_19, %mul3A_784 : vector<16xi32>
    %add3A_786 = arith.constant 1 : i32
    %add3A_787 = vector.broadcast %add3A_786 : i32 to vector<16xi32>
    %add3A_788 = arith.addi %mul3A_785, %add3A_787 : vector<16xi32>
    %broadcast_in_dim3A_789 = vector.shape_cast %add3A_788 : vector<16xi32> to vector<16x1xi32>
    %gather3A_790 = vector.shape_cast %broadcast_in_dim3A_789 : vector<16x1xi32> to vector<16xi32>
    %gather3A_791 = tpu.dynamic_gather %get3A_754[%gather3A_790] in [0] : vector<16xi32>, vector<16xi32> -> vector<16xi32>
    %add3A_792 = arith.addi %mul3A_782, %gather3A_791 : vector<16xi32>
    %lt3A_793 = arith.constant 8 : i32
    %lt3A_794 = vector.broadcast %lt3A_793 : i32 to vector<16xi32>
    %lt3A_795 = arith.cmpi slt, %iota3A, %lt3A_794 : vector<16xi32>
    %select_n3A_796 = arith.select %lt3A_795, %add3A_773, %add3A_792 : vector<16xi1>, vector<16xi32>
    %swap3A_797 = arith.constant 96 : index
    %swap3A_798 = tpu.vector_load %arg11[%swap3A_797] {strides = array<i32>} : memref<128xi32, #tpu.memory_space<vmem>>, vector<16xi32>,
    %swap3A_799 = vector.shape_cast %swap3A_798 : vector<16xi32> to vector<16xi32>
    %swap3A_800 = vector.shape_cast %select_n3A_796 : vector<16xi32> to vector<16xi32>
    tpu.vector_store %arg11[%swap3A_797], %swap3A_800 {strides = array<i32>} : memref<128xi32, #tpu.memory_space<vmem>>, vector<16xi32>,
    %get3A_801 = arith.constant 480 : index
    %get3A_802 = tpu.vector_load %arg6[%get3A_801] {strides = array<i32>} : memref<512xi32, #tpu.memory_space<vmem>>, vector<16xi32>,
    %get3A_803 = vector.shape_cast %get3A_802 : vector<16xi32> to vector<16xi32>
    %get3A_804 = arith.constant 496 : index
    %get3A_805 = tpu.vector_load %arg6[%get3A_804] {strides = array<i32>} : memref<512xi32, #tpu.memory_space<vmem>>, vector<16xi32>,
    %get3A_806 = vector.shape_cast %get3A_805 : vector<16xi32> to vector<16xi32>
    %mul3A_807 = arith.constant 2 : i32
    %mul3A_808 = vector.broadcast %mul3A_807 : i32 to vector<16xi32>
    %mul3A_809 = arith.muli %select_n3A_19, %mul3A_808 : vector<16xi32>
    %broadcast_in_dim3A_810 = vector.shape_cast %mul3A_809 : vector<16xi32> to vector<16x1xi32>
    %gather3A_811 = vector.shape_cast %broadcast_in_dim3A_810 : vector<16x1xi32> to vector<16xi32>
    %gather3A_812 = tpu.dynamic_gather %get3A_803[%gather3A_811] in [0] : vector<16xi32>, vector<16xi32> -> vector<16xi32>
    %mul3A_813 = arith.constant 16 : i32
    %mul3A_814 = vector.broadcast %mul3A_813 : i32 to vector<16xi32>
    %mul3A_815 = arith.muli %mul3A_814, %gather3A_812 : vector<16xi32>
    %mul3A_816 = arith.constant 2 : i32
    %mul3A_817 = vector.broadcast %mul3A_816 : i32 to vector<16xi32>
    %mul3A_818 = arith.muli %select_n3A_19, %mul3A_817 : vector<16xi32>
    %add3A_819 = arith.constant 1 : i32
    %add3A_820 = vector.broadcast %add3A_819 : i32 to vector<16xi32>
    %add3A_821 = arith.addi %mul3A_818, %add3A_820 : vector<16xi32>
    %broadcast_in_dim3A_822 = vector.shape_cast %add3A_821 : vector<16xi32> to vector<16x1xi32>
    %gather3A_823 = vector.shape_cast %broadcast_in_dim3A_822 : vector<16x1xi32> to vector<16xi32>
    %gather3A_824 = tpu.dynamic_gather %get3A_803[%gather3A_823] in [0] : vector<16xi32>, vector<16xi32> -> vector<16xi32>
    %add3A_825 = arith.addi %mul3A_815, %gather3A_824 : vector<16xi32>
    %mul3A_826 = arith.constant 2 : i32
    %mul3A_827 = vector.broadcast %mul3A_826 : i32 to vector<16xi32>
    %mul3A_828 = arith.muli %select_n3A_19, %mul3A_827 : vector<16xi32>
    %broadcast_in_dim3A_829 = vector.shape_cast %mul3A_828 : vector<16xi32> to vector<16x1xi32>
    %gather3A_830 = vector.shape_cast %broadcast_in_dim3A_829 : vector<16x1xi32> to vector<16xi32>
    %gather3A_831 = tpu.dynamic_gather %get3A_806[%gather3A_830] in [0] : vector<16xi32>, vector<16xi32> -> vector<16xi32>
    %mul3A_832 = arith.constant 16 : i32
    %mul3A_833 = vector.broadcast %mul3A_832 : i32 to vector<16xi32>
    %mul3A_834 = arith.muli %mul3A_833, %gather3A_831 : vector<16xi32>
    %mul3A_835 = arith.constant 2 : i32
    %mul3A_836 = vector.broadcast %mul3A_835 : i32 to vector<16xi32>
    %mul3A_837 = arith.muli %select_n3A_19, %mul3A_836 : vector<16xi32>
    %add3A_838 = arith.constant 1 : i32
    %add3A_839 = vector.broadcast %add3A_838 : i32 to vector<16xi32>
    %add3A_840 = arith.addi %mul3A_837, %add3A_839 : vector<16xi32>
    %broadcast_in_dim3A_841 = vector.shape_cast %add3A_840 : vector<16xi32> to vector<16x1xi32>
    %gather3A_842 = vector.shape_cast %broadcast_in_dim3A_841 : vector<16x1xi32> to vector<16xi32>
    %gather3A_843 = tpu.dynamic_gather %get3A_806[%gather3A_842] in [0] : vector<16xi32>, vector<16xi32> -> vector<16xi32>
    %add3A_844 = arith.addi %mul3A_834, %gather3A_843 : vector<16xi32>
    %lt3A_845 = arith.constant 8 : i32
    %lt3A_846 = vector.broadcast %lt3A_845 : i32 to vector<16xi32>
    %lt3A_847 = arith.cmpi slt, %iota3A, %lt3A_846 : vector<16xi32>
    %select_n3A_848 = arith.select %lt3A_847, %add3A_825, %add3A_844 : vector<16xi1>, vector<16xi32>
    %swap3A_849 = arith.constant 112 : index
    %swap3A_850 = tpu.vector_load %arg11[%swap3A_849] {strides = array<i32>} : memref<128xi32, #tpu.memory_space<vmem>>, vector<16xi32>,
    %swap3A_851 = vector.shape_cast %swap3A_850 : vector<16xi32> to vector<16xi32>
    %swap3A_852 = vector.shape_cast %select_n3A_848 : vector<16xi32> to vector<16xi32>
    tpu.vector_store %arg11[%swap3A_849], %swap3A_852 {strides = array<i32>} : memref<128xi32, #tpu.memory_space<vmem>>, vector<16xi32>,
    %dma_start3A = arith.constant 0 : i32
    %dma_start3A_853 = arith.constant 0 : i32
    %dma_start3A_854 = tpu.memref_slice %arg8[%dma_start3A, %dma_start3A_853] : memref<256x128xf32, #tpu.memory_space<vmem>> -> memref<128x128xf32, #tpu.memory_space<vmem>>
    %dma_start3A_855 = arith.constant 0 : i32
    %dma_start3A_856 = arith.constant 0 : i32
    %dma_start3A_857 = tpu.memref_slice %arg5[%dma_start3A_855, %dma_start3A_856] : memref<256x128xf32, #tpu.memory_space<vmem_shared>> -> memref<256x128xf32, #tpu.memory_space<vmem_shared>>
    tpu.enqueue_indirect_dma source(%dma_start3A_857 : memref<256x128xf32, #tpu.memory_space<vmem_shared>>) target(%dma_start3A_854 : memref<128x128xf32, #tpu.memory_space<vmem>>) offsets(%arg10 : memref<128xi32, #tpu.memory_space<vmem>>) semaphore(%arg16 : memref<!tpu.dma_semaphore, #tpu.memory_space<semaphore_mem>>)
    %dma_start3A_858 = arith.constant 128 : i32
    %dma_start3A_859 = arith.constant 0 : i32
    %dma_start3A_860 = tpu.memref_slice %arg8[%dma_start3A_858, %dma_start3A_859] : memref<256x128xf32, #tpu.memory_space<vmem>> -> memref<128x128xf32, #tpu.memory_space<vmem>>
    %dma_start3A_861 = arith.constant 0 : i32
    %dma_start3A_862 = arith.constant 0 : i32
    %dma_start3A_863 = tpu.memref_slice %arg5[%dma_start3A_861, %dma_start3A_862] : memref<256x128xf32, #tpu.memory_space<vmem_shared>> -> memref<256x128xf32, #tpu.memory_space<vmem_shared>>
    tpu.enqueue_indirect_dma source(%dma_start3A_863 : memref<256x128xf32, #tpu.memory_space<vmem_shared>>) target(%dma_start3A_860 : memref<128x128xf32, #tpu.memory_space<vmem>>) offsets(%arg11 : memref<128xi32, #tpu.memory_space<vmem>>) semaphore(%arg16 : memref<!tpu.dma_semaphore, #tpu.memory_space<semaphore_mem>>)
    %add3A_864 = arith.constant 512 : i32
    %add3A_865 = arith.addi %mul3A_2, %add3A_864 : i32
    %dma_start3A_866 = tpu.memref_slice %arg2[%add3A_865] : memref<3276800xi32, #tpu.memory_space<hbm>> -> memref<512xi32, #tpu.memory_space<hbm>>
    %dma_start3A_867 = tpu.memref_slice %arg2[%add3A_865] : memref<3276800xi32, #tpu.memory_space<hbm>> -> memref<512xi32, #tpu.memory_space<hbm>>
    tpu.enqueue_dma source(%dma_start3A_867 : memref<512xi32, #tpu.memory_space<hbm>>) target(%arg7 : memref<512xi32, #tpu.memory_space<vmem>>) target_semaphore(%arg15 : memref<!tpu.dma_semaphore, #tpu.memory_space<semaphore_mem>>)
    %add3A_868 = arith.constant 0 : i32
    %add3A_869 = arith.addi %mul3A_2, %add3A_868 : i32
    %dma_wait3A = tpu.memref_slice %arg2[%add3A_869] : memref<3276800xi32, #tpu.memory_space<hbm>> -> memref<512xi32, #tpu.memory_space<hbm>>
    %dma_wait3A_870 = tpu.memref_slice %arg2[%add3A_869] : memref<3276800xi32, #tpu.memory_space<hbm>> -> memref<512xi32, #tpu.memory_space<hbm>>
    tpu.wait_dma2 semaphore(%arg15 : memref<!tpu.dma_semaphore, #tpu.memory_space<semaphore_mem>>) src(%dma_wait3A_870 : memref<512xi32, #tpu.memory_space<hbm>>) dst(%arg7 : memref<512xi32, #tpu.memory_space<vmem>>)
    %get3A_871 = arith.constant 0 : index
    %get3A_872 = tpu.vector_load %arg7[%get3A_871] {strides = array<i32>} : memref<512xi32, #tpu.memory_space<vmem>>, vector<16xi32>,
    %get3A_873 = vector.shape_cast %get3A_872 : vector<16xi32> to vector<16xi32>
    %get3A_874 = arith.constant 16 : index
    %get3A_875 = tpu.vector_load %arg7[%get3A_874] {strides = array<i32>} : memref<512xi32, #tpu.memory_space<vmem>>, vector<16xi32>,
    %get3A_876 = vector.shape_cast %get3A_875 : vector<16xi32> to vector<16xi32>
    %mul3A_877 = arith.constant 2 : i32
    %mul3A_878 = vector.broadcast %mul3A_877 : i32 to vector<16xi32>
    %mul3A_879 = arith.muli %select_n3A_19, %mul3A_878 : vector<16xi32>
    %broadcast_in_dim3A_880 = vector.shape_cast %mul3A_879 : vector<16xi32> to vector<16x1xi32>
    %gather3A_881 = vector.shape_cast %broadcast_in_dim3A_880 : vector<16x1xi32> to vector<16xi32>
    %gather3A_882 = tpu.dynamic_gather %get3A_873[%gather3A_881] in [0] : vector<16xi32>, vector<16xi32> -> vector<16xi32>
    %mul3A_883 = arith.constant 16 : i32
    %mul3A_884 = vector.broadcast %mul3A_883 : i32 to vector<16xi32>
    %mul3A_885 = arith.muli %mul3A_884, %gather3A_882 : vector<16xi32>
    %mul3A_886 = arith.constant 2 : i32
    %mul3A_887 = vector.broadcast %mul3A_886 : i32 to vector<16xi32>
    %mul3A_888 = arith.muli %select_n3A_19, %mul3A_887 : vector<16xi32>
    %add3A_889 = arith.constant 1 : i32
    %add3A_890 = vector.broadcast %add3A_889 : i32 to vector<16xi32>
    %add3A_891 = arith.addi %mul3A_888, %add3A_890 : vector<16xi32>
    %broadcast_in_dim3A_892 = vector.shape_cast %add3A_891 : vector<16xi32> to vector<16x1xi32>
    %gather3A_893 = vector.shape_cast %broadcast_in_dim3A_892 : vector<16x1xi32> to vector<16xi32>
    %gather3A_894 = tpu.dynamic_gather %get3A_873[%gather3A_893] in [0] : vector<16xi32>, vector<16xi32> -> vector<16xi32>
    %add3A_895 = arith.addi %mul3A_885, %gather3A_894 : vector<16xi32>
    %mul3A_896 = arith.constant 2 : i32
    %mul3A_897 = vector.broadcast %mul3A_896 : i32 to vector<16xi32>
    %mul3A_898 = arith.muli %select_n3A_19, %mul3A_897 : vector<16xi32>
    %broadcast_in_dim3A_899 = vector.shape_cast %mul3A_898 : vector<16xi32> to vector<16x1xi32>
    %gather3A_900 = vector.shape_cast %broadcast_in_dim3A_899 : vector<16x1xi32> to vector<16xi32>
    %gather3A_901 = tpu.dynamic_gather %get3A_876[%gather3A_900] in [0] : vector<16xi32>, vector<16xi32> -> vector<16xi32>
    %mul3A_902 = arith.constant 16 : i32
    %mul3A_903 = vector.broadcast %mul3A_902 : i32 to vector<16xi32>
    %mul3A_904 = arith.muli %mul3A_903, %gather3A_901 : vector<16xi32>
    %mul3A_905 = arith.constant 2 : i32
    %mul3A_906 = vector.broadcast %mul3A_905 : i32 to vector<16xi32>
    %mul3A_907 = arith.muli %select_n3A_19, %mul3A_906 : vector<16xi32>
    %add3A_908 = arith.constant 1 : i32
    %add3A_909 = vector.broadcast %add3A_908 : i32 to vector<16xi32>
    %add3A_910 = arith.addi %mul3A_907, %add3A_909 : vector<16xi32>
    %broadcast_in_dim3A_911 = vector.shape_cast %add3A_910 : vector<16xi32> to vector<16x1xi32>
    %gather3A_912 = vector.shape_cast %broadcast_in_dim3A_911 : vector<16x1xi32> to vector<16xi32>
    %gather3A_913 = tpu.dynamic_gather %get3A_876[%gather3A_912] in [0] : vector<16xi32>, vector<16xi32> -> vector<16xi32>
    %add3A_914 = arith.addi %mul3A_904, %gather3A_913 : vector<16xi32>
    %lt3A_915 = arith.constant 8 : i32
    %lt3A_916 = vector.broadcast %lt3A_915 : i32 to vector<16xi32>
    %lt3A_917 = arith.cmpi slt, %iota3A, %lt3A_916 : vector<16xi32>
    %select_n3A_918 = arith.select %lt3A_917, %add3A_895, %add3A_914 : vector<16xi1>, vector<16xi32>
    %swap3A_919 = arith.constant 0 : index
    %swap3A_920 = tpu.vector_load %arg12[%swap3A_919] {strides = array<i32>} : memref<128xi32, #tpu.memory_space<vmem>>, vector<16xi32>,
    %swap3A_921 = vector.shape_cast %swap3A_920 : vector<16xi32> to vector<16xi32>
    %swap3A_922 = vector.shape_cast %select_n3A_918 : vector<16xi32> to vector<16xi32>
    tpu.vector_store %arg12[%swap3A_919], %swap3A_922 {strides = array<i32>} : memref<128xi32, #tpu.memory_space<vmem>>, vector<16xi32>,
    %get3A_923 = arith.constant 32 : index
    %get3A_924 = tpu.vector_load %arg7[%get3A_923] {strides = array<i32>} : memref<512xi32, #tpu.memory_space<vmem>>, vector<16xi32>,
    %get3A_925 = vector.shape_cast %get3A_924 : vector<16xi32> to vector<16xi32>
    %get3A_926 = arith.constant 48 : index
    %get3A_927 = tpu.vector_load %arg7[%get3A_926] {strides = array<i32>} : memref<512xi32, #tpu.memory_space<vmem>>, vector<16xi32>,
    %get3A_928 = vector.shape_cast %get3A_927 : vector<16xi32> to vector<16xi32>
    %mul3A_929 = arith.constant 2 : i32
    %mul3A_930 = vector.broadcast %mul3A_929 : i32 to vector<16xi32>
    %mul3A_931 = arith.muli %select_n3A_19, %mul3A_930 : vector<16xi32>
    %broadcast_in_dim3A_932 = vector.shape_cast %mul3A_931 : vector<16xi32> to vector<16x1xi32>
    %gather3A_933 = vector.shape_cast %broadcast_in_dim3A_932 : vector<16x1xi32> to vector<16xi32>
    %gather3A_934 = tpu.dynamic_gather %get3A_925[%gather3A_933] in [0] : vector<16xi32>, vector<16xi32> -> vector<16xi32>
    %mul3A_935 = arith.constant 16 : i32
    %mul3A_936 = vector.broadcast %mul3A_935 : i32 to vector<16xi32>
    %mul3A_937 = arith.muli %mul3A_936, %gather3A_934 : vector<16xi32>
    %mul3A_938 = arith.constant 2 : i32
    %mul3A_939 = vector.broadcast %mul3A_938 : i32 to vector<16xi32>
    %mul3A_940 = arith.muli %select_n3A_19, %mul3A_939 : vector<16xi32>
    %add3A_941 = arith.constant 1 : i32
    %add3A_942 = vector.broadcast %add3A_941 : i32 to vector<16xi32>
    %add3A_943 = arith.addi %mul3A_940, %add3A_942 : vector<16xi32>
    %broadcast_in_dim3A_944 = vector.shape_cast %add3A_943 : vector<16xi32> to vector<16x1xi32>
    %gather3A_945 = vector.shape_cast %broadcast_in_dim3A_944 : vector<16x1xi32> to vector<16xi32>
    %gather3A_946 = tpu.dynamic_gather %get3A_925[%gather3A_945] in [0] : vector<16xi32>, vector<16xi32> -> vector<16xi32>
    %add3A_947 = arith.addi %mul3A_937, %gather3A_946 : vector<16xi32>
    %mul3A_948 = arith.constant 2 : i32
    %mul3A_949 = vector.broadcast %mul3A_948 : i32 to vector<16xi32>
    %mul3A_950 = arith.muli %select_n3A_19, %mul3A_949 : vector<16xi32>
    %broadcast_in_dim3A_951 = vector.shape_cast %mul3A_950 : vector<16xi32> to vector<16x1xi32>
    %gather3A_952 = vector.shape_cast %broadcast_in_dim3A_951 : vector<16x1xi32> to vector<16xi32>
    %gather3A_953 = tpu.dynamic_gather %get3A_928[%gather3A_952] in [0] : vector<16xi32>, vector<16xi32> -> vector<16xi32>
    %mul3A_954 = arith.constant 16 : i32
    %mul3A_955 = vector.broadcast %mul3A_954 : i32 to vector<16xi32>
    %mul3A_956 = arith.muli %mul3A_955, %gather3A_953 : vector<16xi32>
    %mul3A_957 = arith.constant 2 : i32
    %mul3A_958 = vector.broadcast %mul3A_957 : i32 to vector<16xi32>
    %mul3A_959 = arith.muli %select_n3A_19, %mul3A_958 : vector<16xi32>
    %add3A_960 = arith.constant 1 : i32
    %add3A_961 = vector.broadcast %add3A_960 : i32 to vector<16xi32>
    %add3A_962 = arith.addi %mul3A_959, %add3A_961 : vector<16xi32>
    %broadcast_in_dim3A_963 = vector.shape_cast %add3A_962 : vector<16xi32> to vector<16x1xi32>
    %gather3A_964 = vector.shape_cast %broadcast_in_dim3A_963 : vector<16x1xi32> to vector<16xi32>
    %gather3A_965 = tpu.dynamic_gather %get3A_928[%gather3A_964] in [0] : vector<16xi32>, vector<16xi32> -> vector<16xi32>
    %add3A_966 = arith.addi %mul3A_956, %gather3A_965 : vector<16xi32>
    %lt3A_967 = arith.constant 8 : i32
    %lt3A_968 = vector.broadcast %lt3A_967 : i32 to vector<16xi32>
    %lt3A_969 = arith.cmpi slt, %iota3A, %lt3A_968 : vector<16xi32>
    %select_n3A_970 = arith.select %lt3A_969, %add3A_947, %add3A_966 : vector<16xi1>, vector<16xi32>
    %swap3A_971 = arith.constant 16 : index
    %swap3A_972 = tpu.vector_load %arg12[%swap3A_971] {strides = array<i32>} : memref<128xi32, #tpu.memory_space<vmem>>, vector<16xi32>,
    %swap3A_973 = vector.shape_cast %swap3A_972 : vector<16xi32> to vector<16xi32>
    %swap3A_974 = vector.shape_cast %select_n3A_970 : vector<16xi32> to vector<16xi32>
    tpu.vector_store %arg12[%swap3A_971], %swap3A_974 {strides = array<i32>} : memref<128xi32, #tpu.memory_space<vmem>>, vector<16xi32>,
    %get3A_975 = arith.constant 64 : index
    %get3A_976 = tpu.vector_load %arg7[%get3A_975] {strides = array<i32>} : memref<512xi32, #tpu.memory_space<vmem>>, vector<16xi32>,
    %get3A_977 = vector.shape_cast %get3A_976 : vector<16xi32> to vector<16xi32>
    %get3A_978 = arith.constant 80 : index
    %get3A_979 = tpu.vector_load %arg7[%get3A_978] {strides = array<i32>} : memref<512xi32, #tpu.memory_space<vmem>>, vector<16xi32>,
    %get3A_980 = vector.shape_cast %get3A_979 : vector<16xi32> to vector<16xi32>
    %mul3A_981 = arith.constant 2 : i32
    %mul3A_982 = vector.broadcast %mul3A_981 : i32 to vector<16xi32>
    %mul3A_983 = arith.muli %select_n3A_19, %mul3A_982 : vector<16xi32>
    %broadcast_in_dim3A_984 = vector.shape_cast %mul3A_983 : vector<16xi32> to vector<16x1xi32>
    %gather3A_985 = vector.shape_cast %broadcast_in_dim3A_984 : vector<16x1xi32> to vector<16xi32>
    %gather3A_986 = tpu.dynamic_gather %get3A_977[%gather3A_985] in [0] : vector<16xi32>, vector<16xi32> -> vector<16xi32>
    %mul3A_987 = arith.constant 16 : i32
    %mul3A_988 = vector.broadcast %mul3A_987 : i32 to vector<16xi32>
    %mul3A_989 = arith.muli %mul3A_988, %gather3A_986 : vector<16xi32>
    %mul3A_990 = arith.constant 2 : i32
    %mul3A_991 = vector.broadcast %mul3A_990 : i32 to vector<16xi32>
    %mul3A_992 = arith.muli %select_n3A_19, %mul3A_991 : vector<16xi32>
    %add3A_993 = arith.constant 1 : i32
    %add3A_994 = vector.broadcast %add3A_993 : i32 to vector<16xi32>
    %add3A_995 = arith.addi %mul3A_992, %add3A_994 : vector<16xi32>
    %broadcast_in_dim3A_996 = vector.shape_cast %add3A_995 : vector<16xi32> to vector<16x1xi32>
    %gather3A_997 = vector.shape_cast %broadcast_in_dim3A_996 : vector<16x1xi32> to vector<16xi32>
    %gather3A_998 = tpu.dynamic_gather %get3A_977[%gather3A_997] in [0] : vector<16xi32>, vector<16xi32> -> vector<16xi32>
    %add3A_999 = arith.addi %mul3A_989, %gather3A_998 : vector<16xi32>
    %mul3A_1000 = arith.constant 2 : i32
    %mul3A_1001 = vector.broadcast %mul3A_1000 : i32 to vector<16xi32>
    %mul3A_1002 = arith.muli %select_n3A_19, %mul3A_1001 : vector<16xi32>
    %broadcast_in_dim3A_1003 = vector.shape_cast %mul3A_1002 : vector<16xi32> to vector<16x1xi32>
    %gather3A_1004 = vector.shape_cast %broadcast_in_dim3A_1003 : vector<16x1xi32> to vector<16xi32>
    %gather3A_1005 = tpu.dynamic_gather %get3A_980[%gather3A_1004] in [0] : vector<16xi32>, vector<16xi32> -> vector<16xi32>
    %mul3A_1006 = arith.constant 16 : i32
    %mul3A_1007 = vector.broadcast %mul3A_1006 : i32 to vector<16xi32>
    %mul3A_1008 = arith.muli %mul3A_1007, %gather3A_1005 : vector<16xi32>
    %mul3A_1009 = arith.constant 2 : i32
    %mul3A_1010 = vector.broadcast %mul3A_1009 : i32 to vector<16xi32>
    %mul3A_1011 = arith.muli %select_n3A_19, %mul3A_1010 : vector<16xi32>
    %add3A_1012 = arith.constant 1 : i32
    %add3A_1013 = vector.broadcast %add3A_1012 : i32 to vector<16xi32>
    %add3A_1014 = arith.addi %mul3A_1011, %add3A_1013 : vector<16xi32>
    %broadcast_in_dim3A_1015 = vector.shape_cast %add3A_1014 : vector<16xi32> to vector<16x1xi32>
    %gather3A_1016 = vector.shape_cast %broadcast_in_dim3A_1015 : vector<16x1xi32> to vector<16xi32>
    %gather3A_1017 = tpu.dynamic_gather %get3A_980[%gather3A_1016] in [0] : vector<16xi32>, vector<16xi32> -> vector<16xi32>
    %add3A_1018 = arith.addi %mul3A_1008, %gather3A_1017 : vector<16xi32>
    %lt3A_1019 = arith.constant 8 : i32
    %lt3A_1020 = vector.broadcast %lt3A_1019 : i32 to vector<16xi32>
    %lt3A_1021 = arith.cmpi slt, %iota3A, %lt3A_1020 : vector<16xi32>
    %select_n3A_1022 = arith.select %lt3A_1021, %add3A_999, %add3A_1018 : vector<16xi1>, vector<16xi32>
    %swap3A_1023 = arith.constant 32 : index
    %swap3A_1024 = tpu.vector_load %arg12[%swap3A_1023] {strides = array<i32>} : memref<128xi32, #tpu.memory_space<vmem>>, vector<16xi32>,
    %swap3A_1025 = vector.shape_cast %swap3A_1024 : vector<16xi32> to vector<16xi32>
    %swap3A_1026 = vector.shape_cast %select_n3A_1022 : vector<16xi32> to vector<16xi32>
    tpu.vector_store %arg12[%swap3A_1023], %swap3A_1026 {strides = array<i32>} : memref<128xi32, #tpu.memory_space<vmem>>, vector<16xi32>,
    %get3A_1027 = arith.constant 96 : index
    %get3A_1028 = tpu.vector_load %arg7[%get3A_1027] {strides = array<i32>} : memref<512xi32, #tpu.memory_space<vmem>>, vector<16xi32>,
    %get3A_1029 = vector.shape_cast %get3A_1028 : vector<16xi32> to vector<16xi32>
    %get3A_1030 = arith.constant 112 : index
    %get3A_1031 = tpu.vector_load %arg7[%get3A_1030] {strides = array<i32>} : memref<512xi32, #tpu.memory_space<vmem>>, vector<16xi32>,
    %get3A_1032 = vector.shape_cast %get3A_1031 : vector<16xi32> to vector<16xi32>
    %mul3A_1033 = arith.constant 2 : i32
    %mul3A_1034 = vector.broadcast %mul3A_1033 : i32 to vector<16xi32>
    %mul3A_1035 = arith.muli %select_n3A_19, %mul3A_1034 : vector<16xi32>
    %broadcast_in_dim3A_1036 = vector.shape_cast %mul3A_1035 : vector<16xi32> to vector<16x1xi32>
    %gather3A_1037 = vector.shape_cast %broadcast_in_dim3A_1036 : vector<16x1xi32> to vector<16xi32>
    %gather3A_1038 = tpu.dynamic_gather %get3A_1029[%gather3A_1037] in [0] : vector<16xi32>, vector<16xi32> -> vector<16xi32>
    %mul3A_1039 = arith.constant 16 : i32
    %mul3A_1040 = vector.broadcast %mul3A_1039 : i32 to vector<16xi32>
    %mul3A_1041 = arith.muli %mul3A_1040, %gather3A_1038 : vector<16xi32>
    %mul3A_1042 = arith.constant 2 : i32
    %mul3A_1043 = vector.broadcast %mul3A_1042 : i32 to vector<16xi32>
    %mul3A_1044 = arith.muli %select_n3A_19, %mul3A_1043 : vector<16xi32>
    %add3A_1045 = arith.constant 1 : i32
    %add3A_1046 = vector.broadcast %add3A_1045 : i32 to vector<16xi32>
    %add3A_1047 = arith.addi %mul3A_1044, %add3A_1046 : vector<16xi32>
    %broadcast_in_dim3A_1048 = vector.shape_cast %add3A_1047 : vector<16xi32> to vector<16x1xi32>
    %gather3A_1049 = vector.shape_cast %broadcast_in_dim3A_1048 : vector<16x1xi32> to vector<16xi32>
    %gather3A_1050 = tpu.dynamic_gather %get3A_1029[%gather3A_1049] in [0] : vector<16xi32>, vector<16xi32> -> vector<16xi32>
    %add3A_1051 = arith.addi %mul3A_1041, %gather3A_1050 : vector<16xi32>
    %mul3A_1052 = arith.constant 2 : i32
    %mul3A_1053 = vector.broadcast %mul3A_1052 : i32 to vector<16xi32>
    %mul3A_1054 = arith.muli %select_n3A_19, %mul3A_1053 : vector<16xi32>
    %broadcast_in_dim3A_1055 = vector.shape_cast %mul3A_1054 : vector<16xi32> to vector<16x1xi32>
    %gather3A_1056 = vector.shape_cast %broadcast_in_dim3A_1055 : vector<16x1xi32> to vector<16xi32>
    %gather3A_1057 = tpu.dynamic_gather %get3A_1032[%gather3A_1056] in [0] : vector<16xi32>, vector<16xi32> -> vector<16xi32>
    %mul3A_1058 = arith.constant 16 : i32
    %mul3A_1059 = vector.broadcast %mul3A_1058 : i32 to vector<16xi32>
    %mul3A_1060 = arith.muli %mul3A_1059, %gather3A_1057 : vector<16xi32>
    %mul3A_1061 = arith.constant 2 : i32
    %mul3A_1062 = vector.broadcast %mul3A_1061 : i32 to vector<16xi32>
    %mul3A_1063 = arith.muli %select_n3A_19, %mul3A_1062 : vector<16xi32>
    %add3A_1064 = arith.constant 1 : i32
    %add3A_1065 = vector.broadcast %add3A_1064 : i32 to vector<16xi32>
    %add3A_1066 = arith.addi %mul3A_1063, %add3A_1065 : vector<16xi32>
    %broadcast_in_dim3A_1067 = vector.shape_cast %add3A_1066 : vector<16xi32> to vector<16x1xi32>
    %gather3A_1068 = vector.shape_cast %broadcast_in_dim3A_1067 : vector<16x1xi32> to vector<16xi32>
    %gather3A_1069 = tpu.dynamic_gather %get3A_1032[%gather3A_1068] in [0] : vector<16xi32>, vector<16xi32> -> vector<16xi32>
    %add3A_1070 = arith.addi %mul3A_1060, %gather3A_1069 : vector<16xi32>
    %lt3A_1071 = arith.constant 8 : i32
    %lt3A_1072 = vector.broadcast %lt3A_1071 : i32 to vector<16xi32>
    %lt3A_1073 = arith.cmpi slt, %iota3A, %lt3A_1072 : vector<16xi32>
    %select_n3A_1074 = arith.select %lt3A_1073, %add3A_1051, %add3A_1070 : vector<16xi1>, vector<16xi32>
    %swap3A_1075 = arith.constant 48 : index
    %swap3A_1076 = tpu.vector_load %arg12[%swap3A_1075] {strides = array<i32>} : memref<128xi32, #tpu.memory_space<vmem>>, vector<16xi32>,
    %swap3A_1077 = vector.shape_cast %swap3A_1076 : vector<16xi32> to vector<16xi32>
    %swap3A_1078 = vector.shape_cast %select_n3A_1074 : vector<16xi32> to vector<16xi32>
    tpu.vector_store %arg12[%swap3A_1075], %swap3A_1078 {strides = array<i32>} : memref<128xi32, #tpu.memory_space<vmem>>, vector<16xi32>,
    %get3A_1079 = arith.constant 128 : index
    %get3A_1080 = tpu.vector_load %arg7[%get3A_1079] {strides = array<i32>} : memref<512xi32, #tpu.memory_space<vmem>>, vector<16xi32>,
    %get3A_1081 = vector.shape_cast %get3A_1080 : vector<16xi32> to vector<16xi32>
    %get3A_1082 = arith.constant 144 : index
    %get3A_1083 = tpu.vector_load %arg7[%get3A_1082] {strides = array<i32>} : memref<512xi32, #tpu.memory_space<vmem>>, vector<16xi32>,
    %get3A_1084 = vector.shape_cast %get3A_1083 : vector<16xi32> to vector<16xi32>
    %mul3A_1085 = arith.constant 2 : i32
    %mul3A_1086 = vector.broadcast %mul3A_1085 : i32 to vector<16xi32>
    %mul3A_1087 = arith.muli %select_n3A_19, %mul3A_1086 : vector<16xi32>
    %broadcast_in_dim3A_1088 = vector.shape_cast %mul3A_1087 : vector<16xi32> to vector<16x1xi32>
    %gather3A_1089 = vector.shape_cast %broadcast_in_dim3A_1088 : vector<16x1xi32> to vector<16xi32>
    %gather3A_1090 = tpu.dynamic_gather %get3A_1081[%gather3A_1089] in [0] : vector<16xi32>, vector<16xi32> -> vector<16xi32>
    %mul3A_1091 = arith.constant 16 : i32
    %mul3A_1092 = vector.broadcast %mul3A_1091 : i32 to vector<16xi32>
    %mul3A_1093 = arith.muli %mul3A_1092, %gather3A_1090 : vector<16xi32>
    %mul3A_1094 = arith.constant 2 : i32
    %mul3A_1095 = vector.broadcast %mul3A_1094 : i32 to vector<16xi32>
    %mul3A_1096 = arith.muli %select_n3A_19, %mul3A_1095 : vector<16xi32>
    %add3A_1097 = arith.constant 1 : i32
    %add3A_1098 = vector.broadcast %add3A_1097 : i32 to vector<16xi32>
    %add3A_1099 = arith.addi %mul3A_1096, %add3A_1098 : vector<16xi32>
    %broadcast_in_dim3A_1100 = vector.shape_cast %add3A_1099 : vector<16xi32> to vector<16x1xi32>
    %gather3A_1101 = vector.shape_cast %broadcast_in_dim3A_1100 : vector<16x1xi32> to vector<16xi32>
    %gather3A_1102 = tpu.dynamic_gather %get3A_1081[%gather3A_1101] in [0] : vector<16xi32>, vector<16xi32> -> vector<16xi32>
    %add3A_1103 = arith.addi %mul3A_1093, %gather3A_1102 : vector<16xi32>
    %mul3A_1104 = arith.constant 2 : i32
    %mul3A_1105 = vector.broadcast %mul3A_1104 : i32 to vector<16xi32>
    %mul3A_1106 = arith.muli %select_n3A_19, %mul3A_1105 : vector<16xi32>
    %broadcast_in_dim3A_1107 = vector.shape_cast %mul3A_1106 : vector<16xi32> to vector<16x1xi32>
    %gather3A_1108 = vector.shape_cast %broadcast_in_dim3A_1107 : vector<16x1xi32> to vector<16xi32>
    %gather3A_1109 = tpu.dynamic_gather %get3A_1084[%gather3A_1108] in [0] : vector<16xi32>, vector<16xi32> -> vector<16xi32>
    %mul3A_1110 = arith.constant 16 : i32
    %mul3A_1111 = vector.broadcast %mul3A_1110 : i32 to vector<16xi32>
    %mul3A_1112 = arith.muli %mul3A_1111, %gather3A_1109 : vector<16xi32>
    %mul3A_1113 = arith.constant 2 : i32
    %mul3A_1114 = vector.broadcast %mul3A_1113 : i32 to vector<16xi32>
    %mul3A_1115 = arith.muli %select_n3A_19, %mul3A_1114 : vector<16xi32>
    %add3A_1116 = arith.constant 1 : i32
    %add3A_1117 = vector.broadcast %add3A_1116 : i32 to vector<16xi32>
    %add3A_1118 = arith.addi %mul3A_1115, %add3A_1117 : vector<16xi32>
    %broadcast_in_dim3A_1119 = vector.shape_cast %add3A_1118 : vector<16xi32> to vector<16x1xi32>
    %gather3A_1120 = vector.shape_cast %broadcast_in_dim3A_1119 : vector<16x1xi32> to vector<16xi32>
    %gather3A_1121 = tpu.dynamic_gather %get3A_1084[%gather3A_1120] in [0] : vector<16xi32>, vector<16xi32> -> vector<16xi32>
    %add3A_1122 = arith.addi %mul3A_1112, %gather3A_1121 : vector<16xi32>
    %lt3A_1123 = arith.constant 8 : i32
    %lt3A_1124 = vector.broadcast %lt3A_1123 : i32 to vector<16xi32>
    %lt3A_1125 = arith.cmpi slt, %iota3A, %lt3A_1124 : vector<16xi32>
    %select_n3A_1126 = arith.select %lt3A_1125, %add3A_1103, %add3A_1122 : vector<16xi1>, vector<16xi32>
    %swap3A_1127 = arith.constant 64 : index
    %swap3A_1128 = tpu.vector_load %arg12[%swap3A_1127] {strides = array<i32>} : memref<128xi32, #tpu.memory_space<vmem>>, vector<16xi32>,
    %swap3A_1129 = vector.shape_cast %swap3A_1128 : vector<16xi32> to vector<16xi32>
    %swap3A_1130 = vector.shape_cast %select_n3A_1126 : vector<16xi32> to vector<16xi32>
    tpu.vector_store %arg12[%swap3A_1127], %swap3A_1130 {strides = array<i32>} : memref<128xi32, #tpu.memory_space<vmem>>, vector<16xi32>,
    %get3A_1131 = arith.constant 160 : index
    %get3A_1132 = tpu.vector_load %arg7[%get3A_1131] {strides = array<i32>} : memref<512xi32, #tpu.memory_space<vmem>>, vector<16xi32>,
    %get3A_1133 = vector.shape_cast %get3A_1132 : vector<16xi32> to vector<16xi32>
    %get3A_1134 = arith.constant 176 : index
    %get3A_1135 = tpu.vector_load %arg7[%get3A_1134] {strides = array<i32>} : memref<512xi32, #tpu.memory_space<vmem>>, vector<16xi32>,
    %get3A_1136 = vector.shape_cast %get3A_1135 : vector<16xi32> to vector<16xi32>
    %mul3A_1137 = arith.constant 2 : i32
    %mul3A_1138 = vector.broadcast %mul3A_1137 : i32 to vector<16xi32>
    %mul3A_1139 = arith.muli %select_n3A_19, %mul3A_1138 : vector<16xi32>
    %broadcast_in_dim3A_1140 = vector.shape_cast %mul3A_1139 : vector<16xi32> to vector<16x1xi32>
    %gather3A_1141 = vector.shape_cast %broadcast_in_dim3A_1140 : vector<16x1xi32> to vector<16xi32>
    %gather3A_1142 = tpu.dynamic_gather %get3A_1133[%gather3A_1141] in [0] : vector<16xi32>, vector<16xi32> -> vector<16xi32>
    %mul3A_1143 = arith.constant 16 : i32
    %mul3A_1144 = vector.broadcast %mul3A_1143 : i32 to vector<16xi32>
    %mul3A_1145 = arith.muli %mul3A_1144, %gather3A_1142 : vector<16xi32>
    %mul3A_1146 = arith.constant 2 : i32
    %mul3A_1147 = vector.broadcast %mul3A_1146 : i32 to vector<16xi32>
    %mul3A_1148 = arith.muli %select_n3A_19, %mul3A_1147 : vector<16xi32>
    %add3A_1149 = arith.constant 1 : i32
    %add3A_1150 = vector.broadcast %add3A_1149 : i32 to vector<16xi32>
    %add3A_1151 = arith.addi %mul3A_1148, %add3A_1150 : vector<16xi32>
    %broadcast_in_dim3A_1152 = vector.shape_cast %add3A_1151 : vector<16xi32> to vector<16x1xi32>
    %gather3A_1153 = vector.shape_cast %broadcast_in_dim3A_1152 : vector<16x1xi32> to vector<16xi32>
    %gather3A_1154 = tpu.dynamic_gather %get3A_1133[%gather3A_1153] in [0] : vector<16xi32>, vector<16xi32> -> vector<16xi32>
    %add3A_1155 = arith.addi %mul3A_1145, %gather3A_1154 : vector<16xi32>
    %mul3A_1156 = arith.constant 2 : i32
    %mul3A_1157 = vector.broadcast %mul3A_1156 : i32 to vector<16xi32>
    %mul3A_1158 = arith.muli %select_n3A_19, %mul3A_1157 : vector<16xi32>
    %broadcast_in_dim3A_1159 = vector.shape_cast %mul3A_1158 : vector<16xi32> to vector<16x1xi32>
    %gather3A_1160 = vector.shape_cast %broadcast_in_dim3A_1159 : vector<16x1xi32> to vector<16xi32>
    %gather3A_1161 = tpu.dynamic_gather %get3A_1136[%gather3A_1160] in [0] : vector<16xi32>, vector<16xi32> -> vector<16xi32>
    %mul3A_1162 = arith.constant 16 : i32
    %mul3A_1163 = vector.broadcast %mul3A_1162 : i32 to vector<16xi32>
    %mul3A_1164 = arith.muli %mul3A_1163, %gather3A_1161 : vector<16xi32>
    %mul3A_1165 = arith.constant 2 : i32
    %mul3A_1166 = vector.broadcast %mul3A_1165 : i32 to vector<16xi32>
    %mul3A_1167 = arith.muli %select_n3A_19, %mul3A_1166 : vector<16xi32>
    %add3A_1168 = arith.constant 1 : i32
    %add3A_1169 = vector.broadcast %add3A_1168 : i32 to vector<16xi32>
    %add3A_1170 = arith.addi %mul3A_1167, %add3A_1169 : vector<16xi32>
    %broadcast_in_dim3A_1171 = vector.shape_cast %add3A_1170 : vector<16xi32> to vector<16x1xi32>
    %gather3A_1172 = vector.shape_cast %broadcast_in_dim3A_1171 : vector<16x1xi32> to vector<16xi32>
    %gather3A_1173 = tpu.dynamic_gather %get3A_1136[%gather3A_1172] in [0] : vector<16xi32>, vector<16xi32> -> vector<16xi32>
    %add3A_1174 = arith.addi %mul3A_1164, %gather3A_1173 : vector<16xi32>
    %lt3A_1175 = arith.constant 8 : i32
    %lt3A_1176 = vector.broadcast %lt3A_1175 : i32 to vector<16xi32>
    %lt3A_1177 = arith.cmpi slt, %iota3A, %lt3A_1176 : vector<16xi32>
    %select_n3A_1178 = arith.select %lt3A_1177, %add3A_1155, %add3A_1174 : vector<16xi1>, vector<16xi32>
    %swap3A_1179 = arith.constant 80 : index
    %swap3A_1180 = tpu.vector_load %arg12[%swap3A_1179] {strides = array<i32>} : memref<128xi32, #tpu.memory_space<vmem>>, vector<16xi32>,
    %swap3A_1181 = vector.shape_cast %swap3A_1180 : vector<16xi32> to vector<16xi32>
    %swap3A_1182 = vector.shape_cast %select_n3A_1178 : vector<16xi32> to vector<16xi32>
    tpu.vector_store %arg12[%swap3A_1179], %swap3A_1182 {strides = array<i32>} : memref<128xi32, #tpu.memory_space<vmem>>, vector<16xi32>,
    %get3A_1183 = arith.constant 192 : index
    %get3A_1184 = tpu.vector_load %arg7[%get3A_1183] {strides = array<i32>} : memref<512xi32, #tpu.memory_space<vmem>>, vector<16xi32>,
    %get3A_1185 = vector.shape_cast %get3A_1184 : vector<16xi32> to vector<16xi32>
    %get3A_1186 = arith.constant 208 : index
    %get3A_1187 = tpu.vector_load %arg7[%get3A_1186] {strides = array<i32>} : memref<512xi32, #tpu.memory_space<vmem>>, vector<16xi32>,
    %get3A_1188 = vector.shape_cast %get3A_1187 : vector<16xi32> to vector<16xi32>
    %mul3A_1189 = arith.constant 2 : i32
    %mul3A_1190 = vector.broadcast %mul3A_1189 : i32 to vector<16xi32>
    %mul3A_1191 = arith.muli %select_n3A_19, %mul3A_1190 : vector<16xi32>
    %broadcast_in_dim3A_1192 = vector.shape_cast %mul3A_1191 : vector<16xi32> to vector<16x1xi32>
    %gather3A_1193 = vector.shape_cast %broadcast_in_dim3A_1192 : vector<16x1xi32> to vector<16xi32>
    %gather3A_1194 = tpu.dynamic_gather %get3A_1185[%gather3A_1193] in [0] : vector<16xi32>, vector<16xi32> -> vector<16xi32>
    %mul3A_1195 = arith.constant 16 : i32
    %mul3A_1196 = vector.broadcast %mul3A_1195 : i32 to vector<16xi32>
    %mul3A_1197 = arith.muli %mul3A_1196, %gather3A_1194 : vector<16xi32>
    %mul3A_1198 = arith.constant 2 : i32
    %mul3A_1199 = vector.broadcast %mul3A_1198 : i32 to vector<16xi32>
    %mul3A_1200 = arith.muli %select_n3A_19, %mul3A_1199 : vector<16xi32>
    %add3A_1201 = arith.constant 1 : i32
    %add3A_1202 = vector.broadcast %add3A_1201 : i32 to vector<16xi32>
    %add3A_1203 = arith.addi %mul3A_1200, %add3A_1202 : vector<16xi32>
    %broadcast_in_dim3A_1204 = vector.shape_cast %add3A_1203 : vector<16xi32> to vector<16x1xi32>
    %gather3A_1205 = vector.shape_cast %broadcast_in_dim3A_1204 : vector<16x1xi32> to vector<16xi32>
    %gather3A_1206 = tpu.dynamic_gather %get3A_1185[%gather3A_1205] in [0] : vector<16xi32>, vector<16xi32> -> vector<16xi32>
    %add3A_1207 = arith.addi %mul3A_1197, %gather3A_1206 : vector<16xi32>
    %mul3A_1208 = arith.constant 2 : i32
    %mul3A_1209 = vector.broadcast %mul3A_1208 : i32 to vector<16xi32>
    %mul3A_1210 = arith.muli %select_n3A_19, %mul3A_1209 : vector<16xi32>
    %broadcast_in_dim3A_1211 = vector.shape_cast %mul3A_1210 : vector<16xi32> to vector<16x1xi32>
    %gather3A_1212 = vector.shape_cast %broadcast_in_dim3A_1211 : vector<16x1xi32> to vector<16xi32>
    %gather3A_1213 = tpu.dynamic_gather %get3A_1188[%gather3A_1212] in [0] : vector<16xi32>, vector<16xi32> -> vector<16xi32>
    %mul3A_1214 = arith.constant 16 : i32
    %mul3A_1215 = vector.broadcast %mul3A_1214 : i32 to vector<16xi32>
    %mul3A_1216 = arith.muli %mul3A_1215, %gather3A_1213 : vector<16xi32>
    %mul3A_1217 = arith.constant 2 : i32
    %mul3A_1218 = vector.broadcast %mul3A_1217 : i32 to vector<16xi32>
    %mul3A_1219 = arith.muli %select_n3A_19, %mul3A_1218 : vector<16xi32>
    %add3A_1220 = arith.constant 1 : i32
    %add3A_1221 = vector.broadcast %add3A_1220 : i32 to vector<16xi32>
    %add3A_1222 = arith.addi %mul3A_1219, %add3A_1221 : vector<16xi32>
    %broadcast_in_dim3A_1223 = vector.shape_cast %add3A_1222 : vector<16xi32> to vector<16x1xi32>
    %gather3A_1224 = vector.shape_cast %broadcast_in_dim3A_1223 : vector<16x1xi32> to vector<16xi32>
    %gather3A_1225 = tpu.dynamic_gather %get3A_1188[%gather3A_1224] in [0] : vector<16xi32>, vector<16xi32> -> vector<16xi32>
    %add3A_1226 = arith.addi %mul3A_1216, %gather3A_1225 : vector<16xi32>
    %lt3A_1227 = arith.constant 8 : i32
    %lt3A_1228 = vector.broadcast %lt3A_1227 : i32 to vector<16xi32>
    %lt3A_1229 = arith.cmpi slt, %iota3A, %lt3A_1228 : vector<16xi32>
    %select_n3A_1230 = arith.select %lt3A_1229, %add3A_1207, %add3A_1226 : vector<16xi1>, vector<16xi32>
    %swap3A_1231 = arith.constant 96 : index
    %swap3A_1232 = tpu.vector_load %arg12[%swap3A_1231] {strides = array<i32>} : memref<128xi32, #tpu.memory_space<vmem>>, vector<16xi32>,
    %swap3A_1233 = vector.shape_cast %swap3A_1232 : vector<16xi32> to vector<16xi32>
    %swap3A_1234 = vector.shape_cast %select_n3A_1230 : vector<16xi32> to vector<16xi32>
    tpu.vector_store %arg12[%swap3A_1231], %swap3A_1234 {strides = array<i32>} : memref<128xi32, #tpu.memory_space<vmem>>, vector<16xi32>,
    %get3A_1235 = arith.constant 224 : index
    %get3A_1236 = tpu.vector_load %arg7[%get3A_1235] {strides = array<i32>} : memref<512xi32, #tpu.memory_space<vmem>>, vector<16xi32>,
    %get3A_1237 = vector.shape_cast %get3A_1236 : vector<16xi32> to vector<16xi32>
    %get3A_1238 = arith.constant 240 : index
    %get3A_1239 = tpu.vector_load %arg7[%get3A_1238] {strides = array<i32>} : memref<512xi32, #tpu.memory_space<vmem>>, vector<16xi32>,
    %get3A_1240 = vector.shape_cast %get3A_1239 : vector<16xi32> to vector<16xi32>
    %mul3A_1241 = arith.constant 2 : i32
    %mul3A_1242 = vector.broadcast %mul3A_1241 : i32 to vector<16xi32>
    %mul3A_1243 = arith.muli %select_n3A_19, %mul3A_1242 : vector<16xi32>
    %broadcast_in_dim3A_1244 = vector.shape_cast %mul3A_1243 : vector<16xi32> to vector<16x1xi32>
    %gather3A_1245 = vector.shape_cast %broadcast_in_dim3A_1244 : vector<16x1xi32> to vector<16xi32>
    %gather3A_1246 = tpu.dynamic_gather %get3A_1237[%gather3A_1245] in [0] : vector<16xi32>, vector<16xi32> -> vector<16xi32>
    %mul3A_1247 = arith.constant 16 : i32
    %mul3A_1248 = vector.broadcast %mul3A_1247 : i32 to vector<16xi32>
    %mul3A_1249 = arith.muli %mul3A_1248, %gather3A_1246 : vector<16xi32>
    %mul3A_1250 = arith.constant 2 : i32
    %mul3A_1251 = vector.broadcast %mul3A_1250 : i32 to vector<16xi32>
    %mul3A_1252 = arith.muli %select_n3A_19, %mul3A_1251 : vector<16xi32>
    %add3A_1253 = arith.constant 1 : i32
    %add3A_1254 = vector.broadcast %add3A_1253 : i32 to vector<16xi32>
    %add3A_1255 = arith.addi %mul3A_1252, %add3A_1254 : vector<16xi32>
    %broadcast_in_dim3A_1256 = vector.shape_cast %add3A_1255 : vector<16xi32> to vector<16x1xi32>
    %gather3A_1257 = vector.shape_cast %broadcast_in_dim3A_1256 : vector<16x1xi32> to vector<16xi32>
    %gather3A_1258 = tpu.dynamic_gather %get3A_1237[%gather3A_1257] in [0] : vector<16xi32>, vector<16xi32> -> vector<16xi32>
    %add3A_1259 = arith.addi %mul3A_1249, %gather3A_1258 : vector<16xi32>
    %mul3A_1260 = arith.constant 2 : i32
    %mul3A_1261 = vector.broadcast %mul3A_1260 : i32 to vector<16xi32>
    %mul3A_1262 = arith.muli %select_n3A_19, %mul3A_1261 : vector<16xi32>
    %broadcast_in_dim3A_1263 = vector.shape_cast %mul3A_1262 : vector<16xi32> to vector<16x1xi32>
    %gather3A_1264 = vector.shape_cast %broadcast_in_dim3A_1263 : vector<16x1xi32> to vector<16xi32>
    %gather3A_1265 = tpu.dynamic_gather %get3A_1240[%gather3A_1264] in [0] : vector<16xi32>, vector<16xi32> -> vector<16xi32>
    %mul3A_1266 = arith.constant 16 : i32
    %mul3A_1267 = vector.broadcast %mul3A_1266 : i32 to vector<16xi32>
    %mul3A_1268 = arith.muli %mul3A_1267, %gather3A_1265 : vector<16xi32>
    %mul3A_1269 = arith.constant 2 : i32
    %mul3A_1270 = vector.broadcast %mul3A_1269 : i32 to vector<16xi32>
    %mul3A_1271 = arith.muli %select_n3A_19, %mul3A_1270 : vector<16xi32>
    %add3A_1272 = arith.constant 1 : i32
    %add3A_1273 = vector.broadcast %add3A_1272 : i32 to vector<16xi32>
    %add3A_1274 = arith.addi %mul3A_1271, %add3A_1273 : vector<16xi32>
    %broadcast_in_dim3A_1275 = vector.shape_cast %add3A_1274 : vector<16xi32> to vector<16x1xi32>
    %gather3A_1276 = vector.shape_cast %broadcast_in_dim3A_1275 : vector<16x1xi32> to vector<16xi32>
    %gather3A_1277 = tpu.dynamic_gather %get3A_1240[%gather3A_1276] in [0] : vector<16xi32>, vector<16xi32> -> vector<16xi32>
    %add3A_1278 = arith.addi %mul3A_1268, %gather3A_1277 : vector<16xi32>
    %lt3A_1279 = arith.constant 8 : i32
    %lt3A_1280 = vector.broadcast %lt3A_1279 : i32 to vector<16xi32>
    %lt3A_1281 = arith.cmpi slt, %iota3A, %lt3A_1280 : vector<16xi32>
    %select_n3A_1282 = arith.select %lt3A_1281, %add3A_1259, %add3A_1278 : vector<16xi1>, vector<16xi32>
    %swap3A_1283 = arith.constant 112 : index
    %swap3A_1284 = tpu.vector_load %arg12[%swap3A_1283] {strides = array<i32>} : memref<128xi32, #tpu.memory_space<vmem>>, vector<16xi32>,
    %swap3A_1285 = vector.shape_cast %swap3A_1284 : vector<16xi32> to vector<16xi32>
    %swap3A_1286 = vector.shape_cast %select_n3A_1282 : vector<16xi32> to vector<16xi32>
    tpu.vector_store %arg12[%swap3A_1283], %swap3A_1286 {strides = array<i32>} : memref<128xi32, #tpu.memory_space<vmem>>, vector<16xi32>,
    %get3A_1287 = arith.constant 256 : index
    %get3A_1288 = tpu.vector_load %arg7[%get3A_1287] {strides = array<i32>} : memref<512xi32, #tpu.memory_space<vmem>>, vector<16xi32>,
    %get3A_1289 = vector.shape_cast %get3A_1288 : vector<16xi32> to vector<16xi32>
    %get3A_1290 = arith.constant 272 : index
    %get3A_1291 = tpu.vector_load %arg7[%get3A_1290] {strides = array<i32>} : memref<512xi32, #tpu.memory_space<vmem>>, vector<16xi32>,
    %get3A_1292 = vector.shape_cast %get3A_1291 : vector<16xi32> to vector<16xi32>
    %mul3A_1293 = arith.constant 2 : i32
    %mul3A_1294 = vector.broadcast %mul3A_1293 : i32 to vector<16xi32>
    %mul3A_1295 = arith.muli %select_n3A_19, %mul3A_1294 : vector<16xi32>
    %broadcast_in_dim3A_1296 = vector.shape_cast %mul3A_1295 : vector<16xi32> to vector<16x1xi32>
    %gather3A_1297 = vector.shape_cast %broadcast_in_dim3A_1296 : vector<16x1xi32> to vector<16xi32>
    %gather3A_1298 = tpu.dynamic_gather %get3A_1289[%gather3A_1297] in [0] : vector<16xi32>, vector<16xi32> -> vector<16xi32>
    %mul3A_1299 = arith.constant 16 : i32
    %mul3A_1300 = vector.broadcast %mul3A_1299 : i32 to vector<16xi32>
    %mul3A_1301 = arith.muli %mul3A_1300, %gather3A_1298 : vector<16xi32>
    %mul3A_1302 = arith.constant 2 : i32
    %mul3A_1303 = vector.broadcast %mul3A_1302 : i32 to vector<16xi32>
    %mul3A_1304 = arith.muli %select_n3A_19, %mul3A_1303 : vector<16xi32>
    %add3A_1305 = arith.constant 1 : i32
    %add3A_1306 = vector.broadcast %add3A_1305 : i32 to vector<16xi32>
    %add3A_1307 = arith.addi %mul3A_1304, %add3A_1306 : vector<16xi32>
    %broadcast_in_dim3A_1308 = vector.shape_cast %add3A_1307 : vector<16xi32> to vector<16x1xi32>
    %gather3A_1309 = vector.shape_cast %broadcast_in_dim3A_1308 : vector<16x1xi32> to vector<16xi32>
    %gather3A_1310 = tpu.dynamic_gather %get3A_1289[%gather3A_1309] in [0] : vector<16xi32>, vector<16xi32> -> vector<16xi32>
    %add3A_1311 = arith.addi %mul3A_1301, %gather3A_1310 : vector<16xi32>
    %mul3A_1312 = arith.constant 2 : i32
    %mul3A_1313 = vector.broadcast %mul3A_1312 : i32 to vector<16xi32>
    %mul3A_1314 = arith.muli %select_n3A_19, %mul3A_1313 : vector<16xi32>
    %broadcast_in_dim3A_1315 = vector.shape_cast %mul3A_1314 : vector<16xi32> to vector<16x1xi32>
    %gather3A_1316 = vector.shape_cast %broadcast_in_dim3A_1315 : vector<16x1xi32> to vector<16xi32>
    %gather3A_1317 = tpu.dynamic_gather %get3A_1292[%gather3A_1316] in [0] : vector<16xi32>, vector<16xi32> -> vector<16xi32>
    %mul3A_1318 = arith.constant 16 : i32
    %mul3A_1319 = vector.broadcast %mul3A_1318 : i32 to vector<16xi32>
    %mul3A_1320 = arith.muli %mul3A_1319, %gather3A_1317 : vector<16xi32>
    %mul3A_1321 = arith.constant 2 : i32
    %mul3A_1322 = vector.broadcast %mul3A_1321 : i32 to vector<16xi32>
    %mul3A_1323 = arith.muli %select_n3A_19, %mul3A_1322 : vector<16xi32>
    %add3A_1324 = arith.constant 1 : i32
    %add3A_1325 = vector.broadcast %add3A_1324 : i32 to vector<16xi32>
    %add3A_1326 = arith.addi %mul3A_1323, %add3A_1325 : vector<16xi32>
    %broadcast_in_dim3A_1327 = vector.shape_cast %add3A_1326 : vector<16xi32> to vector<16x1xi32>
    %gather3A_1328 = vector.shape_cast %broadcast_in_dim3A_1327 : vector<16x1xi32> to vector<16xi32>
    %gather3A_1329 = tpu.dynamic_gather %get3A_1292[%gather3A_1328] in [0] : vector<16xi32>, vector<16xi32> -> vector<16xi32>
    %add3A_1330 = arith.addi %mul3A_1320, %gather3A_1329 : vector<16xi32>
    %lt3A_1331 = arith.constant 8 : i32
    %lt3A_1332 = vector.broadcast %lt3A_1331 : i32 to vector<16xi32>
    %lt3A_1333 = arith.cmpi slt, %iota3A, %lt3A_1332 : vector<16xi32>
    %select_n3A_1334 = arith.select %lt3A_1333, %add3A_1311, %add3A_1330 : vector<16xi1>, vector<16xi32>
    %swap3A_1335 = arith.constant 0 : index
    %swap3A_1336 = tpu.vector_load %arg13[%swap3A_1335] {strides = array<i32>} : memref<128xi32, #tpu.memory_space<vmem>>, vector<16xi32>,
    %swap3A_1337 = vector.shape_cast %swap3A_1336 : vector<16xi32> to vector<16xi32>
    %swap3A_1338 = vector.shape_cast %select_n3A_1334 : vector<16xi32> to vector<16xi32>
    tpu.vector_store %arg13[%swap3A_1335], %swap3A_1338 {strides = array<i32>} : memref<128xi32, #tpu.memory_space<vmem>>, vector<16xi32>,
    %get3A_1339 = arith.constant 288 : index
    %get3A_1340 = tpu.vector_load %arg7[%get3A_1339] {strides = array<i32>} : memref<512xi32, #tpu.memory_space<vmem>>, vector<16xi32>,
    %get3A_1341 = vector.shape_cast %get3A_1340 : vector<16xi32> to vector<16xi32>
    %get3A_1342 = arith.constant 304 : index
    %get3A_1343 = tpu.vector_load %arg7[%get3A_1342] {strides = array<i32>} : memref<512xi32, #tpu.memory_space<vmem>>, vector<16xi32>,
    %get3A_1344 = vector.shape_cast %get3A_1343 : vector<16xi32> to vector<16xi32>
    %mul3A_1345 = arith.constant 2 : i32
    %mul3A_1346 = vector.broadcast %mul3A_1345 : i32 to vector<16xi32>
    %mul3A_1347 = arith.muli %select_n3A_19, %mul3A_1346 : vector<16xi32>
    %broadcast_in_dim3A_1348 = vector.shape_cast %mul3A_1347 : vector<16xi32> to vector<16x1xi32>
    %gather3A_1349 = vector.shape_cast %broadcast_in_dim3A_1348 : vector<16x1xi32> to vector<16xi32>
    %gather3A_1350 = tpu.dynamic_gather %get3A_1341[%gather3A_1349] in [0] : vector<16xi32>, vector<16xi32> -> vector<16xi32>
    %mul3A_1351 = arith.constant 16 : i32
    %mul3A_1352 = vector.broadcast %mul3A_1351 : i32 to vector<16xi32>
    %mul3A_1353 = arith.muli %mul3A_1352, %gather3A_1350 : vector<16xi32>
    %mul3A_1354 = arith.constant 2 : i32
    %mul3A_1355 = vector.broadcast %mul3A_1354 : i32 to vector<16xi32>
    %mul3A_1356 = arith.muli %select_n3A_19, %mul3A_1355 : vector<16xi32>
    %add3A_1357 = arith.constant 1 : i32
    %add3A_1358 = vector.broadcast %add3A_1357 : i32 to vector<16xi32>
    %add3A_1359 = arith.addi %mul3A_1356, %add3A_1358 : vector<16xi32>
    %broadcast_in_dim3A_1360 = vector.shape_cast %add3A_1359 : vector<16xi32> to vector<16x1xi32>
    %gather3A_1361 = vector.shape_cast %broadcast_in_dim3A_1360 : vector<16x1xi32> to vector<16xi32>
    %gather3A_1362 = tpu.dynamic_gather %get3A_1341[%gather3A_1361] in [0] : vector<16xi32>, vector<16xi32> -> vector<16xi32>
    %add3A_1363 = arith.addi %mul3A_1353, %gather3A_1362 : vector<16xi32>
    %mul3A_1364 = arith.constant 2 : i32
    %mul3A_1365 = vector.broadcast %mul3A_1364 : i32 to vector<16xi32>
    %mul3A_1366 = arith.muli %select_n3A_19, %mul3A_1365 : vector<16xi32>
    %broadcast_in_dim3A_1367 = vector.shape_cast %mul3A_1366 : vector<16xi32> to vector<16x1xi32>
    %gather3A_1368 = vector.shape_cast %broadcast_in_dim3A_1367 : vector<16x1xi32> to vector<16xi32>
    %gather3A_1369 = tpu.dynamic_gather %get3A_1344[%gather3A_1368] in [0] : vector<16xi32>, vector<16xi32> -> vector<16xi32>
    %mul3A_1370 = arith.constant 16 : i32
    %mul3A_1371 = vector.broadcast %mul3A_1370 : i32 to vector<16xi32>
    %mul3A_1372 = arith.muli %mul3A_1371, %gather3A_1369 : vector<16xi32>
    %mul3A_1373 = arith.constant 2 : i32
    %mul3A_1374 = vector.broadcast %mul3A_1373 : i32 to vector<16xi32>
    %mul3A_1375 = arith.muli %select_n3A_19, %mul3A_1374 : vector<16xi32>
    %add3A_1376 = arith.constant 1 : i32
    %add3A_1377 = vector.broadcast %add3A_1376 : i32 to vector<16xi32>
    %add3A_1378 = arith.addi %mul3A_1375, %add3A_1377 : vector<16xi32>
    %broadcast_in_dim3A_1379 = vector.shape_cast %add3A_1378 : vector<16xi32> to vector<16x1xi32>
    %gather3A_1380 = vector.shape_cast %broadcast_in_dim3A_1379 : vector<16x1xi32> to vector<16xi32>
    %gather3A_1381 = tpu.dynamic_gather %get3A_1344[%gather3A_1380] in [0] : vector<16xi32>, vector<16xi32> -> vector<16xi32>
    %add3A_1382 = arith.addi %mul3A_1372, %gather3A_1381 : vector<16xi32>
    %lt3A_1383 = arith.constant 8 : i32
    %lt3A_1384 = vector.broadcast %lt3A_1383 : i32 to vector<16xi32>
    %lt3A_1385 = arith.cmpi slt, %iota3A, %lt3A_1384 : vector<16xi32>
    %select_n3A_1386 = arith.select %lt3A_1385, %add3A_1363, %add3A_1382 : vector<16xi1>, vector<16xi32>
    %swap3A_1387 = arith.constant 16 : index
    %swap3A_1388 = tpu.vector_load %arg13[%swap3A_1387] {strides = array<i32>} : memref<128xi32, #tpu.memory_space<vmem>>, vector<16xi32>,
    %swap3A_1389 = vector.shape_cast %swap3A_1388 : vector<16xi32> to vector<16xi32>
    %swap3A_1390 = vector.shape_cast %select_n3A_1386 : vector<16xi32> to vector<16xi32>
    tpu.vector_store %arg13[%swap3A_1387], %swap3A_1390 {strides = array<i32>} : memref<128xi32, #tpu.memory_space<vmem>>, vector<16xi32>,
    %get3A_1391 = arith.constant 320 : index
    %get3A_1392 = tpu.vector_load %arg7[%get3A_1391] {strides = array<i32>} : memref<512xi32, #tpu.memory_space<vmem>>, vector<16xi32>,
    %get3A_1393 = vector.shape_cast %get3A_1392 : vector<16xi32> to vector<16xi32>
    %get3A_1394 = arith.constant 336 : index
    %get3A_1395 = tpu.vector_load %arg7[%get3A_1394] {strides = array<i32>} : memref<512xi32, #tpu.memory_space<vmem>>, vector<16xi32>,
    %get3A_1396 = vector.shape_cast %get3A_1395 : vector<16xi32> to vector<16xi32>
    %mul3A_1397 = arith.constant 2 : i32
    %mul3A_1398 = vector.broadcast %mul3A_1397 : i32 to vector<16xi32>
    %mul3A_1399 = arith.muli %select_n3A_19, %mul3A_1398 : vector<16xi32>
    %broadcast_in_dim3A_1400 = vector.shape_cast %mul3A_1399 : vector<16xi32> to vector<16x1xi32>
    %gather3A_1401 = vector.shape_cast %broadcast_in_dim3A_1400 : vector<16x1xi32> to vector<16xi32>
    %gather3A_1402 = tpu.dynamic_gather %get3A_1393[%gather3A_1401] in [0] : vector<16xi32>, vector<16xi32> -> vector<16xi32>
    %mul3A_1403 = arith.constant 16 : i32
    %mul3A_1404 = vector.broadcast %mul3A_1403 : i32 to vector<16xi32>
    %mul3A_1405 = arith.muli %mul3A_1404, %gather3A_1402 : vector<16xi32>
    %mul3A_1406 = arith.constant 2 : i32
    %mul3A_1407 = vector.broadcast %mul3A_1406 : i32 to vector<16xi32>
    %mul3A_1408 = arith.muli %select_n3A_19, %mul3A_1407 : vector<16xi32>
    %add3A_1409 = arith.constant 1 : i32
    %add3A_1410 = vector.broadcast %add3A_1409 : i32 to vector<16xi32>
    %add3A_1411 = arith.addi %mul3A_1408, %add3A_1410 : vector<16xi32>
    %broadcast_in_dim3A_1412 = vector.shape_cast %add3A_1411 : vector<16xi32> to vector<16x1xi32>
    %gather3A_1413 = vector.shape_cast %broadcast_in_dim3A_1412 : vector<16x1xi32> to vector<16xi32>
    %gather3A_1414 = tpu.dynamic_gather %get3A_1393[%gather3A_1413] in [0] : vector<16xi32>, vector<16xi32> -> vector<16xi32>
    %add3A_1415 = arith.addi %mul3A_1405, %gather3A_1414 : vector<16xi32>
    %mul3A_1416 = arith.constant 2 : i32
    %mul3A_1417 = vector.broadcast %mul3A_1416 : i32 to vector<16xi32>
    %mul3A_1418 = arith.muli %select_n3A_19, %mul3A_1417 : vector<16xi32>
    %broadcast_in_dim3A_1419 = vector.shape_cast %mul3A_1418 : vector<16xi32> to vector<16x1xi32>
    %gather3A_1420 = vector.shape_cast %broadcast_in_dim3A_1419 : vector<16x1xi32> to vector<16xi32>
    %gather3A_1421 = tpu.dynamic_gather %get3A_1396[%gather3A_1420] in [0] : vector<16xi32>, vector<16xi32> -> vector<16xi32>
    %mul3A_1422 = arith.constant 16 : i32
    %mul3A_1423 = vector.broadcast %mul3A_1422 : i32 to vector<16xi32>
    %mul3A_1424 = arith.muli %mul3A_1423, %gather3A_1421 : vector<16xi32>
    %mul3A_1425 = arith.constant 2 : i32
    %mul3A_1426 = vector.broadcast %mul3A_1425 : i32 to vector<16xi32>
    %mul3A_1427 = arith.muli %select_n3A_19, %mul3A_1426 : vector<16xi32>
    %add3A_1428 = arith.constant 1 : i32
    %add3A_1429 = vector.broadcast %add3A_1428 : i32 to vector<16xi32>
    %add3A_1430 = arith.addi %mul3A_1427, %add3A_1429 : vector<16xi32>
    %broadcast_in_dim3A_1431 = vector.shape_cast %add3A_1430 : vector<16xi32> to vector<16x1xi32>
    %gather3A_1432 = vector.shape_cast %broadcast_in_dim3A_1431 : vector<16x1xi32> to vector<16xi32>
    %gather3A_1433 = tpu.dynamic_gather %get3A_1396[%gather3A_1432] in [0] : vector<16xi32>, vector<16xi32> -> vector<16xi32>
    %add3A_1434 = arith.addi %mul3A_1424, %gather3A_1433 : vector<16xi32>
    %lt3A_1435 = arith.constant 8 : i32
    %lt3A_1436 = vector.broadcast %lt3A_1435 : i32 to vector<16xi32>
    %lt3A_1437 = arith.cmpi slt, %iota3A, %lt3A_1436 : vector<16xi32>
    %select_n3A_1438 = arith.select %lt3A_1437, %add3A_1415, %add3A_1434 : vector<16xi1>, vector<16xi32>
    %swap3A_1439 = arith.constant 32 : index
    %swap3A_1440 = tpu.vector_load %arg13[%swap3A_1439] {strides = array<i32>} : memref<128xi32, #tpu.memory_space<vmem>>, vector<16xi32>,
    %swap3A_1441 = vector.shape_cast %swap3A_1440 : vector<16xi32> to vector<16xi32>
    %swap3A_1442 = vector.shape_cast %select_n3A_1438 : vector<16xi32> to vector<16xi32>
    tpu.vector_store %arg13[%swap3A_1439], %swap3A_1442 {strides = array<i32>} : memref<128xi32, #tpu.memory_space<vmem>>, vector<16xi32>,
    %get3A_1443 = arith.constant 352 : index
    %get3A_1444 = tpu.vector_load %arg7[%get3A_1443] {strides = array<i32>} : memref<512xi32, #tpu.memory_space<vmem>>, vector<16xi32>,
    %get3A_1445 = vector.shape_cast %get3A_1444 : vector<16xi32> to vector<16xi32>
    %get3A_1446 = arith.constant 368 : index
    %get3A_1447 = tpu.vector_load %arg7[%get3A_1446] {strides = array<i32>} : memref<512xi32, #tpu.memory_space<vmem>>, vector<16xi32>,
    %get3A_1448 = vector.shape_cast %get3A_1447 : vector<16xi32> to vector<16xi32>
    %mul3A_1449 = arith.constant 2 : i32
    %mul3A_1450 = vector.broadcast %mul3A_1449 : i32 to vector<16xi32>
    %mul3A_1451 = arith.muli %select_n3A_19, %mul3A_1450 : vector<16xi32>
    %broadcast_in_dim3A_1452 = vector.shape_cast %mul3A_1451 : vector<16xi32> to vector<16x1xi32>
    %gather3A_1453 = vector.shape_cast %broadcast_in_dim3A_1452 : vector<16x1xi32> to vector<16xi32>
    %gather3A_1454 = tpu.dynamic_gather %get3A_1445[%gather3A_1453] in [0] : vector<16xi32>, vector<16xi32> -> vector<16xi32>
    %mul3A_1455 = arith.constant 16 : i32
    %mul3A_1456 = vector.broadcast %mul3A_1455 : i32 to vector<16xi32>
    %mul3A_1457 = arith.muli %mul3A_1456, %gather3A_1454 : vector<16xi32>
    %mul3A_1458 = arith.constant 2 : i32
    %mul3A_1459 = vector.broadcast %mul3A_1458 : i32 to vector<16xi32>
    %mul3A_1460 = arith.muli %select_n3A_19, %mul3A_1459 : vector<16xi32>
    %add3A_1461 = arith.constant 1 : i32
    %add3A_1462 = vector.broadcast %add3A_1461 : i32 to vector<16xi32>
    %add3A_1463 = arith.addi %mul3A_1460, %add3A_1462 : vector<16xi32>
    %broadcast_in_dim3A_1464 = vector.shape_cast %add3A_1463 : vector<16xi32> to vector<16x1xi32>
    %gather3A_1465 = vector.shape_cast %broadcast_in_dim3A_1464 : vector<16x1xi32> to vector<16xi32>
    %gather3A_1466 = tpu.dynamic_gather %get3A_1445[%gather3A_1465] in [0] : vector<16xi32>, vector<16xi32> -> vector<16xi32>
    %add3A_1467 = arith.addi %mul3A_1457, %gather3A_1466 : vector<16xi32>
    %mul3A_1468 = arith.constant 2 : i32
    %mul3A_1469 = vector.broadcast %mul3A_1468 : i32 to vector<16xi32>
    %mul3A_1470 = arith.muli %select_n3A_19, %mul3A_1469 : vector<16xi32>
    %broadcast_in_dim3A_1471 = vector.shape_cast %mul3A_1470 : vector<16xi32> to vector<16x1xi32>
    %gather3A_1472 = vector.shape_cast %broadcast_in_dim3A_1471 : vector<16x1xi32> to vector<16xi32>
    %gather3A_1473 = tpu.dynamic_gather %get3A_1448[%gather3A_1472] in [0] : vector<16xi32>, vector<16xi32> -> vector<16xi32>
    %mul3A_1474 = arith.constant 16 : i32
    %mul3A_1475 = vector.broadcast %mul3A_1474 : i32 to vector<16xi32>
    %mul3A_1476 = arith.muli %mul3A_1475, %gather3A_1473 : vector<16xi32>
    %mul3A_1477 = arith.constant 2 : i32
    %mul3A_1478 = vector.broadcast %mul3A_1477 : i32 to vector<16xi32>
    %mul3A_1479 = arith.muli %select_n3A_19, %mul3A_1478 : vector<16xi32>
    %add3A_1480 = arith.constant 1 : i32
    %add3A_1481 = vector.broadcast %add3A_1480 : i32 to vector<16xi32>
    %add3A_1482 = arith.addi %mul3A_1479, %add3A_1481 : vector<16xi32>
    %broadcast_in_dim3A_1483 = vector.shape_cast %add3A_1482 : vector<16xi32> to vector<16x1xi32>
    %gather3A_1484 = vector.shape_cast %broadcast_in_dim3A_1483 : vector<16x1xi32> to vector<16xi32>
    %gather3A_1485 = tpu.dynamic_gather %get3A_1448[%gather3A_1484] in [0] : vector<16xi32>, vector<16xi32> -> vector<16xi32>
    %add3A_1486 = arith.addi %mul3A_1476, %gather3A_1485 : vector<16xi32>
    %lt3A_1487 = arith.constant 8 : i32
    %lt3A_1488 = vector.broadcast %lt3A_1487 : i32 to vector<16xi32>
    %lt3A_1489 = arith.cmpi slt, %iota3A, %lt3A_1488 : vector<16xi32>
    %select_n3A_1490 = arith.select %lt3A_1489, %add3A_1467, %add3A_1486 : vector<16xi1>, vector<16xi32>
    %swap3A_1491 = arith.constant 48 : index
    %swap3A_1492 = tpu.vector_load %arg13[%swap3A_1491] {strides = array<i32>} : memref<128xi32, #tpu.memory_space<vmem>>, vector<16xi32>,
    %swap3A_1493 = vector.shape_cast %swap3A_1492 : vector<16xi32> to vector<16xi32>
    %swap3A_1494 = vector.shape_cast %select_n3A_1490 : vector<16xi32> to vector<16xi32>
    tpu.vector_store %arg13[%swap3A_1491], %swap3A_1494 {strides = array<i32>} : memref<128xi32, #tpu.memory_space<vmem>>, vector<16xi32>,
    %get3A_1495 = arith.constant 384 : index
    %get3A_1496 = tpu.vector_load %arg7[%get3A_1495] {strides = array<i32>} : memref<512xi32, #tpu.memory_space<vmem>>, vector<16xi32>,
    %get3A_1497 = vector.shape_cast %get3A_1496 : vector<16xi32> to vector<16xi32>
    %get3A_1498 = arith.constant 400 : index
    %get3A_1499 = tpu.vector_load %arg7[%get3A_1498] {strides = array<i32>} : memref<512xi32, #tpu.memory_space<vmem>>, vector<16xi32>,
    %get3A_1500 = vector.shape_cast %get3A_1499 : vector<16xi32> to vector<16xi32>
    %mul3A_1501 = arith.constant 2 : i32
    %mul3A_1502 = vector.broadcast %mul3A_1501 : i32 to vector<16xi32>
    %mul3A_1503 = arith.muli %select_n3A_19, %mul3A_1502 : vector<16xi32>
    %broadcast_in_dim3A_1504 = vector.shape_cast %mul3A_1503 : vector<16xi32> to vector<16x1xi32>
    %gather3A_1505 = vector.shape_cast %broadcast_in_dim3A_1504 : vector<16x1xi32> to vector<16xi32>
    %gather3A_1506 = tpu.dynamic_gather %get3A_1497[%gather3A_1505] in [0] : vector<16xi32>, vector<16xi32> -> vector<16xi32>
    %mul3A_1507 = arith.constant 16 : i32
    %mul3A_1508 = vector.broadcast %mul3A_1507 : i32 to vector<16xi32>
    %mul3A_1509 = arith.muli %mul3A_1508, %gather3A_1506 : vector<16xi32>
    %mul3A_1510 = arith.constant 2 : i32
    %mul3A_1511 = vector.broadcast %mul3A_1510 : i32 to vector<16xi32>
    %mul3A_1512 = arith.muli %select_n3A_19, %mul3A_1511 : vector<16xi32>
    %add3A_1513 = arith.constant 1 : i32
    %add3A_1514 = vector.broadcast %add3A_1513 : i32 to vector<16xi32>
    %add3A_1515 = arith.addi %mul3A_1512, %add3A_1514 : vector<16xi32>
    %broadcast_in_dim3A_1516 = vector.shape_cast %add3A_1515 : vector<16xi32> to vector<16x1xi32>
    %gather3A_1517 = vector.shape_cast %broadcast_in_dim3A_1516 : vector<16x1xi32> to vector<16xi32>
    %gather3A_1518 = tpu.dynamic_gather %get3A_1497[%gather3A_1517] in [0] : vector<16xi32>, vector<16xi32> -> vector<16xi32>
    %add3A_1519 = arith.addi %mul3A_1509, %gather3A_1518 : vector<16xi32>
    %mul3A_1520 = arith.constant 2 : i32
    %mul3A_1521 = vector.broadcast %mul3A_1520 : i32 to vector<16xi32>
    %mul3A_1522 = arith.muli %select_n3A_19, %mul3A_1521 : vector<16xi32>
    %broadcast_in_dim3A_1523 = vector.shape_cast %mul3A_1522 : vector<16xi32> to vector<16x1xi32>
    %gather3A_1524 = vector.shape_cast %broadcast_in_dim3A_1523 : vector<16x1xi32> to vector<16xi32>
    %gather3A_1525 = tpu.dynamic_gather %get3A_1500[%gather3A_1524] in [0] : vector<16xi32>, vector<16xi32> -> vector<16xi32>
    %mul3A_1526 = arith.constant 16 : i32
    %mul3A_1527 = vector.broadcast %mul3A_1526 : i32 to vector<16xi32>
    %mul3A_1528 = arith.muli %mul3A_1527, %gather3A_1525 : vector<16xi32>
    %mul3A_1529 = arith.constant 2 : i32
    %mul3A_1530 = vector.broadcast %mul3A_1529 : i32 to vector<16xi32>
    %mul3A_1531 = arith.muli %select_n3A_19, %mul3A_1530 : vector<16xi32>
    %add3A_1532 = arith.constant 1 : i32
    %add3A_1533 = vector.broadcast %add3A_1532 : i32 to vector<16xi32>
    %add3A_1534 = arith.addi %mul3A_1531, %add3A_1533 : vector<16xi32>
    %broadcast_in_dim3A_1535 = vector.shape_cast %add3A_1534 : vector<16xi32> to vector<16x1xi32>
    %gather3A_1536 = vector.shape_cast %broadcast_in_dim3A_1535 : vector<16x1xi32> to vector<16xi32>
    %gather3A_1537 = tpu.dynamic_gather %get3A_1500[%gather3A_1536] in [0] : vector<16xi32>, vector<16xi32> -> vector<16xi32>
    %add3A_1538 = arith.addi %mul3A_1528, %gather3A_1537 : vector<16xi32>
    %lt3A_1539 = arith.constant 8 : i32
    %lt3A_1540 = vector.broadcast %lt3A_1539 : i32 to vector<16xi32>
    %lt3A_1541 = arith.cmpi slt, %iota3A, %lt3A_1540 : vector<16xi32>
    %select_n3A_1542 = arith.select %lt3A_1541, %add3A_1519, %add3A_1538 : vector<16xi1>, vector<16xi32>
    %swap3A_1543 = arith.constant 64 : index
    %swap3A_1544 = tpu.vector_load %arg13[%swap3A_1543] {strides = array<i32>} : memref<128xi32, #tpu.memory_space<vmem>>, vector<16xi32>,
    %swap3A_1545 = vector.shape_cast %swap3A_1544 : vector<16xi32> to vector<16xi32>
    %swap3A_1546 = vector.shape_cast %select_n3A_1542 : vector<16xi32> to vector<16xi32>
    tpu.vector_store %arg13[%swap3A_1543], %swap3A_1546 {strides = array<i32>} : memref<128xi32, #tpu.memory_space<vmem>>, vector<16xi32>,
    %get3A_1547 = arith.constant 416 : index
    %get3A_1548 = tpu.vector_load %arg7[%get3A_1547] {strides = array<i32>} : memref<512xi32, #tpu.memory_space<vmem>>, vector<16xi32>,
    %get3A_1549 = vector.shape_cast %get3A_1548 : vector<16xi32> to vector<16xi32>
    %get3A_1550 = arith.constant 432 : index
    %get3A_1551 = tpu.vector_load %arg7[%get3A_1550] {strides = array<i32>} : memref<512xi32, #tpu.memory_space<vmem>>, vector<16xi32>,
    %get3A_1552 = vector.shape_cast %get3A_1551 : vector<16xi32> to vector<16xi32>
    %mul3A_1553 = arith.constant 2 : i32
    %mul3A_1554 = vector.broadcast %mul3A_1553 : i32 to vector<16xi32>
    %mul3A_1555 = arith.muli %select_n3A_19, %mul3A_1554 : vector<16xi32>
    %broadcast_in_dim3A_1556 = vector.shape_cast %mul3A_1555 : vector<16xi32> to vector<16x1xi32>
    %gather3A_1557 = vector.shape_cast %broadcast_in_dim3A_1556 : vector<16x1xi32> to vector<16xi32>
    %gather3A_1558 = tpu.dynamic_gather %get3A_1549[%gather3A_1557] in [0] : vector<16xi32>, vector<16xi32> -> vector<16xi32>
    %mul3A_1559 = arith.constant 16 : i32
    %mul3A_1560 = vector.broadcast %mul3A_1559 : i32 to vector<16xi32>
    %mul3A_1561 = arith.muli %mul3A_1560, %gather3A_1558 : vector<16xi32>
    %mul3A_1562 = arith.constant 2 : i32
    %mul3A_1563 = vector.broadcast %mul3A_1562 : i32 to vector<16xi32>
    %mul3A_1564 = arith.muli %select_n3A_19, %mul3A_1563 : vector<16xi32>
    %add3A_1565 = arith.constant 1 : i32
    %add3A_1566 = vector.broadcast %add3A_1565 : i32 to vector<16xi32>
    %add3A_1567 = arith.addi %mul3A_1564, %add3A_1566 : vector<16xi32>
    %broadcast_in_dim3A_1568 = vector.shape_cast %add3A_1567 : vector<16xi32> to vector<16x1xi32>
    %gather3A_1569 = vector.shape_cast %broadcast_in_dim3A_1568 : vector<16x1xi32> to vector<16xi32>
    %gather3A_1570 = tpu.dynamic_gather %get3A_1549[%gather3A_1569] in [0] : vector<16xi32>, vector<16xi32> -> vector<16xi32>
    %add3A_1571 = arith.addi %mul3A_1561, %gather3A_1570 : vector<16xi32>
    %mul3A_1572 = arith.constant 2 : i32
    %mul3A_1573 = vector.broadcast %mul3A_1572 : i32 to vector<16xi32>
    %mul3A_1574 = arith.muli %select_n3A_19, %mul3A_1573 : vector<16xi32>
    %broadcast_in_dim3A_1575 = vector.shape_cast %mul3A_1574 : vector<16xi32> to vector<16x1xi32>
    %gather3A_1576 = vector.shape_cast %broadcast_in_dim3A_1575 : vector<16x1xi32> to vector<16xi32>
    %gather3A_1577 = tpu.dynamic_gather %get3A_1552[%gather3A_1576] in [0] : vector<16xi32>, vector<16xi32> -> vector<16xi32>
    %mul3A_1578 = arith.constant 16 : i32
    %mul3A_1579 = vector.broadcast %mul3A_1578 : i32 to vector<16xi32>
    %mul3A_1580 = arith.muli %mul3A_1579, %gather3A_1577 : vector<16xi32>
    %mul3A_1581 = arith.constant 2 : i32
    %mul3A_1582 = vector.broadcast %mul3A_1581 : i32 to vector<16xi32>
    %mul3A_1583 = arith.muli %select_n3A_19, %mul3A_1582 : vector<16xi32>
    %add3A_1584 = arith.constant 1 : i32
    %add3A_1585 = vector.broadcast %add3A_1584 : i32 to vector<16xi32>
    %add3A_1586 = arith.addi %mul3A_1583, %add3A_1585 : vector<16xi32>
    %broadcast_in_dim3A_1587 = vector.shape_cast %add3A_1586 : vector<16xi32> to vector<16x1xi32>
    %gather3A_1588 = vector.shape_cast %broadcast_in_dim3A_1587 : vector<16x1xi32> to vector<16xi32>
    %gather3A_1589 = tpu.dynamic_gather %get3A_1552[%gather3A_1588] in [0] : vector<16xi32>, vector<16xi32> -> vector<16xi32>
    %add3A_1590 = arith.addi %mul3A_1580, %gather3A_1589 : vector<16xi32>
    %lt3A_1591 = arith.constant 8 : i32
    %lt3A_1592 = vector.broadcast %lt3A_1591 : i32 to vector<16xi32>
    %lt3A_1593 = arith.cmpi slt, %iota3A, %lt3A_1592 : vector<16xi32>
    %select_n3A_1594 = arith.select %lt3A_1593, %add3A_1571, %add3A_1590 : vector<16xi1>, vector<16xi32>
    %swap3A_1595 = arith.constant 80 : index
    %swap3A_1596 = tpu.vector_load %arg13[%swap3A_1595] {strides = array<i32>} : memref<128xi32, #tpu.memory_space<vmem>>, vector<16xi32>,
    %swap3A_1597 = vector.shape_cast %swap3A_1596 : vector<16xi32> to vector<16xi32>
    %swap3A_1598 = vector.shape_cast %select_n3A_1594 : vector<16xi32> to vector<16xi32>
    tpu.vector_store %arg13[%swap3A_1595], %swap3A_1598 {strides = array<i32>} : memref<128xi32, #tpu.memory_space<vmem>>, vector<16xi32>,
    %get3A_1599 = arith.constant 448 : index
    %get3A_1600 = tpu.vector_load %arg7[%get3A_1599] {strides = array<i32>} : memref<512xi32, #tpu.memory_space<vmem>>, vector<16xi32>,
    %get3A_1601 = vector.shape_cast %get3A_1600 : vector<16xi32> to vector<16xi32>
    %get3A_1602 = arith.constant 464 : index
    %get3A_1603 = tpu.vector_load %arg7[%get3A_1602] {strides = array<i32>} : memref<512xi32, #tpu.memory_space<vmem>>, vector<16xi32>,
    %get3A_1604 = vector.shape_cast %get3A_1603 : vector<16xi32> to vector<16xi32>
    %mul3A_1605 = arith.constant 2 : i32
    %mul3A_1606 = vector.broadcast %mul3A_1605 : i32 to vector<16xi32>
    %mul3A_1607 = arith.muli %select_n3A_19, %mul3A_1606 : vector<16xi32>
    %broadcast_in_dim3A_1608 = vector.shape_cast %mul3A_1607 : vector<16xi32> to vector<16x1xi32>
    %gather3A_1609 = vector.shape_cast %broadcast_in_dim3A_1608 : vector<16x1xi32> to vector<16xi32>
    %gather3A_1610 = tpu.dynamic_gather %get3A_1601[%gather3A_1609] in [0] : vector<16xi32>, vector<16xi32> -> vector<16xi32>
    %mul3A_1611 = arith.constant 16 : i32
    %mul3A_1612 = vector.broadcast %mul3A_1611 : i32 to vector<16xi32>
    %mul3A_1613 = arith.muli %mul3A_1612, %gather3A_1610 : vector<16xi32>
    %mul3A_1614 = arith.constant 2 : i32
    %mul3A_1615 = vector.broadcast %mul3A_1614 : i32 to vector<16xi32>
    %mul3A_1616 = arith.muli %select_n3A_19, %mul3A_1615 : vector<16xi32>
    %add3A_1617 = arith.constant 1 : i32
    %add3A_1618 = vector.broadcast %add3A_1617 : i32 to vector<16xi32>
    %add3A_1619 = arith.addi %mul3A_1616, %add3A_1618 : vector<16xi32>
    %broadcast_in_dim3A_1620 = vector.shape_cast %add3A_1619 : vector<16xi32> to vector<16x1xi32>
    %gather3A_1621 = vector.shape_cast %broadcast_in_dim3A_1620 : vector<16x1xi32> to vector<16xi32>
    %gather3A_1622 = tpu.dynamic_gather %get3A_1601[%gather3A_1621] in [0] : vector<16xi32>, vector<16xi32> -> vector<16xi32>
    %add3A_1623 = arith.addi %mul3A_1613, %gather3A_1622 : vector<16xi32>
    %mul3A_1624 = arith.constant 2 : i32
    %mul3A_1625 = vector.broadcast %mul3A_1624 : i32 to vector<16xi32>
    %mul3A_1626 = arith.muli %select_n3A_19, %mul3A_1625 : vector<16xi32>
    %broadcast_in_dim3A_1627 = vector.shape_cast %mul3A_1626 : vector<16xi32> to vector<16x1xi32>
    %gather3A_1628 = vector.shape_cast %broadcast_in_dim3A_1627 : vector<16x1xi32> to vector<16xi32>
    %gather3A_1629 = tpu.dynamic_gather %get3A_1604[%gather3A_1628] in [0] : vector<16xi32>, vector<16xi32> -> vector<16xi32>
    %mul3A_1630 = arith.constant 16 : i32
    %mul3A_1631 = vector.broadcast %mul3A_1630 : i32 to vector<16xi32>
    %mul3A_1632 = arith.muli %mul3A_1631, %gather3A_1629 : vector<16xi32>
    %mul3A_1633 = arith.constant 2 : i32
    %mul3A_1634 = vector.broadcast %mul3A_1633 : i32 to vector<16xi32>
    %mul3A_1635 = arith.muli %select_n3A_19, %mul3A_1634 : vector<16xi32>
    %add3A_1636 = arith.constant 1 : i32
    %add3A_1637 = vector.broadcast %add3A_1636 : i32 to vector<16xi32>
    %add3A_1638 = arith.addi %mul3A_1635, %add3A_1637 : vector<16xi32>
    %broadcast_in_dim3A_1639 = vector.shape_cast %add3A_1638 : vector<16xi32> to vector<16x1xi32>
    %gather3A_1640 = vector.shape_cast %broadcast_in_dim3A_1639 : vector<16x1xi32> to vector<16xi32>
    %gather3A_1641 = tpu.dynamic_gather %get3A_1604[%gather3A_1640] in [0] : vector<16xi32>, vector<16xi32> -> vector<16xi32>
    %add3A_1642 = arith.addi %mul3A_1632, %gather3A_1641 : vector<16xi32>
    %lt3A_1643 = arith.constant 8 : i32
    %lt3A_1644 = vector.broadcast %lt3A_1643 : i32 to vector<16xi32>
    %lt3A_1645 = arith.cmpi slt, %iota3A, %lt3A_1644 : vector<16xi32>
    %select_n3A_1646 = arith.select %lt3A_1645, %add3A_1623, %add3A_1642 : vector<16xi1>, vector<16xi32>
    %swap3A_1647 = arith.constant 96 : index
    %swap3A_1648 = tpu.vector_load %arg13[%swap3A_1647] {strides = array<i32>} : memref<128xi32, #tpu.memory_space<vmem>>, vector<16xi32>,
    %swap3A_1649 = vector.shape_cast %swap3A_1648 : vector<16xi32> to vector<16xi32>
    %swap3A_1650 = vector.shape_cast %select_n3A_1646 : vector<16xi32> to vector<16xi32>
    tpu.vector_store %arg13[%swap3A_1647], %swap3A_1650 {strides = array<i32>} : memref<128xi32, #tpu.memory_space<vmem>>, vector<16xi32>,
    %get3A_1651 = arith.constant 480 : index
    %get3A_1652 = tpu.vector_load %arg7[%get3A_1651] {strides = array<i32>} : memref<512xi32, #tpu.memory_space<vmem>>, vector<16xi32>,
    %get3A_1653 = vector.shape_cast %get3A_1652 : vector<16xi32> to vector<16xi32>
    %get3A_1654 = arith.constant 496 : index
    %get3A_1655 = tpu.vector_load %arg7[%get3A_1654] {strides = array<i32>} : memref<512xi32, #tpu.memory_space<vmem>>, vector<16xi32>,
    %get3A_1656 = vector.shape_cast %get3A_1655 : vector<16xi32> to vector<16xi32>
    %mul3A_1657 = arith.constant 2 : i32
    %mul3A_1658 = vector.broadcast %mul3A_1657 : i32 to vector<16xi32>
    %mul3A_1659 = arith.muli %select_n3A_19, %mul3A_1658 : vector<16xi32>
    %broadcast_in_dim3A_1660 = vector.shape_cast %mul3A_1659 : vector<16xi32> to vector<16x1xi32>
    %gather3A_1661 = vector.shape_cast %broadcast_in_dim3A_1660 : vector<16x1xi32> to vector<16xi32>
    %gather3A_1662 = tpu.dynamic_gather %get3A_1653[%gather3A_1661] in [0] : vector<16xi32>, vector<16xi32> -> vector<16xi32>
    %mul3A_1663 = arith.constant 16 : i32
    %mul3A_1664 = vector.broadcast %mul3A_1663 : i32 to vector<16xi32>
    %mul3A_1665 = arith.muli %mul3A_1664, %gather3A_1662 : vector<16xi32>
    %mul3A_1666 = arith.constant 2 : i32
    %mul3A_1667 = vector.broadcast %mul3A_1666 : i32 to vector<16xi32>
    %mul3A_1668 = arith.muli %select_n3A_19, %mul3A_1667 : vector<16xi32>
    %add3A_1669 = arith.constant 1 : i32
    %add3A_1670 = vector.broadcast %add3A_1669 : i32 to vector<16xi32>
    %add3A_1671 = arith.addi %mul3A_1668, %add3A_1670 : vector<16xi32>
    %broadcast_in_dim3A_1672 = vector.shape_cast %add3A_1671 : vector<16xi32> to vector<16x1xi32>
    %gather3A_1673 = vector.shape_cast %broadcast_in_dim3A_1672 : vector<16x1xi32> to vector<16xi32>
    %gather3A_1674 = tpu.dynamic_gather %get3A_1653[%gather3A_1673] in [0] : vector<16xi32>, vector<16xi32> -> vector<16xi32>
    %add3A_1675 = arith.addi %mul3A_1665, %gather3A_1674 : vector<16xi32>
    %mul3A_1676 = arith.constant 2 : i32
    %mul3A_1677 = vector.broadcast %mul3A_1676 : i32 to vector<16xi32>
    %mul3A_1678 = arith.muli %select_n3A_19, %mul3A_1677 : vector<16xi32>
    %broadcast_in_dim3A_1679 = vector.shape_cast %mul3A_1678 : vector<16xi32> to vector<16x1xi32>
    %gather3A_1680 = vector.shape_cast %broadcast_in_dim3A_1679 : vector<16x1xi32> to vector<16xi32>
    %gather3A_1681 = tpu.dynamic_gather %get3A_1656[%gather3A_1680] in [0] : vector<16xi32>, vector<16xi32> -> vector<16xi32>
    %mul3A_1682 = arith.constant 16 : i32
    %mul3A_1683 = vector.broadcast %mul3A_1682 : i32 to vector<16xi32>
    %mul3A_1684 = arith.muli %mul3A_1683, %gather3A_1681 : vector<16xi32>
    %mul3A_1685 = arith.constant 2 : i32
    %mul3A_1686 = vector.broadcast %mul3A_1685 : i32 to vector<16xi32>
    %mul3A_1687 = arith.muli %select_n3A_19, %mul3A_1686 : vector<16xi32>
    %add3A_1688 = arith.constant 1 : i32
    %add3A_1689 = vector.broadcast %add3A_1688 : i32 to vector<16xi32>
    %add3A_1690 = arith.addi %mul3A_1687, %add3A_1689 : vector<16xi32>
    %broadcast_in_dim3A_1691 = vector.shape_cast %add3A_1690 : vector<16xi32> to vector<16x1xi32>
    %gather3A_1692 = vector.shape_cast %broadcast_in_dim3A_1691 : vector<16x1xi32> to vector<16xi32>
    %gather3A_1693 = tpu.dynamic_gather %get3A_1656[%gather3A_1692] in [0] : vector<16xi32>, vector<16xi32> -> vector<16xi32>
    %add3A_1694 = arith.addi %mul3A_1684, %gather3A_1693 : vector<16xi32>
    %lt3A_1695 = arith.constant 8 : i32
    %lt3A_1696 = vector.broadcast %lt3A_1695 : i32 to vector<16xi32>
    %lt3A_1697 = arith.cmpi slt, %iota3A, %lt3A_1696 : vector<16xi32>
    %select_n3A_1698 = arith.select %lt3A_1697, %add3A_1675, %add3A_1694 : vector<16xi1>, vector<16xi32>
    %swap3A_1699 = arith.constant 112 : index
    %swap3A_1700 = tpu.vector_load %arg13[%swap3A_1699] {strides = array<i32>} : memref<128xi32, #tpu.memory_space<vmem>>, vector<16xi32>,
    %swap3A_1701 = vector.shape_cast %swap3A_1700 : vector<16xi32> to vector<16xi32>
    %swap3A_1702 = vector.shape_cast %select_n3A_1698 : vector<16xi32> to vector<16xi32>
    tpu.vector_store %arg13[%swap3A_1699], %swap3A_1702 {strides = array<i32>} : memref<128xi32, #tpu.memory_space<vmem>>, vector<16xi32>,
    %add3A_1703 = arith.constant 1024 : i32
    %add3A_1704 = arith.addi %mul3A_2, %add3A_1703 : i32
    %dma_start3A_1705 = tpu.memref_slice %arg2[%add3A_1704] : memref<3276800xi32, #tpu.memory_space<hbm>> -> memref<512xi32, #tpu.memory_space<hbm>>
    %dma_start3A_1706 = tpu.memref_slice %arg2[%add3A_1704] : memref<3276800xi32, #tpu.memory_space<hbm>> -> memref<512xi32, #tpu.memory_space<hbm>>
    tpu.enqueue_dma source(%dma_start3A_1706 : memref<512xi32, #tpu.memory_space<hbm>>) target(%arg6 : memref<512xi32, #tpu.memory_space<vmem>>) target_semaphore(%arg14 : memref<!tpu.dma_semaphore, #tpu.memory_space<semaphore_mem>>)
    %dma_wait3A_1707 = arith.constant 0 : i32
    %dma_wait3A_1708 = arith.constant 0 : i32
    %dma_wait3A_1709 = tpu.memref_slice %arg8[%dma_wait3A_1707, %dma_wait3A_1708] : memref<256x128xf32, #tpu.memory_space<vmem>> -> memref<128x128xf32, #tpu.memory_space<vmem>>
    %dma_wait3A_1710 = arith.constant 0 : i32
    %dma_wait3A_1711 = arith.constant 0 : i32
    %dma_wait3A_1712 = tpu.memref_slice %arg5[%dma_wait3A_1710, %dma_wait3A_1711] : memref<256x128xf32, #tpu.memory_space<vmem_shared>> -> memref<256x128xf32, #tpu.memory_space<vmem_shared>>
    tpu.wait_indirect_dma semaphore(%arg16 : memref<!tpu.dma_semaphore, #tpu.memory_space<semaphore_mem>>) src(%dma_wait3A_1712 : memref<256x128xf32, #tpu.memory_space<vmem_shared>>) dst(%dma_wait3A_1709 : memref<128x128xf32, #tpu.memory_space<vmem>>)
    %dma_wait3A_1713 = arith.constant 128 : i32
    %dma_wait3A_1714 = arith.constant 0 : i32
    %dma_wait3A_1715 = tpu.memref_slice %arg8[%dma_wait3A_1713, %dma_wait3A_1714] : memref<256x128xf32, #tpu.memory_space<vmem>> -> memref<128x128xf32, #tpu.memory_space<vmem>>
    %dma_wait3A_1716 = arith.constant 0 : i32
    %dma_wait3A_1717 = arith.constant 0 : i32
    %dma_wait3A_1718 = tpu.memref_slice %arg5[%dma_wait3A_1716, %dma_wait3A_1717] : memref<256x128xf32, #tpu.memory_space<vmem_shared>> -> memref<256x128xf32, #tpu.memory_space<vmem_shared>>
    tpu.wait_indirect_dma semaphore(%arg16 : memref<!tpu.dma_semaphore, #tpu.memory_space<semaphore_mem>>) src(%dma_wait3A_1718 : memref<256x128xf32, #tpu.memory_space<vmem_shared>>) dst(%dma_wait3A_1715 : memref<128x128xf32, #tpu.memory_space<vmem>>)
    %dma_start3A_1719 = arith.constant 0 : i32
    %dma_start3A_1720 = arith.constant 0 : i32
    %dma_start3A_1721 = tpu.memref_slice %arg9[%dma_start3A_1719, %dma_start3A_1720] : memref<256x128xf32, #tpu.memory_space<vmem>> -> memref<128x128xf32, #tpu.memory_space<vmem>>
    %dma_start3A_1722 = arith.constant 0 : i32
    %dma_start3A_1723 = arith.constant 0 : i32
    %dma_start3A_1724 = tpu.memref_slice %arg5[%dma_start3A_1722, %dma_start3A_1723] : memref<256x128xf32, #tpu.memory_space<vmem_shared>> -> memref<256x128xf32, #tpu.memory_space<vmem_shared>>
    tpu.enqueue_indirect_dma source(%dma_start3A_1724 : memref<256x128xf32, #tpu.memory_space<vmem_shared>>) target(%dma_start3A_1721 : memref<128x128xf32, #tpu.memory_space<vmem>>) offsets(%arg12 : memref<128xi32, #tpu.memory_space<vmem>>) semaphore(%arg17 : memref<!tpu.dma_semaphore, #tpu.memory_space<semaphore_mem>>)
    %dma_start3A_1725 = arith.constant 128 : i32
    %dma_start3A_1726 = arith.constant 0 : i32
    %dma_start3A_1727 = tpu.memref_slice %arg9[%dma_start3A_1725, %dma_start3A_1726] : memref<256x128xf32, #tpu.memory_space<vmem>> -> memref<128x128xf32, #tpu.memory_space<vmem>>
    %dma_start3A_1728 = arith.constant 0 : i32
    %dma_start3A_1729 = arith.constant 0 : i32
    %dma_start3A_1730 = tpu.memref_slice %arg5[%dma_start3A_1728, %dma_start3A_1729] : memref<256x128xf32, #tpu.memory_space<vmem_shared>> -> memref<256x128xf32, #tpu.memory_space<vmem_shared>>
    tpu.enqueue_indirect_dma source(%dma_start3A_1730 : memref<256x128xf32, #tpu.memory_space<vmem_shared>>) target(%dma_start3A_1727 : memref<128x128xf32, #tpu.memory_space<vmem>>) offsets(%arg13 : memref<128xi32, #tpu.memory_space<vmem>>) semaphore(%arg17 : memref<!tpu.dma_semaphore, #tpu.memory_space<semaphore_mem>>)
    %add3A_1731 = arith.constant 0 : i32
    %add3A_1732 = arith.addi %mul3A_4, %add3A_1731 : i32
    %dma_start3A_1733 = arith.constant 0 : i32
    %dma_start3A_1734 = tpu.memref_slice %arg4[%add3A_1732, %dma_start3A_1733] : memref<1638400x128xf32, #tpu.memory_space<hbm>> -> memref<256x128xf32, #tpu.memory_space<hbm>>
    %dma_start3A_1735 = arith.constant 0 : i32
    %dma_start3A_1736 = tpu.memref_slice %arg4[%add3A_1732, %dma_start3A_1735] : memref<1638400x128xf32, #tpu.memory_space<hbm>> -> memref<256x128xf32, #tpu.memory_space<hbm>>
    tpu.enqueue_dma source(%arg8 : memref<256x128xf32, #tpu.memory_space<vmem>>) target(%dma_start3A_1736 : memref<256x128xf32, #tpu.memory_space<hbm>>) target_semaphore(%arg18 : memref<!tpu.dma_semaphore, #tpu.memory_space<semaphore_mem>>)
    %scan3A = arith.constant 0 : i32
    %scan3A_1737 = arith.constant 0 : i32
    %scan3A_1738 = arith.constant 98 : i32
    %scan3A_1739 = arith.addi %scan3A_1737, %scan3A_1738 : i32
    %scan3A_1740 = arith.constant 1 : i32
    scf.for %scan3A_3512 = %scan3A_1737 to %scan3A_1739 step %scan3A_1740  : i32 {
      %mul3A_3513 = arith.constant 2 : i32
      %mul3A_3514 = arith.muli %mul3A_3513, %scan3A_3512 : i32
      %add3A_3515 = arith.constant 1 : i32
      %add3A_3516 = arith.addi %mul3A_3514, %add3A_3515 : i32
      %add3A_3517 = arith.constant 0 : i32
      %add3A_3518 = arith.addi %mul3A_2, %add3A_3517 : i32
      %dma_wait3A_3519 = tpu.memref_slice %arg2[%add3A_3518] : memref<3276800xi32, #tpu.memory_space<hbm>> -> memref<512xi32, #tpu.memory_space<hbm>>
      %dma_wait3A_3520 = tpu.memref_slice %arg2[%add3A_3518] : memref<3276800xi32, #tpu.memory_space<hbm>> -> memref<512xi32, #tpu.memory_space<hbm>>
      tpu.wait_dma2 semaphore(%arg14 : memref<!tpu.dma_semaphore, #tpu.memory_space<semaphore_mem>>) src(%dma_wait3A_3520 : memref<512xi32, #tpu.memory_space<hbm>>) dst(%arg6 : memref<512xi32, #tpu.memory_space<vmem>>)
      %get3A_3521 = arith.constant 0 : index
      %get3A_3522 = tpu.vector_load %arg6[%get3A_3521] {strides = array<i32>} : memref<512xi32, #tpu.memory_space<vmem>>, vector<16xi32>,
      %get3A_3523 = vector.shape_cast %get3A_3522 : vector<16xi32> to vector<16xi32>
      %get3A_3524 = arith.constant 16 : index
      %get3A_3525 = tpu.vector_load %arg6[%get3A_3524] {strides = array<i32>} : memref<512xi32, #tpu.memory_space<vmem>>, vector<16xi32>,
      %get3A_3526 = vector.shape_cast %get3A_3525 : vector<16xi32> to vector<16xi32>
      %mul3A_3527 = arith.constant 2 : i32
      %mul3A_3528 = vector.broadcast %mul3A_3527 : i32 to vector<16xi32>
      %mul3A_3529 = arith.muli %select_n3A_19, %mul3A_3528 : vector<16xi32>
      %broadcast_in_dim3A_3530 = vector.shape_cast %mul3A_3529 : vector<16xi32> to vector<16x1xi32>
      %gather3A_3531 = vector.shape_cast %broadcast_in_dim3A_3530 : vector<16x1xi32> to vector<16xi32>
      %gather3A_3532 = tpu.dynamic_gather %get3A_3523[%gather3A_3531] in [0] : vector<16xi32>, vector<16xi32> -> vector<16xi32>
      %mul3A_3533 = arith.constant 16 : i32
      %mul3A_3534 = vector.broadcast %mul3A_3533 : i32 to vector<16xi32>
      %mul3A_3535 = arith.muli %mul3A_3534, %gather3A_3532 : vector<16xi32>
      %mul3A_3536 = arith.constant 2 : i32
      %mul3A_3537 = vector.broadcast %mul3A_3536 : i32 to vector<16xi32>
      %mul3A_3538 = arith.muli %select_n3A_19, %mul3A_3537 : vector<16xi32>
      %add3A_3539 = arith.constant 1 : i32
      %add3A_3540 = vector.broadcast %add3A_3539 : i32 to vector<16xi32>
      %add3A_3541 = arith.addi %mul3A_3538, %add3A_3540 : vector<16xi32>
      %broadcast_in_dim3A_3542 = vector.shape_cast %add3A_3541 : vector<16xi32> to vector<16x1xi32>
      %gather3A_3543 = vector.shape_cast %broadcast_in_dim3A_3542 : vector<16x1xi32> to vector<16xi32>
      %gather3A_3544 = tpu.dynamic_gather %get3A_3523[%gather3A_3543] in [0] : vector<16xi32>, vector<16xi32> -> vector<16xi32>
      %add3A_3545 = arith.addi %mul3A_3535, %gather3A_3544 : vector<16xi32>
      %mul3A_3546 = arith.constant 2 : i32
      %mul3A_3547 = vector.broadcast %mul3A_3546 : i32 to vector<16xi32>
      %mul3A_3548 = arith.muli %select_n3A_19, %mul3A_3547 : vector<16xi32>
      %broadcast_in_dim3A_3549 = vector.shape_cast %mul3A_3548 : vector<16xi32> to vector<16x1xi32>
      %gather3A_3550 = vector.shape_cast %broadcast_in_dim3A_3549 : vector<16x1xi32> to vector<16xi32>
      %gather3A_3551 = tpu.dynamic_gather %get3A_3526[%gather3A_3550] in [0] : vector<16xi32>, vector<16xi32> -> vector<16xi32>
      %mul3A_3552 = arith.constant 16 : i32
      %mul3A_3553 = vector.broadcast %mul3A_3552 : i32 to vector<16xi32>
      %mul3A_3554 = arith.muli %mul3A_3553, %gather3A_3551 : vector<16xi32>
      %mul3A_3555 = arith.constant 2 : i32
      %mul3A_3556 = vector.broadcast %mul3A_3555 : i32 to vector<16xi32>
      %mul3A_3557 = arith.muli %select_n3A_19, %mul3A_3556 : vector<16xi32>
      %add3A_3558 = arith.constant 1 : i32
      %add3A_3559 = vector.broadcast %add3A_3558 : i32 to vector<16xi32>
      %add3A_3560 = arith.addi %mul3A_3557, %add3A_3559 : vector<16xi32>
      %broadcast_in_dim3A_3561 = vector.shape_cast %add3A_3560 : vector<16xi32> to vector<16x1xi32>
      %gather3A_3562 = vector.shape_cast %broadcast_in_dim3A_3561 : vector<16x1xi32> to vector<16xi32>
      %gather3A_3563 = tpu.dynamic_gather %get3A_3526[%gather3A_3562] in [0] : vector<16xi32>, vector<16xi32> -> vector<16xi32>
      %add3A_3564 = arith.addi %mul3A_3554, %gather3A_3563 : vector<16xi32>
      %lt3A_3565 = arith.constant 8 : i32
      %lt3A_3566 = vector.broadcast %lt3A_3565 : i32 to vector<16xi32>
      %lt3A_3567 = arith.cmpi slt, %iota3A, %lt3A_3566 : vector<16xi32>
      %select_n3A_3568 = arith.select %lt3A_3567, %add3A_3545, %add3A_3564 : vector<16xi1>, vector<16xi32>
      %swap3A_3569 = arith.constant 0 : index
      %swap3A_3570 = tpu.vector_load %arg10[%swap3A_3569] {strides = array<i32>} : memref<128xi32, #tpu.memory_space<vmem>>, vector<16xi32>,
      %swap3A_3571 = vector.shape_cast %swap3A_3570 : vector<16xi32> to vector<16xi32>
      %swap3A_3572 = vector.shape_cast %select_n3A_3568 : vector<16xi32> to vector<16xi32>
      tpu.vector_store %arg10[%swap3A_3569], %swap3A_3572 {strides = array<i32>} : memref<128xi32, #tpu.memory_space<vmem>>, vector<16xi32>,
      %get3A_3573 = arith.constant 32 : index
      %get3A_3574 = tpu.vector_load %arg6[%get3A_3573] {strides = array<i32>} : memref<512xi32, #tpu.memory_space<vmem>>, vector<16xi32>,
      %get3A_3575 = vector.shape_cast %get3A_3574 : vector<16xi32> to vector<16xi32>
      %get3A_3576 = arith.constant 48 : index
      %get3A_3577 = tpu.vector_load %arg6[%get3A_3576] {strides = array<i32>} : memref<512xi32, #tpu.memory_space<vmem>>, vector<16xi32>,
      %get3A_3578 = vector.shape_cast %get3A_3577 : vector<16xi32> to vector<16xi32>
      %mul3A_3579 = arith.constant 2 : i32
      %mul3A_3580 = vector.broadcast %mul3A_3579 : i32 to vector<16xi32>
      %mul3A_3581 = arith.muli %select_n3A_19, %mul3A_3580 : vector<16xi32>
      %broadcast_in_dim3A_3582 = vector.shape_cast %mul3A_3581 : vector<16xi32> to vector<16x1xi32>
      %gather3A_3583 = vector.shape_cast %broadcast_in_dim3A_3582 : vector<16x1xi32> to vector<16xi32>
      %gather3A_3584 = tpu.dynamic_gather %get3A_3575[%gather3A_3583] in [0] : vector<16xi32>, vector<16xi32> -> vector<16xi32>
      %mul3A_3585 = arith.constant 16 : i32
      %mul3A_3586 = vector.broadcast %mul3A_3585 : i32 to vector<16xi32>
      %mul3A_3587 = arith.muli %mul3A_3586, %gather3A_3584 : vector<16xi32>
      %mul3A_3588 = arith.constant 2 : i32
      %mul3A_3589 = vector.broadcast %mul3A_3588 : i32 to vector<16xi32>
      %mul3A_3590 = arith.muli %select_n3A_19, %mul3A_3589 : vector<16xi32>
      %add3A_3591 = arith.constant 1 : i32
      %add3A_3592 = vector.broadcast %add3A_3591 : i32 to vector<16xi32>
      %add3A_3593 = arith.addi %mul3A_3590, %add3A_3592 : vector<16xi32>
      %broadcast_in_dim3A_3594 = vector.shape_cast %add3A_3593 : vector<16xi32> to vector<16x1xi32>
      %gather3A_3595 = vector.shape_cast %broadcast_in_dim3A_3594 : vector<16x1xi32> to vector<16xi32>
      %gather3A_3596 = tpu.dynamic_gather %get3A_3575[%gather3A_3595] in [0] : vector<16xi32>, vector<16xi32> -> vector<16xi32>
      %add3A_3597 = arith.addi %mul3A_3587, %gather3A_3596 : vector<16xi32>
      %mul3A_3598 = arith.constant 2 : i32
      %mul3A_3599 = vector.broadcast %mul3A_3598 : i32 to vector<16xi32>
      %mul3A_3600 = arith.muli %select_n3A_19, %mul3A_3599 : vector<16xi32>
      %broadcast_in_dim3A_3601 = vector.shape_cast %mul3A_3600 : vector<16xi32> to vector<16x1xi32>
      %gather3A_3602 = vector.shape_cast %broadcast_in_dim3A_3601 : vector<16x1xi32> to vector<16xi32>
      %gather3A_3603 = tpu.dynamic_gather %get3A_3578[%gather3A_3602] in [0] : vector<16xi32>, vector<16xi32> -> vector<16xi32>
      %mul3A_3604 = arith.constant 16 : i32
      %mul3A_3605 = vector.broadcast %mul3A_3604 : i32 to vector<16xi32>
      %mul3A_3606 = arith.muli %mul3A_3605, %gather3A_3603 : vector<16xi32>
      %mul3A_3607 = arith.constant 2 : i32
      %mul3A_3608 = vector.broadcast %mul3A_3607 : i32 to vector<16xi32>
      %mul3A_3609 = arith.muli %select_n3A_19, %mul3A_3608 : vector<16xi32>
      %add3A_3610 = arith.constant 1 : i32
      %add3A_3611 = vector.broadcast %add3A_3610 : i32 to vector<16xi32>
      %add3A_3612 = arith.addi %mul3A_3609, %add3A_3611 : vector<16xi32>
      %broadcast_in_dim3A_3613 = vector.shape_cast %add3A_3612 : vector<16xi32> to vector<16x1xi32>
      %gather3A_3614 = vector.shape_cast %broadcast_in_dim3A_3613 : vector<16x1xi32> to vector<16xi32>
      %gather3A_3615 = tpu.dynamic_gather %get3A_3578[%gather3A_3614] in [0] : vector<16xi32>, vector<16xi32> -> vector<16xi32>
      %add3A_3616 = arith.addi %mul3A_3606, %gather3A_3615 : vector<16xi32>
      %lt3A_3617 = arith.constant 8 : i32
      %lt3A_3618 = vector.broadcast %lt3A_3617 : i32 to vector<16xi32>
      %lt3A_3619 = arith.cmpi slt, %iota3A, %lt3A_3618 : vector<16xi32>
      %select_n3A_3620 = arith.select %lt3A_3619, %add3A_3597, %add3A_3616 : vector<16xi1>, vector<16xi32>
      %swap3A_3621 = arith.constant 16 : index
      %swap3A_3622 = tpu.vector_load %arg10[%swap3A_3621] {strides = array<i32>} : memref<128xi32, #tpu.memory_space<vmem>>, vector<16xi32>,
      %swap3A_3623 = vector.shape_cast %swap3A_3622 : vector<16xi32> to vector<16xi32>
      %swap3A_3624 = vector.shape_cast %select_n3A_3620 : vector<16xi32> to vector<16xi32>
      tpu.vector_store %arg10[%swap3A_3621], %swap3A_3624 {strides = array<i32>} : memref<128xi32, #tpu.memory_space<vmem>>, vector<16xi32>,
      %get3A_3625 = arith.constant 64 : index
      %get3A_3626 = tpu.vector_load %arg6[%get3A_3625] {strides = array<i32>} : memref<512xi32, #tpu.memory_space<vmem>>, vector<16xi32>,
      %get3A_3627 = vector.shape_cast %get3A_3626 : vector<16xi32> to vector<16xi32>
      %get3A_3628 = arith.constant 80 : index
      %get3A_3629 = tpu.vector_load %arg6[%get3A_3628] {strides = array<i32>} : memref<512xi32, #tpu.memory_space<vmem>>, vector<16xi32>,
      %get3A_3630 = vector.shape_cast %get3A_3629 : vector<16xi32> to vector<16xi32>
      %mul3A_3631 = arith.constant 2 : i32
      %mul3A_3632 = vector.broadcast %mul3A_3631 : i32 to vector<16xi32>
      %mul3A_3633 = arith.muli %select_n3A_19, %mul3A_3632 : vector<16xi32>
      %broadcast_in_dim3A_3634 = vector.shape_cast %mul3A_3633 : vector<16xi32> to vector<16x1xi32>
      %gather3A_3635 = vector.shape_cast %broadcast_in_dim3A_3634 : vector<16x1xi32> to vector<16xi32>
      %gather3A_3636 = tpu.dynamic_gather %get3A_3627[%gather3A_3635] in [0] : vector<16xi32>, vector<16xi32> -> vector<16xi32>
      %mul3A_3637 = arith.constant 16 : i32
      %mul3A_3638 = vector.broadcast %mul3A_3637 : i32 to vector<16xi32>
      %mul3A_3639 = arith.muli %mul3A_3638, %gather3A_3636 : vector<16xi32>
      %mul3A_3640 = arith.constant 2 : i32
      %mul3A_3641 = vector.broadcast %mul3A_3640 : i32 to vector<16xi32>
      %mul3A_3642 = arith.muli %select_n3A_19, %mul3A_3641 : vector<16xi32>
      %add3A_3643 = arith.constant 1 : i32
      %add3A_3644 = vector.broadcast %add3A_3643 : i32 to vector<16xi32>
      %add3A_3645 = arith.addi %mul3A_3642, %add3A_3644 : vector<16xi32>
      %broadcast_in_dim3A_3646 = vector.shape_cast %add3A_3645 : vector<16xi32> to vector<16x1xi32>
      %gather3A_3647 = vector.shape_cast %broadcast_in_dim3A_3646 : vector<16x1xi32> to vector<16xi32>
      %gather3A_3648 = tpu.dynamic_gather %get3A_3627[%gather3A_3647] in [0] : vector<16xi32>, vector<16xi32> -> vector<16xi32>
      %add3A_3649 = arith.addi %mul3A_3639, %gather3A_3648 : vector<16xi32>
      %mul3A_3650 = arith.constant 2 : i32
      %mul3A_3651 = vector.broadcast %mul3A_3650 : i32 to vector<16xi32>
      %mul3A_3652 = arith.muli %select_n3A_19, %mul3A_3651 : vector<16xi32>
      %broadcast_in_dim3A_3653 = vector.shape_cast %mul3A_3652 : vector<16xi32> to vector<16x1xi32>
      %gather3A_3654 = vector.shape_cast %broadcast_in_dim3A_3653 : vector<16x1xi32> to vector<16xi32>
      %gather3A_3655 = tpu.dynamic_gather %get3A_3630[%gather3A_3654] in [0] : vector<16xi32>, vector<16xi32> -> vector<16xi32>
      %mul3A_3656 = arith.constant 16 : i32
      %mul3A_3657 = vector.broadcast %mul3A_3656 : i32 to vector<16xi32>
      %mul3A_3658 = arith.muli %mul3A_3657, %gather3A_3655 : vector<16xi32>
      %mul3A_3659 = arith.constant 2 : i32
      %mul3A_3660 = vector.broadcast %mul3A_3659 : i32 to vector<16xi32>
      %mul3A_3661 = arith.muli %select_n3A_19, %mul3A_3660 : vector<16xi32>
      %add3A_3662 = arith.constant 1 : i32
      %add3A_3663 = vector.broadcast %add3A_3662 : i32 to vector<16xi32>
      %add3A_3664 = arith.addi %mul3A_3661, %add3A_3663 : vector<16xi32>
      %broadcast_in_dim3A_3665 = vector.shape_cast %add3A_3664 : vector<16xi32> to vector<16x1xi32>
      %gather3A_3666 = vector.shape_cast %broadcast_in_dim3A_3665 : vector<16x1xi32> to vector<16xi32>
      %gather3A_3667 = tpu.dynamic_gather %get3A_3630[%gather3A_3666] in [0] : vector<16xi32>, vector<16xi32> -> vector<16xi32>
      %add3A_3668 = arith.addi %mul3A_3658, %gather3A_3667 : vector<16xi32>
      %lt3A_3669 = arith.constant 8 : i32
      %lt3A_3670 = vector.broadcast %lt3A_3669 : i32 to vector<16xi32>
      %lt3A_3671 = arith.cmpi slt, %iota3A, %lt3A_3670 : vector<16xi32>
      %select_n3A_3672 = arith.select %lt3A_3671, %add3A_3649, %add3A_3668 : vector<16xi1>, vector<16xi32>
      %swap3A_3673 = arith.constant 32 : index
      %swap3A_3674 = tpu.vector_load %arg10[%swap3A_3673] {strides = array<i32>} : memref<128xi32, #tpu.memory_space<vmem>>, vector<16xi32>,
      %swap3A_3675 = vector.shape_cast %swap3A_3674 : vector<16xi32> to vector<16xi32>
      %swap3A_3676 = vector.shape_cast %select_n3A_3672 : vector<16xi32> to vector<16xi32>
      tpu.vector_store %arg10[%swap3A_3673], %swap3A_3676 {strides = array<i32>} : memref<128xi32, #tpu.memory_space<vmem>>, vector<16xi32>,
      %get3A_3677 = arith.constant 96 : index
      %get3A_3678 = tpu.vector_load %arg6[%get3A_3677] {strides = array<i32>} : memref<512xi32, #tpu.memory_space<vmem>>, vector<16xi32>,
      %get3A_3679 = vector.shape_cast %get3A_3678 : vector<16xi32> to vector<16xi32>
      %get3A_3680 = arith.constant 112 : index
      %get3A_3681 = tpu.vector_load %arg6[%get3A_3680] {strides = array<i32>} : memref<512xi32, #tpu.memory_space<vmem>>, vector<16xi32>,
      %get3A_3682 = vector.shape_cast %get3A_3681 : vector<16xi32> to vector<16xi32>
      %mul3A_3683 = arith.constant 2 : i32
      %mul3A_3684 = vector.broadcast %mul3A_3683 : i32 to vector<16xi32>
      %mul3A_3685 = arith.muli %select_n3A_19, %mul3A_3684 : vector<16xi32>
      %broadcast_in_dim3A_3686 = vector.shape_cast %mul3A_3685 : vector<16xi32> to vector<16x1xi32>
      %gather3A_3687 = vector.shape_cast %broadcast_in_dim3A_3686 : vector<16x1xi32> to vector<16xi32>
      %gather3A_3688 = tpu.dynamic_gather %get3A_3679[%gather3A_3687] in [0] : vector<16xi32>, vector<16xi32> -> vector<16xi32>
      %mul3A_3689 = arith.constant 16 : i32
      %mul3A_3690 = vector.broadcast %mul3A_3689 : i32 to vector<16xi32>
      %mul3A_3691 = arith.muli %mul3A_3690, %gather3A_3688 : vector<16xi32>
      %mul3A_3692 = arith.constant 2 : i32
      %mul3A_3693 = vector.broadcast %mul3A_3692 : i32 to vector<16xi32>
      %mul3A_3694 = arith.muli %select_n3A_19, %mul3A_3693 : vector<16xi32>
      %add3A_3695 = arith.constant 1 : i32
      %add3A_3696 = vector.broadcast %add3A_3695 : i32 to vector<16xi32>
      %add3A_3697 = arith.addi %mul3A_3694, %add3A_3696 : vector<16xi32>
      %broadcast_in_dim3A_3698 = vector.shape_cast %add3A_3697 : vector<16xi32> to vector<16x1xi32>
      %gather3A_3699 = vector.shape_cast %broadcast_in_dim3A_3698 : vector<16x1xi32> to vector<16xi32>
      %gather3A_3700 = tpu.dynamic_gather %get3A_3679[%gather3A_3699] in [0] : vector<16xi32>, vector<16xi32> -> vector<16xi32>
      %add3A_3701 = arith.addi %mul3A_3691, %gather3A_3700 : vector<16xi32>
      %mul3A_3702 = arith.constant 2 : i32
      %mul3A_3703 = vector.broadcast %mul3A_3702 : i32 to vector<16xi32>
      %mul3A_3704 = arith.muli %select_n3A_19, %mul3A_3703 : vector<16xi32>
      %broadcast_in_dim3A_3705 = vector.shape_cast %mul3A_3704 : vector<16xi32> to vector<16x1xi32>
      %gather3A_3706 = vector.shape_cast %broadcast_in_dim3A_3705 : vector<16x1xi32> to vector<16xi32>
      %gather3A_3707 = tpu.dynamic_gather %get3A_3682[%gather3A_3706] in [0] : vector<16xi32>, vector<16xi32> -> vector<16xi32>
      %mul3A_3708 = arith.constant 16 : i32
      %mul3A_3709 = vector.broadcast %mul3A_3708 : i32 to vector<16xi32>
      %mul3A_3710 = arith.muli %mul3A_3709, %gather3A_3707 : vector<16xi32>
      %mul3A_3711 = arith.constant 2 : i32
      %mul3A_3712 = vector.broadcast %mul3A_3711 : i32 to vector<16xi32>
      %mul3A_3713 = arith.muli %select_n3A_19, %mul3A_3712 : vector<16xi32>
      %add3A_3714 = arith.constant 1 : i32
      %add3A_3715 = vector.broadcast %add3A_3714 : i32 to vector<16xi32>
      %add3A_3716 = arith.addi %mul3A_3713, %add3A_3715 : vector<16xi32>
      %broadcast_in_dim3A_3717 = vector.shape_cast %add3A_3716 : vector<16xi32> to vector<16x1xi32>
      %gather3A_3718 = vector.shape_cast %broadcast_in_dim3A_3717 : vector<16x1xi32> to vector<16xi32>
      %gather3A_3719 = tpu.dynamic_gather %get3A_3682[%gather3A_3718] in [0] : vector<16xi32>, vector<16xi32> -> vector<16xi32>
      %add3A_3720 = arith.addi %mul3A_3710, %gather3A_3719 : vector<16xi32>
      %lt3A_3721 = arith.constant 8 : i32
      %lt3A_3722 = vector.broadcast %lt3A_3721 : i32 to vector<16xi32>
      %lt3A_3723 = arith.cmpi slt, %iota3A, %lt3A_3722 : vector<16xi32>
      %select_n3A_3724 = arith.select %lt3A_3723, %add3A_3701, %add3A_3720 : vector<16xi1>, vector<16xi32>
      %swap3A_3725 = arith.constant 48 : index
      %swap3A_3726 = tpu.vector_load %arg10[%swap3A_3725] {strides = array<i32>} : memref<128xi32, #tpu.memory_space<vmem>>, vector<16xi32>,
      %swap3A_3727 = vector.shape_cast %swap3A_3726 : vector<16xi32> to vector<16xi32>
      %swap3A_3728 = vector.shape_cast %select_n3A_3724 : vector<16xi32> to vector<16xi32>
      tpu.vector_store %arg10[%swap3A_3725], %swap3A_3728 {strides = array<i32>} : memref<128xi32, #tpu.memory_space<vmem>>, vector<16xi32>,
      %get3A_3729 = arith.constant 128 : index
      %get3A_3730 = tpu.vector_load %arg6[%get3A_3729] {strides = array<i32>} : memref<512xi32, #tpu.memory_space<vmem>>, vector<16xi32>,
      %get3A_3731 = vector.shape_cast %get3A_3730 : vector<16xi32> to vector<16xi32>
      %get3A_3732 = arith.constant 144 : index
      %get3A_3733 = tpu.vector_load %arg6[%get3A_3732] {strides = array<i32>} : memref<512xi32, #tpu.memory_space<vmem>>, vector<16xi32>,
      %get3A_3734 = vector.shape_cast %get3A_3733 : vector<16xi32> to vector<16xi32>
      %mul3A_3735 = arith.constant 2 : i32
      %mul3A_3736 = vector.broadcast %mul3A_3735 : i32 to vector<16xi32>
      %mul3A_3737 = arith.muli %select_n3A_19, %mul3A_3736 : vector<16xi32>
      %broadcast_in_dim3A_3738 = vector.shape_cast %mul3A_3737 : vector<16xi32> to vector<16x1xi32>
      %gather3A_3739 = vector.shape_cast %broadcast_in_dim3A_3738 : vector<16x1xi32> to vector<16xi32>
      %gather3A_3740 = tpu.dynamic_gather %get3A_3731[%gather3A_3739] in [0] : vector<16xi32>, vector<16xi32> -> vector<16xi32>
      %mul3A_3741 = arith.constant 16 : i32
      %mul3A_3742 = vector.broadcast %mul3A_3741 : i32 to vector<16xi32>
      %mul3A_3743 = arith.muli %mul3A_3742, %gather3A_3740 : vector<16xi32>
      %mul3A_3744 = arith.constant 2 : i32
      %mul3A_3745 = vector.broadcast %mul3A_3744 : i32 to vector<16xi32>
      %mul3A_3746 = arith.muli %select_n3A_19, %mul3A_3745 : vector<16xi32>
      %add3A_3747 = arith.constant 1 : i32
      %add3A_3748 = vector.broadcast %add3A_3747 : i32 to vector<16xi32>
      %add3A_3749 = arith.addi %mul3A_3746, %add3A_3748 : vector<16xi32>
      %broadcast_in_dim3A_3750 = vector.shape_cast %add3A_3749 : vector<16xi32> to vector<16x1xi32>
      %gather3A_3751 = vector.shape_cast %broadcast_in_dim3A_3750 : vector<16x1xi32> to vector<16xi32>
      %gather3A_3752 = tpu.dynamic_gather %get3A_3731[%gather3A_3751] in [0] : vector<16xi32>, vector<16xi32> -> vector<16xi32>
      %add3A_3753 = arith.addi %mul3A_3743, %gather3A_3752 : vector<16xi32>
      %mul3A_3754 = arith.constant 2 : i32
      %mul3A_3755 = vector.broadcast %mul3A_3754 : i32 to vector<16xi32>
      %mul3A_3756 = arith.muli %select_n3A_19, %mul3A_3755 : vector<16xi32>
      %broadcast_in_dim3A_3757 = vector.shape_cast %mul3A_3756 : vector<16xi32> to vector<16x1xi32>
      %gather3A_3758 = vector.shape_cast %broadcast_in_dim3A_3757 : vector<16x1xi32> to vector<16xi32>
      %gather3A_3759 = tpu.dynamic_gather %get3A_3734[%gather3A_3758] in [0] : vector<16xi32>, vector<16xi32> -> vector<16xi32>
      %mul3A_3760 = arith.constant 16 : i32
      %mul3A_3761 = vector.broadcast %mul3A_3760 : i32 to vector<16xi32>
      %mul3A_3762 = arith.muli %mul3A_3761, %gather3A_3759 : vector<16xi32>
      %mul3A_3763 = arith.constant 2 : i32
      %mul3A_3764 = vector.broadcast %mul3A_3763 : i32 to vector<16xi32>
      %mul3A_3765 = arith.muli %select_n3A_19, %mul3A_3764 : vector<16xi32>
      %add3A_3766 = arith.constant 1 : i32
      %add3A_3767 = vector.broadcast %add3A_3766 : i32 to vector<16xi32>
      %add3A_3768 = arith.addi %mul3A_3765, %add3A_3767 : vector<16xi32>
      %broadcast_in_dim3A_3769 = vector.shape_cast %add3A_3768 : vector<16xi32> to vector<16x1xi32>
      %gather3A_3770 = vector.shape_cast %broadcast_in_dim3A_3769 : vector<16x1xi32> to vector<16xi32>
      %gather3A_3771 = tpu.dynamic_gather %get3A_3734[%gather3A_3770] in [0] : vector<16xi32>, vector<16xi32> -> vector<16xi32>
      %add3A_3772 = arith.addi %mul3A_3762, %gather3A_3771 : vector<16xi32>
      %lt3A_3773 = arith.constant 8 : i32
      %lt3A_3774 = vector.broadcast %lt3A_3773 : i32 to vector<16xi32>
      %lt3A_3775 = arith.cmpi slt, %iota3A, %lt3A_3774 : vector<16xi32>
      %select_n3A_3776 = arith.select %lt3A_3775, %add3A_3753, %add3A_3772 : vector<16xi1>, vector<16xi32>
      %swap3A_3777 = arith.constant 64 : index
      %swap3A_3778 = tpu.vector_load %arg10[%swap3A_3777] {strides = array<i32>} : memref<128xi32, #tpu.memory_space<vmem>>, vector<16xi32>,
      %swap3A_3779 = vector.shape_cast %swap3A_3778 : vector<16xi32> to vector<16xi32>
      %swap3A_3780 = vector.shape_cast %select_n3A_3776 : vector<16xi32> to vector<16xi32>
      tpu.vector_store %arg10[%swap3A_3777], %swap3A_3780 {strides = array<i32>} : memref<128xi32, #tpu.memory_space<vmem>>, vector<16xi32>,
      %get3A_3781 = arith.constant 160 : index
      %get3A_3782 = tpu.vector_load %arg6[%get3A_3781] {strides = array<i32>} : memref<512xi32, #tpu.memory_space<vmem>>, vector<16xi32>,
      %get3A_3783 = vector.shape_cast %get3A_3782 : vector<16xi32> to vector<16xi32>
      %get3A_3784 = arith.constant 176 : index
      %get3A_3785 = tpu.vector_load %arg6[%get3A_3784] {strides = array<i32>} : memref<512xi32, #tpu.memory_space<vmem>>, vector<16xi32>,
      %get3A_3786 = vector.shape_cast %get3A_3785 : vector<16xi32> to vector<16xi32>
      %mul3A_3787 = arith.constant 2 : i32
      %mul3A_3788 = vector.broadcast %mul3A_3787 : i32 to vector<16xi32>
      %mul3A_3789 = arith.muli %select_n3A_19, %mul3A_3788 : vector<16xi32>
      %broadcast_in_dim3A_3790 = vector.shape_cast %mul3A_3789 : vector<16xi32> to vector<16x1xi32>
      %gather3A_3791 = vector.shape_cast %broadcast_in_dim3A_3790 : vector<16x1xi32> to vector<16xi32>
      %gather3A_3792 = tpu.dynamic_gather %get3A_3783[%gather3A_3791] in [0] : vector<16xi32>, vector<16xi32> -> vector<16xi32>
      %mul3A_3793 = arith.constant 16 : i32
      %mul3A_3794 = vector.broadcast %mul3A_3793 : i32 to vector<16xi32>
      %mul3A_3795 = arith.muli %mul3A_3794, %gather3A_3792 : vector<16xi32>
      %mul3A_3796 = arith.constant 2 : i32
      %mul3A_3797 = vector.broadcast %mul3A_3796 : i32 to vector<16xi32>
      %mul3A_3798 = arith.muli %select_n3A_19, %mul3A_3797 : vector<16xi32>
      %add3A_3799 = arith.constant 1 : i32
      %add3A_3800 = vector.broadcast %add3A_3799 : i32 to vector<16xi32>
      %add3A_3801 = arith.addi %mul3A_3798, %add3A_3800 : vector<16xi32>
      %broadcast_in_dim3A_3802 = vector.shape_cast %add3A_3801 : vector<16xi32> to vector<16x1xi32>
      %gather3A_3803 = vector.shape_cast %broadcast_in_dim3A_3802 : vector<16x1xi32> to vector<16xi32>
      %gather3A_3804 = tpu.dynamic_gather %get3A_3783[%gather3A_3803] in [0] : vector<16xi32>, vector<16xi32> -> vector<16xi32>
      %add3A_3805 = arith.addi %mul3A_3795, %gather3A_3804 : vector<16xi32>
      %mul3A_3806 = arith.constant 2 : i32
      %mul3A_3807 = vector.broadcast %mul3A_3806 : i32 to vector<16xi32>
      %mul3A_3808 = arith.muli %select_n3A_19, %mul3A_3807 : vector<16xi32>
      %broadcast_in_dim3A_3809 = vector.shape_cast %mul3A_3808 : vector<16xi32> to vector<16x1xi32>
      %gather3A_3810 = vector.shape_cast %broadcast_in_dim3A_3809 : vector<16x1xi32> to vector<16xi32>
      %gather3A_3811 = tpu.dynamic_gather %get3A_3786[%gather3A_3810] in [0] : vector<16xi32>, vector<16xi32> -> vector<16xi32>
      %mul3A_3812 = arith.constant 16 : i32
      %mul3A_3813 = vector.broadcast %mul3A_3812 : i32 to vector<16xi32>
      %mul3A_3814 = arith.muli %mul3A_3813, %gather3A_3811 : vector<16xi32>
      %mul3A_3815 = arith.constant 2 : i32
      %mul3A_3816 = vector.broadcast %mul3A_3815 : i32 to vector<16xi32>
      %mul3A_3817 = arith.muli %select_n3A_19, %mul3A_3816 : vector<16xi32>
      %add3A_3818 = arith.constant 1 : i32
      %add3A_3819 = vector.broadcast %add3A_3818 : i32 to vector<16xi32>
      %add3A_3820 = arith.addi %mul3A_3817, %add3A_3819 : vector<16xi32>
      %broadcast_in_dim3A_3821 = vector.shape_cast %add3A_3820 : vector<16xi32> to vector<16x1xi32>
      %gather3A_3822 = vector.shape_cast %broadcast_in_dim3A_3821 : vector<16x1xi32> to vector<16xi32>
      %gather3A_3823 = tpu.dynamic_gather %get3A_3786[%gather3A_3822] in [0] : vector<16xi32>, vector<16xi32> -> vector<16xi32>
      %add3A_3824 = arith.addi %mul3A_3814, %gather3A_3823 : vector<16xi32>
      %lt3A_3825 = arith.constant 8 : i32
      %lt3A_3826 = vector.broadcast %lt3A_3825 : i32 to vector<16xi32>
      %lt3A_3827 = arith.cmpi slt, %iota3A, %lt3A_3826 : vector<16xi32>
      %select_n3A_3828 = arith.select %lt3A_3827, %add3A_3805, %add3A_3824 : vector<16xi1>, vector<16xi32>
      %swap3A_3829 = arith.constant 80 : index
      %swap3A_3830 = tpu.vector_load %arg10[%swap3A_3829] {strides = array<i32>} : memref<128xi32, #tpu.memory_space<vmem>>, vector<16xi32>,
      %swap3A_3831 = vector.shape_cast %swap3A_3830 : vector<16xi32> to vector<16xi32>
      %swap3A_3832 = vector.shape_cast %select_n3A_3828 : vector<16xi32> to vector<16xi32>
      tpu.vector_store %arg10[%swap3A_3829], %swap3A_3832 {strides = array<i32>} : memref<128xi32, #tpu.memory_space<vmem>>, vector<16xi32>,
      %get3A_3833 = arith.constant 192 : index
      %get3A_3834 = tpu.vector_load %arg6[%get3A_3833] {strides = array<i32>} : memref<512xi32, #tpu.memory_space<vmem>>, vector<16xi32>,
      %get3A_3835 = vector.shape_cast %get3A_3834 : vector<16xi32> to vector<16xi32>
      %get3A_3836 = arith.constant 208 : index
      %get3A_3837 = tpu.vector_load %arg6[%get3A_3836] {strides = array<i32>} : memref<512xi32, #tpu.memory_space<vmem>>, vector<16xi32>,
      %get3A_3838 = vector.shape_cast %get3A_3837 : vector<16xi32> to vector<16xi32>
      %mul3A_3839 = arith.constant 2 : i32
      %mul3A_3840 = vector.broadcast %mul3A_3839 : i32 to vector<16xi32>
      %mul3A_3841 = arith.muli %select_n3A_19, %mul3A_3840 : vector<16xi32>
      %broadcast_in_dim3A_3842 = vector.shape_cast %mul3A_3841 : vector<16xi32> to vector<16x1xi32>
      %gather3A_3843 = vector.shape_cast %broadcast_in_dim3A_3842 : vector<16x1xi32> to vector<16xi32>
      %gather3A_3844 = tpu.dynamic_gather %get3A_3835[%gather3A_3843] in [0] : vector<16xi32>, vector<16xi32> -> vector<16xi32>
      %mul3A_3845 = arith.constant 16 : i32
      %mul3A_3846 = vector.broadcast %mul3A_3845 : i32 to vector<16xi32>
      %mul3A_3847 = arith.muli %mul3A_3846, %gather3A_3844 : vector<16xi32>
      %mul3A_3848 = arith.constant 2 : i32
      %mul3A_3849 = vector.broadcast %mul3A_3848 : i32 to vector<16xi32>
      %mul3A_3850 = arith.muli %select_n3A_19, %mul3A_3849 : vector<16xi32>
      %add3A_3851 = arith.constant 1 : i32
      %add3A_3852 = vector.broadcast %add3A_3851 : i32 to vector<16xi32>
      %add3A_3853 = arith.addi %mul3A_3850, %add3A_3852 : vector<16xi32>
      %broadcast_in_dim3A_3854 = vector.shape_cast %add3A_3853 : vector<16xi32> to vector<16x1xi32>
      %gather3A_3855 = vector.shape_cast %broadcast_in_dim3A_3854 : vector<16x1xi32> to vector<16xi32>
      %gather3A_3856 = tpu.dynamic_gather %get3A_3835[%gather3A_3855] in [0] : vector<16xi32>, vector<16xi32> -> vector<16xi32>
      %add3A_3857 = arith.addi %mul3A_3847, %gather3A_3856 : vector<16xi32>
      %mul3A_3858 = arith.constant 2 : i32
      %mul3A_3859 = vector.broadcast %mul3A_3858 : i32 to vector<16xi32>
      %mul3A_3860 = arith.muli %select_n3A_19, %mul3A_3859 : vector<16xi32>
      %broadcast_in_dim3A_3861 = vector.shape_cast %mul3A_3860 : vector<16xi32> to vector<16x1xi32>
      %gather3A_3862 = vector.shape_cast %broadcast_in_dim3A_3861 : vector<16x1xi32> to vector<16xi32>
      %gather3A_3863 = tpu.dynamic_gather %get3A_3838[%gather3A_3862] in [0] : vector<16xi32>, vector<16xi32> -> vector<16xi32>
      %mul3A_3864 = arith.constant 16 : i32
      %mul3A_3865 = vector.broadcast %mul3A_3864 : i32 to vector<16xi32>
      %mul3A_3866 = arith.muli %mul3A_3865, %gather3A_3863 : vector<16xi32>
      %mul3A_3867 = arith.constant 2 : i32
      %mul3A_3868 = vector.broadcast %mul3A_3867 : i32 to vector<16xi32>
      %mul3A_3869 = arith.muli %select_n3A_19, %mul3A_3868 : vector<16xi32>
      %add3A_3870 = arith.constant 1 : i32
      %add3A_3871 = vector.broadcast %add3A_3870 : i32 to vector<16xi32>
      %add3A_3872 = arith.addi %mul3A_3869, %add3A_3871 : vector<16xi32>
      %broadcast_in_dim3A_3873 = vector.shape_cast %add3A_3872 : vector<16xi32> to vector<16x1xi32>
      %gather3A_3874 = vector.shape_cast %broadcast_in_dim3A_3873 : vector<16x1xi32> to vector<16xi32>
      %gather3A_3875 = tpu.dynamic_gather %get3A_3838[%gather3A_3874] in [0] : vector<16xi32>, vector<16xi32> -> vector<16xi32>
      %add3A_3876 = arith.addi %mul3A_3866, %gather3A_3875 : vector<16xi32>
      %lt3A_3877 = arith.constant 8 : i32
      %lt3A_3878 = vector.broadcast %lt3A_3877 : i32 to vector<16xi32>
      %lt3A_3879 = arith.cmpi slt, %iota3A, %lt3A_3878 : vector<16xi32>
      %select_n3A_3880 = arith.select %lt3A_3879, %add3A_3857, %add3A_3876 : vector<16xi1>, vector<16xi32>
      %swap3A_3881 = arith.constant 96 : index
      %swap3A_3882 = tpu.vector_load %arg10[%swap3A_3881] {strides = array<i32>} : memref<128xi32, #tpu.memory_space<vmem>>, vector<16xi32>,
      %swap3A_3883 = vector.shape_cast %swap3A_3882 : vector<16xi32> to vector<16xi32>
      %swap3A_3884 = vector.shape_cast %select_n3A_3880 : vector<16xi32> to vector<16xi32>
      tpu.vector_store %arg10[%swap3A_3881], %swap3A_3884 {strides = array<i32>} : memref<128xi32, #tpu.memory_space<vmem>>, vector<16xi32>,
      %get3A_3885 = arith.constant 224 : index
      %get3A_3886 = tpu.vector_load %arg6[%get3A_3885] {strides = array<i32>} : memref<512xi32, #tpu.memory_space<vmem>>, vector<16xi32>,
      %get3A_3887 = vector.shape_cast %get3A_3886 : vector<16xi32> to vector<16xi32>
      %get3A_3888 = arith.constant 240 : index
      %get3A_3889 = tpu.vector_load %arg6[%get3A_3888] {strides = array<i32>} : memref<512xi32, #tpu.memory_space<vmem>>, vector<16xi32>,
      %get3A_3890 = vector.shape_cast %get3A_3889 : vector<16xi32> to vector<16xi32>
      %mul3A_3891 = arith.constant 2 : i32
      %mul3A_3892 = vector.broadcast %mul3A_3891 : i32 to vector<16xi32>
      %mul3A_3893 = arith.muli %select_n3A_19, %mul3A_3892 : vector<16xi32>
      %broadcast_in_dim3A_3894 = vector.shape_cast %mul3A_3893 : vector<16xi32> to vector<16x1xi32>
      %gather3A_3895 = vector.shape_cast %broadcast_in_dim3A_3894 : vector<16x1xi32> to vector<16xi32>
      %gather3A_3896 = tpu.dynamic_gather %get3A_3887[%gather3A_3895] in [0] : vector<16xi32>, vector<16xi32> -> vector<16xi32>
      %mul3A_3897 = arith.constant 16 : i32
      %mul3A_3898 = vector.broadcast %mul3A_3897 : i32 to vector<16xi32>
      %mul3A_3899 = arith.muli %mul3A_3898, %gather3A_3896 : vector<16xi32>
      %mul3A_3900 = arith.constant 2 : i32
      %mul3A_3901 = vector.broadcast %mul3A_3900 : i32 to vector<16xi32>
      %mul3A_3902 = arith.muli %select_n3A_19, %mul3A_3901 : vector<16xi32>
      %add3A_3903 = arith.constant 1 : i32
      %add3A_3904 = vector.broadcast %add3A_3903 : i32 to vector<16xi32>
      %add3A_3905 = arith.addi %mul3A_3902, %add3A_3904 : vector<16xi32>
      %broadcast_in_dim3A_3906 = vector.shape_cast %add3A_3905 : vector<16xi32> to vector<16x1xi32>
      %gather3A_3907 = vector.shape_cast %broadcast_in_dim3A_3906 : vector<16x1xi32> to vector<16xi32>
      %gather3A_3908 = tpu.dynamic_gather %get3A_3887[%gather3A_3907] in [0] : vector<16xi32>, vector<16xi32> -> vector<16xi32>
      %add3A_3909 = arith.addi %mul3A_3899, %gather3A_3908 : vector<16xi32>
      %mul3A_3910 = arith.constant 2 : i32
      %mul3A_3911 = vector.broadcast %mul3A_3910 : i32 to vector<16xi32>
      %mul3A_3912 = arith.muli %select_n3A_19, %mul3A_3911 : vector<16xi32>
      %broadcast_in_dim3A_3913 = vector.shape_cast %mul3A_3912 : vector<16xi32> to vector<16x1xi32>
      %gather3A_3914 = vector.shape_cast %broadcast_in_dim3A_3913 : vector<16x1xi32> to vector<16xi32>
      %gather3A_3915 = tpu.dynamic_gather %get3A_3890[%gather3A_3914] in [0] : vector<16xi32>, vector<16xi32> -> vector<16xi32>
      %mul3A_3916 = arith.constant 16 : i32
      %mul3A_3917 = vector.broadcast %mul3A_3916 : i32 to vector<16xi32>
      %mul3A_3918 = arith.muli %mul3A_3917, %gather3A_3915 : vector<16xi32>
      %mul3A_3919 = arith.constant 2 : i32
      %mul3A_3920 = vector.broadcast %mul3A_3919 : i32 to vector<16xi32>
      %mul3A_3921 = arith.muli %select_n3A_19, %mul3A_3920 : vector<16xi32>
      %add3A_3922 = arith.constant 1 : i32
      %add3A_3923 = vector.broadcast %add3A_3922 : i32 to vector<16xi32>
      %add3A_3924 = arith.addi %mul3A_3921, %add3A_3923 : vector<16xi32>
      %broadcast_in_dim3A_3925 = vector.shape_cast %add3A_3924 : vector<16xi32> to vector<16x1xi32>
      %gather3A_3926 = vector.shape_cast %broadcast_in_dim3A_3925 : vector<16x1xi32> to vector<16xi32>
      %gather3A_3927 = tpu.dynamic_gather %get3A_3890[%gather3A_3926] in [0] : vector<16xi32>, vector<16xi32> -> vector<16xi32>
      %add3A_3928 = arith.addi %mul3A_3918, %gather3A_3927 : vector<16xi32>
      %lt3A_3929 = arith.constant 8 : i32
      %lt3A_3930 = vector.broadcast %lt3A_3929 : i32 to vector<16xi32>
      %lt3A_3931 = arith.cmpi slt, %iota3A, %lt3A_3930 : vector<16xi32>
      %select_n3A_3932 = arith.select %lt3A_3931, %add3A_3909, %add3A_3928 : vector<16xi1>, vector<16xi32>
      %swap3A_3933 = arith.constant 112 : index
      %swap3A_3934 = tpu.vector_load %arg10[%swap3A_3933] {strides = array<i32>} : memref<128xi32, #tpu.memory_space<vmem>>, vector<16xi32>,
      %swap3A_3935 = vector.shape_cast %swap3A_3934 : vector<16xi32> to vector<16xi32>
      %swap3A_3936 = vector.shape_cast %select_n3A_3932 : vector<16xi32> to vector<16xi32>
      tpu.vector_store %arg10[%swap3A_3933], %swap3A_3936 {strides = array<i32>} : memref<128xi32, #tpu.memory_space<vmem>>, vector<16xi32>,
      %get3A_3937 = arith.constant 256 : index
      %get3A_3938 = tpu.vector_load %arg6[%get3A_3937] {strides = array<i32>} : memref<512xi32, #tpu.memory_space<vmem>>, vector<16xi32>,
      %get3A_3939 = vector.shape_cast %get3A_3938 : vector<16xi32> to vector<16xi32>
      %get3A_3940 = arith.constant 272 : index
      %get3A_3941 = tpu.vector_load %arg6[%get3A_3940] {strides = array<i32>} : memref<512xi32, #tpu.memory_space<vmem>>, vector<16xi32>,
      %get3A_3942 = vector.shape_cast %get3A_3941 : vector<16xi32> to vector<16xi32>
      %mul3A_3943 = arith.constant 2 : i32
      %mul3A_3944 = vector.broadcast %mul3A_3943 : i32 to vector<16xi32>
      %mul3A_3945 = arith.muli %select_n3A_19, %mul3A_3944 : vector<16xi32>
      %broadcast_in_dim3A_3946 = vector.shape_cast %mul3A_3945 : vector<16xi32> to vector<16x1xi32>
      %gather3A_3947 = vector.shape_cast %broadcast_in_dim3A_3946 : vector<16x1xi32> to vector<16xi32>
      %gather3A_3948 = tpu.dynamic_gather %get3A_3939[%gather3A_3947] in [0] : vector<16xi32>, vector<16xi32> -> vector<16xi32>
      %mul3A_3949 = arith.constant 16 : i32
      %mul3A_3950 = vector.broadcast %mul3A_3949 : i32 to vector<16xi32>
      %mul3A_3951 = arith.muli %mul3A_3950, %gather3A_3948 : vector<16xi32>
      %mul3A_3952 = arith.constant 2 : i32
      %mul3A_3953 = vector.broadcast %mul3A_3952 : i32 to vector<16xi32>
      %mul3A_3954 = arith.muli %select_n3A_19, %mul3A_3953 : vector<16xi32>
      %add3A_3955 = arith.constant 1 : i32
      %add3A_3956 = vector.broadcast %add3A_3955 : i32 to vector<16xi32>
      %add3A_3957 = arith.addi %mul3A_3954, %add3A_3956 : vector<16xi32>
      %broadcast_in_dim3A_3958 = vector.shape_cast %add3A_3957 : vector<16xi32> to vector<16x1xi32>
      %gather3A_3959 = vector.shape_cast %broadcast_in_dim3A_3958 : vector<16x1xi32> to vector<16xi32>
      %gather3A_3960 = tpu.dynamic_gather %get3A_3939[%gather3A_3959] in [0] : vector<16xi32>, vector<16xi32> -> vector<16xi32>
      %add3A_3961 = arith.addi %mul3A_3951, %gather3A_3960 : vector<16xi32>
      %mul3A_3962 = arith.constant 2 : i32
      %mul3A_3963 = vector.broadcast %mul3A_3962 : i32 to vector<16xi32>
      %mul3A_3964 = arith.muli %select_n3A_19, %mul3A_3963 : vector<16xi32>
      %broadcast_in_dim3A_3965 = vector.shape_cast %mul3A_3964 : vector<16xi32> to vector<16x1xi32>
      %gather3A_3966 = vector.shape_cast %broadcast_in_dim3A_3965 : vector<16x1xi32> to vector<16xi32>
      %gather3A_3967 = tpu.dynamic_gather %get3A_3942[%gather3A_3966] in [0] : vector<16xi32>, vector<16xi32> -> vector<16xi32>
      %mul3A_3968 = arith.constant 16 : i32
      %mul3A_3969 = vector.broadcast %mul3A_3968 : i32 to vector<16xi32>
      %mul3A_3970 = arith.muli %mul3A_3969, %gather3A_3967 : vector<16xi32>
      %mul3A_3971 = arith.constant 2 : i32
      %mul3A_3972 = vector.broadcast %mul3A_3971 : i32 to vector<16xi32>
      %mul3A_3973 = arith.muli %select_n3A_19, %mul3A_3972 : vector<16xi32>
      %add3A_3974 = arith.constant 1 : i32
      %add3A_3975 = vector.broadcast %add3A_3974 : i32 to vector<16xi32>
      %add3A_3976 = arith.addi %mul3A_3973, %add3A_3975 : vector<16xi32>
      %broadcast_in_dim3A_3977 = vector.shape_cast %add3A_3976 : vector<16xi32> to vector<16x1xi32>
      %gather3A_3978 = vector.shape_cast %broadcast_in_dim3A_3977 : vector<16x1xi32> to vector<16xi32>
      %gather3A_3979 = tpu.dynamic_gather %get3A_3942[%gather3A_3978] in [0] : vector<16xi32>, vector<16xi32> -> vector<16xi32>
      %add3A_3980 = arith.addi %mul3A_3970, %gather3A_3979 : vector<16xi32>
      %lt3A_3981 = arith.constant 8 : i32
      %lt3A_3982 = vector.broadcast %lt3A_3981 : i32 to vector<16xi32>
      %lt3A_3983 = arith.cmpi slt, %iota3A, %lt3A_3982 : vector<16xi32>
      %select_n3A_3984 = arith.select %lt3A_3983, %add3A_3961, %add3A_3980 : vector<16xi1>, vector<16xi32>
      %swap3A_3985 = arith.constant 0 : index
      %swap3A_3986 = tpu.vector_load %arg11[%swap3A_3985] {strides = array<i32>} : memref<128xi32, #tpu.memory_space<vmem>>, vector<16xi32>,
      %swap3A_3987 = vector.shape_cast %swap3A_3986 : vector<16xi32> to vector<16xi32>
      %swap3A_3988 = vector.shape_cast %select_n3A_3984 : vector<16xi32> to vector<16xi32>
      tpu.vector_store %arg11[%swap3A_3985], %swap3A_3988 {strides = array<i32>} : memref<128xi32, #tpu.memory_space<vmem>>, vector<16xi32>,
      %get3A_3989 = arith.constant 288 : index
      %get3A_3990 = tpu.vector_load %arg6[%get3A_3989] {strides = array<i32>} : memref<512xi32, #tpu.memory_space<vmem>>, vector<16xi32>,
      %get3A_3991 = vector.shape_cast %get3A_3990 : vector<16xi32> to vector<16xi32>
      %get3A_3992 = arith.constant 304 : index
      %get3A_3993 = tpu.vector_load %arg6[%get3A_3992] {strides = array<i32>} : memref<512xi32, #tpu.memory_space<vmem>>, vector<16xi32>,
      %get3A_3994 = vector.shape_cast %get3A_3993 : vector<16xi32> to vector<16xi32>
      %mul3A_3995 = arith.constant 2 : i32
      %mul3A_3996 = vector.broadcast %mul3A_3995 : i32 to vector<16xi32>
      %mul3A_3997 = arith.muli %select_n3A_19, %mul3A_3996 : vector<16xi32>
      %broadcast_in_dim3A_3998 = vector.shape_cast %mul3A_3997 : vector<16xi32> to vector<16x1xi32>
      %gather3A_3999 = vector.shape_cast %broadcast_in_dim3A_3998 : vector<16x1xi32> to vector<16xi32>
      %gather3A_4000 = tpu.dynamic_gather %get3A_3991[%gather3A_3999] in [0] : vector<16xi32>, vector<16xi32> -> vector<16xi32>
      %mul3A_4001 = arith.constant 16 : i32
      %mul3A_4002 = vector.broadcast %mul3A_4001 : i32 to vector<16xi32>
      %mul3A_4003 = arith.muli %mul3A_4002, %gather3A_4000 : vector<16xi32>
      %mul3A_4004 = arith.constant 2 : i32
      %mul3A_4005 = vector.broadcast %mul3A_4004 : i32 to vector<16xi32>
      %mul3A_4006 = arith.muli %select_n3A_19, %mul3A_4005 : vector<16xi32>
      %add3A_4007 = arith.constant 1 : i32
      %add3A_4008 = vector.broadcast %add3A_4007 : i32 to vector<16xi32>
      %add3A_4009 = arith.addi %mul3A_4006, %add3A_4008 : vector<16xi32>
      %broadcast_in_dim3A_4010 = vector.shape_cast %add3A_4009 : vector<16xi32> to vector<16x1xi32>
      %gather3A_4011 = vector.shape_cast %broadcast_in_dim3A_4010 : vector<16x1xi32> to vector<16xi32>
      %gather3A_4012 = tpu.dynamic_gather %get3A_3991[%gather3A_4011] in [0] : vector<16xi32>, vector<16xi32> -> vector<16xi32>
      %add3A_4013 = arith.addi %mul3A_4003, %gather3A_4012 : vector<16xi32>
      %mul3A_4014 = arith.constant 2 : i32
      %mul3A_4015 = vector.broadcast %mul3A_4014 : i32 to vector<16xi32>
      %mul3A_4016 = arith.muli %select_n3A_19, %mul3A_4015 : vector<16xi32>
      %broadcast_in_dim3A_4017 = vector.shape_cast %mul3A_4016 : vector<16xi32> to vector<16x1xi32>
      %gather3A_4018 = vector.shape_cast %broadcast_in_dim3A_4017 : vector<16x1xi32> to vector<16xi32>
      %gather3A_4019 = tpu.dynamic_gather %get3A_3994[%gather3A_4018] in [0] : vector<16xi32>, vector<16xi32> -> vector<16xi32>
      %mul3A_4020 = arith.constant 16 : i32
      %mul3A_4021 = vector.broadcast %mul3A_4020 : i32 to vector<16xi32>
      %mul3A_4022 = arith.muli %mul3A_4021, %gather3A_4019 : vector<16xi32>
      %mul3A_4023 = arith.constant 2 : i32
      %mul3A_4024 = vector.broadcast %mul3A_4023 : i32 to vector<16xi32>
      %mul3A_4025 = arith.muli %select_n3A_19, %mul3A_4024 : vector<16xi32>
      %add3A_4026 = arith.constant 1 : i32
      %add3A_4027 = vector.broadcast %add3A_4026 : i32 to vector<16xi32>
      %add3A_4028 = arith.addi %mul3A_4025, %add3A_4027 : vector<16xi32>
      %broadcast_in_dim3A_4029 = vector.shape_cast %add3A_4028 : vector<16xi32> to vector<16x1xi32>
      %gather3A_4030 = vector.shape_cast %broadcast_in_dim3A_4029 : vector<16x1xi32> to vector<16xi32>
      %gather3A_4031 = tpu.dynamic_gather %get3A_3994[%gather3A_4030] in [0] : vector<16xi32>, vector<16xi32> -> vector<16xi32>
      %add3A_4032 = arith.addi %mul3A_4022, %gather3A_4031 : vector<16xi32>
      %lt3A_4033 = arith.constant 8 : i32
      %lt3A_4034 = vector.broadcast %lt3A_4033 : i32 to vector<16xi32>
      %lt3A_4035 = arith.cmpi slt, %iota3A, %lt3A_4034 : vector<16xi32>
      %select_n3A_4036 = arith.select %lt3A_4035, %add3A_4013, %add3A_4032 : vector<16xi1>, vector<16xi32>
      %swap3A_4037 = arith.constant 16 : index
      %swap3A_4038 = tpu.vector_load %arg11[%swap3A_4037] {strides = array<i32>} : memref<128xi32, #tpu.memory_space<vmem>>, vector<16xi32>,
      %swap3A_4039 = vector.shape_cast %swap3A_4038 : vector<16xi32> to vector<16xi32>
      %swap3A_4040 = vector.shape_cast %select_n3A_4036 : vector<16xi32> to vector<16xi32>
      tpu.vector_store %arg11[%swap3A_4037], %swap3A_4040 {strides = array<i32>} : memref<128xi32, #tpu.memory_space<vmem>>, vector<16xi32>,
      %get3A_4041 = arith.constant 320 : index
      %get3A_4042 = tpu.vector_load %arg6[%get3A_4041] {strides = array<i32>} : memref<512xi32, #tpu.memory_space<vmem>>, vector<16xi32>,
      %get3A_4043 = vector.shape_cast %get3A_4042 : vector<16xi32> to vector<16xi32>
      %get3A_4044 = arith.constant 336 : index
      %get3A_4045 = tpu.vector_load %arg6[%get3A_4044] {strides = array<i32>} : memref<512xi32, #tpu.memory_space<vmem>>, vector<16xi32>,
      %get3A_4046 = vector.shape_cast %get3A_4045 : vector<16xi32> to vector<16xi32>
      %mul3A_4047 = arith.constant 2 : i32
      %mul3A_4048 = vector.broadcast %mul3A_4047 : i32 to vector<16xi32>
      %mul3A_4049 = arith.muli %select_n3A_19, %mul3A_4048 : vector<16xi32>
      %broadcast_in_dim3A_4050 = vector.shape_cast %mul3A_4049 : vector<16xi32> to vector<16x1xi32>
      %gather3A_4051 = vector.shape_cast %broadcast_in_dim3A_4050 : vector<16x1xi32> to vector<16xi32>
      %gather3A_4052 = tpu.dynamic_gather %get3A_4043[%gather3A_4051] in [0] : vector<16xi32>, vector<16xi32> -> vector<16xi32>
      %mul3A_4053 = arith.constant 16 : i32
      %mul3A_4054 = vector.broadcast %mul3A_4053 : i32 to vector<16xi32>
      %mul3A_4055 = arith.muli %mul3A_4054, %gather3A_4052 : vector<16xi32>
      %mul3A_4056 = arith.constant 2 : i32
      %mul3A_4057 = vector.broadcast %mul3A_4056 : i32 to vector<16xi32>
      %mul3A_4058 = arith.muli %select_n3A_19, %mul3A_4057 : vector<16xi32>
      %add3A_4059 = arith.constant 1 : i32
      %add3A_4060 = vector.broadcast %add3A_4059 : i32 to vector<16xi32>
      %add3A_4061 = arith.addi %mul3A_4058, %add3A_4060 : vector<16xi32>
      %broadcast_in_dim3A_4062 = vector.shape_cast %add3A_4061 : vector<16xi32> to vector<16x1xi32>
      %gather3A_4063 = vector.shape_cast %broadcast_in_dim3A_4062 : vector<16x1xi32> to vector<16xi32>
      %gather3A_4064 = tpu.dynamic_gather %get3A_4043[%gather3A_4063] in [0] : vector<16xi32>, vector<16xi32> -> vector<16xi32>
      %add3A_4065 = arith.addi %mul3A_4055, %gather3A_4064 : vector<16xi32>
      %mul3A_4066 = arith.constant 2 : i32
      %mul3A_4067 = vector.broadcast %mul3A_4066 : i32 to vector<16xi32>
      %mul3A_4068 = arith.muli %select_n3A_19, %mul3A_4067 : vector<16xi32>
      %broadcast_in_dim3A_4069 = vector.shape_cast %mul3A_4068 : vector<16xi32> to vector<16x1xi32>
      %gather3A_4070 = vector.shape_cast %broadcast_in_dim3A_4069 : vector<16x1xi32> to vector<16xi32>
      %gather3A_4071 = tpu.dynamic_gather %get3A_4046[%gather3A_4070] in [0] : vector<16xi32>, vector<16xi32> -> vector<16xi32>
      %mul3A_4072 = arith.constant 16 : i32
      %mul3A_4073 = vector.broadcast %mul3A_4072 : i32 to vector<16xi32>
      %mul3A_4074 = arith.muli %mul3A_4073, %gather3A_4071 : vector<16xi32>
      %mul3A_4075 = arith.constant 2 : i32
      %mul3A_4076 = vector.broadcast %mul3A_4075 : i32 to vector<16xi32>
      %mul3A_4077 = arith.muli %select_n3A_19, %mul3A_4076 : vector<16xi32>
      %add3A_4078 = arith.constant 1 : i32
      %add3A_4079 = vector.broadcast %add3A_4078 : i32 to vector<16xi32>
      %add3A_4080 = arith.addi %mul3A_4077, %add3A_4079 : vector<16xi32>
      %broadcast_in_dim3A_4081 = vector.shape_cast %add3A_4080 : vector<16xi32> to vector<16x1xi32>
      %gather3A_4082 = vector.shape_cast %broadcast_in_dim3A_4081 : vector<16x1xi32> to vector<16xi32>
      %gather3A_4083 = tpu.dynamic_gather %get3A_4046[%gather3A_4082] in [0] : vector<16xi32>, vector<16xi32> -> vector<16xi32>
      %add3A_4084 = arith.addi %mul3A_4074, %gather3A_4083 : vector<16xi32>
      %lt3A_4085 = arith.constant 8 : i32
      %lt3A_4086 = vector.broadcast %lt3A_4085 : i32 to vector<16xi32>
      %lt3A_4087 = arith.cmpi slt, %iota3A, %lt3A_4086 : vector<16xi32>
      %select_n3A_4088 = arith.select %lt3A_4087, %add3A_4065, %add3A_4084 : vector<16xi1>, vector<16xi32>
      %swap3A_4089 = arith.constant 32 : index
      %swap3A_4090 = tpu.vector_load %arg11[%swap3A_4089] {strides = array<i32>} : memref<128xi32, #tpu.memory_space<vmem>>, vector<16xi32>,
      %swap3A_4091 = vector.shape_cast %swap3A_4090 : vector<16xi32> to vector<16xi32>
      %swap3A_4092 = vector.shape_cast %select_n3A_4088 : vector<16xi32> to vector<16xi32>
      tpu.vector_store %arg11[%swap3A_4089], %swap3A_4092 {strides = array<i32>} : memref<128xi32, #tpu.memory_space<vmem>>, vector<16xi32>,
      %get3A_4093 = arith.constant 352 : index
      %get3A_4094 = tpu.vector_load %arg6[%get3A_4093] {strides = array<i32>} : memref<512xi32, #tpu.memory_space<vmem>>, vector<16xi32>,
      %get3A_4095 = vector.shape_cast %get3A_4094 : vector<16xi32> to vector<16xi32>
      %get3A_4096 = arith.constant 368 : index
      %get3A_4097 = tpu.vector_load %arg6[%get3A_4096] {strides = array<i32>} : memref<512xi32, #tpu.memory_space<vmem>>, vector<16xi32>,
      %get3A_4098 = vector.shape_cast %get3A_4097 : vector<16xi32> to vector<16xi32>
      %mul3A_4099 = arith.constant 2 : i32
      %mul3A_4100 = vector.broadcast %mul3A_4099 : i32 to vector<16xi32>
      %mul3A_4101 = arith.muli %select_n3A_19, %mul3A_4100 : vector<16xi32>
      %broadcast_in_dim3A_4102 = vector.shape_cast %mul3A_4101 : vector<16xi32> to vector<16x1xi32>
      %gather3A_4103 = vector.shape_cast %broadcast_in_dim3A_4102 : vector<16x1xi32> to vector<16xi32>
      %gather3A_4104 = tpu.dynamic_gather %get3A_4095[%gather3A_4103] in [0] : vector<16xi32>, vector<16xi32> -> vector<16xi32>
      %mul3A_4105 = arith.constant 16 : i32
      %mul3A_4106 = vector.broadcast %mul3A_4105 : i32 to vector<16xi32>
      %mul3A_4107 = arith.muli %mul3A_4106, %gather3A_4104 : vector<16xi32>
      %mul3A_4108 = arith.constant 2 : i32
      %mul3A_4109 = vector.broadcast %mul3A_4108 : i32 to vector<16xi32>
      %mul3A_4110 = arith.muli %select_n3A_19, %mul3A_4109 : vector<16xi32>
      %add3A_4111 = arith.constant 1 : i32
      %add3A_4112 = vector.broadcast %add3A_4111 : i32 to vector<16xi32>
      %add3A_4113 = arith.addi %mul3A_4110, %add3A_4112 : vector<16xi32>
      %broadcast_in_dim3A_4114 = vector.shape_cast %add3A_4113 : vector<16xi32> to vector<16x1xi32>
      %gather3A_4115 = vector.shape_cast %broadcast_in_dim3A_4114 : vector<16x1xi32> to vector<16xi32>
      %gather3A_4116 = tpu.dynamic_gather %get3A_4095[%gather3A_4115] in [0] : vector<16xi32>, vector<16xi32> -> vector<16xi32>
      %add3A_4117 = arith.addi %mul3A_4107, %gather3A_4116 : vector<16xi32>
      %mul3A_4118 = arith.constant 2 : i32
      %mul3A_4119 = vector.broadcast %mul3A_4118 : i32 to vector<16xi32>
      %mul3A_4120 = arith.muli %select_n3A_19, %mul3A_4119 : vector<16xi32>
      %broadcast_in_dim3A_4121 = vector.shape_cast %mul3A_4120 : vector<16xi32> to vector<16x1xi32>
      %gather3A_4122 = vector.shape_cast %broadcast_in_dim3A_4121 : vector<16x1xi32> to vector<16xi32>
      %gather3A_4123 = tpu.dynamic_gather %get3A_4098[%gather3A_4122] in [0] : vector<16xi32>, vector<16xi32> -> vector<16xi32>
      %mul3A_4124 = arith.constant 16 : i32
      %mul3A_4125 = vector.broadcast %mul3A_4124 : i32 to vector<16xi32>
      %mul3A_4126 = arith.muli %mul3A_4125, %gather3A_4123 : vector<16xi32>
      %mul3A_4127 = arith.constant 2 : i32
      %mul3A_4128 = vector.broadcast %mul3A_4127 : i32 to vector<16xi32>
      %mul3A_4129 = arith.muli %select_n3A_19, %mul3A_4128 : vector<16xi32>
      %add3A_4130 = arith.constant 1 : i32
      %add3A_4131 = vector.broadcast %add3A_4130 : i32 to vector<16xi32>
      %add3A_4132 = arith.addi %mul3A_4129, %add3A_4131 : vector<16xi32>
      %broadcast_in_dim3A_4133 = vector.shape_cast %add3A_4132 : vector<16xi32> to vector<16x1xi32>
      %gather3A_4134 = vector.shape_cast %broadcast_in_dim3A_4133 : vector<16x1xi32> to vector<16xi32>
      %gather3A_4135 = tpu.dynamic_gather %get3A_4098[%gather3A_4134] in [0] : vector<16xi32>, vector<16xi32> -> vector<16xi32>
      %add3A_4136 = arith.addi %mul3A_4126, %gather3A_4135 : vector<16xi32>
      %lt3A_4137 = arith.constant 8 : i32
      %lt3A_4138 = vector.broadcast %lt3A_4137 : i32 to vector<16xi32>
      %lt3A_4139 = arith.cmpi slt, %iota3A, %lt3A_4138 : vector<16xi32>
      %select_n3A_4140 = arith.select %lt3A_4139, %add3A_4117, %add3A_4136 : vector<16xi1>, vector<16xi32>
      %swap3A_4141 = arith.constant 48 : index
      %swap3A_4142 = tpu.vector_load %arg11[%swap3A_4141] {strides = array<i32>} : memref<128xi32, #tpu.memory_space<vmem>>, vector<16xi32>,
      %swap3A_4143 = vector.shape_cast %swap3A_4142 : vector<16xi32> to vector<16xi32>
      %swap3A_4144 = vector.shape_cast %select_n3A_4140 : vector<16xi32> to vector<16xi32>
      tpu.vector_store %arg11[%swap3A_4141], %swap3A_4144 {strides = array<i32>} : memref<128xi32, #tpu.memory_space<vmem>>, vector<16xi32>,
      %get3A_4145 = arith.constant 384 : index
      %get3A_4146 = tpu.vector_load %arg6[%get3A_4145] {strides = array<i32>} : memref<512xi32, #tpu.memory_space<vmem>>, vector<16xi32>,
      %get3A_4147 = vector.shape_cast %get3A_4146 : vector<16xi32> to vector<16xi32>
      %get3A_4148 = arith.constant 400 : index
      %get3A_4149 = tpu.vector_load %arg6[%get3A_4148] {strides = array<i32>} : memref<512xi32, #tpu.memory_space<vmem>>, vector<16xi32>,
      %get3A_4150 = vector.shape_cast %get3A_4149 : vector<16xi32> to vector<16xi32>
      %mul3A_4151 = arith.constant 2 : i32
      %mul3A_4152 = vector.broadcast %mul3A_4151 : i32 to vector<16xi32>
      %mul3A_4153 = arith.muli %select_n3A_19, %mul3A_4152 : vector<16xi32>
      %broadcast_in_dim3A_4154 = vector.shape_cast %mul3A_4153 : vector<16xi32> to vector<16x1xi32>
      %gather3A_4155 = vector.shape_cast %broadcast_in_dim3A_4154 : vector<16x1xi32> to vector<16xi32>
      %gather3A_4156 = tpu.dynamic_gather %get3A_4147[%gather3A_4155] in [0] : vector<16xi32>, vector<16xi32> -> vector<16xi32>
      %mul3A_4157 = arith.constant 16 : i32
      %mul3A_4158 = vector.broadcast %mul3A_4157 : i32 to vector<16xi32>
      %mul3A_4159 = arith.muli %mul3A_4158, %gather3A_4156 : vector<16xi32>
      %mul3A_4160 = arith.constant 2 : i32
      %mul3A_4161 = vector.broadcast %mul3A_4160 : i32 to vector<16xi32>
      %mul3A_4162 = arith.muli %select_n3A_19, %mul3A_4161 : vector<16xi32>
      %add3A_4163 = arith.constant 1 : i32
      %add3A_4164 = vector.broadcast %add3A_4163 : i32 to vector<16xi32>
      %add3A_4165 = arith.addi %mul3A_4162, %add3A_4164 : vector<16xi32>
      %broadcast_in_dim3A_4166 = vector.shape_cast %add3A_4165 : vector<16xi32> to vector<16x1xi32>
      %gather3A_4167 = vector.shape_cast %broadcast_in_dim3A_4166 : vector<16x1xi32> to vector<16xi32>
      %gather3A_4168 = tpu.dynamic_gather %get3A_4147[%gather3A_4167] in [0] : vector<16xi32>, vector<16xi32> -> vector<16xi32>
      %add3A_4169 = arith.addi %mul3A_4159, %gather3A_4168 : vector<16xi32>
      %mul3A_4170 = arith.constant 2 : i32
      %mul3A_4171 = vector.broadcast %mul3A_4170 : i32 to vector<16xi32>
      %mul3A_4172 = arith.muli %select_n3A_19, %mul3A_4171 : vector<16xi32>
      %broadcast_in_dim3A_4173 = vector.shape_cast %mul3A_4172 : vector<16xi32> to vector<16x1xi32>
      %gather3A_4174 = vector.shape_cast %broadcast_in_dim3A_4173 : vector<16x1xi32> to vector<16xi32>
      %gather3A_4175 = tpu.dynamic_gather %get3A_4150[%gather3A_4174] in [0] : vector<16xi32>, vector<16xi32> -> vector<16xi32>
      %mul3A_4176 = arith.constant 16 : i32
      %mul3A_4177 = vector.broadcast %mul3A_4176 : i32 to vector<16xi32>
      %mul3A_4178 = arith.muli %mul3A_4177, %gather3A_4175 : vector<16xi32>
      %mul3A_4179 = arith.constant 2 : i32
      %mul3A_4180 = vector.broadcast %mul3A_4179 : i32 to vector<16xi32>
      %mul3A_4181 = arith.muli %select_n3A_19, %mul3A_4180 : vector<16xi32>
      %add3A_4182 = arith.constant 1 : i32
      %add3A_4183 = vector.broadcast %add3A_4182 : i32 to vector<16xi32>
      %add3A_4184 = arith.addi %mul3A_4181, %add3A_4183 : vector<16xi32>
      %broadcast_in_dim3A_4185 = vector.shape_cast %add3A_4184 : vector<16xi32> to vector<16x1xi32>
      %gather3A_4186 = vector.shape_cast %broadcast_in_dim3A_4185 : vector<16x1xi32> to vector<16xi32>
      %gather3A_4187 = tpu.dynamic_gather %get3A_4150[%gather3A_4186] in [0] : vector<16xi32>, vector<16xi32> -> vector<16xi32>
      %add3A_4188 = arith.addi %mul3A_4178, %gather3A_4187 : vector<16xi32>
      %lt3A_4189 = arith.constant 8 : i32
      %lt3A_4190 = vector.broadcast %lt3A_4189 : i32 to vector<16xi32>
      %lt3A_4191 = arith.cmpi slt, %iota3A, %lt3A_4190 : vector<16xi32>
      %select_n3A_4192 = arith.select %lt3A_4191, %add3A_4169, %add3A_4188 : vector<16xi1>, vector<16xi32>
      %swap3A_4193 = arith.constant 64 : index
      %swap3A_4194 = tpu.vector_load %arg11[%swap3A_4193] {strides = array<i32>} : memref<128xi32, #tpu.memory_space<vmem>>, vector<16xi32>,
      %swap3A_4195 = vector.shape_cast %swap3A_4194 : vector<16xi32> to vector<16xi32>
      %swap3A_4196 = vector.shape_cast %select_n3A_4192 : vector<16xi32> to vector<16xi32>
      tpu.vector_store %arg11[%swap3A_4193], %swap3A_4196 {strides = array<i32>} : memref<128xi32, #tpu.memory_space<vmem>>, vector<16xi32>,
      %get3A_4197 = arith.constant 416 : index
      %get3A_4198 = tpu.vector_load %arg6[%get3A_4197] {strides = array<i32>} : memref<512xi32, #tpu.memory_space<vmem>>, vector<16xi32>,
      %get3A_4199 = vector.shape_cast %get3A_4198 : vector<16xi32> to vector<16xi32>
      %get3A_4200 = arith.constant 432 : index
      %get3A_4201 = tpu.vector_load %arg6[%get3A_4200] {strides = array<i32>} : memref<512xi32, #tpu.memory_space<vmem>>, vector<16xi32>,
      %get3A_4202 = vector.shape_cast %get3A_4201 : vector<16xi32> to vector<16xi32>
      %mul3A_4203 = arith.constant 2 : i32
      %mul3A_4204 = vector.broadcast %mul3A_4203 : i32 to vector<16xi32>
      %mul3A_4205 = arith.muli %select_n3A_19, %mul3A_4204 : vector<16xi32>
      %broadcast_in_dim3A_4206 = vector.shape_cast %mul3A_4205 : vector<16xi32> to vector<16x1xi32>
      %gather3A_4207 = vector.shape_cast %broadcast_in_dim3A_4206 : vector<16x1xi32> to vector<16xi32>
      %gather3A_4208 = tpu.dynamic_gather %get3A_4199[%gather3A_4207] in [0] : vector<16xi32>, vector<16xi32> -> vector<16xi32>
      %mul3A_4209 = arith.constant 16 : i32
      %mul3A_4210 = vector.broadcast %mul3A_4209 : i32 to vector<16xi32>
      %mul3A_4211 = arith.muli %mul3A_4210, %gather3A_4208 : vector<16xi32>
      %mul3A_4212 = arith.constant 2 : i32
      %mul3A_4213 = vector.broadcast %mul3A_4212 : i32 to vector<16xi32>
      %mul3A_4214 = arith.muli %select_n3A_19, %mul3A_4213 : vector<16xi32>
      %add3A_4215 = arith.constant 1 : i32
      %add3A_4216 = vector.broadcast %add3A_4215 : i32 to vector<16xi32>
      %add3A_4217 = arith.addi %mul3A_4214, %add3A_4216 : vector<16xi32>
      %broadcast_in_dim3A_4218 = vector.shape_cast %add3A_4217 : vector<16xi32> to vector<16x1xi32>
      %gather3A_4219 = vector.shape_cast %broadcast_in_dim3A_4218 : vector<16x1xi32> to vector<16xi32>
      %gather3A_4220 = tpu.dynamic_gather %get3A_4199[%gather3A_4219] in [0] : vector<16xi32>, vector<16xi32> -> vector<16xi32>
      %add3A_4221 = arith.addi %mul3A_4211, %gather3A_4220 : vector<16xi32>
      %mul3A_4222 = arith.constant 2 : i32
      %mul3A_4223 = vector.broadcast %mul3A_4222 : i32 to vector<16xi32>
      %mul3A_4224 = arith.muli %select_n3A_19, %mul3A_4223 : vector<16xi32>
      %broadcast_in_dim3A_4225 = vector.shape_cast %mul3A_4224 : vector<16xi32> to vector<16x1xi32>
      %gather3A_4226 = vector.shape_cast %broadcast_in_dim3A_4225 : vector<16x1xi32> to vector<16xi32>
      %gather3A_4227 = tpu.dynamic_gather %get3A_4202[%gather3A_4226] in [0] : vector<16xi32>, vector<16xi32> -> vector<16xi32>
      %mul3A_4228 = arith.constant 16 : i32
      %mul3A_4229 = vector.broadcast %mul3A_4228 : i32 to vector<16xi32>
      %mul3A_4230 = arith.muli %mul3A_4229, %gather3A_4227 : vector<16xi32>
      %mul3A_4231 = arith.constant 2 : i32
      %mul3A_4232 = vector.broadcast %mul3A_4231 : i32 to vector<16xi32>
      %mul3A_4233 = arith.muli %select_n3A_19, %mul3A_4232 : vector<16xi32>
      %add3A_4234 = arith.constant 1 : i32
      %add3A_4235 = vector.broadcast %add3A_4234 : i32 to vector<16xi32>
      %add3A_4236 = arith.addi %mul3A_4233, %add3A_4235 : vector<16xi32>
      %broadcast_in_dim3A_4237 = vector.shape_cast %add3A_4236 : vector<16xi32> to vector<16x1xi32>
      %gather3A_4238 = vector.shape_cast %broadcast_in_dim3A_4237 : vector<16x1xi32> to vector<16xi32>
      %gather3A_4239 = tpu.dynamic_gather %get3A_4202[%gather3A_4238] in [0] : vector<16xi32>, vector<16xi32> -> vector<16xi32>
      %add3A_4240 = arith.addi %mul3A_4230, %gather3A_4239 : vector<16xi32>
      %lt3A_4241 = arith.constant 8 : i32
      %lt3A_4242 = vector.broadcast %lt3A_4241 : i32 to vector<16xi32>
      %lt3A_4243 = arith.cmpi slt, %iota3A, %lt3A_4242 : vector<16xi32>
      %select_n3A_4244 = arith.select %lt3A_4243, %add3A_4221, %add3A_4240 : vector<16xi1>, vector<16xi32>
      %swap3A_4245 = arith.constant 80 : index
      %swap3A_4246 = tpu.vector_load %arg11[%swap3A_4245] {strides = array<i32>} : memref<128xi32, #tpu.memory_space<vmem>>, vector<16xi32>,
      %swap3A_4247 = vector.shape_cast %swap3A_4246 : vector<16xi32> to vector<16xi32>
      %swap3A_4248 = vector.shape_cast %select_n3A_4244 : vector<16xi32> to vector<16xi32>
      tpu.vector_store %arg11[%swap3A_4245], %swap3A_4248 {strides = array<i32>} : memref<128xi32, #tpu.memory_space<vmem>>, vector<16xi32>,
      %get3A_4249 = arith.constant 448 : index
      %get3A_4250 = tpu.vector_load %arg6[%get3A_4249] {strides = array<i32>} : memref<512xi32, #tpu.memory_space<vmem>>, vector<16xi32>,
      %get3A_4251 = vector.shape_cast %get3A_4250 : vector<16xi32> to vector<16xi32>
      %get3A_4252 = arith.constant 464 : index
      %get3A_4253 = tpu.vector_load %arg6[%get3A_4252] {strides = array<i32>} : memref<512xi32, #tpu.memory_space<vmem>>, vector<16xi32>,
      %get3A_4254 = vector.shape_cast %get3A_4253 : vector<16xi32> to vector<16xi32>
      %mul3A_4255 = arith.constant 2 : i32
      %mul3A_4256 = vector.broadcast %mul3A_4255 : i32 to vector<16xi32>
      %mul3A_4257 = arith.muli %select_n3A_19, %mul3A_4256 : vector<16xi32>
      %broadcast_in_dim3A_4258 = vector.shape_cast %mul3A_4257 : vector<16xi32> to vector<16x1xi32>
      %gather3A_4259 = vector.shape_cast %broadcast_in_dim3A_4258 : vector<16x1xi32> to vector<16xi32>
      %gather3A_4260 = tpu.dynamic_gather %get3A_4251[%gather3A_4259] in [0] : vector<16xi32>, vector<16xi32> -> vector<16xi32>
      %mul3A_4261 = arith.constant 16 : i32
      %mul3A_4262 = vector.broadcast %mul3A_4261 : i32 to vector<16xi32>
      %mul3A_4263 = arith.muli %mul3A_4262, %gather3A_4260 : vector<16xi32>
      %mul3A_4264 = arith.constant 2 : i32
      %mul3A_4265 = vector.broadcast %mul3A_4264 : i32 to vector<16xi32>
      %mul3A_4266 = arith.muli %select_n3A_19, %mul3A_4265 : vector<16xi32>
      %add3A_4267 = arith.constant 1 : i32
      %add3A_4268 = vector.broadcast %add3A_4267 : i32 to vector<16xi32>
      %add3A_4269 = arith.addi %mul3A_4266, %add3A_4268 : vector<16xi32>
      %broadcast_in_dim3A_4270 = vector.shape_cast %add3A_4269 : vector<16xi32> to vector<16x1xi32>
      %gather3A_4271 = vector.shape_cast %broadcast_in_dim3A_4270 : vector<16x1xi32> to vector<16xi32>
      %gather3A_4272 = tpu.dynamic_gather %get3A_4251[%gather3A_4271] in [0] : vector<16xi32>, vector<16xi32> -> vector<16xi32>
      %add3A_4273 = arith.addi %mul3A_4263, %gather3A_4272 : vector<16xi32>
      %mul3A_4274 = arith.constant 2 : i32
      %mul3A_4275 = vector.broadcast %mul3A_4274 : i32 to vector<16xi32>
      %mul3A_4276 = arith.muli %select_n3A_19, %mul3A_4275 : vector<16xi32>
      %broadcast_in_dim3A_4277 = vector.shape_cast %mul3A_4276 : vector<16xi32> to vector<16x1xi32>
      %gather3A_4278 = vector.shape_cast %broadcast_in_dim3A_4277 : vector<16x1xi32> to vector<16xi32>
      %gather3A_4279 = tpu.dynamic_gather %get3A_4254[%gather3A_4278] in [0] : vector<16xi32>, vector<16xi32> -> vector<16xi32>
      %mul3A_4280 = arith.constant 16 : i32
      %mul3A_4281 = vector.broadcast %mul3A_4280 : i32 to vector<16xi32>
      %mul3A_4282 = arith.muli %mul3A_4281, %gather3A_4279 : vector<16xi32>
      %mul3A_4283 = arith.constant 2 : i32
      %mul3A_4284 = vector.broadcast %mul3A_4283 : i32 to vector<16xi32>
      %mul3A_4285 = arith.muli %select_n3A_19, %mul3A_4284 : vector<16xi32>
      %add3A_4286 = arith.constant 1 : i32
      %add3A_4287 = vector.broadcast %add3A_4286 : i32 to vector<16xi32>
      %add3A_4288 = arith.addi %mul3A_4285, %add3A_4287 : vector<16xi32>
      %broadcast_in_dim3A_4289 = vector.shape_cast %add3A_4288 : vector<16xi32> to vector<16x1xi32>
      %gather3A_4290 = vector.shape_cast %broadcast_in_dim3A_4289 : vector<16x1xi32> to vector<16xi32>
      %gather3A_4291 = tpu.dynamic_gather %get3A_4254[%gather3A_4290] in [0] : vector<16xi32>, vector<16xi32> -> vector<16xi32>
      %add3A_4292 = arith.addi %mul3A_4282, %gather3A_4291 : vector<16xi32>
      %lt3A_4293 = arith.constant 8 : i32
      %lt3A_4294 = vector.broadcast %lt3A_4293 : i32 to vector<16xi32>
      %lt3A_4295 = arith.cmpi slt, %iota3A, %lt3A_4294 : vector<16xi32>
      %select_n3A_4296 = arith.select %lt3A_4295, %add3A_4273, %add3A_4292 : vector<16xi1>, vector<16xi32>
      %swap3A_4297 = arith.constant 96 : index
      %swap3A_4298 = tpu.vector_load %arg11[%swap3A_4297] {strides = array<i32>} : memref<128xi32, #tpu.memory_space<vmem>>, vector<16xi32>,
      %swap3A_4299 = vector.shape_cast %swap3A_4298 : vector<16xi32> to vector<16xi32>
      %swap3A_4300 = vector.shape_cast %select_n3A_4296 : vector<16xi32> to vector<16xi32>
      tpu.vector_store %arg11[%swap3A_4297], %swap3A_4300 {strides = array<i32>} : memref<128xi32, #tpu.memory_space<vmem>>, vector<16xi32>,
      %get3A_4301 = arith.constant 480 : index
      %get3A_4302 = tpu.vector_load %arg6[%get3A_4301] {strides = array<i32>} : memref<512xi32, #tpu.memory_space<vmem>>, vector<16xi32>,
      %get3A_4303 = vector.shape_cast %get3A_4302 : vector<16xi32> to vector<16xi32>
      %get3A_4304 = arith.constant 496 : index
      %get3A_4305 = tpu.vector_load %arg6[%get3A_4304] {strides = array<i32>} : memref<512xi32, #tpu.memory_space<vmem>>, vector<16xi32>,
      %get3A_4306 = vector.shape_cast %get3A_4305 : vector<16xi32> to vector<16xi32>
      %mul3A_4307 = arith.constant 2 : i32
      %mul3A_4308 = vector.broadcast %mul3A_4307 : i32 to vector<16xi32>
      %mul3A_4309 = arith.muli %select_n3A_19, %mul3A_4308 : vector<16xi32>
      %broadcast_in_dim3A_4310 = vector.shape_cast %mul3A_4309 : vector<16xi32> to vector<16x1xi32>
      %gather3A_4311 = vector.shape_cast %broadcast_in_dim3A_4310 : vector<16x1xi32> to vector<16xi32>
      %gather3A_4312 = tpu.dynamic_gather %get3A_4303[%gather3A_4311] in [0] : vector<16xi32>, vector<16xi32> -> vector<16xi32>
      %mul3A_4313 = arith.constant 16 : i32
      %mul3A_4314 = vector.broadcast %mul3A_4313 : i32 to vector<16xi32>
      %mul3A_4315 = arith.muli %mul3A_4314, %gather3A_4312 : vector<16xi32>
      %mul3A_4316 = arith.constant 2 : i32
      %mul3A_4317 = vector.broadcast %mul3A_4316 : i32 to vector<16xi32>
      %mul3A_4318 = arith.muli %select_n3A_19, %mul3A_4317 : vector<16xi32>
      %add3A_4319 = arith.constant 1 : i32
      %add3A_4320 = vector.broadcast %add3A_4319 : i32 to vector<16xi32>
      %add3A_4321 = arith.addi %mul3A_4318, %add3A_4320 : vector<16xi32>
      %broadcast_in_dim3A_4322 = vector.shape_cast %add3A_4321 : vector<16xi32> to vector<16x1xi32>
      %gather3A_4323 = vector.shape_cast %broadcast_in_dim3A_4322 : vector<16x1xi32> to vector<16xi32>
      %gather3A_4324 = tpu.dynamic_gather %get3A_4303[%gather3A_4323] in [0] : vector<16xi32>, vector<16xi32> -> vector<16xi32>
      %add3A_4325 = arith.addi %mul3A_4315, %gather3A_4324 : vector<16xi32>
      %mul3A_4326 = arith.constant 2 : i32
      %mul3A_4327 = vector.broadcast %mul3A_4326 : i32 to vector<16xi32>
      %mul3A_4328 = arith.muli %select_n3A_19, %mul3A_4327 : vector<16xi32>
      %broadcast_in_dim3A_4329 = vector.shape_cast %mul3A_4328 : vector<16xi32> to vector<16x1xi32>
      %gather3A_4330 = vector.shape_cast %broadcast_in_dim3A_4329 : vector<16x1xi32> to vector<16xi32>
      %gather3A_4331 = tpu.dynamic_gather %get3A_4306[%gather3A_4330] in [0] : vector<16xi32>, vector<16xi32> -> vector<16xi32>
      %mul3A_4332 = arith.constant 16 : i32
      %mul3A_4333 = vector.broadcast %mul3A_4332 : i32 to vector<16xi32>
      %mul3A_4334 = arith.muli %mul3A_4333, %gather3A_4331 : vector<16xi32>
      %mul3A_4335 = arith.constant 2 : i32
      %mul3A_4336 = vector.broadcast %mul3A_4335 : i32 to vector<16xi32>
      %mul3A_4337 = arith.muli %select_n3A_19, %mul3A_4336 : vector<16xi32>
      %add3A_4338 = arith.constant 1 : i32
      %add3A_4339 = vector.broadcast %add3A_4338 : i32 to vector<16xi32>
      %add3A_4340 = arith.addi %mul3A_4337, %add3A_4339 : vector<16xi32>
      %broadcast_in_dim3A_4341 = vector.shape_cast %add3A_4340 : vector<16xi32> to vector<16x1xi32>
      %gather3A_4342 = vector.shape_cast %broadcast_in_dim3A_4341 : vector<16x1xi32> to vector<16xi32>
      %gather3A_4343 = tpu.dynamic_gather %get3A_4306[%gather3A_4342] in [0] : vector<16xi32>, vector<16xi32> -> vector<16xi32>
      %add3A_4344 = arith.addi %mul3A_4334, %gather3A_4343 : vector<16xi32>
      %lt3A_4345 = arith.constant 8 : i32
      %lt3A_4346 = vector.broadcast %lt3A_4345 : i32 to vector<16xi32>
      %lt3A_4347 = arith.cmpi slt, %iota3A, %lt3A_4346 : vector<16xi32>
      %select_n3A_4348 = arith.select %lt3A_4347, %add3A_4325, %add3A_4344 : vector<16xi1>, vector<16xi32>
      %swap3A_4349 = arith.constant 112 : index
      %swap3A_4350 = tpu.vector_load %arg11[%swap3A_4349] {strides = array<i32>} : memref<128xi32, #tpu.memory_space<vmem>>, vector<16xi32>,
      %swap3A_4351 = vector.shape_cast %swap3A_4350 : vector<16xi32> to vector<16xi32>
      %swap3A_4352 = vector.shape_cast %select_n3A_4348 : vector<16xi32> to vector<16xi32>
      tpu.vector_store %arg11[%swap3A_4349], %swap3A_4352 {strides = array<i32>} : memref<128xi32, #tpu.memory_space<vmem>>, vector<16xi32>,
      %add3A_4353 = arith.constant 2 : i32
      %add3A_4354 = arith.addi %add3A_3516, %add3A_4353 : i32
      %mul3A_4355 = arith.constant 512 : i32
      %mul3A_4356 = arith.muli %add3A_4354, %mul3A_4355 : i32
      %add3A_4357 = arith.addi %mul3A_2, %mul3A_4356 : i32
      %dma_start3A_4358 = tpu.memref_slice %arg2[%add3A_4357] : memref<3276800xi32, #tpu.memory_space<hbm>> -> memref<512xi32, #tpu.memory_space<hbm>>
      %dma_start3A_4359 = tpu.memref_slice %arg2[%add3A_4357] : memref<3276800xi32, #tpu.memory_space<hbm>> -> memref<512xi32, #tpu.memory_space<hbm>>
      tpu.enqueue_dma source(%dma_start3A_4359 : memref<512xi32, #tpu.memory_space<hbm>>) target(%arg7 : memref<512xi32, #tpu.memory_space<vmem>>) target_semaphore(%arg15 : memref<!tpu.dma_semaphore, #tpu.memory_space<semaphore_mem>>)
      %dma_wait3A_4360 = arith.constant 0 : i32
      %dma_wait3A_4361 = tpu.memref_slice %arg4[%mul3A_4, %dma_wait3A_4360] : memref<1638400x128xf32, #tpu.memory_space<hbm>> -> memref<256x128xf32, #tpu.memory_space<hbm>>
      %dma_wait3A_4362 = arith.constant 0 : i32
      %dma_wait3A_4363 = tpu.memref_slice %arg4[%mul3A_4, %dma_wait3A_4362] : memref<1638400x128xf32, #tpu.memory_space<hbm>> -> memref<256x128xf32, #tpu.memory_space<hbm>>
      tpu.wait_dma2 semaphore(%arg18 : memref<!tpu.dma_semaphore, #tpu.memory_space<semaphore_mem>>) src(%arg8 : memref<256x128xf32, #tpu.memory_space<vmem>>) dst(%dma_wait3A_4363 : memref<256x128xf32, #tpu.memory_space<hbm>>)
      %dma_wait3A_4364 = arith.constant 0 : i32
      %dma_wait3A_4365 = arith.constant 0 : i32
      %dma_wait3A_4366 = tpu.memref_slice %arg9[%dma_wait3A_4364, %dma_wait3A_4365] : memref<256x128xf32, #tpu.memory_space<vmem>> -> memref<128x128xf32, #tpu.memory_space<vmem>>
      %dma_wait3A_4367 = arith.constant 0 : i32
      %dma_wait3A_4368 = arith.constant 0 : i32
      %dma_wait3A_4369 = tpu.memref_slice %arg5[%dma_wait3A_4367, %dma_wait3A_4368] : memref<256x128xf32, #tpu.memory_space<vmem_shared>> -> memref<256x128xf32, #tpu.memory_space<vmem_shared>>
      tpu.wait_indirect_dma semaphore(%arg17 : memref<!tpu.dma_semaphore, #tpu.memory_space<semaphore_mem>>) src(%dma_wait3A_4369 : memref<256x128xf32, #tpu.memory_space<vmem_shared>>) dst(%dma_wait3A_4366 : memref<128x128xf32, #tpu.memory_space<vmem>>)
      %dma_wait3A_4370 = arith.constant 128 : i32
      %dma_wait3A_4371 = arith.constant 0 : i32
      %dma_wait3A_4372 = tpu.memref_slice %arg9[%dma_wait3A_4370, %dma_wait3A_4371] : memref<256x128xf32, #tpu.memory_space<vmem>> -> memref<128x128xf32, #tpu.memory_space<vmem>>
      %dma_wait3A_4373 = arith.constant 0 : i32
      %dma_wait3A_4374 = arith.constant 0 : i32
      %dma_wait3A_4375 = tpu.memref_slice %arg5[%dma_wait3A_4373, %dma_wait3A_4374] : memref<256x128xf32, #tpu.memory_space<vmem_shared>> -> memref<256x128xf32, #tpu.memory_space<vmem_shared>>
      tpu.wait_indirect_dma semaphore(%arg17 : memref<!tpu.dma_semaphore, #tpu.memory_space<semaphore_mem>>) src(%dma_wait3A_4375 : memref<256x128xf32, #tpu.memory_space<vmem_shared>>) dst(%dma_wait3A_4372 : memref<128x128xf32, #tpu.memory_space<vmem>>)
      %dma_start3A_4376 = arith.constant 0 : i32
      %dma_start3A_4377 = arith.constant 0 : i32
      %dma_start3A_4378 = tpu.memref_slice %arg8[%dma_start3A_4376, %dma_start3A_4377] : memref<256x128xf32, #tpu.memory_space<vmem>> -> memref<128x128xf32, #tpu.memory_space<vmem>>
      %dma_start3A_4379 = arith.constant 0 : i32
      %dma_start3A_4380 = arith.constant 0 : i32
      %dma_start3A_4381 = tpu.memref_slice %arg5[%dma_start3A_4379, %dma_start3A_4380] : memref<256x128xf32, #tpu.memory_space<vmem_shared>> -> memref<256x128xf32, #tpu.memory_space<vmem_shared>>
      tpu.enqueue_indirect_dma source(%dma_start3A_4381 : memref<256x128xf32, #tpu.memory_space<vmem_shared>>) target(%dma_start3A_4378 : memref<128x128xf32, #tpu.memory_space<vmem>>) offsets(%arg10 : memref<128xi32, #tpu.memory_space<vmem>>) semaphore(%arg16 : memref<!tpu.dma_semaphore, #tpu.memory_space<semaphore_mem>>)
      %dma_start3A_4382 = arith.constant 128 : i32
      %dma_start3A_4383 = arith.constant 0 : i32
      %dma_start3A_4384 = tpu.memref_slice %arg8[%dma_start3A_4382, %dma_start3A_4383] : memref<256x128xf32, #tpu.memory_space<vmem>> -> memref<128x128xf32, #tpu.memory_space<vmem>>
      %dma_start3A_4385 = arith.constant 0 : i32
      %dma_start3A_4386 = arith.constant 0 : i32
      %dma_start3A_4387 = tpu.memref_slice %arg5[%dma_start3A_4385, %dma_start3A_4386] : memref<256x128xf32, #tpu.memory_space<vmem_shared>> -> memref<256x128xf32, #tpu.memory_space<vmem_shared>>
      tpu.enqueue_indirect_dma source(%dma_start3A_4387 : memref<256x128xf32, #tpu.memory_space<vmem_shared>>) target(%dma_start3A_4384 : memref<128x128xf32, #tpu.memory_space<vmem>>) offsets(%arg11 : memref<128xi32, #tpu.memory_space<vmem>>) semaphore(%arg16 : memref<!tpu.dma_semaphore, #tpu.memory_space<semaphore_mem>>)
      %mul3A_4388 = arith.constant 256 : i32
      %mul3A_4389 = arith.muli %add3A_3516, %mul3A_4388 : i32
      %add3A_4390 = arith.addi %mul3A_4, %mul3A_4389 : i32
      %dma_start3A_4391 = arith.constant 0 : i32
      %dma_start3A_4392 = tpu.memref_slice %arg4[%add3A_4390, %dma_start3A_4391] : memref<1638400x128xf32, #tpu.memory_space<hbm>> -> memref<256x128xf32, #tpu.memory_space<hbm>>
      %dma_start3A_4393 = arith.constant 0 : i32
      %dma_start3A_4394 = tpu.memref_slice %arg4[%add3A_4390, %dma_start3A_4393] : memref<1638400x128xf32, #tpu.memory_space<hbm>> -> memref<256x128xf32, #tpu.memory_space<hbm>>
      tpu.enqueue_dma source(%arg9 : memref<256x128xf32, #tpu.memory_space<vmem>>) target(%dma_start3A_4394 : memref<256x128xf32, #tpu.memory_space<hbm>>) target_semaphore(%arg19 : memref<!tpu.dma_semaphore, #tpu.memory_space<semaphore_mem>>)
      %mul3A_4395 = arith.constant 2 : i32
      %mul3A_4396 = arith.muli %mul3A_4395, %scan3A_3512 : i32
      %add3A_4397 = arith.constant 2 : i32
      %add3A_4398 = arith.addi %mul3A_4396, %add3A_4397 : i32
      %add3A_4399 = arith.constant 0 : i32
      %add3A_4400 = arith.addi %mul3A_2, %add3A_4399 : i32
      %dma_wait3A_4401 = tpu.memref_slice %arg2[%add3A_4400] : memref<3276800xi32, #tpu.memory_space<hbm>> -> memref<512xi32, #tpu.memory_space<hbm>>
      %dma_wait3A_4402 = tpu.memref_slice %arg2[%add3A_4400] : memref<3276800xi32, #tpu.memory_space<hbm>> -> memref<512xi32, #tpu.memory_space<hbm>>
      tpu.wait_dma2 semaphore(%arg15 : memref<!tpu.dma_semaphore, #tpu.memory_space<semaphore_mem>>) src(%dma_wait3A_4402 : memref<512xi32, #tpu.memory_space<hbm>>) dst(%arg7 : memref<512xi32, #tpu.memory_space<vmem>>)
      %get3A_4403 = arith.constant 0 : index
      %get3A_4404 = tpu.vector_load %arg7[%get3A_4403] {strides = array<i32>} : memref<512xi32, #tpu.memory_space<vmem>>, vector<16xi32>,
      %get3A_4405 = vector.shape_cast %get3A_4404 : vector<16xi32> to vector<16xi32>
      %get3A_4406 = arith.constant 16 : index
      %get3A_4407 = tpu.vector_load %arg7[%get3A_4406] {strides = array<i32>} : memref<512xi32, #tpu.memory_space<vmem>>, vector<16xi32>,
      %get3A_4408 = vector.shape_cast %get3A_4407 : vector<16xi32> to vector<16xi32>
      %mul3A_4409 = arith.constant 2 : i32
      %mul3A_4410 = vector.broadcast %mul3A_4409 : i32 to vector<16xi32>
      %mul3A_4411 = arith.muli %select_n3A_19, %mul3A_4410 : vector<16xi32>
      %broadcast_in_dim3A_4412 = vector.shape_cast %mul3A_4411 : vector<16xi32> to vector<16x1xi32>
      %gather3A_4413 = vector.shape_cast %broadcast_in_dim3A_4412 : vector<16x1xi32> to vector<16xi32>
      %gather3A_4414 = tpu.dynamic_gather %get3A_4405[%gather3A_4413] in [0] : vector<16xi32>, vector<16xi32> -> vector<16xi32>
      %mul3A_4415 = arith.constant 16 : i32
      %mul3A_4416 = vector.broadcast %mul3A_4415 : i32 to vector<16xi32>
      %mul3A_4417 = arith.muli %mul3A_4416, %gather3A_4414 : vector<16xi32>
      %mul3A_4418 = arith.constant 2 : i32
      %mul3A_4419 = vector.broadcast %mul3A_4418 : i32 to vector<16xi32>
      %mul3A_4420 = arith.muli %select_n3A_19, %mul3A_4419 : vector<16xi32>
      %add3A_4421 = arith.constant 1 : i32
      %add3A_4422 = vector.broadcast %add3A_4421 : i32 to vector<16xi32>
      %add3A_4423 = arith.addi %mul3A_4420, %add3A_4422 : vector<16xi32>
      %broadcast_in_dim3A_4424 = vector.shape_cast %add3A_4423 : vector<16xi32> to vector<16x1xi32>
      %gather3A_4425 = vector.shape_cast %broadcast_in_dim3A_4424 : vector<16x1xi32> to vector<16xi32>
      %gather3A_4426 = tpu.dynamic_gather %get3A_4405[%gather3A_4425] in [0] : vector<16xi32>, vector<16xi32> -> vector<16xi32>
      %add3A_4427 = arith.addi %mul3A_4417, %gather3A_4426 : vector<16xi32>
      %mul3A_4428 = arith.constant 2 : i32
      %mul3A_4429 = vector.broadcast %mul3A_4428 : i32 to vector<16xi32>
      %mul3A_4430 = arith.muli %select_n3A_19, %mul3A_4429 : vector<16xi32>
      %broadcast_in_dim3A_4431 = vector.shape_cast %mul3A_4430 : vector<16xi32> to vector<16x1xi32>
      %gather3A_4432 = vector.shape_cast %broadcast_in_dim3A_4431 : vector<16x1xi32> to vector<16xi32>
      %gather3A_4433 = tpu.dynamic_gather %get3A_4408[%gather3A_4432] in [0] : vector<16xi32>, vector<16xi32> -> vector<16xi32>
      %mul3A_4434 = arith.constant 16 : i32
      %mul3A_4435 = vector.broadcast %mul3A_4434 : i32 to vector<16xi32>
      %mul3A_4436 = arith.muli %mul3A_4435, %gather3A_4433 : vector<16xi32>
      %mul3A_4437 = arith.constant 2 : i32
      %mul3A_4438 = vector.broadcast %mul3A_4437 : i32 to vector<16xi32>
      %mul3A_4439 = arith.muli %select_n3A_19, %mul3A_4438 : vector<16xi32>
      %add3A_4440 = arith.constant 1 : i32
      %add3A_4441 = vector.broadcast %add3A_4440 : i32 to vector<16xi32>
      %add3A_4442 = arith.addi %mul3A_4439, %add3A_4441 : vector<16xi32>
      %broadcast_in_dim3A_4443 = vector.shape_cast %add3A_4442 : vector<16xi32> to vector<16x1xi32>
      %gather3A_4444 = vector.shape_cast %broadcast_in_dim3A_4443 : vector<16x1xi32> to vector<16xi32>
      %gather3A_4445 = tpu.dynamic_gather %get3A_4408[%gather3A_4444] in [0] : vector<16xi32>, vector<16xi32> -> vector<16xi32>
      %add3A_4446 = arith.addi %mul3A_4436, %gather3A_4445 : vector<16xi32>
      %lt3A_4447 = arith.constant 8 : i32
      %lt3A_4448 = vector.broadcast %lt3A_4447 : i32 to vector<16xi32>
      %lt3A_4449 = arith.cmpi slt, %iota3A, %lt3A_4448 : vector<16xi32>
      %select_n3A_4450 = arith.select %lt3A_4449, %add3A_4427, %add3A_4446 : vector<16xi1>, vector<16xi32>
      %swap3A_4451 = arith.constant 0 : index
      %swap3A_4452 = tpu.vector_load %arg12[%swap3A_4451] {strides = array<i32>} : memref<128xi32, #tpu.memory_space<vmem>>, vector<16xi32>,
      %swap3A_4453 = vector.shape_cast %swap3A_4452 : vector<16xi32> to vector<16xi32>
      %swap3A_4454 = vector.shape_cast %select_n3A_4450 : vector<16xi32> to vector<16xi32>
      tpu.vector_store %arg12[%swap3A_4451], %swap3A_4454 {strides = array<i32>} : memref<128xi32, #tpu.memory_space<vmem>>, vector<16xi32>,
      %get3A_4455 = arith.constant 32 : index
      %get3A_4456 = tpu.vector_load %arg7[%get3A_4455] {strides = array<i32>} : memref<512xi32, #tpu.memory_space<vmem>>, vector<16xi32>,
      %get3A_4457 = vector.shape_cast %get3A_4456 : vector<16xi32> to vector<16xi32>
      %get3A_4458 = arith.constant 48 : index
      %get3A_4459 = tpu.vector_load %arg7[%get3A_4458] {strides = array<i32>} : memref<512xi32, #tpu.memory_space<vmem>>, vector<16xi32>,
      %get3A_4460 = vector.shape_cast %get3A_4459 : vector<16xi32> to vector<16xi32>
      %mul3A_4461 = arith.constant 2 : i32
      %mul3A_4462 = vector.broadcast %mul3A_4461 : i32 to vector<16xi32>
      %mul3A_4463 = arith.muli %select_n3A_19, %mul3A_4462 : vector<16xi32>
      %broadcast_in_dim3A_4464 = vector.shape_cast %mul3A_4463 : vector<16xi32> to vector<16x1xi32>
      %gather3A_4465 = vector.shape_cast %broadcast_in_dim3A_4464 : vector<16x1xi32> to vector<16xi32>
      %gather3A_4466 = tpu.dynamic_gather %get3A_4457[%gather3A_4465] in [0] : vector<16xi32>, vector<16xi32> -> vector<16xi32>
      %mul3A_4467 = arith.constant 16 : i32
      %mul3A_4468 = vector.broadcast %mul3A_4467 : i32 to vector<16xi32>
      %mul3A_4469 = arith.muli %mul3A_4468, %gather3A_4466 : vector<16xi32>
      %mul3A_4470 = arith.constant 2 : i32
      %mul3A_4471 = vector.broadcast %mul3A_4470 : i32 to vector<16xi32>
      %mul3A_4472 = arith.muli %select_n3A_19, %mul3A_4471 : vector<16xi32>
      %add3A_4473 = arith.constant 1 : i32
      %add3A_4474 = vector.broadcast %add3A_4473 : i32 to vector<16xi32>
      %add3A_4475 = arith.addi %mul3A_4472, %add3A_4474 : vector<16xi32>
      %broadcast_in_dim3A_4476 = vector.shape_cast %add3A_4475 : vector<16xi32> to vector<16x1xi32>
      %gather3A_4477 = vector.shape_cast %broadcast_in_dim3A_4476 : vector<16x1xi32> to vector<16xi32>
      %gather3A_4478 = tpu.dynamic_gather %get3A_4457[%gather3A_4477] in [0] : vector<16xi32>, vector<16xi32> -> vector<16xi32>
      %add3A_4479 = arith.addi %mul3A_4469, %gather3A_4478 : vector<16xi32>
      %mul3A_4480 = arith.constant 2 : i32
      %mul3A_4481 = vector.broadcast %mul3A_4480 : i32 to vector<16xi32>
      %mul3A_4482 = arith.muli %select_n3A_19, %mul3A_4481 : vector<16xi32>
      %broadcast_in_dim3A_4483 = vector.shape_cast %mul3A_4482 : vector<16xi32> to vector<16x1xi32>
      %gather3A_4484 = vector.shape_cast %broadcast_in_dim3A_4483 : vector<16x1xi32> to vector<16xi32>
      %gather3A_4485 = tpu.dynamic_gather %get3A_4460[%gather3A_4484] in [0] : vector<16xi32>, vector<16xi32> -> vector<16xi32>
      %mul3A_4486 = arith.constant 16 : i32
      %mul3A_4487 = vector.broadcast %mul3A_4486 : i32 to vector<16xi32>
      %mul3A_4488 = arith.muli %mul3A_4487, %gather3A_4485 : vector<16xi32>
      %mul3A_4489 = arith.constant 2 : i32
      %mul3A_4490 = vector.broadcast %mul3A_4489 : i32 to vector<16xi32>
      %mul3A_4491 = arith.muli %select_n3A_19, %mul3A_4490 : vector<16xi32>
      %add3A_4492 = arith.constant 1 : i32
      %add3A_4493 = vector.broadcast %add3A_4492 : i32 to vector<16xi32>
      %add3A_4494 = arith.addi %mul3A_4491, %add3A_4493 : vector<16xi32>
      %broadcast_in_dim3A_4495 = vector.shape_cast %add3A_4494 : vector<16xi32> to vector<16x1xi32>
      %gather3A_4496 = vector.shape_cast %broadcast_in_dim3A_4495 : vector<16x1xi32> to vector<16xi32>
      %gather3A_4497 = tpu.dynamic_gather %get3A_4460[%gather3A_4496] in [0] : vector<16xi32>, vector<16xi32> -> vector<16xi32>
      %add3A_4498 = arith.addi %mul3A_4488, %gather3A_4497 : vector<16xi32>
      %lt3A_4499 = arith.constant 8 : i32
      %lt3A_4500 = vector.broadcast %lt3A_4499 : i32 to vector<16xi32>
      %lt3A_4501 = arith.cmpi slt, %iota3A, %lt3A_4500 : vector<16xi32>
      %select_n3A_4502 = arith.select %lt3A_4501, %add3A_4479, %add3A_4498 : vector<16xi1>, vector<16xi32>
      %swap3A_4503 = arith.constant 16 : index
      %swap3A_4504 = tpu.vector_load %arg12[%swap3A_4503] {strides = array<i32>} : memref<128xi32, #tpu.memory_space<vmem>>, vector<16xi32>,
      %swap3A_4505 = vector.shape_cast %swap3A_4504 : vector<16xi32> to vector<16xi32>
      %swap3A_4506 = vector.shape_cast %select_n3A_4502 : vector<16xi32> to vector<16xi32>
      tpu.vector_store %arg12[%swap3A_4503], %swap3A_4506 {strides = array<i32>} : memref<128xi32, #tpu.memory_space<vmem>>, vector<16xi32>,
      %get3A_4507 = arith.constant 64 : index
      %get3A_4508 = tpu.vector_load %arg7[%get3A_4507] {strides = array<i32>} : memref<512xi32, #tpu.memory_space<vmem>>, vector<16xi32>,
      %get3A_4509 = vector.shape_cast %get3A_4508 : vector<16xi32> to vector<16xi32>
      %get3A_4510 = arith.constant 80 : index
      %get3A_4511 = tpu.vector_load %arg7[%get3A_4510] {strides = array<i32>} : memref<512xi32, #tpu.memory_space<vmem>>, vector<16xi32>,
      %get3A_4512 = vector.shape_cast %get3A_4511 : vector<16xi32> to vector<16xi32>
      %mul3A_4513 = arith.constant 2 : i32
      %mul3A_4514 = vector.broadcast %mul3A_4513 : i32 to vector<16xi32>
      %mul3A_4515 = arith.muli %select_n3A_19, %mul3A_4514 : vector<16xi32>
      %broadcast_in_dim3A_4516 = vector.shape_cast %mul3A_4515 : vector<16xi32> to vector<16x1xi32>
      %gather3A_4517 = vector.shape_cast %broadcast_in_dim3A_4516 : vector<16x1xi32> to vector<16xi32>
      %gather3A_4518 = tpu.dynamic_gather %get3A_4509[%gather3A_4517] in [0] : vector<16xi32>, vector<16xi32> -> vector<16xi32>
      %mul3A_4519 = arith.constant 16 : i32
      %mul3A_4520 = vector.broadcast %mul3A_4519 : i32 to vector<16xi32>
      %mul3A_4521 = arith.muli %mul3A_4520, %gather3A_4518 : vector<16xi32>
      %mul3A_4522 = arith.constant 2 : i32
      %mul3A_4523 = vector.broadcast %mul3A_4522 : i32 to vector<16xi32>
      %mul3A_4524 = arith.muli %select_n3A_19, %mul3A_4523 : vector<16xi32>
      %add3A_4525 = arith.constant 1 : i32
      %add3A_4526 = vector.broadcast %add3A_4525 : i32 to vector<16xi32>
      %add3A_4527 = arith.addi %mul3A_4524, %add3A_4526 : vector<16xi32>
      %broadcast_in_dim3A_4528 = vector.shape_cast %add3A_4527 : vector<16xi32> to vector<16x1xi32>
      %gather3A_4529 = vector.shape_cast %broadcast_in_dim3A_4528 : vector<16x1xi32> to vector<16xi32>
      %gather3A_4530 = tpu.dynamic_gather %get3A_4509[%gather3A_4529] in [0] : vector<16xi32>, vector<16xi32> -> vector<16xi32>
      %add3A_4531 = arith.addi %mul3A_4521, %gather3A_4530 : vector<16xi32>
      %mul3A_4532 = arith.constant 2 : i32
      %mul3A_4533 = vector.broadcast %mul3A_4532 : i32 to vector<16xi32>
      %mul3A_4534 = arith.muli %select_n3A_19, %mul3A_4533 : vector<16xi32>
      %broadcast_in_dim3A_4535 = vector.shape_cast %mul3A_4534 : vector<16xi32> to vector<16x1xi32>
      %gather3A_4536 = vector.shape_cast %broadcast_in_dim3A_4535 : vector<16x1xi32> to vector<16xi32>
      %gather3A_4537 = tpu.dynamic_gather %get3A_4512[%gather3A_4536] in [0] : vector<16xi32>, vector<16xi32> -> vector<16xi32>
      %mul3A_4538 = arith.constant 16 : i32
      %mul3A_4539 = vector.broadcast %mul3A_4538 : i32 to vector<16xi32>
      %mul3A_4540 = arith.muli %mul3A_4539, %gather3A_4537 : vector<16xi32>
      %mul3A_4541 = arith.constant 2 : i32
      %mul3A_4542 = vector.broadcast %mul3A_4541 : i32 to vector<16xi32>
      %mul3A_4543 = arith.muli %select_n3A_19, %mul3A_4542 : vector<16xi32>
      %add3A_4544 = arith.constant 1 : i32
      %add3A_4545 = vector.broadcast %add3A_4544 : i32 to vector<16xi32>
      %add3A_4546 = arith.addi %mul3A_4543, %add3A_4545 : vector<16xi32>
      %broadcast_in_dim3A_4547 = vector.shape_cast %add3A_4546 : vector<16xi32> to vector<16x1xi32>
      %gather3A_4548 = vector.shape_cast %broadcast_in_dim3A_4547 : vector<16x1xi32> to vector<16xi32>
      %gather3A_4549 = tpu.dynamic_gather %get3A_4512[%gather3A_4548] in [0] : vector<16xi32>, vector<16xi32> -> vector<16xi32>
      %add3A_4550 = arith.addi %mul3A_4540, %gather3A_4549 : vector<16xi32>
      %lt3A_4551 = arith.constant 8 : i32
      %lt3A_4552 = vector.broadcast %lt3A_4551 : i32 to vector<16xi32>
      %lt3A_4553 = arith.cmpi slt, %iota3A, %lt3A_4552 : vector<16xi32>
      %select_n3A_4554 = arith.select %lt3A_4553, %add3A_4531, %add3A_4550 : vector<16xi1>, vector<16xi32>
      %swap3A_4555 = arith.constant 32 : index
      %swap3A_4556 = tpu.vector_load %arg12[%swap3A_4555] {strides = array<i32>} : memref<128xi32, #tpu.memory_space<vmem>>, vector<16xi32>,
      %swap3A_4557 = vector.shape_cast %swap3A_4556 : vector<16xi32> to vector<16xi32>
      %swap3A_4558 = vector.shape_cast %select_n3A_4554 : vector<16xi32> to vector<16xi32>
      tpu.vector_store %arg12[%swap3A_4555], %swap3A_4558 {strides = array<i32>} : memref<128xi32, #tpu.memory_space<vmem>>, vector<16xi32>,
      %get3A_4559 = arith.constant 96 : index
      %get3A_4560 = tpu.vector_load %arg7[%get3A_4559] {strides = array<i32>} : memref<512xi32, #tpu.memory_space<vmem>>, vector<16xi32>,
      %get3A_4561 = vector.shape_cast %get3A_4560 : vector<16xi32> to vector<16xi32>
      %get3A_4562 = arith.constant 112 : index
      %get3A_4563 = tpu.vector_load %arg7[%get3A_4562] {strides = array<i32>} : memref<512xi32, #tpu.memory_space<vmem>>, vector<16xi32>,
      %get3A_4564 = vector.shape_cast %get3A_4563 : vector<16xi32> to vector<16xi32>
      %mul3A_4565 = arith.constant 2 : i32
      %mul3A_4566 = vector.broadcast %mul3A_4565 : i32 to vector<16xi32>
      %mul3A_4567 = arith.muli %select_n3A_19, %mul3A_4566 : vector<16xi32>
      %broadcast_in_dim3A_4568 = vector.shape_cast %mul3A_4567 : vector<16xi32> to vector<16x1xi32>
      %gather3A_4569 = vector.shape_cast %broadcast_in_dim3A_4568 : vector<16x1xi32> to vector<16xi32>
      %gather3A_4570 = tpu.dynamic_gather %get3A_4561[%gather3A_4569] in [0] : vector<16xi32>, vector<16xi32> -> vector<16xi32>
      %mul3A_4571 = arith.constant 16 : i32
      %mul3A_4572 = vector.broadcast %mul3A_4571 : i32 to vector<16xi32>
      %mul3A_4573 = arith.muli %mul3A_4572, %gather3A_4570 : vector<16xi32>
      %mul3A_4574 = arith.constant 2 : i32
      %mul3A_4575 = vector.broadcast %mul3A_4574 : i32 to vector<16xi32>
      %mul3A_4576 = arith.muli %select_n3A_19, %mul3A_4575 : vector<16xi32>
      %add3A_4577 = arith.constant 1 : i32
      %add3A_4578 = vector.broadcast %add3A_4577 : i32 to vector<16xi32>
      %add3A_4579 = arith.addi %mul3A_4576, %add3A_4578 : vector<16xi32>
      %broadcast_in_dim3A_4580 = vector.shape_cast %add3A_4579 : vector<16xi32> to vector<16x1xi32>
      %gather3A_4581 = vector.shape_cast %broadcast_in_dim3A_4580 : vector<16x1xi32> to vector<16xi32>
      %gather3A_4582 = tpu.dynamic_gather %get3A_4561[%gather3A_4581] in [0] : vector<16xi32>, vector<16xi32> -> vector<16xi32>
      %add3A_4583 = arith.addi %mul3A_4573, %gather3A_4582 : vector<16xi32>
      %mul3A_4584 = arith.constant 2 : i32
      %mul3A_4585 = vector.broadcast %mul3A_4584 : i32 to vector<16xi32>
      %mul3A_4586 = arith.muli %select_n3A_19, %mul3A_4585 : vector<16xi32>
      %broadcast_in_dim3A_4587 = vector.shape_cast %mul3A_4586 : vector<16xi32> to vector<16x1xi32>
      %gather3A_4588 = vector.shape_cast %broadcast_in_dim3A_4587 : vector<16x1xi32> to vector<16xi32>
      %gather3A_4589 = tpu.dynamic_gather %get3A_4564[%gather3A_4588] in [0] : vector<16xi32>, vector<16xi32> -> vector<16xi32>
      %mul3A_4590 = arith.constant 16 : i32
      %mul3A_4591 = vector.broadcast %mul3A_4590 : i32 to vector<16xi32>
      %mul3A_4592 = arith.muli %mul3A_4591, %gather3A_4589 : vector<16xi32>
      %mul3A_4593 = arith.constant 2 : i32
      %mul3A_4594 = vector.broadcast %mul3A_4593 : i32 to vector<16xi32>
      %mul3A_4595 = arith.muli %select_n3A_19, %mul3A_4594 : vector<16xi32>
      %add3A_4596 = arith.constant 1 : i32
      %add3A_4597 = vector.broadcast %add3A_4596 : i32 to vector<16xi32>
      %add3A_4598 = arith.addi %mul3A_4595, %add3A_4597 : vector<16xi32>
      %broadcast_in_dim3A_4599 = vector.shape_cast %add3A_4598 : vector<16xi32> to vector<16x1xi32>
      %gather3A_4600 = vector.shape_cast %broadcast_in_dim3A_4599 : vector<16x1xi32> to vector<16xi32>
      %gather3A_4601 = tpu.dynamic_gather %get3A_4564[%gather3A_4600] in [0] : vector<16xi32>, vector<16xi32> -> vector<16xi32>
      %add3A_4602 = arith.addi %mul3A_4592, %gather3A_4601 : vector<16xi32>
      %lt3A_4603 = arith.constant 8 : i32
      %lt3A_4604 = vector.broadcast %lt3A_4603 : i32 to vector<16xi32>
      %lt3A_4605 = arith.cmpi slt, %iota3A, %lt3A_4604 : vector<16xi32>
      %select_n3A_4606 = arith.select %lt3A_4605, %add3A_4583, %add3A_4602 : vector<16xi1>, vector<16xi32>
      %swap3A_4607 = arith.constant 48 : index
      %swap3A_4608 = tpu.vector_load %arg12[%swap3A_4607] {strides = array<i32>} : memref<128xi32, #tpu.memory_space<vmem>>, vector<16xi32>,
      %swap3A_4609 = vector.shape_cast %swap3A_4608 : vector<16xi32> to vector<16xi32>
      %swap3A_4610 = vector.shape_cast %select_n3A_4606 : vector<16xi32> to vector<16xi32>
      tpu.vector_store %arg12[%swap3A_4607], %swap3A_4610 {strides = array<i32>} : memref<128xi32, #tpu.memory_space<vmem>>, vector<16xi32>,
      %get3A_4611 = arith.constant 128 : index
      %get3A_4612 = tpu.vector_load %arg7[%get3A_4611] {strides = array<i32>} : memref<512xi32, #tpu.memory_space<vmem>>, vector<16xi32>,
      %get3A_4613 = vector.shape_cast %get3A_4612 : vector<16xi32> to vector<16xi32>
      %get3A_4614 = arith.constant 144 : index
      %get3A_4615 = tpu.vector_load %arg7[%get3A_4614] {strides = array<i32>} : memref<512xi32, #tpu.memory_space<vmem>>, vector<16xi32>,
      %get3A_4616 = vector.shape_cast %get3A_4615 : vector<16xi32> to vector<16xi32>
      %mul3A_4617 = arith.constant 2 : i32
      %mul3A_4618 = vector.broadcast %mul3A_4617 : i32 to vector<16xi32>
      %mul3A_4619 = arith.muli %select_n3A_19, %mul3A_4618 : vector<16xi32>
      %broadcast_in_dim3A_4620 = vector.shape_cast %mul3A_4619 : vector<16xi32> to vector<16x1xi32>
      %gather3A_4621 = vector.shape_cast %broadcast_in_dim3A_4620 : vector<16x1xi32> to vector<16xi32>
      %gather3A_4622 = tpu.dynamic_gather %get3A_4613[%gather3A_4621] in [0] : vector<16xi32>, vector<16xi32> -> vector<16xi32>
      %mul3A_4623 = arith.constant 16 : i32
      %mul3A_4624 = vector.broadcast %mul3A_4623 : i32 to vector<16xi32>
      %mul3A_4625 = arith.muli %mul3A_4624, %gather3A_4622 : vector<16xi32>
      %mul3A_4626 = arith.constant 2 : i32
      %mul3A_4627 = vector.broadcast %mul3A_4626 : i32 to vector<16xi32>
      %mul3A_4628 = arith.muli %select_n3A_19, %mul3A_4627 : vector<16xi32>
      %add3A_4629 = arith.constant 1 : i32
      %add3A_4630 = vector.broadcast %add3A_4629 : i32 to vector<16xi32>
      %add3A_4631 = arith.addi %mul3A_4628, %add3A_4630 : vector<16xi32>
      %broadcast_in_dim3A_4632 = vector.shape_cast %add3A_4631 : vector<16xi32> to vector<16x1xi32>
      %gather3A_4633 = vector.shape_cast %broadcast_in_dim3A_4632 : vector<16x1xi32> to vector<16xi32>
      %gather3A_4634 = tpu.dynamic_gather %get3A_4613[%gather3A_4633] in [0] : vector<16xi32>, vector<16xi32> -> vector<16xi32>
      %add3A_4635 = arith.addi %mul3A_4625, %gather3A_4634 : vector<16xi32>
      %mul3A_4636 = arith.constant 2 : i32
      %mul3A_4637 = vector.broadcast %mul3A_4636 : i32 to vector<16xi32>
      %mul3A_4638 = arith.muli %select_n3A_19, %mul3A_4637 : vector<16xi32>
      %broadcast_in_dim3A_4639 = vector.shape_cast %mul3A_4638 : vector<16xi32> to vector<16x1xi32>
      %gather3A_4640 = vector.shape_cast %broadcast_in_dim3A_4639 : vector<16x1xi32> to vector<16xi32>
      %gather3A_4641 = tpu.dynamic_gather %get3A_4616[%gather3A_4640] in [0] : vector<16xi32>, vector<16xi32> -> vector<16xi32>
      %mul3A_4642 = arith.constant 16 : i32
      %mul3A_4643 = vector.broadcast %mul3A_4642 : i32 to vector<16xi32>
      %mul3A_4644 = arith.muli %mul3A_4643, %gather3A_4641 : vector<16xi32>
      %mul3A_4645 = arith.constant 2 : i32
      %mul3A_4646 = vector.broadcast %mul3A_4645 : i32 to vector<16xi32>
      %mul3A_4647 = arith.muli %select_n3A_19, %mul3A_4646 : vector<16xi32>
      %add3A_4648 = arith.constant 1 : i32
      %add3A_4649 = vector.broadcast %add3A_4648 : i32 to vector<16xi32>
      %add3A_4650 = arith.addi %mul3A_4647, %add3A_4649 : vector<16xi32>
      %broadcast_in_dim3A_4651 = vector.shape_cast %add3A_4650 : vector<16xi32> to vector<16x1xi32>
      %gather3A_4652 = vector.shape_cast %broadcast_in_dim3A_4651 : vector<16x1xi32> to vector<16xi32>
      %gather3A_4653 = tpu.dynamic_gather %get3A_4616[%gather3A_4652] in [0] : vector<16xi32>, vector<16xi32> -> vector<16xi32>
      %add3A_4654 = arith.addi %mul3A_4644, %gather3A_4653 : vector<16xi32>
      %lt3A_4655 = arith.constant 8 : i32
      %lt3A_4656 = vector.broadcast %lt3A_4655 : i32 to vector<16xi32>
      %lt3A_4657 = arith.cmpi slt, %iota3A, %lt3A_4656 : vector<16xi32>
      %select_n3A_4658 = arith.select %lt3A_4657, %add3A_4635, %add3A_4654 : vector<16xi1>, vector<16xi32>
      %swap3A_4659 = arith.constant 64 : index
      %swap3A_4660 = tpu.vector_load %arg12[%swap3A_4659] {strides = array<i32>} : memref<128xi32, #tpu.memory_space<vmem>>, vector<16xi32>,
      %swap3A_4661 = vector.shape_cast %swap3A_4660 : vector<16xi32> to vector<16xi32>
      %swap3A_4662 = vector.shape_cast %select_n3A_4658 : vector<16xi32> to vector<16xi32>
      tpu.vector_store %arg12[%swap3A_4659], %swap3A_4662 {strides = array<i32>} : memref<128xi32, #tpu.memory_space<vmem>>, vector<16xi32>,
      %get3A_4663 = arith.constant 160 : index
      %get3A_4664 = tpu.vector_load %arg7[%get3A_4663] {strides = array<i32>} : memref<512xi32, #tpu.memory_space<vmem>>, vector<16xi32>,
      %get3A_4665 = vector.shape_cast %get3A_4664 : vector<16xi32> to vector<16xi32>
      %get3A_4666 = arith.constant 176 : index
      %get3A_4667 = tpu.vector_load %arg7[%get3A_4666] {strides = array<i32>} : memref<512xi32, #tpu.memory_space<vmem>>, vector<16xi32>,
      %get3A_4668 = vector.shape_cast %get3A_4667 : vector<16xi32> to vector<16xi32>
      %mul3A_4669 = arith.constant 2 : i32
      %mul3A_4670 = vector.broadcast %mul3A_4669 : i32 to vector<16xi32>
      %mul3A_4671 = arith.muli %select_n3A_19, %mul3A_4670 : vector<16xi32>
      %broadcast_in_dim3A_4672 = vector.shape_cast %mul3A_4671 : vector<16xi32> to vector<16x1xi32>
      %gather3A_4673 = vector.shape_cast %broadcast_in_dim3A_4672 : vector<16x1xi32> to vector<16xi32>
      %gather3A_4674 = tpu.dynamic_gather %get3A_4665[%gather3A_4673] in [0] : vector<16xi32>, vector<16xi32> -> vector<16xi32>
      %mul3A_4675 = arith.constant 16 : i32
      %mul3A_4676 = vector.broadcast %mul3A_4675 : i32 to vector<16xi32>
      %mul3A_4677 = arith.muli %mul3A_4676, %gather3A_4674 : vector<16xi32>
      %mul3A_4678 = arith.constant 2 : i32
      %mul3A_4679 = vector.broadcast %mul3A_4678 : i32 to vector<16xi32>
      %mul3A_4680 = arith.muli %select_n3A_19, %mul3A_4679 : vector<16xi32>
      %add3A_4681 = arith.constant 1 : i32
      %add3A_4682 = vector.broadcast %add3A_4681 : i32 to vector<16xi32>
      %add3A_4683 = arith.addi %mul3A_4680, %add3A_4682 : vector<16xi32>
      %broadcast_in_dim3A_4684 = vector.shape_cast %add3A_4683 : vector<16xi32> to vector<16x1xi32>
      %gather3A_4685 = vector.shape_cast %broadcast_in_dim3A_4684 : vector<16x1xi32> to vector<16xi32>
      %gather3A_4686 = tpu.dynamic_gather %get3A_4665[%gather3A_4685] in [0] : vector<16xi32>, vector<16xi32> -> vector<16xi32>
      %add3A_4687 = arith.addi %mul3A_4677, %gather3A_4686 : vector<16xi32>
      %mul3A_4688 = arith.constant 2 : i32
      %mul3A_4689 = vector.broadcast %mul3A_4688 : i32 to vector<16xi32>
      %mul3A_4690 = arith.muli %select_n3A_19, %mul3A_4689 : vector<16xi32>
      %broadcast_in_dim3A_4691 = vector.shape_cast %mul3A_4690 : vector<16xi32> to vector<16x1xi32>
      %gather3A_4692 = vector.shape_cast %broadcast_in_dim3A_4691 : vector<16x1xi32> to vector<16xi32>
      %gather3A_4693 = tpu.dynamic_gather %get3A_4668[%gather3A_4692] in [0] : vector<16xi32>, vector<16xi32> -> vector<16xi32>
      %mul3A_4694 = arith.constant 16 : i32
      %mul3A_4695 = vector.broadcast %mul3A_4694 : i32 to vector<16xi32>
      %mul3A_4696 = arith.muli %mul3A_4695, %gather3A_4693 : vector<16xi32>
      %mul3A_4697 = arith.constant 2 : i32
      %mul3A_4698 = vector.broadcast %mul3A_4697 : i32 to vector<16xi32>
      %mul3A_4699 = arith.muli %select_n3A_19, %mul3A_4698 : vector<16xi32>
      %add3A_4700 = arith.constant 1 : i32
      %add3A_4701 = vector.broadcast %add3A_4700 : i32 to vector<16xi32>
      %add3A_4702 = arith.addi %mul3A_4699, %add3A_4701 : vector<16xi32>
      %broadcast_in_dim3A_4703 = vector.shape_cast %add3A_4702 : vector<16xi32> to vector<16x1xi32>
      %gather3A_4704 = vector.shape_cast %broadcast_in_dim3A_4703 : vector<16x1xi32> to vector<16xi32>
      %gather3A_4705 = tpu.dynamic_gather %get3A_4668[%gather3A_4704] in [0] : vector<16xi32>, vector<16xi32> -> vector<16xi32>
      %add3A_4706 = arith.addi %mul3A_4696, %gather3A_4705 : vector<16xi32>
      %lt3A_4707 = arith.constant 8 : i32
      %lt3A_4708 = vector.broadcast %lt3A_4707 : i32 to vector<16xi32>
      %lt3A_4709 = arith.cmpi slt, %iota3A, %lt3A_4708 : vector<16xi32>
      %select_n3A_4710 = arith.select %lt3A_4709, %add3A_4687, %add3A_4706 : vector<16xi1>, vector<16xi32>
      %swap3A_4711 = arith.constant 80 : index
      %swap3A_4712 = tpu.vector_load %arg12[%swap3A_4711] {strides = array<i32>} : memref<128xi32, #tpu.memory_space<vmem>>, vector<16xi32>,
      %swap3A_4713 = vector.shape_cast %swap3A_4712 : vector<16xi32> to vector<16xi32>
      %swap3A_4714 = vector.shape_cast %select_n3A_4710 : vector<16xi32> to vector<16xi32>
      tpu.vector_store %arg12[%swap3A_4711], %swap3A_4714 {strides = array<i32>} : memref<128xi32, #tpu.memory_space<vmem>>, vector<16xi32>,
      %get3A_4715 = arith.constant 192 : index
      %get3A_4716 = tpu.vector_load %arg7[%get3A_4715] {strides = array<i32>} : memref<512xi32, #tpu.memory_space<vmem>>, vector<16xi32>,
      %get3A_4717 = vector.shape_cast %get3A_4716 : vector<16xi32> to vector<16xi32>
      %get3A_4718 = arith.constant 208 : index
      %get3A_4719 = tpu.vector_load %arg7[%get3A_4718] {strides = array<i32>} : memref<512xi32, #tpu.memory_space<vmem>>, vector<16xi32>,
      %get3A_4720 = vector.shape_cast %get3A_4719 : vector<16xi32> to vector<16xi32>
      %mul3A_4721 = arith.constant 2 : i32
      %mul3A_4722 = vector.broadcast %mul3A_4721 : i32 to vector<16xi32>
      %mul3A_4723 = arith.muli %select_n3A_19, %mul3A_4722 : vector<16xi32>
      %broadcast_in_dim3A_4724 = vector.shape_cast %mul3A_4723 : vector<16xi32> to vector<16x1xi32>
      %gather3A_4725 = vector.shape_cast %broadcast_in_dim3A_4724 : vector<16x1xi32> to vector<16xi32>
      %gather3A_4726 = tpu.dynamic_gather %get3A_4717[%gather3A_4725] in [0] : vector<16xi32>, vector<16xi32> -> vector<16xi32>
      %mul3A_4727 = arith.constant 16 : i32
      %mul3A_4728 = vector.broadcast %mul3A_4727 : i32 to vector<16xi32>
      %mul3A_4729 = arith.muli %mul3A_4728, %gather3A_4726 : vector<16xi32>
      %mul3A_4730 = arith.constant 2 : i32
      %mul3A_4731 = vector.broadcast %mul3A_4730 : i32 to vector<16xi32>
      %mul3A_4732 = arith.muli %select_n3A_19, %mul3A_4731 : vector<16xi32>
      %add3A_4733 = arith.constant 1 : i32
      %add3A_4734 = vector.broadcast %add3A_4733 : i32 to vector<16xi32>
      %add3A_4735 = arith.addi %mul3A_4732, %add3A_4734 : vector<16xi32>
      %broadcast_in_dim3A_4736 = vector.shape_cast %add3A_4735 : vector<16xi32> to vector<16x1xi32>
      %gather3A_4737 = vector.shape_cast %broadcast_in_dim3A_4736 : vector<16x1xi32> to vector<16xi32>
      %gather3A_4738 = tpu.dynamic_gather %get3A_4717[%gather3A_4737] in [0] : vector<16xi32>, vector<16xi32> -> vector<16xi32>
      %add3A_4739 = arith.addi %mul3A_4729, %gather3A_4738 : vector<16xi32>
      %mul3A_4740 = arith.constant 2 : i32
      %mul3A_4741 = vector.broadcast %mul3A_4740 : i32 to vector<16xi32>
      %mul3A_4742 = arith.muli %select_n3A_19, %mul3A_4741 : vector<16xi32>
      %broadcast_in_dim3A_4743 = vector.shape_cast %mul3A_4742 : vector<16xi32> to vector<16x1xi32>
      %gather3A_4744 = vector.shape_cast %broadcast_in_dim3A_4743 : vector<16x1xi32> to vector<16xi32>
      %gather3A_4745 = tpu.dynamic_gather %get3A_4720[%gather3A_4744] in [0] : vector<16xi32>, vector<16xi32> -> vector<16xi32>
      %mul3A_4746 = arith.constant 16 : i32
      %mul3A_4747 = vector.broadcast %mul3A_4746 : i32 to vector<16xi32>
      %mul3A_4748 = arith.muli %mul3A_4747, %gather3A_4745 : vector<16xi32>
      %mul3A_4749 = arith.constant 2 : i32
      %mul3A_4750 = vector.broadcast %mul3A_4749 : i32 to vector<16xi32>
      %mul3A_4751 = arith.muli %select_n3A_19, %mul3A_4750 : vector<16xi32>
      %add3A_4752 = arith.constant 1 : i32
      %add3A_4753 = vector.broadcast %add3A_4752 : i32 to vector<16xi32>
      %add3A_4754 = arith.addi %mul3A_4751, %add3A_4753 : vector<16xi32>
      %broadcast_in_dim3A_4755 = vector.shape_cast %add3A_4754 : vector<16xi32> to vector<16x1xi32>
      %gather3A_4756 = vector.shape_cast %broadcast_in_dim3A_4755 : vector<16x1xi32> to vector<16xi32>
      %gather3A_4757 = tpu.dynamic_gather %get3A_4720[%gather3A_4756] in [0] : vector<16xi32>, vector<16xi32> -> vector<16xi32>
      %add3A_4758 = arith.addi %mul3A_4748, %gather3A_4757 : vector<16xi32>
      %lt3A_4759 = arith.constant 8 : i32
      %lt3A_4760 = vector.broadcast %lt3A_4759 : i32 to vector<16xi32>
      %lt3A_4761 = arith.cmpi slt, %iota3A, %lt3A_4760 : vector<16xi32>
      %select_n3A_4762 = arith.select %lt3A_4761, %add3A_4739, %add3A_4758 : vector<16xi1>, vector<16xi32>
      %swap3A_4763 = arith.constant 96 : index
      %swap3A_4764 = tpu.vector_load %arg12[%swap3A_4763] {strides = array<i32>} : memref<128xi32, #tpu.memory_space<vmem>>, vector<16xi32>,
      %swap3A_4765 = vector.shape_cast %swap3A_4764 : vector<16xi32> to vector<16xi32>
      %swap3A_4766 = vector.shape_cast %select_n3A_4762 : vector<16xi32> to vector<16xi32>
      tpu.vector_store %arg12[%swap3A_4763], %swap3A_4766 {strides = array<i32>} : memref<128xi32, #tpu.memory_space<vmem>>, vector<16xi32>,
      %get3A_4767 = arith.constant 224 : index
      %get3A_4768 = tpu.vector_load %arg7[%get3A_4767] {strides = array<i32>} : memref<512xi32, #tpu.memory_space<vmem>>, vector<16xi32>,
      %get3A_4769 = vector.shape_cast %get3A_4768 : vector<16xi32> to vector<16xi32>
      %get3A_4770 = arith.constant 240 : index
      %get3A_4771 = tpu.vector_load %arg7[%get3A_4770] {strides = array<i32>} : memref<512xi32, #tpu.memory_space<vmem>>, vector<16xi32>,
      %get3A_4772 = vector.shape_cast %get3A_4771 : vector<16xi32> to vector<16xi32>
      %mul3A_4773 = arith.constant 2 : i32
      %mul3A_4774 = vector.broadcast %mul3A_4773 : i32 to vector<16xi32>
      %mul3A_4775 = arith.muli %select_n3A_19, %mul3A_4774 : vector<16xi32>
      %broadcast_in_dim3A_4776 = vector.shape_cast %mul3A_4775 : vector<16xi32> to vector<16x1xi32>
      %gather3A_4777 = vector.shape_cast %broadcast_in_dim3A_4776 : vector<16x1xi32> to vector<16xi32>
      %gather3A_4778 = tpu.dynamic_gather %get3A_4769[%gather3A_4777] in [0] : vector<16xi32>, vector<16xi32> -> vector<16xi32>
      %mul3A_4779 = arith.constant 16 : i32
      %mul3A_4780 = vector.broadcast %mul3A_4779 : i32 to vector<16xi32>
      %mul3A_4781 = arith.muli %mul3A_4780, %gather3A_4778 : vector<16xi32>
      %mul3A_4782 = arith.constant 2 : i32
      %mul3A_4783 = vector.broadcast %mul3A_4782 : i32 to vector<16xi32>
      %mul3A_4784 = arith.muli %select_n3A_19, %mul3A_4783 : vector<16xi32>
      %add3A_4785 = arith.constant 1 : i32
      %add3A_4786 = vector.broadcast %add3A_4785 : i32 to vector<16xi32>
      %add3A_4787 = arith.addi %mul3A_4784, %add3A_4786 : vector<16xi32>
      %broadcast_in_dim3A_4788 = vector.shape_cast %add3A_4787 : vector<16xi32> to vector<16x1xi32>
      %gather3A_4789 = vector.shape_cast %broadcast_in_dim3A_4788 : vector<16x1xi32> to vector<16xi32>
      %gather3A_4790 = tpu.dynamic_gather %get3A_4769[%gather3A_4789] in [0] : vector<16xi32>, vector<16xi32> -> vector<16xi32>
      %add3A_4791 = arith.addi %mul3A_4781, %gather3A_4790 : vector<16xi32>
      %mul3A_4792 = arith.constant 2 : i32
      %mul3A_4793 = vector.broadcast %mul3A_4792 : i32 to vector<16xi32>
      %mul3A_4794 = arith.muli %select_n3A_19, %mul3A_4793 : vector<16xi32>
      %broadcast_in_dim3A_4795 = vector.shape_cast %mul3A_4794 : vector<16xi32> to vector<16x1xi32>
      %gather3A_4796 = vector.shape_cast %broadcast_in_dim3A_4795 : vector<16x1xi32> to vector<16xi32>
      %gather3A_4797 = tpu.dynamic_gather %get3A_4772[%gather3A_4796] in [0] : vector<16xi32>, vector<16xi32> -> vector<16xi32>
      %mul3A_4798 = arith.constant 16 : i32
      %mul3A_4799 = vector.broadcast %mul3A_4798 : i32 to vector<16xi32>
      %mul3A_4800 = arith.muli %mul3A_4799, %gather3A_4797 : vector<16xi32>
      %mul3A_4801 = arith.constant 2 : i32
      %mul3A_4802 = vector.broadcast %mul3A_4801 : i32 to vector<16xi32>
      %mul3A_4803 = arith.muli %select_n3A_19, %mul3A_4802 : vector<16xi32>
      %add3A_4804 = arith.constant 1 : i32
      %add3A_4805 = vector.broadcast %add3A_4804 : i32 to vector<16xi32>
      %add3A_4806 = arith.addi %mul3A_4803, %add3A_4805 : vector<16xi32>
      %broadcast_in_dim3A_4807 = vector.shape_cast %add3A_4806 : vector<16xi32> to vector<16x1xi32>
      %gather3A_4808 = vector.shape_cast %broadcast_in_dim3A_4807 : vector<16x1xi32> to vector<16xi32>
      %gather3A_4809 = tpu.dynamic_gather %get3A_4772[%gather3A_4808] in [0] : vector<16xi32>, vector<16xi32> -> vector<16xi32>
      %add3A_4810 = arith.addi %mul3A_4800, %gather3A_4809 : vector<16xi32>
      %lt3A_4811 = arith.constant 8 : i32
      %lt3A_4812 = vector.broadcast %lt3A_4811 : i32 to vector<16xi32>
      %lt3A_4813 = arith.cmpi slt, %iota3A, %lt3A_4812 : vector<16xi32>
      %select_n3A_4814 = arith.select %lt3A_4813, %add3A_4791, %add3A_4810 : vector<16xi1>, vector<16xi32>
      %swap3A_4815 = arith.constant 112 : index
      %swap3A_4816 = tpu.vector_load %arg12[%swap3A_4815] {strides = array<i32>} : memref<128xi32, #tpu.memory_space<vmem>>, vector<16xi32>,
      %swap3A_4817 = vector.shape_cast %swap3A_4816 : vector<16xi32> to vector<16xi32>
      %swap3A_4818 = vector.shape_cast %select_n3A_4814 : vector<16xi32> to vector<16xi32>
      tpu.vector_store %arg12[%swap3A_4815], %swap3A_4818 {strides = array<i32>} : memref<128xi32, #tpu.memory_space<vmem>>, vector<16xi32>,
      %get3A_4819 = arith.constant 256 : index
      %get3A_4820 = tpu.vector_load %arg7[%get3A_4819] {strides = array<i32>} : memref<512xi32, #tpu.memory_space<vmem>>, vector<16xi32>,
      %get3A_4821 = vector.shape_cast %get3A_4820 : vector<16xi32> to vector<16xi32>
      %get3A_4822 = arith.constant 272 : index
      %get3A_4823 = tpu.vector_load %arg7[%get3A_4822] {strides = array<i32>} : memref<512xi32, #tpu.memory_space<vmem>>, vector<16xi32>,
      %get3A_4824 = vector.shape_cast %get3A_4823 : vector<16xi32> to vector<16xi32>
      %mul3A_4825 = arith.constant 2 : i32
      %mul3A_4826 = vector.broadcast %mul3A_4825 : i32 to vector<16xi32>
      %mul3A_4827 = arith.muli %select_n3A_19, %mul3A_4826 : vector<16xi32>
      %broadcast_in_dim3A_4828 = vector.shape_cast %mul3A_4827 : vector<16xi32> to vector<16x1xi32>
      %gather3A_4829 = vector.shape_cast %broadcast_in_dim3A_4828 : vector<16x1xi32> to vector<16xi32>
      %gather3A_4830 = tpu.dynamic_gather %get3A_4821[%gather3A_4829] in [0] : vector<16xi32>, vector<16xi32> -> vector<16xi32>
      %mul3A_4831 = arith.constant 16 : i32
      %mul3A_4832 = vector.broadcast %mul3A_4831 : i32 to vector<16xi32>
      %mul3A_4833 = arith.muli %mul3A_4832, %gather3A_4830 : vector<16xi32>
      %mul3A_4834 = arith.constant 2 : i32
      %mul3A_4835 = vector.broadcast %mul3A_4834 : i32 to vector<16xi32>
      %mul3A_4836 = arith.muli %select_n3A_19, %mul3A_4835 : vector<16xi32>
      %add3A_4837 = arith.constant 1 : i32
      %add3A_4838 = vector.broadcast %add3A_4837 : i32 to vector<16xi32>
      %add3A_4839 = arith.addi %mul3A_4836, %add3A_4838 : vector<16xi32>
      %broadcast_in_dim3A_4840 = vector.shape_cast %add3A_4839 : vector<16xi32> to vector<16x1xi32>
      %gather3A_4841 = vector.shape_cast %broadcast_in_dim3A_4840 : vector<16x1xi32> to vector<16xi32>
      %gather3A_4842 = tpu.dynamic_gather %get3A_4821[%gather3A_4841] in [0] : vector<16xi32>, vector<16xi32> -> vector<16xi32>
      %add3A_4843 = arith.addi %mul3A_4833, %gather3A_4842 : vector<16xi32>
      %mul3A_4844 = arith.constant 2 : i32
      %mul3A_4845 = vector.broadcast %mul3A_4844 : i32 to vector<16xi32>
      %mul3A_4846 = arith.muli %select_n3A_19, %mul3A_4845 : vector<16xi32>
      %broadcast_in_dim3A_4847 = vector.shape_cast %mul3A_4846 : vector<16xi32> to vector<16x1xi32>
      %gather3A_4848 = vector.shape_cast %broadcast_in_dim3A_4847 : vector<16x1xi32> to vector<16xi32>
      %gather3A_4849 = tpu.dynamic_gather %get3A_4824[%gather3A_4848] in [0] : vector<16xi32>, vector<16xi32> -> vector<16xi32>
      %mul3A_4850 = arith.constant 16 : i32
      %mul3A_4851 = vector.broadcast %mul3A_4850 : i32 to vector<16xi32>
      %mul3A_4852 = arith.muli %mul3A_4851, %gather3A_4849 : vector<16xi32>
      %mul3A_4853 = arith.constant 2 : i32
      %mul3A_4854 = vector.broadcast %mul3A_4853 : i32 to vector<16xi32>
      %mul3A_4855 = arith.muli %select_n3A_19, %mul3A_4854 : vector<16xi32>
      %add3A_4856 = arith.constant 1 : i32
      %add3A_4857 = vector.broadcast %add3A_4856 : i32 to vector<16xi32>
      %add3A_4858 = arith.addi %mul3A_4855, %add3A_4857 : vector<16xi32>
      %broadcast_in_dim3A_4859 = vector.shape_cast %add3A_4858 : vector<16xi32> to vector<16x1xi32>
      %gather3A_4860 = vector.shape_cast %broadcast_in_dim3A_4859 : vector<16x1xi32> to vector<16xi32>
      %gather3A_4861 = tpu.dynamic_gather %get3A_4824[%gather3A_4860] in [0] : vector<16xi32>, vector<16xi32> -> vector<16xi32>
      %add3A_4862 = arith.addi %mul3A_4852, %gather3A_4861 : vector<16xi32>
      %lt3A_4863 = arith.constant 8 : i32
      %lt3A_4864 = vector.broadcast %lt3A_4863 : i32 to vector<16xi32>
      %lt3A_4865 = arith.cmpi slt, %iota3A, %lt3A_4864 : vector<16xi32>
      %select_n3A_4866 = arith.select %lt3A_4865, %add3A_4843, %add3A_4862 : vector<16xi1>, vector<16xi32>
      %swap3A_4867 = arith.constant 0 : index
      %swap3A_4868 = tpu.vector_load %arg13[%swap3A_4867] {strides = array<i32>} : memref<128xi32, #tpu.memory_space<vmem>>, vector<16xi32>,
      %swap3A_4869 = vector.shape_cast %swap3A_4868 : vector<16xi32> to vector<16xi32>
      %swap3A_4870 = vector.shape_cast %select_n3A_4866 : vector<16xi32> to vector<16xi32>
      tpu.vector_store %arg13[%swap3A_4867], %swap3A_4870 {strides = array<i32>} : memref<128xi32, #tpu.memory_space<vmem>>, vector<16xi32>,
      %get3A_4871 = arith.constant 288 : index
      %get3A_4872 = tpu.vector_load %arg7[%get3A_4871] {strides = array<i32>} : memref<512xi32, #tpu.memory_space<vmem>>, vector<16xi32>,
      %get3A_4873 = vector.shape_cast %get3A_4872 : vector<16xi32> to vector<16xi32>
      %get3A_4874 = arith.constant 304 : index
      %get3A_4875 = tpu.vector_load %arg7[%get3A_4874] {strides = array<i32>} : memref<512xi32, #tpu.memory_space<vmem>>, vector<16xi32>,
      %get3A_4876 = vector.shape_cast %get3A_4875 : vector<16xi32> to vector<16xi32>
      %mul3A_4877 = arith.constant 2 : i32
      %mul3A_4878 = vector.broadcast %mul3A_4877 : i32 to vector<16xi32>
      %mul3A_4879 = arith.muli %select_n3A_19, %mul3A_4878 : vector<16xi32>
      %broadcast_in_dim3A_4880 = vector.shape_cast %mul3A_4879 : vector<16xi32> to vector<16x1xi32>
      %gather3A_4881 = vector.shape_cast %broadcast_in_dim3A_4880 : vector<16x1xi32> to vector<16xi32>
      %gather3A_4882 = tpu.dynamic_gather %get3A_4873[%gather3A_4881] in [0] : vector<16xi32>, vector<16xi32> -> vector<16xi32>
      %mul3A_4883 = arith.constant 16 : i32
      %mul3A_4884 = vector.broadcast %mul3A_4883 : i32 to vector<16xi32>
      %mul3A_4885 = arith.muli %mul3A_4884, %gather3A_4882 : vector<16xi32>
      %mul3A_4886 = arith.constant 2 : i32
      %mul3A_4887 = vector.broadcast %mul3A_4886 : i32 to vector<16xi32>
      %mul3A_4888 = arith.muli %select_n3A_19, %mul3A_4887 : vector<16xi32>
      %add3A_4889 = arith.constant 1 : i32
      %add3A_4890 = vector.broadcast %add3A_4889 : i32 to vector<16xi32>
      %add3A_4891 = arith.addi %mul3A_4888, %add3A_4890 : vector<16xi32>
      %broadcast_in_dim3A_4892 = vector.shape_cast %add3A_4891 : vector<16xi32> to vector<16x1xi32>
      %gather3A_4893 = vector.shape_cast %broadcast_in_dim3A_4892 : vector<16x1xi32> to vector<16xi32>
      %gather3A_4894 = tpu.dynamic_gather %get3A_4873[%gather3A_4893] in [0] : vector<16xi32>, vector<16xi32> -> vector<16xi32>
      %add3A_4895 = arith.addi %mul3A_4885, %gather3A_4894 : vector<16xi32>
      %mul3A_4896 = arith.constant 2 : i32
      %mul3A_4897 = vector.broadcast %mul3A_4896 : i32 to vector<16xi32>
      %mul3A_4898 = arith.muli %select_n3A_19, %mul3A_4897 : vector<16xi32>
      %broadcast_in_dim3A_4899 = vector.shape_cast %mul3A_4898 : vector<16xi32> to vector<16x1xi32>
      %gather3A_4900 = vector.shape_cast %broadcast_in_dim3A_4899 : vector<16x1xi32> to vector<16xi32>
      %gather3A_4901 = tpu.dynamic_gather %get3A_4876[%gather3A_4900] in [0] : vector<16xi32>, vector<16xi32> -> vector<16xi32>
      %mul3A_4902 = arith.constant 16 : i32
      %mul3A_4903 = vector.broadcast %mul3A_4902 : i32 to vector<16xi32>
      %mul3A_4904 = arith.muli %mul3A_4903, %gather3A_4901 : vector<16xi32>
      %mul3A_4905 = arith.constant 2 : i32
      %mul3A_4906 = vector.broadcast %mul3A_4905 : i32 to vector<16xi32>
      %mul3A_4907 = arith.muli %select_n3A_19, %mul3A_4906 : vector<16xi32>
      %add3A_4908 = arith.constant 1 : i32
      %add3A_4909 = vector.broadcast %add3A_4908 : i32 to vector<16xi32>
      %add3A_4910 = arith.addi %mul3A_4907, %add3A_4909 : vector<16xi32>
      %broadcast_in_dim3A_4911 = vector.shape_cast %add3A_4910 : vector<16xi32> to vector<16x1xi32>
      %gather3A_4912 = vector.shape_cast %broadcast_in_dim3A_4911 : vector<16x1xi32> to vector<16xi32>
      %gather3A_4913 = tpu.dynamic_gather %get3A_4876[%gather3A_4912] in [0] : vector<16xi32>, vector<16xi32> -> vector<16xi32>
      %add3A_4914 = arith.addi %mul3A_4904, %gather3A_4913 : vector<16xi32>
      %lt3A_4915 = arith.constant 8 : i32
      %lt3A_4916 = vector.broadcast %lt3A_4915 : i32 to vector<16xi32>
      %lt3A_4917 = arith.cmpi slt, %iota3A, %lt3A_4916 : vector<16xi32>
      %select_n3A_4918 = arith.select %lt3A_4917, %add3A_4895, %add3A_4914 : vector<16xi1>, vector<16xi32>
      %swap3A_4919 = arith.constant 16 : index
      %swap3A_4920 = tpu.vector_load %arg13[%swap3A_4919] {strides = array<i32>} : memref<128xi32, #tpu.memory_space<vmem>>, vector<16xi32>,
      %swap3A_4921 = vector.shape_cast %swap3A_4920 : vector<16xi32> to vector<16xi32>
      %swap3A_4922 = vector.shape_cast %select_n3A_4918 : vector<16xi32> to vector<16xi32>
      tpu.vector_store %arg13[%swap3A_4919], %swap3A_4922 {strides = array<i32>} : memref<128xi32, #tpu.memory_space<vmem>>, vector<16xi32>,
      %get3A_4923 = arith.constant 320 : index
      %get3A_4924 = tpu.vector_load %arg7[%get3A_4923] {strides = array<i32>} : memref<512xi32, #tpu.memory_space<vmem>>, vector<16xi32>,
      %get3A_4925 = vector.shape_cast %get3A_4924 : vector<16xi32> to vector<16xi32>
      %get3A_4926 = arith.constant 336 : index
      %get3A_4927 = tpu.vector_load %arg7[%get3A_4926] {strides = array<i32>} : memref<512xi32, #tpu.memory_space<vmem>>, vector<16xi32>,
      %get3A_4928 = vector.shape_cast %get3A_4927 : vector<16xi32> to vector<16xi32>
      %mul3A_4929 = arith.constant 2 : i32
      %mul3A_4930 = vector.broadcast %mul3A_4929 : i32 to vector<16xi32>
      %mul3A_4931 = arith.muli %select_n3A_19, %mul3A_4930 : vector<16xi32>
      %broadcast_in_dim3A_4932 = vector.shape_cast %mul3A_4931 : vector<16xi32> to vector<16x1xi32>
      %gather3A_4933 = vector.shape_cast %broadcast_in_dim3A_4932 : vector<16x1xi32> to vector<16xi32>
      %gather3A_4934 = tpu.dynamic_gather %get3A_4925[%gather3A_4933] in [0] : vector<16xi32>, vector<16xi32> -> vector<16xi32>
      %mul3A_4935 = arith.constant 16 : i32
      %mul3A_4936 = vector.broadcast %mul3A_4935 : i32 to vector<16xi32>
      %mul3A_4937 = arith.muli %mul3A_4936, %gather3A_4934 : vector<16xi32>
      %mul3A_4938 = arith.constant 2 : i32
      %mul3A_4939 = vector.broadcast %mul3A_4938 : i32 to vector<16xi32>
      %mul3A_4940 = arith.muli %select_n3A_19, %mul3A_4939 : vector<16xi32>
      %add3A_4941 = arith.constant 1 : i32
      %add3A_4942 = vector.broadcast %add3A_4941 : i32 to vector<16xi32>
      %add3A_4943 = arith.addi %mul3A_4940, %add3A_4942 : vector<16xi32>
      %broadcast_in_dim3A_4944 = vector.shape_cast %add3A_4943 : vector<16xi32> to vector<16x1xi32>
      %gather3A_4945 = vector.shape_cast %broadcast_in_dim3A_4944 : vector<16x1xi32> to vector<16xi32>
      %gather3A_4946 = tpu.dynamic_gather %get3A_4925[%gather3A_4945] in [0] : vector<16xi32>, vector<16xi32> -> vector<16xi32>
      %add3A_4947 = arith.addi %mul3A_4937, %gather3A_4946 : vector<16xi32>
      %mul3A_4948 = arith.constant 2 : i32
      %mul3A_4949 = vector.broadcast %mul3A_4948 : i32 to vector<16xi32>
      %mul3A_4950 = arith.muli %select_n3A_19, %mul3A_4949 : vector<16xi32>
      %broadcast_in_dim3A_4951 = vector.shape_cast %mul3A_4950 : vector<16xi32> to vector<16x1xi32>
      %gather3A_4952 = vector.shape_cast %broadcast_in_dim3A_4951 : vector<16x1xi32> to vector<16xi32>
      %gather3A_4953 = tpu.dynamic_gather %get3A_4928[%gather3A_4952] in [0] : vector<16xi32>, vector<16xi32> -> vector<16xi32>
      %mul3A_4954 = arith.constant 16 : i32
      %mul3A_4955 = vector.broadcast %mul3A_4954 : i32 to vector<16xi32>
      %mul3A_4956 = arith.muli %mul3A_4955, %gather3A_4953 : vector<16xi32>
      %mul3A_4957 = arith.constant 2 : i32
      %mul3A_4958 = vector.broadcast %mul3A_4957 : i32 to vector<16xi32>
      %mul3A_4959 = arith.muli %select_n3A_19, %mul3A_4958 : vector<16xi32>
      %add3A_4960 = arith.constant 1 : i32
      %add3A_4961 = vector.broadcast %add3A_4960 : i32 to vector<16xi32>
      %add3A_4962 = arith.addi %mul3A_4959, %add3A_4961 : vector<16xi32>
      %broadcast_in_dim3A_4963 = vector.shape_cast %add3A_4962 : vector<16xi32> to vector<16x1xi32>
      %gather3A_4964 = vector.shape_cast %broadcast_in_dim3A_4963 : vector<16x1xi32> to vector<16xi32>
      %gather3A_4965 = tpu.dynamic_gather %get3A_4928[%gather3A_4964] in [0] : vector<16xi32>, vector<16xi32> -> vector<16xi32>
      %add3A_4966 = arith.addi %mul3A_4956, %gather3A_4965 : vector<16xi32>
      %lt3A_4967 = arith.constant 8 : i32
      %lt3A_4968 = vector.broadcast %lt3A_4967 : i32 to vector<16xi32>
      %lt3A_4969 = arith.cmpi slt, %iota3A, %lt3A_4968 : vector<16xi32>
      %select_n3A_4970 = arith.select %lt3A_4969, %add3A_4947, %add3A_4966 : vector<16xi1>, vector<16xi32>
      %swap3A_4971 = arith.constant 32 : index
      %swap3A_4972 = tpu.vector_load %arg13[%swap3A_4971] {strides = array<i32>} : memref<128xi32, #tpu.memory_space<vmem>>, vector<16xi32>,
      %swap3A_4973 = vector.shape_cast %swap3A_4972 : vector<16xi32> to vector<16xi32>
      %swap3A_4974 = vector.shape_cast %select_n3A_4970 : vector<16xi32> to vector<16xi32>
      tpu.vector_store %arg13[%swap3A_4971], %swap3A_4974 {strides = array<i32>} : memref<128xi32, #tpu.memory_space<vmem>>, vector<16xi32>,
      %get3A_4975 = arith.constant 352 : index
      %get3A_4976 = tpu.vector_load %arg7[%get3A_4975] {strides = array<i32>} : memref<512xi32, #tpu.memory_space<vmem>>, vector<16xi32>,
      %get3A_4977 = vector.shape_cast %get3A_4976 : vector<16xi32> to vector<16xi32>
      %get3A_4978 = arith.constant 368 : index
      %get3A_4979 = tpu.vector_load %arg7[%get3A_4978] {strides = array<i32>} : memref<512xi32, #tpu.memory_space<vmem>>, vector<16xi32>,
      %get3A_4980 = vector.shape_cast %get3A_4979 : vector<16xi32> to vector<16xi32>
      %mul3A_4981 = arith.constant 2 : i32
      %mul3A_4982 = vector.broadcast %mul3A_4981 : i32 to vector<16xi32>
      %mul3A_4983 = arith.muli %select_n3A_19, %mul3A_4982 : vector<16xi32>
      %broadcast_in_dim3A_4984 = vector.shape_cast %mul3A_4983 : vector<16xi32> to vector<16x1xi32>
      %gather3A_4985 = vector.shape_cast %broadcast_in_dim3A_4984 : vector<16x1xi32> to vector<16xi32>
      %gather3A_4986 = tpu.dynamic_gather %get3A_4977[%gather3A_4985] in [0] : vector<16xi32>, vector<16xi32> -> vector<16xi32>
      %mul3A_4987 = arith.constant 16 : i32
      %mul3A_4988 = vector.broadcast %mul3A_4987 : i32 to vector<16xi32>
      %mul3A_4989 = arith.muli %mul3A_4988, %gather3A_4986 : vector<16xi32>
      %mul3A_4990 = arith.constant 2 : i32
      %mul3A_4991 = vector.broadcast %mul3A_4990 : i32 to vector<16xi32>
      %mul3A_4992 = arith.muli %select_n3A_19, %mul3A_4991 : vector<16xi32>
      %add3A_4993 = arith.constant 1 : i32
      %add3A_4994 = vector.broadcast %add3A_4993 : i32 to vector<16xi32>
      %add3A_4995 = arith.addi %mul3A_4992, %add3A_4994 : vector<16xi32>
      %broadcast_in_dim3A_4996 = vector.shape_cast %add3A_4995 : vector<16xi32> to vector<16x1xi32>
      %gather3A_4997 = vector.shape_cast %broadcast_in_dim3A_4996 : vector<16x1xi32> to vector<16xi32>
      %gather3A_4998 = tpu.dynamic_gather %get3A_4977[%gather3A_4997] in [0] : vector<16xi32>, vector<16xi32> -> vector<16xi32>
      %add3A_4999 = arith.addi %mul3A_4989, %gather3A_4998 : vector<16xi32>
      %mul3A_5000 = arith.constant 2 : i32
      %mul3A_5001 = vector.broadcast %mul3A_5000 : i32 to vector<16xi32>
      %mul3A_5002 = arith.muli %select_n3A_19, %mul3A_5001 : vector<16xi32>
      %broadcast_in_dim3A_5003 = vector.shape_cast %mul3A_5002 : vector<16xi32> to vector<16x1xi32>
      %gather3A_5004 = vector.shape_cast %broadcast_in_dim3A_5003 : vector<16x1xi32> to vector<16xi32>
      %gather3A_5005 = tpu.dynamic_gather %get3A_4980[%gather3A_5004] in [0] : vector<16xi32>, vector<16xi32> -> vector<16xi32>
      %mul3A_5006 = arith.constant 16 : i32
      %mul3A_5007 = vector.broadcast %mul3A_5006 : i32 to vector<16xi32>
      %mul3A_5008 = arith.muli %mul3A_5007, %gather3A_5005 : vector<16xi32>
      %mul3A_5009 = arith.constant 2 : i32
      %mul3A_5010 = vector.broadcast %mul3A_5009 : i32 to vector<16xi32>
      %mul3A_5011 = arith.muli %select_n3A_19, %mul3A_5010 : vector<16xi32>
      %add3A_5012 = arith.constant 1 : i32
      %add3A_5013 = vector.broadcast %add3A_5012 : i32 to vector<16xi32>
      %add3A_5014 = arith.addi %mul3A_5011, %add3A_5013 : vector<16xi32>
      %broadcast_in_dim3A_5015 = vector.shape_cast %add3A_5014 : vector<16xi32> to vector<16x1xi32>
      %gather3A_5016 = vector.shape_cast %broadcast_in_dim3A_5015 : vector<16x1xi32> to vector<16xi32>
      %gather3A_5017 = tpu.dynamic_gather %get3A_4980[%gather3A_5016] in [0] : vector<16xi32>, vector<16xi32> -> vector<16xi32>
      %add3A_5018 = arith.addi %mul3A_5008, %gather3A_5017 : vector<16xi32>
      %lt3A_5019 = arith.constant 8 : i32
      %lt3A_5020 = vector.broadcast %lt3A_5019 : i32 to vector<16xi32>
      %lt3A_5021 = arith.cmpi slt, %iota3A, %lt3A_5020 : vector<16xi32>
      %select_n3A_5022 = arith.select %lt3A_5021, %add3A_4999, %add3A_5018 : vector<16xi1>, vector<16xi32>
      %swap3A_5023 = arith.constant 48 : index
      %swap3A_5024 = tpu.vector_load %arg13[%swap3A_5023] {strides = array<i32>} : memref<128xi32, #tpu.memory_space<vmem>>, vector<16xi32>,
      %swap3A_5025 = vector.shape_cast %swap3A_5024 : vector<16xi32> to vector<16xi32>
      %swap3A_5026 = vector.shape_cast %select_n3A_5022 : vector<16xi32> to vector<16xi32>
      tpu.vector_store %arg13[%swap3A_5023], %swap3A_5026 {strides = array<i32>} : memref<128xi32, #tpu.memory_space<vmem>>, vector<16xi32>,
      %get3A_5027 = arith.constant 384 : index
      %get3A_5028 = tpu.vector_load %arg7[%get3A_5027] {strides = array<i32>} : memref<512xi32, #tpu.memory_space<vmem>>, vector<16xi32>,
      %get3A_5029 = vector.shape_cast %get3A_5028 : vector<16xi32> to vector<16xi32>
      %get3A_5030 = arith.constant 400 : index
      %get3A_5031 = tpu.vector_load %arg7[%get3A_5030] {strides = array<i32>} : memref<512xi32, #tpu.memory_space<vmem>>, vector<16xi32>,
      %get3A_5032 = vector.shape_cast %get3A_5031 : vector<16xi32> to vector<16xi32>
      %mul3A_5033 = arith.constant 2 : i32
      %mul3A_5034 = vector.broadcast %mul3A_5033 : i32 to vector<16xi32>
      %mul3A_5035 = arith.muli %select_n3A_19, %mul3A_5034 : vector<16xi32>
      %broadcast_in_dim3A_5036 = vector.shape_cast %mul3A_5035 : vector<16xi32> to vector<16x1xi32>
      %gather3A_5037 = vector.shape_cast %broadcast_in_dim3A_5036 : vector<16x1xi32> to vector<16xi32>
      %gather3A_5038 = tpu.dynamic_gather %get3A_5029[%gather3A_5037] in [0] : vector<16xi32>, vector<16xi32> -> vector<16xi32>
      %mul3A_5039 = arith.constant 16 : i32
      %mul3A_5040 = vector.broadcast %mul3A_5039 : i32 to vector<16xi32>
      %mul3A_5041 = arith.muli %mul3A_5040, %gather3A_5038 : vector<16xi32>
      %mul3A_5042 = arith.constant 2 : i32
      %mul3A_5043 = vector.broadcast %mul3A_5042 : i32 to vector<16xi32>
      %mul3A_5044 = arith.muli %select_n3A_19, %mul3A_5043 : vector<16xi32>
      %add3A_5045 = arith.constant 1 : i32
      %add3A_5046 = vector.broadcast %add3A_5045 : i32 to vector<16xi32>
      %add3A_5047 = arith.addi %mul3A_5044, %add3A_5046 : vector<16xi32>
      %broadcast_in_dim3A_5048 = vector.shape_cast %add3A_5047 : vector<16xi32> to vector<16x1xi32>
      %gather3A_5049 = vector.shape_cast %broadcast_in_dim3A_5048 : vector<16x1xi32> to vector<16xi32>
      %gather3A_5050 = tpu.dynamic_gather %get3A_5029[%gather3A_5049] in [0] : vector<16xi32>, vector<16xi32> -> vector<16xi32>
      %add3A_5051 = arith.addi %mul3A_5041, %gather3A_5050 : vector<16xi32>
      %mul3A_5052 = arith.constant 2 : i32
      %mul3A_5053 = vector.broadcast %mul3A_5052 : i32 to vector<16xi32>
      %mul3A_5054 = arith.muli %select_n3A_19, %mul3A_5053 : vector<16xi32>
      %broadcast_in_dim3A_5055 = vector.shape_cast %mul3A_5054 : vector<16xi32> to vector<16x1xi32>
      %gather3A_5056 = vector.shape_cast %broadcast_in_dim3A_5055 : vector<16x1xi32> to vector<16xi32>
      %gather3A_5057 = tpu.dynamic_gather %get3A_5032[%gather3A_5056] in [0] : vector<16xi32>, vector<16xi32> -> vector<16xi32>
      %mul3A_5058 = arith.constant 16 : i32
      %mul3A_5059 = vector.broadcast %mul3A_5058 : i32 to vector<16xi32>
      %mul3A_5060 = arith.muli %mul3A_5059, %gather3A_5057 : vector<16xi32>
      %mul3A_5061 = arith.constant 2 : i32
      %mul3A_5062 = vector.broadcast %mul3A_5061 : i32 to vector<16xi32>
      %mul3A_5063 = arith.muli %select_n3A_19, %mul3A_5062 : vector<16xi32>
      %add3A_5064 = arith.constant 1 : i32
      %add3A_5065 = vector.broadcast %add3A_5064 : i32 to vector<16xi32>
      %add3A_5066 = arith.addi %mul3A_5063, %add3A_5065 : vector<16xi32>
      %broadcast_in_dim3A_5067 = vector.shape_cast %add3A_5066 : vector<16xi32> to vector<16x1xi32>
      %gather3A_5068 = vector.shape_cast %broadcast_in_dim3A_5067 : vector<16x1xi32> to vector<16xi32>
      %gather3A_5069 = tpu.dynamic_gather %get3A_5032[%gather3A_5068] in [0] : vector<16xi32>, vector<16xi32> -> vector<16xi32>
      %add3A_5070 = arith.addi %mul3A_5060, %gather3A_5069 : vector<16xi32>
      %lt3A_5071 = arith.constant 8 : i32
      %lt3A_5072 = vector.broadcast %lt3A_5071 : i32 to vector<16xi32>
      %lt3A_5073 = arith.cmpi slt, %iota3A, %lt3A_5072 : vector<16xi32>
      %select_n3A_5074 = arith.select %lt3A_5073, %add3A_5051, %add3A_5070 : vector<16xi1>, vector<16xi32>
      %swap3A_5075 = arith.constant 64 : index
      %swap3A_5076 = tpu.vector_load %arg13[%swap3A_5075] {strides = array<i32>} : memref<128xi32, #tpu.memory_space<vmem>>, vector<16xi32>,
      %swap3A_5077 = vector.shape_cast %swap3A_5076 : vector<16xi32> to vector<16xi32>
      %swap3A_5078 = vector.shape_cast %select_n3A_5074 : vector<16xi32> to vector<16xi32>
      tpu.vector_store %arg13[%swap3A_5075], %swap3A_5078 {strides = array<i32>} : memref<128xi32, #tpu.memory_space<vmem>>, vector<16xi32>,
      %get3A_5079 = arith.constant 416 : index
      %get3A_5080 = tpu.vector_load %arg7[%get3A_5079] {strides = array<i32>} : memref<512xi32, #tpu.memory_space<vmem>>, vector<16xi32>,
      %get3A_5081 = vector.shape_cast %get3A_5080 : vector<16xi32> to vector<16xi32>
      %get3A_5082 = arith.constant 432 : index
      %get3A_5083 = tpu.vector_load %arg7[%get3A_5082] {strides = array<i32>} : memref<512xi32, #tpu.memory_space<vmem>>, vector<16xi32>,
      %get3A_5084 = vector.shape_cast %get3A_5083 : vector<16xi32> to vector<16xi32>
      %mul3A_5085 = arith.constant 2 : i32
      %mul3A_5086 = vector.broadcast %mul3A_5085 : i32 to vector<16xi32>
      %mul3A_5087 = arith.muli %select_n3A_19, %mul3A_5086 : vector<16xi32>
      %broadcast_in_dim3A_5088 = vector.shape_cast %mul3A_5087 : vector<16xi32> to vector<16x1xi32>
      %gather3A_5089 = vector.shape_cast %broadcast_in_dim3A_5088 : vector<16x1xi32> to vector<16xi32>
      %gather3A_5090 = tpu.dynamic_gather %get3A_5081[%gather3A_5089] in [0] : vector<16xi32>, vector<16xi32> -> vector<16xi32>
      %mul3A_5091 = arith.constant 16 : i32
      %mul3A_5092 = vector.broadcast %mul3A_5091 : i32 to vector<16xi32>
      %mul3A_5093 = arith.muli %mul3A_5092, %gather3A_5090 : vector<16xi32>
      %mul3A_5094 = arith.constant 2 : i32
      %mul3A_5095 = vector.broadcast %mul3A_5094 : i32 to vector<16xi32>
      %mul3A_5096 = arith.muli %select_n3A_19, %mul3A_5095 : vector<16xi32>
      %add3A_5097 = arith.constant 1 : i32
      %add3A_5098 = vector.broadcast %add3A_5097 : i32 to vector<16xi32>
      %add3A_5099 = arith.addi %mul3A_5096, %add3A_5098 : vector<16xi32>
      %broadcast_in_dim3A_5100 = vector.shape_cast %add3A_5099 : vector<16xi32> to vector<16x1xi32>
      %gather3A_5101 = vector.shape_cast %broadcast_in_dim3A_5100 : vector<16x1xi32> to vector<16xi32>
      %gather3A_5102 = tpu.dynamic_gather %get3A_5081[%gather3A_5101] in [0] : vector<16xi32>, vector<16xi32> -> vector<16xi32>
      %add3A_5103 = arith.addi %mul3A_5093, %gather3A_5102 : vector<16xi32>
      %mul3A_5104 = arith.constant 2 : i32
      %mul3A_5105 = vector.broadcast %mul3A_5104 : i32 to vector<16xi32>
      %mul3A_5106 = arith.muli %select_n3A_19, %mul3A_5105 : vector<16xi32>
      %broadcast_in_dim3A_5107 = vector.shape_cast %mul3A_5106 : vector<16xi32> to vector<16x1xi32>
      %gather3A_5108 = vector.shape_cast %broadcast_in_dim3A_5107 : vector<16x1xi32> to vector<16xi32>
      %gather3A_5109 = tpu.dynamic_gather %get3A_5084[%gather3A_5108] in [0] : vector<16xi32>, vector<16xi32> -> vector<16xi32>
      %mul3A_5110 = arith.constant 16 : i32
      %mul3A_5111 = vector.broadcast %mul3A_5110 : i32 to vector<16xi32>
      %mul3A_5112 = arith.muli %mul3A_5111, %gather3A_5109 : vector<16xi32>
      %mul3A_5113 = arith.constant 2 : i32
      %mul3A_5114 = vector.broadcast %mul3A_5113 : i32 to vector<16xi32>
      %mul3A_5115 = arith.muli %select_n3A_19, %mul3A_5114 : vector<16xi32>
      %add3A_5116 = arith.constant 1 : i32
      %add3A_5117 = vector.broadcast %add3A_5116 : i32 to vector<16xi32>
      %add3A_5118 = arith.addi %mul3A_5115, %add3A_5117 : vector<16xi32>
      %broadcast_in_dim3A_5119 = vector.shape_cast %add3A_5118 : vector<16xi32> to vector<16x1xi32>
      %gather3A_5120 = vector.shape_cast %broadcast_in_dim3A_5119 : vector<16x1xi32> to vector<16xi32>
      %gather3A_5121 = tpu.dynamic_gather %get3A_5084[%gather3A_5120] in [0] : vector<16xi32>, vector<16xi32> -> vector<16xi32>
      %add3A_5122 = arith.addi %mul3A_5112, %gather3A_5121 : vector<16xi32>
      %lt3A_5123 = arith.constant 8 : i32
      %lt3A_5124 = vector.broadcast %lt3A_5123 : i32 to vector<16xi32>
      %lt3A_5125 = arith.cmpi slt, %iota3A, %lt3A_5124 : vector<16xi32>
      %select_n3A_5126 = arith.select %lt3A_5125, %add3A_5103, %add3A_5122 : vector<16xi1>, vector<16xi32>
      %swap3A_5127 = arith.constant 80 : index
      %swap3A_5128 = tpu.vector_load %arg13[%swap3A_5127] {strides = array<i32>} : memref<128xi32, #tpu.memory_space<vmem>>, vector<16xi32>,
      %swap3A_5129 = vector.shape_cast %swap3A_5128 : vector<16xi32> to vector<16xi32>
      %swap3A_5130 = vector.shape_cast %select_n3A_5126 : vector<16xi32> to vector<16xi32>
      tpu.vector_store %arg13[%swap3A_5127], %swap3A_5130 {strides = array<i32>} : memref<128xi32, #tpu.memory_space<vmem>>, vector<16xi32>,
      %get3A_5131 = arith.constant 448 : index
      %get3A_5132 = tpu.vector_load %arg7[%get3A_5131] {strides = array<i32>} : memref<512xi32, #tpu.memory_space<vmem>>, vector<16xi32>,
      %get3A_5133 = vector.shape_cast %get3A_5132 : vector<16xi32> to vector<16xi32>
      %get3A_5134 = arith.constant 464 : index
      %get3A_5135 = tpu.vector_load %arg7[%get3A_5134] {strides = array<i32>} : memref<512xi32, #tpu.memory_space<vmem>>, vector<16xi32>,
      %get3A_5136 = vector.shape_cast %get3A_5135 : vector<16xi32> to vector<16xi32>
      %mul3A_5137 = arith.constant 2 : i32
      %mul3A_5138 = vector.broadcast %mul3A_5137 : i32 to vector<16xi32>
      %mul3A_5139 = arith.muli %select_n3A_19, %mul3A_5138 : vector<16xi32>
      %broadcast_in_dim3A_5140 = vector.shape_cast %mul3A_5139 : vector<16xi32> to vector<16x1xi32>
      %gather3A_5141 = vector.shape_cast %broadcast_in_dim3A_5140 : vector<16x1xi32> to vector<16xi32>
      %gather3A_5142 = tpu.dynamic_gather %get3A_5133[%gather3A_5141] in [0] : vector<16xi32>, vector<16xi32> -> vector<16xi32>
      %mul3A_5143 = arith.constant 16 : i32
      %mul3A_5144 = vector.broadcast %mul3A_5143 : i32 to vector<16xi32>
      %mul3A_5145 = arith.muli %mul3A_5144, %gather3A_5142 : vector<16xi32>
      %mul3A_5146 = arith.constant 2 : i32
      %mul3A_5147 = vector.broadcast %mul3A_5146 : i32 to vector<16xi32>
      %mul3A_5148 = arith.muli %select_n3A_19, %mul3A_5147 : vector<16xi32>
      %add3A_5149 = arith.constant 1 : i32
      %add3A_5150 = vector.broadcast %add3A_5149 : i32 to vector<16xi32>
      %add3A_5151 = arith.addi %mul3A_5148, %add3A_5150 : vector<16xi32>
      %broadcast_in_dim3A_5152 = vector.shape_cast %add3A_5151 : vector<16xi32> to vector<16x1xi32>
      %gather3A_5153 = vector.shape_cast %broadcast_in_dim3A_5152 : vector<16x1xi32> to vector<16xi32>
      %gather3A_5154 = tpu.dynamic_gather %get3A_5133[%gather3A_5153] in [0] : vector<16xi32>, vector<16xi32> -> vector<16xi32>
      %add3A_5155 = arith.addi %mul3A_5145, %gather3A_5154 : vector<16xi32>
      %mul3A_5156 = arith.constant 2 : i32
      %mul3A_5157 = vector.broadcast %mul3A_5156 : i32 to vector<16xi32>
      %mul3A_5158 = arith.muli %select_n3A_19, %mul3A_5157 : vector<16xi32>
      %broadcast_in_dim3A_5159 = vector.shape_cast %mul3A_5158 : vector<16xi32> to vector<16x1xi32>
      %gather3A_5160 = vector.shape_cast %broadcast_in_dim3A_5159 : vector<16x1xi32> to vector<16xi32>
      %gather3A_5161 = tpu.dynamic_gather %get3A_5136[%gather3A_5160] in [0] : vector<16xi32>, vector<16xi32> -> vector<16xi32>
      %mul3A_5162 = arith.constant 16 : i32
      %mul3A_5163 = vector.broadcast %mul3A_5162 : i32 to vector<16xi32>
      %mul3A_5164 = arith.muli %mul3A_5163, %gather3A_5161 : vector<16xi32>
      %mul3A_5165 = arith.constant 2 : i32
      %mul3A_5166 = vector.broadcast %mul3A_5165 : i32 to vector<16xi32>
      %mul3A_5167 = arith.muli %select_n3A_19, %mul3A_5166 : vector<16xi32>
      %add3A_5168 = arith.constant 1 : i32
      %add3A_5169 = vector.broadcast %add3A_5168 : i32 to vector<16xi32>
      %add3A_5170 = arith.addi %mul3A_5167, %add3A_5169 : vector<16xi32>
      %broadcast_in_dim3A_5171 = vector.shape_cast %add3A_5170 : vector<16xi32> to vector<16x1xi32>
      %gather3A_5172 = vector.shape_cast %broadcast_in_dim3A_5171 : vector<16x1xi32> to vector<16xi32>
      %gather3A_5173 = tpu.dynamic_gather %get3A_5136[%gather3A_5172] in [0] : vector<16xi32>, vector<16xi32> -> vector<16xi32>
      %add3A_5174 = arith.addi %mul3A_5164, %gather3A_5173 : vector<16xi32>
      %lt3A_5175 = arith.constant 8 : i32
      %lt3A_5176 = vector.broadcast %lt3A_5175 : i32 to vector<16xi32>
      %lt3A_5177 = arith.cmpi slt, %iota3A, %lt3A_5176 : vector<16xi32>
      %select_n3A_5178 = arith.select %lt3A_5177, %add3A_5155, %add3A_5174 : vector<16xi1>, vector<16xi32>
      %swap3A_5179 = arith.constant 96 : index
      %swap3A_5180 = tpu.vector_load %arg13[%swap3A_5179] {strides = array<i32>} : memref<128xi32, #tpu.memory_space<vmem>>, vector<16xi32>,
      %swap3A_5181 = vector.shape_cast %swap3A_5180 : vector<16xi32> to vector<16xi32>
      %swap3A_5182 = vector.shape_cast %select_n3A_5178 : vector<16xi32> to vector<16xi32>
      tpu.vector_store %arg13[%swap3A_5179], %swap3A_5182 {strides = array<i32>} : memref<128xi32, #tpu.memory_space<vmem>>, vector<16xi32>,
      %get3A_5183 = arith.constant 480 : index
      %get3A_5184 = tpu.vector_load %arg7[%get3A_5183] {strides = array<i32>} : memref<512xi32, #tpu.memory_space<vmem>>, vector<16xi32>,
      %get3A_5185 = vector.shape_cast %get3A_5184 : vector<16xi32> to vector<16xi32>
      %get3A_5186 = arith.constant 496 : index
      %get3A_5187 = tpu.vector_load %arg7[%get3A_5186] {strides = array<i32>} : memref<512xi32, #tpu.memory_space<vmem>>, vector<16xi32>,
      %get3A_5188 = vector.shape_cast %get3A_5187 : vector<16xi32> to vector<16xi32>
      %mul3A_5189 = arith.constant 2 : i32
      %mul3A_5190 = vector.broadcast %mul3A_5189 : i32 to vector<16xi32>
      %mul3A_5191 = arith.muli %select_n3A_19, %mul3A_5190 : vector<16xi32>
      %broadcast_in_dim3A_5192 = vector.shape_cast %mul3A_5191 : vector<16xi32> to vector<16x1xi32>
      %gather3A_5193 = vector.shape_cast %broadcast_in_dim3A_5192 : vector<16x1xi32> to vector<16xi32>
      %gather3A_5194 = tpu.dynamic_gather %get3A_5185[%gather3A_5193] in [0] : vector<16xi32>, vector<16xi32> -> vector<16xi32>
      %mul3A_5195 = arith.constant 16 : i32
      %mul3A_5196 = vector.broadcast %mul3A_5195 : i32 to vector<16xi32>
      %mul3A_5197 = arith.muli %mul3A_5196, %gather3A_5194 : vector<16xi32>
      %mul3A_5198 = arith.constant 2 : i32
      %mul3A_5199 = vector.broadcast %mul3A_5198 : i32 to vector<16xi32>
      %mul3A_5200 = arith.muli %select_n3A_19, %mul3A_5199 : vector<16xi32>
      %add3A_5201 = arith.constant 1 : i32
      %add3A_5202 = vector.broadcast %add3A_5201 : i32 to vector<16xi32>
      %add3A_5203 = arith.addi %mul3A_5200, %add3A_5202 : vector<16xi32>
      %broadcast_in_dim3A_5204 = vector.shape_cast %add3A_5203 : vector<16xi32> to vector<16x1xi32>
      %gather3A_5205 = vector.shape_cast %broadcast_in_dim3A_5204 : vector<16x1xi32> to vector<16xi32>
      %gather3A_5206 = tpu.dynamic_gather %get3A_5185[%gather3A_5205] in [0] : vector<16xi32>, vector<16xi32> -> vector<16xi32>
      %add3A_5207 = arith.addi %mul3A_5197, %gather3A_5206 : vector<16xi32>
      %mul3A_5208 = arith.constant 2 : i32
      %mul3A_5209 = vector.broadcast %mul3A_5208 : i32 to vector<16xi32>
      %mul3A_5210 = arith.muli %select_n3A_19, %mul3A_5209 : vector<16xi32>
      %broadcast_in_dim3A_5211 = vector.shape_cast %mul3A_5210 : vector<16xi32> to vector<16x1xi32>
      %gather3A_5212 = vector.shape_cast %broadcast_in_dim3A_5211 : vector<16x1xi32> to vector<16xi32>
      %gather3A_5213 = tpu.dynamic_gather %get3A_5188[%gather3A_5212] in [0] : vector<16xi32>, vector<16xi32> -> vector<16xi32>
      %mul3A_5214 = arith.constant 16 : i32
      %mul3A_5215 = vector.broadcast %mul3A_5214 : i32 to vector<16xi32>
      %mul3A_5216 = arith.muli %mul3A_5215, %gather3A_5213 : vector<16xi32>
      %mul3A_5217 = arith.constant 2 : i32
      %mul3A_5218 = vector.broadcast %mul3A_5217 : i32 to vector<16xi32>
      %mul3A_5219 = arith.muli %select_n3A_19, %mul3A_5218 : vector<16xi32>
      %add3A_5220 = arith.constant 1 : i32
      %add3A_5221 = vector.broadcast %add3A_5220 : i32 to vector<16xi32>
      %add3A_5222 = arith.addi %mul3A_5219, %add3A_5221 : vector<16xi32>
      %broadcast_in_dim3A_5223 = vector.shape_cast %add3A_5222 : vector<16xi32> to vector<16x1xi32>
      %gather3A_5224 = vector.shape_cast %broadcast_in_dim3A_5223 : vector<16x1xi32> to vector<16xi32>
      %gather3A_5225 = tpu.dynamic_gather %get3A_5188[%gather3A_5224] in [0] : vector<16xi32>, vector<16xi32> -> vector<16xi32>
      %add3A_5226 = arith.addi %mul3A_5216, %gather3A_5225 : vector<16xi32>
      %lt3A_5227 = arith.constant 8 : i32
      %lt3A_5228 = vector.broadcast %lt3A_5227 : i32 to vector<16xi32>
      %lt3A_5229 = arith.cmpi slt, %iota3A, %lt3A_5228 : vector<16xi32>
      %select_n3A_5230 = arith.select %lt3A_5229, %add3A_5207, %add3A_5226 : vector<16xi1>, vector<16xi32>
      %swap3A_5231 = arith.constant 112 : index
      %swap3A_5232 = tpu.vector_load %arg13[%swap3A_5231] {strides = array<i32>} : memref<128xi32, #tpu.memory_space<vmem>>, vector<16xi32>,
      %swap3A_5233 = vector.shape_cast %swap3A_5232 : vector<16xi32> to vector<16xi32>
      %swap3A_5234 = vector.shape_cast %select_n3A_5230 : vector<16xi32> to vector<16xi32>
      tpu.vector_store %arg13[%swap3A_5231], %swap3A_5234 {strides = array<i32>} : memref<128xi32, #tpu.memory_space<vmem>>, vector<16xi32>,
      %add3A_5235 = arith.constant 2 : i32
      %add3A_5236 = arith.addi %add3A_4398, %add3A_5235 : i32
      %mul3A_5237 = arith.constant 512 : i32
      %mul3A_5238 = arith.muli %add3A_5236, %mul3A_5237 : i32
      %add3A_5239 = arith.addi %mul3A_2, %mul3A_5238 : i32
      %dma_start3A_5240 = tpu.memref_slice %arg2[%add3A_5239] : memref<3276800xi32, #tpu.memory_space<hbm>> -> memref<512xi32, #tpu.memory_space<hbm>>
      %dma_start3A_5241 = tpu.memref_slice %arg2[%add3A_5239] : memref<3276800xi32, #tpu.memory_space<hbm>> -> memref<512xi32, #tpu.memory_space<hbm>>
      tpu.enqueue_dma source(%dma_start3A_5241 : memref<512xi32, #tpu.memory_space<hbm>>) target(%arg6 : memref<512xi32, #tpu.memory_space<vmem>>) target_semaphore(%arg14 : memref<!tpu.dma_semaphore, #tpu.memory_space<semaphore_mem>>)
      %dma_wait3A_5242 = arith.constant 0 : i32
      %dma_wait3A_5243 = tpu.memref_slice %arg4[%mul3A_4, %dma_wait3A_5242] : memref<1638400x128xf32, #tpu.memory_space<hbm>> -> memref<256x128xf32, #tpu.memory_space<hbm>>
      %dma_wait3A_5244 = arith.constant 0 : i32
      %dma_wait3A_5245 = tpu.memref_slice %arg4[%mul3A_4, %dma_wait3A_5244] : memref<1638400x128xf32, #tpu.memory_space<hbm>> -> memref<256x128xf32, #tpu.memory_space<hbm>>
      tpu.wait_dma2 semaphore(%arg19 : memref<!tpu.dma_semaphore, #tpu.memory_space<semaphore_mem>>) src(%arg9 : memref<256x128xf32, #tpu.memory_space<vmem>>) dst(%dma_wait3A_5245 : memref<256x128xf32, #tpu.memory_space<hbm>>)
      %dma_wait3A_5246 = arith.constant 0 : i32
      %dma_wait3A_5247 = arith.constant 0 : i32
      %dma_wait3A_5248 = tpu.memref_slice %arg8[%dma_wait3A_5246, %dma_wait3A_5247] : memref<256x128xf32, #tpu.memory_space<vmem>> -> memref<128x128xf32, #tpu.memory_space<vmem>>
      %dma_wait3A_5249 = arith.constant 0 : i32
      %dma_wait3A_5250 = arith.constant 0 : i32
      %dma_wait3A_5251 = tpu.memref_slice %arg5[%dma_wait3A_5249, %dma_wait3A_5250] : memref<256x128xf32, #tpu.memory_space<vmem_shared>> -> memref<256x128xf32, #tpu.memory_space<vmem_shared>>
      tpu.wait_indirect_dma semaphore(%arg16 : memref<!tpu.dma_semaphore, #tpu.memory_space<semaphore_mem>>) src(%dma_wait3A_5251 : memref<256x128xf32, #tpu.memory_space<vmem_shared>>) dst(%dma_wait3A_5248 : memref<128x128xf32, #tpu.memory_space<vmem>>)
      %dma_wait3A_5252 = arith.constant 128 : i32
      %dma_wait3A_5253 = arith.constant 0 : i32
      %dma_wait3A_5254 = tpu.memref_slice %arg8[%dma_wait3A_5252, %dma_wait3A_5253] : memref<256x128xf32, #tpu.memory_space<vmem>> -> memref<128x128xf32, #tpu.memory_space<vmem>>
      %dma_wait3A_5255 = arith.constant 0 : i32
      %dma_wait3A_5256 = arith.constant 0 : i32
      %dma_wait3A_5257 = tpu.memref_slice %arg5[%dma_wait3A_5255, %dma_wait3A_5256] : memref<256x128xf32, #tpu.memory_space<vmem_shared>> -> memref<256x128xf32, #tpu.memory_space<vmem_shared>>
      tpu.wait_indirect_dma semaphore(%arg16 : memref<!tpu.dma_semaphore, #tpu.memory_space<semaphore_mem>>) src(%dma_wait3A_5257 : memref<256x128xf32, #tpu.memory_space<vmem_shared>>) dst(%dma_wait3A_5254 : memref<128x128xf32, #tpu.memory_space<vmem>>)
      %dma_start3A_5258 = arith.constant 0 : i32
      %dma_start3A_5259 = arith.constant 0 : i32
      %dma_start3A_5260 = tpu.memref_slice %arg9[%dma_start3A_5258, %dma_start3A_5259] : memref<256x128xf32, #tpu.memory_space<vmem>> -> memref<128x128xf32, #tpu.memory_space<vmem>>
      %dma_start3A_5261 = arith.constant 0 : i32
      %dma_start3A_5262 = arith.constant 0 : i32
      %dma_start3A_5263 = tpu.memref_slice %arg5[%dma_start3A_5261, %dma_start3A_5262] : memref<256x128xf32, #tpu.memory_space<vmem_shared>> -> memref<256x128xf32, #tpu.memory_space<vmem_shared>>
      tpu.enqueue_indirect_dma source(%dma_start3A_5263 : memref<256x128xf32, #tpu.memory_space<vmem_shared>>) target(%dma_start3A_5260 : memref<128x128xf32, #tpu.memory_space<vmem>>) offsets(%arg12 : memref<128xi32, #tpu.memory_space<vmem>>) semaphore(%arg17 : memref<!tpu.dma_semaphore, #tpu.memory_space<semaphore_mem>>)
      %dma_start3A_5264 = arith.constant 128 : i32
      %dma_start3A_5265 = arith.constant 0 : i32
      %dma_start3A_5266 = tpu.memref_slice %arg9[%dma_start3A_5264, %dma_start3A_5265] : memref<256x128xf32, #tpu.memory_space<vmem>> -> memref<128x128xf32, #tpu.memory_space<vmem>>
      %dma_start3A_5267 = arith.constant 0 : i32
      %dma_start3A_5268 = arith.constant 0 : i32
      %dma_start3A_5269 = tpu.memref_slice %arg5[%dma_start3A_5267, %dma_start3A_5268] : memref<256x128xf32, #tpu.memory_space<vmem_shared>> -> memref<256x128xf32, #tpu.memory_space<vmem_shared>>
      tpu.enqueue_indirect_dma source(%dma_start3A_5269 : memref<256x128xf32, #tpu.memory_space<vmem_shared>>) target(%dma_start3A_5266 : memref<128x128xf32, #tpu.memory_space<vmem>>) offsets(%arg13 : memref<128xi32, #tpu.memory_space<vmem>>) semaphore(%arg17 : memref<!tpu.dma_semaphore, #tpu.memory_space<semaphore_mem>>)
      %mul3A_5270 = arith.constant 256 : i32
      %mul3A_5271 = arith.muli %add3A_4398, %mul3A_5270 : i32
      %add3A_5272 = arith.addi %mul3A_4, %mul3A_5271 : i32
      %dma_start3A_5273 = arith.constant 0 : i32
      %dma_start3A_5274 = tpu.memref_slice %arg4[%add3A_5272, %dma_start3A_5273] : memref<1638400x128xf32, #tpu.memory_space<hbm>> -> memref<256x128xf32, #tpu.memory_space<hbm>>
      %dma_start3A_5275 = arith.constant 0 : i32
      %dma_start3A_5276 = tpu.memref_slice %arg4[%add3A_5272, %dma_start3A_5275] : memref<1638400x128xf32, #tpu.memory_space<hbm>> -> memref<256x128xf32, #tpu.memory_space<hbm>>
      tpu.enqueue_dma source(%arg8 : memref<256x128xf32, #tpu.memory_space<vmem>>) target(%dma_start3A_5276 : memref<256x128xf32, #tpu.memory_space<hbm>>) target_semaphore(%arg18 : memref<!tpu.dma_semaphore, #tpu.memory_space<semaphore_mem>>)
    }
    %scan3A_1741 = arith.constant 98 : i32
    %add3A_1742 = arith.constant 0 : i32
    %add3A_1743 = arith.addi %mul3A_2, %add3A_1742 : i32
    %dma_wait3A_1744 = tpu.memref_slice %arg2[%add3A_1743] : memref<3276800xi32, #tpu.memory_space<hbm>> -> memref<512xi32, #tpu.memory_space<hbm>>
    %dma_wait3A_1745 = tpu.memref_slice %arg2[%add3A_1743] : memref<3276800xi32, #tpu.memory_space<hbm>> -> memref<512xi32, #tpu.memory_space<hbm>>
    tpu.wait_dma2 semaphore(%arg14 : memref<!tpu.dma_semaphore, #tpu.memory_space<semaphore_mem>>) src(%dma_wait3A_1745 : memref<512xi32, #tpu.memory_space<hbm>>) dst(%arg6 : memref<512xi32, #tpu.memory_space<vmem>>)
    %get3A_1746 = arith.constant 0 : index
    %get3A_1747 = tpu.vector_load %arg6[%get3A_1746] {strides = array<i32>} : memref<512xi32, #tpu.memory_space<vmem>>, vector<16xi32>,
    %get3A_1748 = vector.shape_cast %get3A_1747 : vector<16xi32> to vector<16xi32>
    %get3A_1749 = arith.constant 16 : index
    %get3A_1750 = tpu.vector_load %arg6[%get3A_1749] {strides = array<i32>} : memref<512xi32, #tpu.memory_space<vmem>>, vector<16xi32>,
    %get3A_1751 = vector.shape_cast %get3A_1750 : vector<16xi32> to vector<16xi32>
    %mul3A_1752 = arith.constant 2 : i32
    %mul3A_1753 = vector.broadcast %mul3A_1752 : i32 to vector<16xi32>
    %mul3A_1754 = arith.muli %select_n3A_19, %mul3A_1753 : vector<16xi32>
    %broadcast_in_dim3A_1755 = vector.shape_cast %mul3A_1754 : vector<16xi32> to vector<16x1xi32>
    %gather3A_1756 = vector.shape_cast %broadcast_in_dim3A_1755 : vector<16x1xi32> to vector<16xi32>
    %gather3A_1757 = tpu.dynamic_gather %get3A_1748[%gather3A_1756] in [0] : vector<16xi32>, vector<16xi32> -> vector<16xi32>
    %mul3A_1758 = arith.constant 16 : i32
    %mul3A_1759 = vector.broadcast %mul3A_1758 : i32 to vector<16xi32>
    %mul3A_1760 = arith.muli %mul3A_1759, %gather3A_1757 : vector<16xi32>
    %mul3A_1761 = arith.constant 2 : i32
    %mul3A_1762 = vector.broadcast %mul3A_1761 : i32 to vector<16xi32>
    %mul3A_1763 = arith.muli %select_n3A_19, %mul3A_1762 : vector<16xi32>
    %add3A_1764 = arith.constant 1 : i32
    %add3A_1765 = vector.broadcast %add3A_1764 : i32 to vector<16xi32>
    %add3A_1766 = arith.addi %mul3A_1763, %add3A_1765 : vector<16xi32>
    %broadcast_in_dim3A_1767 = vector.shape_cast %add3A_1766 : vector<16xi32> to vector<16x1xi32>
    %gather3A_1768 = vector.shape_cast %broadcast_in_dim3A_1767 : vector<16x1xi32> to vector<16xi32>
    %gather3A_1769 = tpu.dynamic_gather %get3A_1748[%gather3A_1768] in [0] : vector<16xi32>, vector<16xi32> -> vector<16xi32>
    %add3A_1770 = arith.addi %mul3A_1760, %gather3A_1769 : vector<16xi32>
    %mul3A_1771 = arith.constant 2 : i32
    %mul3A_1772 = vector.broadcast %mul3A_1771 : i32 to vector<16xi32>
    %mul3A_1773 = arith.muli %select_n3A_19, %mul3A_1772 : vector<16xi32>
    %broadcast_in_dim3A_1774 = vector.shape_cast %mul3A_1773 : vector<16xi32> to vector<16x1xi32>
    %gather3A_1775 = vector.shape_cast %broadcast_in_dim3A_1774 : vector<16x1xi32> to vector<16xi32>
    %gather3A_1776 = tpu.dynamic_gather %get3A_1751[%gather3A_1775] in [0] : vector<16xi32>, vector<16xi32> -> vector<16xi32>
    %mul3A_1777 = arith.constant 16 : i32
    %mul3A_1778 = vector.broadcast %mul3A_1777 : i32 to vector<16xi32>
    %mul3A_1779 = arith.muli %mul3A_1778, %gather3A_1776 : vector<16xi32>
    %mul3A_1780 = arith.constant 2 : i32
    %mul3A_1781 = vector.broadcast %mul3A_1780 : i32 to vector<16xi32>
    %mul3A_1782 = arith.muli %select_n3A_19, %mul3A_1781 : vector<16xi32>
    %add3A_1783 = arith.constant 1 : i32
    %add3A_1784 = vector.broadcast %add3A_1783 : i32 to vector<16xi32>
    %add3A_1785 = arith.addi %mul3A_1782, %add3A_1784 : vector<16xi32>
    %broadcast_in_dim3A_1786 = vector.shape_cast %add3A_1785 : vector<16xi32> to vector<16x1xi32>
    %gather3A_1787 = vector.shape_cast %broadcast_in_dim3A_1786 : vector<16x1xi32> to vector<16xi32>
    %gather3A_1788 = tpu.dynamic_gather %get3A_1751[%gather3A_1787] in [0] : vector<16xi32>, vector<16xi32> -> vector<16xi32>
    %add3A_1789 = arith.addi %mul3A_1779, %gather3A_1788 : vector<16xi32>
    %lt3A_1790 = arith.constant 8 : i32
    %lt3A_1791 = vector.broadcast %lt3A_1790 : i32 to vector<16xi32>
    %lt3A_1792 = arith.cmpi slt, %iota3A, %lt3A_1791 : vector<16xi32>
    %select_n3A_1793 = arith.select %lt3A_1792, %add3A_1770, %add3A_1789 : vector<16xi1>, vector<16xi32>
    %swap3A_1794 = arith.constant 0 : index
    %swap3A_1795 = tpu.vector_load %arg10[%swap3A_1794] {strides = array<i32>} : memref<128xi32, #tpu.memory_space<vmem>>, vector<16xi32>,
    %swap3A_1796 = vector.shape_cast %swap3A_1795 : vector<16xi32> to vector<16xi32>
    %swap3A_1797 = vector.shape_cast %select_n3A_1793 : vector<16xi32> to vector<16xi32>
    tpu.vector_store %arg10[%swap3A_1794], %swap3A_1797 {strides = array<i32>} : memref<128xi32, #tpu.memory_space<vmem>>, vector<16xi32>,
    %get3A_1798 = arith.constant 32 : index
    %get3A_1799 = tpu.vector_load %arg6[%get3A_1798] {strides = array<i32>} : memref<512xi32, #tpu.memory_space<vmem>>, vector<16xi32>,
    %get3A_1800 = vector.shape_cast %get3A_1799 : vector<16xi32> to vector<16xi32>
    %get3A_1801 = arith.constant 48 : index
    %get3A_1802 = tpu.vector_load %arg6[%get3A_1801] {strides = array<i32>} : memref<512xi32, #tpu.memory_space<vmem>>, vector<16xi32>,
    %get3A_1803 = vector.shape_cast %get3A_1802 : vector<16xi32> to vector<16xi32>
    %mul3A_1804 = arith.constant 2 : i32
    %mul3A_1805 = vector.broadcast %mul3A_1804 : i32 to vector<16xi32>
    %mul3A_1806 = arith.muli %select_n3A_19, %mul3A_1805 : vector<16xi32>
    %broadcast_in_dim3A_1807 = vector.shape_cast %mul3A_1806 : vector<16xi32> to vector<16x1xi32>
    %gather3A_1808 = vector.shape_cast %broadcast_in_dim3A_1807 : vector<16x1xi32> to vector<16xi32>
    %gather3A_1809 = tpu.dynamic_gather %get3A_1800[%gather3A_1808] in [0] : vector<16xi32>, vector<16xi32> -> vector<16xi32>
    %mul3A_1810 = arith.constant 16 : i32
    %mul3A_1811 = vector.broadcast %mul3A_1810 : i32 to vector<16xi32>
    %mul3A_1812 = arith.muli %mul3A_1811, %gather3A_1809 : vector<16xi32>
    %mul3A_1813 = arith.constant 2 : i32
    %mul3A_1814 = vector.broadcast %mul3A_1813 : i32 to vector<16xi32>
    %mul3A_1815 = arith.muli %select_n3A_19, %mul3A_1814 : vector<16xi32>
    %add3A_1816 = arith.constant 1 : i32
    %add3A_1817 = vector.broadcast %add3A_1816 : i32 to vector<16xi32>
    %add3A_1818 = arith.addi %mul3A_1815, %add3A_1817 : vector<16xi32>
    %broadcast_in_dim3A_1819 = vector.shape_cast %add3A_1818 : vector<16xi32> to vector<16x1xi32>
    %gather3A_1820 = vector.shape_cast %broadcast_in_dim3A_1819 : vector<16x1xi32> to vector<16xi32>
    %gather3A_1821 = tpu.dynamic_gather %get3A_1800[%gather3A_1820] in [0] : vector<16xi32>, vector<16xi32> -> vector<16xi32>
    %add3A_1822 = arith.addi %mul3A_1812, %gather3A_1821 : vector<16xi32>
    %mul3A_1823 = arith.constant 2 : i32
    %mul3A_1824 = vector.broadcast %mul3A_1823 : i32 to vector<16xi32>
    %mul3A_1825 = arith.muli %select_n3A_19, %mul3A_1824 : vector<16xi32>
    %broadcast_in_dim3A_1826 = vector.shape_cast %mul3A_1825 : vector<16xi32> to vector<16x1xi32>
    %gather3A_1827 = vector.shape_cast %broadcast_in_dim3A_1826 : vector<16x1xi32> to vector<16xi32>
    %gather3A_1828 = tpu.dynamic_gather %get3A_1803[%gather3A_1827] in [0] : vector<16xi32>, vector<16xi32> -> vector<16xi32>
    %mul3A_1829 = arith.constant 16 : i32
    %mul3A_1830 = vector.broadcast %mul3A_1829 : i32 to vector<16xi32>
    %mul3A_1831 = arith.muli %mul3A_1830, %gather3A_1828 : vector<16xi32>
    %mul3A_1832 = arith.constant 2 : i32
    %mul3A_1833 = vector.broadcast %mul3A_1832 : i32 to vector<16xi32>
    %mul3A_1834 = arith.muli %select_n3A_19, %mul3A_1833 : vector<16xi32>
    %add3A_1835 = arith.constant 1 : i32
    %add3A_1836 = vector.broadcast %add3A_1835 : i32 to vector<16xi32>
    %add3A_1837 = arith.addi %mul3A_1834, %add3A_1836 : vector<16xi32>
    %broadcast_in_dim3A_1838 = vector.shape_cast %add3A_1837 : vector<16xi32> to vector<16x1xi32>
    %gather3A_1839 = vector.shape_cast %broadcast_in_dim3A_1838 : vector<16x1xi32> to vector<16xi32>
    %gather3A_1840 = tpu.dynamic_gather %get3A_1803[%gather3A_1839] in [0] : vector<16xi32>, vector<16xi32> -> vector<16xi32>
    %add3A_1841 = arith.addi %mul3A_1831, %gather3A_1840 : vector<16xi32>
    %lt3A_1842 = arith.constant 8 : i32
    %lt3A_1843 = vector.broadcast %lt3A_1842 : i32 to vector<16xi32>
    %lt3A_1844 = arith.cmpi slt, %iota3A, %lt3A_1843 : vector<16xi32>
    %select_n3A_1845 = arith.select %lt3A_1844, %add3A_1822, %add3A_1841 : vector<16xi1>, vector<16xi32>
    %swap3A_1846 = arith.constant 16 : index
    %swap3A_1847 = tpu.vector_load %arg10[%swap3A_1846] {strides = array<i32>} : memref<128xi32, #tpu.memory_space<vmem>>, vector<16xi32>,
    %swap3A_1848 = vector.shape_cast %swap3A_1847 : vector<16xi32> to vector<16xi32>
    %swap3A_1849 = vector.shape_cast %select_n3A_1845 : vector<16xi32> to vector<16xi32>
    tpu.vector_store %arg10[%swap3A_1846], %swap3A_1849 {strides = array<i32>} : memref<128xi32, #tpu.memory_space<vmem>>, vector<16xi32>,
    %get3A_1850 = arith.constant 64 : index
    %get3A_1851 = tpu.vector_load %arg6[%get3A_1850] {strides = array<i32>} : memref<512xi32, #tpu.memory_space<vmem>>, vector<16xi32>,
    %get3A_1852 = vector.shape_cast %get3A_1851 : vector<16xi32> to vector<16xi32>
    %get3A_1853 = arith.constant 80 : index
    %get3A_1854 = tpu.vector_load %arg6[%get3A_1853] {strides = array<i32>} : memref<512xi32, #tpu.memory_space<vmem>>, vector<16xi32>,
    %get3A_1855 = vector.shape_cast %get3A_1854 : vector<16xi32> to vector<16xi32>
    %mul3A_1856 = arith.constant 2 : i32
    %mul3A_1857 = vector.broadcast %mul3A_1856 : i32 to vector<16xi32>
    %mul3A_1858 = arith.muli %select_n3A_19, %mul3A_1857 : vector<16xi32>
    %broadcast_in_dim3A_1859 = vector.shape_cast %mul3A_1858 : vector<16xi32> to vector<16x1xi32>
    %gather3A_1860 = vector.shape_cast %broadcast_in_dim3A_1859 : vector<16x1xi32> to vector<16xi32>
    %gather3A_1861 = tpu.dynamic_gather %get3A_1852[%gather3A_1860] in [0] : vector<16xi32>, vector<16xi32> -> vector<16xi32>
    %mul3A_1862 = arith.constant 16 : i32
    %mul3A_1863 = vector.broadcast %mul3A_1862 : i32 to vector<16xi32>
    %mul3A_1864 = arith.muli %mul3A_1863, %gather3A_1861 : vector<16xi32>
    %mul3A_1865 = arith.constant 2 : i32
    %mul3A_1866 = vector.broadcast %mul3A_1865 : i32 to vector<16xi32>
    %mul3A_1867 = arith.muli %select_n3A_19, %mul3A_1866 : vector<16xi32>
    %add3A_1868 = arith.constant 1 : i32
    %add3A_1869 = vector.broadcast %add3A_1868 : i32 to vector<16xi32>
    %add3A_1870 = arith.addi %mul3A_1867, %add3A_1869 : vector<16xi32>
    %broadcast_in_dim3A_1871 = vector.shape_cast %add3A_1870 : vector<16xi32> to vector<16x1xi32>
    %gather3A_1872 = vector.shape_cast %broadcast_in_dim3A_1871 : vector<16x1xi32> to vector<16xi32>
    %gather3A_1873 = tpu.dynamic_gather %get3A_1852[%gather3A_1872] in [0] : vector<16xi32>, vector<16xi32> -> vector<16xi32>
    %add3A_1874 = arith.addi %mul3A_1864, %gather3A_1873 : vector<16xi32>
    %mul3A_1875 = arith.constant 2 : i32
    %mul3A_1876 = vector.broadcast %mul3A_1875 : i32 to vector<16xi32>
    %mul3A_1877 = arith.muli %select_n3A_19, %mul3A_1876 : vector<16xi32>
    %broadcast_in_dim3A_1878 = vector.shape_cast %mul3A_1877 : vector<16xi32> to vector<16x1xi32>
    %gather3A_1879 = vector.shape_cast %broadcast_in_dim3A_1878 : vector<16x1xi32> to vector<16xi32>
    %gather3A_1880 = tpu.dynamic_gather %get3A_1855[%gather3A_1879] in [0] : vector<16xi32>, vector<16xi32> -> vector<16xi32>
    %mul3A_1881 = arith.constant 16 : i32
    %mul3A_1882 = vector.broadcast %mul3A_1881 : i32 to vector<16xi32>
    %mul3A_1883 = arith.muli %mul3A_1882, %gather3A_1880 : vector<16xi32>
    %mul3A_1884 = arith.constant 2 : i32
    %mul3A_1885 = vector.broadcast %mul3A_1884 : i32 to vector<16xi32>
    %mul3A_1886 = arith.muli %select_n3A_19, %mul3A_1885 : vector<16xi32>
    %add3A_1887 = arith.constant 1 : i32
    %add3A_1888 = vector.broadcast %add3A_1887 : i32 to vector<16xi32>
    %add3A_1889 = arith.addi %mul3A_1886, %add3A_1888 : vector<16xi32>
    %broadcast_in_dim3A_1890 = vector.shape_cast %add3A_1889 : vector<16xi32> to vector<16x1xi32>
    %gather3A_1891 = vector.shape_cast %broadcast_in_dim3A_1890 : vector<16x1xi32> to vector<16xi32>
    %gather3A_1892 = tpu.dynamic_gather %get3A_1855[%gather3A_1891] in [0] : vector<16xi32>, vector<16xi32> -> vector<16xi32>
    %add3A_1893 = arith.addi %mul3A_1883, %gather3A_1892 : vector<16xi32>
    %lt3A_1894 = arith.constant 8 : i32
    %lt3A_1895 = vector.broadcast %lt3A_1894 : i32 to vector<16xi32>
    %lt3A_1896 = arith.cmpi slt, %iota3A, %lt3A_1895 : vector<16xi32>
    %select_n3A_1897 = arith.select %lt3A_1896, %add3A_1874, %add3A_1893 : vector<16xi1>, vector<16xi32>
    %swap3A_1898 = arith.constant 32 : index
    %swap3A_1899 = tpu.vector_load %arg10[%swap3A_1898] {strides = array<i32>} : memref<128xi32, #tpu.memory_space<vmem>>, vector<16xi32>,
    %swap3A_1900 = vector.shape_cast %swap3A_1899 : vector<16xi32> to vector<16xi32>
    %swap3A_1901 = vector.shape_cast %select_n3A_1897 : vector<16xi32> to vector<16xi32>
    tpu.vector_store %arg10[%swap3A_1898], %swap3A_1901 {strides = array<i32>} : memref<128xi32, #tpu.memory_space<vmem>>, vector<16xi32>,
    %get3A_1902 = arith.constant 96 : index
    %get3A_1903 = tpu.vector_load %arg6[%get3A_1902] {strides = array<i32>} : memref<512xi32, #tpu.memory_space<vmem>>, vector<16xi32>,
    %get3A_1904 = vector.shape_cast %get3A_1903 : vector<16xi32> to vector<16xi32>
    %get3A_1905 = arith.constant 112 : index
    %get3A_1906 = tpu.vector_load %arg6[%get3A_1905] {strides = array<i32>} : memref<512xi32, #tpu.memory_space<vmem>>, vector<16xi32>,
    %get3A_1907 = vector.shape_cast %get3A_1906 : vector<16xi32> to vector<16xi32>
    %mul3A_1908 = arith.constant 2 : i32
    %mul3A_1909 = vector.broadcast %mul3A_1908 : i32 to vector<16xi32>
    %mul3A_1910 = arith.muli %select_n3A_19, %mul3A_1909 : vector<16xi32>
    %broadcast_in_dim3A_1911 = vector.shape_cast %mul3A_1910 : vector<16xi32> to vector<16x1xi32>
    %gather3A_1912 = vector.shape_cast %broadcast_in_dim3A_1911 : vector<16x1xi32> to vector<16xi32>
    %gather3A_1913 = tpu.dynamic_gather %get3A_1904[%gather3A_1912] in [0] : vector<16xi32>, vector<16xi32> -> vector<16xi32>
    %mul3A_1914 = arith.constant 16 : i32
    %mul3A_1915 = vector.broadcast %mul3A_1914 : i32 to vector<16xi32>
    %mul3A_1916 = arith.muli %mul3A_1915, %gather3A_1913 : vector<16xi32>
    %mul3A_1917 = arith.constant 2 : i32
    %mul3A_1918 = vector.broadcast %mul3A_1917 : i32 to vector<16xi32>
    %mul3A_1919 = arith.muli %select_n3A_19, %mul3A_1918 : vector<16xi32>
    %add3A_1920 = arith.constant 1 : i32
    %add3A_1921 = vector.broadcast %add3A_1920 : i32 to vector<16xi32>
    %add3A_1922 = arith.addi %mul3A_1919, %add3A_1921 : vector<16xi32>
    %broadcast_in_dim3A_1923 = vector.shape_cast %add3A_1922 : vector<16xi32> to vector<16x1xi32>
    %gather3A_1924 = vector.shape_cast %broadcast_in_dim3A_1923 : vector<16x1xi32> to vector<16xi32>
    %gather3A_1925 = tpu.dynamic_gather %get3A_1904[%gather3A_1924] in [0] : vector<16xi32>, vector<16xi32> -> vector<16xi32>
    %add3A_1926 = arith.addi %mul3A_1916, %gather3A_1925 : vector<16xi32>
    %mul3A_1927 = arith.constant 2 : i32
    %mul3A_1928 = vector.broadcast %mul3A_1927 : i32 to vector<16xi32>
    %mul3A_1929 = arith.muli %select_n3A_19, %mul3A_1928 : vector<16xi32>
    %broadcast_in_dim3A_1930 = vector.shape_cast %mul3A_1929 : vector<16xi32> to vector<16x1xi32>
    %gather3A_1931 = vector.shape_cast %broadcast_in_dim3A_1930 : vector<16x1xi32> to vector<16xi32>
    %gather3A_1932 = tpu.dynamic_gather %get3A_1907[%gather3A_1931] in [0] : vector<16xi32>, vector<16xi32> -> vector<16xi32>
    %mul3A_1933 = arith.constant 16 : i32
    %mul3A_1934 = vector.broadcast %mul3A_1933 : i32 to vector<16xi32>
    %mul3A_1935 = arith.muli %mul3A_1934, %gather3A_1932 : vector<16xi32>
    %mul3A_1936 = arith.constant 2 : i32
    %mul3A_1937 = vector.broadcast %mul3A_1936 : i32 to vector<16xi32>
    %mul3A_1938 = arith.muli %select_n3A_19, %mul3A_1937 : vector<16xi32>
    %add3A_1939 = arith.constant 1 : i32
    %add3A_1940 = vector.broadcast %add3A_1939 : i32 to vector<16xi32>
    %add3A_1941 = arith.addi %mul3A_1938, %add3A_1940 : vector<16xi32>
    %broadcast_in_dim3A_1942 = vector.shape_cast %add3A_1941 : vector<16xi32> to vector<16x1xi32>
    %gather3A_1943 = vector.shape_cast %broadcast_in_dim3A_1942 : vector<16x1xi32> to vector<16xi32>
    %gather3A_1944 = tpu.dynamic_gather %get3A_1907[%gather3A_1943] in [0] : vector<16xi32>, vector<16xi32> -> vector<16xi32>
    %add3A_1945 = arith.addi %mul3A_1935, %gather3A_1944 : vector<16xi32>
    %lt3A_1946 = arith.constant 8 : i32
    %lt3A_1947 = vector.broadcast %lt3A_1946 : i32 to vector<16xi32>
    %lt3A_1948 = arith.cmpi slt, %iota3A, %lt3A_1947 : vector<16xi32>
    %select_n3A_1949 = arith.select %lt3A_1948, %add3A_1926, %add3A_1945 : vector<16xi1>, vector<16xi32>
    %swap3A_1950 = arith.constant 48 : index
    %swap3A_1951 = tpu.vector_load %arg10[%swap3A_1950] {strides = array<i32>} : memref<128xi32, #tpu.memory_space<vmem>>, vector<16xi32>,
    %swap3A_1952 = vector.shape_cast %swap3A_1951 : vector<16xi32> to vector<16xi32>
    %swap3A_1953 = vector.shape_cast %select_n3A_1949 : vector<16xi32> to vector<16xi32>
    tpu.vector_store %arg10[%swap3A_1950], %swap3A_1953 {strides = array<i32>} : memref<128xi32, #tpu.memory_space<vmem>>, vector<16xi32>,
    %get3A_1954 = arith.constant 128 : index
    %get3A_1955 = tpu.vector_load %arg6[%get3A_1954] {strides = array<i32>} : memref<512xi32, #tpu.memory_space<vmem>>, vector<16xi32>,
    %get3A_1956 = vector.shape_cast %get3A_1955 : vector<16xi32> to vector<16xi32>
    %get3A_1957 = arith.constant 144 : index
    %get3A_1958 = tpu.vector_load %arg6[%get3A_1957] {strides = array<i32>} : memref<512xi32, #tpu.memory_space<vmem>>, vector<16xi32>,
    %get3A_1959 = vector.shape_cast %get3A_1958 : vector<16xi32> to vector<16xi32>
    %mul3A_1960 = arith.constant 2 : i32
    %mul3A_1961 = vector.broadcast %mul3A_1960 : i32 to vector<16xi32>
    %mul3A_1962 = arith.muli %select_n3A_19, %mul3A_1961 : vector<16xi32>
    %broadcast_in_dim3A_1963 = vector.shape_cast %mul3A_1962 : vector<16xi32> to vector<16x1xi32>
    %gather3A_1964 = vector.shape_cast %broadcast_in_dim3A_1963 : vector<16x1xi32> to vector<16xi32>
    %gather3A_1965 = tpu.dynamic_gather %get3A_1956[%gather3A_1964] in [0] : vector<16xi32>, vector<16xi32> -> vector<16xi32>
    %mul3A_1966 = arith.constant 16 : i32
    %mul3A_1967 = vector.broadcast %mul3A_1966 : i32 to vector<16xi32>
    %mul3A_1968 = arith.muli %mul3A_1967, %gather3A_1965 : vector<16xi32>
    %mul3A_1969 = arith.constant 2 : i32
    %mul3A_1970 = vector.broadcast %mul3A_1969 : i32 to vector<16xi32>
    %mul3A_1971 = arith.muli %select_n3A_19, %mul3A_1970 : vector<16xi32>
    %add3A_1972 = arith.constant 1 : i32
    %add3A_1973 = vector.broadcast %add3A_1972 : i32 to vector<16xi32>
    %add3A_1974 = arith.addi %mul3A_1971, %add3A_1973 : vector<16xi32>
    %broadcast_in_dim3A_1975 = vector.shape_cast %add3A_1974 : vector<16xi32> to vector<16x1xi32>
    %gather3A_1976 = vector.shape_cast %broadcast_in_dim3A_1975 : vector<16x1xi32> to vector<16xi32>
    %gather3A_1977 = tpu.dynamic_gather %get3A_1956[%gather3A_1976] in [0] : vector<16xi32>, vector<16xi32> -> vector<16xi32>
    %add3A_1978 = arith.addi %mul3A_1968, %gather3A_1977 : vector<16xi32>
    %mul3A_1979 = arith.constant 2 : i32
    %mul3A_1980 = vector.broadcast %mul3A_1979 : i32 to vector<16xi32>
    %mul3A_1981 = arith.muli %select_n3A_19, %mul3A_1980 : vector<16xi32>
    %broadcast_in_dim3A_1982 = vector.shape_cast %mul3A_1981 : vector<16xi32> to vector<16x1xi32>
    %gather3A_1983 = vector.shape_cast %broadcast_in_dim3A_1982 : vector<16x1xi32> to vector<16xi32>
    %gather3A_1984 = tpu.dynamic_gather %get3A_1959[%gather3A_1983] in [0] : vector<16xi32>, vector<16xi32> -> vector<16xi32>
    %mul3A_1985 = arith.constant 16 : i32
    %mul3A_1986 = vector.broadcast %mul3A_1985 : i32 to vector<16xi32>
    %mul3A_1987 = arith.muli %mul3A_1986, %gather3A_1984 : vector<16xi32>
    %mul3A_1988 = arith.constant 2 : i32
    %mul3A_1989 = vector.broadcast %mul3A_1988 : i32 to vector<16xi32>
    %mul3A_1990 = arith.muli %select_n3A_19, %mul3A_1989 : vector<16xi32>
    %add3A_1991 = arith.constant 1 : i32
    %add3A_1992 = vector.broadcast %add3A_1991 : i32 to vector<16xi32>
    %add3A_1993 = arith.addi %mul3A_1990, %add3A_1992 : vector<16xi32>
    %broadcast_in_dim3A_1994 = vector.shape_cast %add3A_1993 : vector<16xi32> to vector<16x1xi32>
    %gather3A_1995 = vector.shape_cast %broadcast_in_dim3A_1994 : vector<16x1xi32> to vector<16xi32>
    %gather3A_1996 = tpu.dynamic_gather %get3A_1959[%gather3A_1995] in [0] : vector<16xi32>, vector<16xi32> -> vector<16xi32>
    %add3A_1997 = arith.addi %mul3A_1987, %gather3A_1996 : vector<16xi32>
    %lt3A_1998 = arith.constant 8 : i32
    %lt3A_1999 = vector.broadcast %lt3A_1998 : i32 to vector<16xi32>
    %lt3A_2000 = arith.cmpi slt, %iota3A, %lt3A_1999 : vector<16xi32>
    %select_n3A_2001 = arith.select %lt3A_2000, %add3A_1978, %add3A_1997 : vector<16xi1>, vector<16xi32>
    %swap3A_2002 = arith.constant 64 : index
    %swap3A_2003 = tpu.vector_load %arg10[%swap3A_2002] {strides = array<i32>} : memref<128xi32, #tpu.memory_space<vmem>>, vector<16xi32>,
    %swap3A_2004 = vector.shape_cast %swap3A_2003 : vector<16xi32> to vector<16xi32>
    %swap3A_2005 = vector.shape_cast %select_n3A_2001 : vector<16xi32> to vector<16xi32>
    tpu.vector_store %arg10[%swap3A_2002], %swap3A_2005 {strides = array<i32>} : memref<128xi32, #tpu.memory_space<vmem>>, vector<16xi32>,
    %get3A_2006 = arith.constant 160 : index
    %get3A_2007 = tpu.vector_load %arg6[%get3A_2006] {strides = array<i32>} : memref<512xi32, #tpu.memory_space<vmem>>, vector<16xi32>,
    %get3A_2008 = vector.shape_cast %get3A_2007 : vector<16xi32> to vector<16xi32>
    %get3A_2009 = arith.constant 176 : index
    %get3A_2010 = tpu.vector_load %arg6[%get3A_2009] {strides = array<i32>} : memref<512xi32, #tpu.memory_space<vmem>>, vector<16xi32>,
    %get3A_2011 = vector.shape_cast %get3A_2010 : vector<16xi32> to vector<16xi32>
    %mul3A_2012 = arith.constant 2 : i32
    %mul3A_2013 = vector.broadcast %mul3A_2012 : i32 to vector<16xi32>
    %mul3A_2014 = arith.muli %select_n3A_19, %mul3A_2013 : vector<16xi32>
    %broadcast_in_dim3A_2015 = vector.shape_cast %mul3A_2014 : vector<16xi32> to vector<16x1xi32>
    %gather3A_2016 = vector.shape_cast %broadcast_in_dim3A_2015 : vector<16x1xi32> to vector<16xi32>
    %gather3A_2017 = tpu.dynamic_gather %get3A_2008[%gather3A_2016] in [0] : vector<16xi32>, vector<16xi32> -> vector<16xi32>
    %mul3A_2018 = arith.constant 16 : i32
    %mul3A_2019 = vector.broadcast %mul3A_2018 : i32 to vector<16xi32>
    %mul3A_2020 = arith.muli %mul3A_2019, %gather3A_2017 : vector<16xi32>
    %mul3A_2021 = arith.constant 2 : i32
    %mul3A_2022 = vector.broadcast %mul3A_2021 : i32 to vector<16xi32>
    %mul3A_2023 = arith.muli %select_n3A_19, %mul3A_2022 : vector<16xi32>
    %add3A_2024 = arith.constant 1 : i32
    %add3A_2025 = vector.broadcast %add3A_2024 : i32 to vector<16xi32>
    %add3A_2026 = arith.addi %mul3A_2023, %add3A_2025 : vector<16xi32>
    %broadcast_in_dim3A_2027 = vector.shape_cast %add3A_2026 : vector<16xi32> to vector<16x1xi32>
    %gather3A_2028 = vector.shape_cast %broadcast_in_dim3A_2027 : vector<16x1xi32> to vector<16xi32>
    %gather3A_2029 = tpu.dynamic_gather %get3A_2008[%gather3A_2028] in [0] : vector<16xi32>, vector<16xi32> -> vector<16xi32>
    %add3A_2030 = arith.addi %mul3A_2020, %gather3A_2029 : vector<16xi32>
    %mul3A_2031 = arith.constant 2 : i32
    %mul3A_2032 = vector.broadcast %mul3A_2031 : i32 to vector<16xi32>
    %mul3A_2033 = arith.muli %select_n3A_19, %mul3A_2032 : vector<16xi32>
    %broadcast_in_dim3A_2034 = vector.shape_cast %mul3A_2033 : vector<16xi32> to vector<16x1xi32>
    %gather3A_2035 = vector.shape_cast %broadcast_in_dim3A_2034 : vector<16x1xi32> to vector<16xi32>
    %gather3A_2036 = tpu.dynamic_gather %get3A_2011[%gather3A_2035] in [0] : vector<16xi32>, vector<16xi32> -> vector<16xi32>
    %mul3A_2037 = arith.constant 16 : i32
    %mul3A_2038 = vector.broadcast %mul3A_2037 : i32 to vector<16xi32>
    %mul3A_2039 = arith.muli %mul3A_2038, %gather3A_2036 : vector<16xi32>
    %mul3A_2040 = arith.constant 2 : i32
    %mul3A_2041 = vector.broadcast %mul3A_2040 : i32 to vector<16xi32>
    %mul3A_2042 = arith.muli %select_n3A_19, %mul3A_2041 : vector<16xi32>
    %add3A_2043 = arith.constant 1 : i32
    %add3A_2044 = vector.broadcast %add3A_2043 : i32 to vector<16xi32>
    %add3A_2045 = arith.addi %mul3A_2042, %add3A_2044 : vector<16xi32>
    %broadcast_in_dim3A_2046 = vector.shape_cast %add3A_2045 : vector<16xi32> to vector<16x1xi32>
    %gather3A_2047 = vector.shape_cast %broadcast_in_dim3A_2046 : vector<16x1xi32> to vector<16xi32>
    %gather3A_2048 = tpu.dynamic_gather %get3A_2011[%gather3A_2047] in [0] : vector<16xi32>, vector<16xi32> -> vector<16xi32>
    %add3A_2049 = arith.addi %mul3A_2039, %gather3A_2048 : vector<16xi32>
    %lt3A_2050 = arith.constant 8 : i32
    %lt3A_2051 = vector.broadcast %lt3A_2050 : i32 to vector<16xi32>
    %lt3A_2052 = arith.cmpi slt, %iota3A, %lt3A_2051 : vector<16xi32>
    %select_n3A_2053 = arith.select %lt3A_2052, %add3A_2030, %add3A_2049 : vector<16xi1>, vector<16xi32>
    %swap3A_2054 = arith.constant 80 : index
    %swap3A_2055 = tpu.vector_load %arg10[%swap3A_2054] {strides = array<i32>} : memref<128xi32, #tpu.memory_space<vmem>>, vector<16xi32>,
    %swap3A_2056 = vector.shape_cast %swap3A_2055 : vector<16xi32> to vector<16xi32>
    %swap3A_2057 = vector.shape_cast %select_n3A_2053 : vector<16xi32> to vector<16xi32>
    tpu.vector_store %arg10[%swap3A_2054], %swap3A_2057 {strides = array<i32>} : memref<128xi32, #tpu.memory_space<vmem>>, vector<16xi32>,
    %get3A_2058 = arith.constant 192 : index
    %get3A_2059 = tpu.vector_load %arg6[%get3A_2058] {strides = array<i32>} : memref<512xi32, #tpu.memory_space<vmem>>, vector<16xi32>,
    %get3A_2060 = vector.shape_cast %get3A_2059 : vector<16xi32> to vector<16xi32>
    %get3A_2061 = arith.constant 208 : index
    %get3A_2062 = tpu.vector_load %arg6[%get3A_2061] {strides = array<i32>} : memref<512xi32, #tpu.memory_space<vmem>>, vector<16xi32>,
    %get3A_2063 = vector.shape_cast %get3A_2062 : vector<16xi32> to vector<16xi32>
    %mul3A_2064 = arith.constant 2 : i32
    %mul3A_2065 = vector.broadcast %mul3A_2064 : i32 to vector<16xi32>
    %mul3A_2066 = arith.muli %select_n3A_19, %mul3A_2065 : vector<16xi32>
    %broadcast_in_dim3A_2067 = vector.shape_cast %mul3A_2066 : vector<16xi32> to vector<16x1xi32>
    %gather3A_2068 = vector.shape_cast %broadcast_in_dim3A_2067 : vector<16x1xi32> to vector<16xi32>
    %gather3A_2069 = tpu.dynamic_gather %get3A_2060[%gather3A_2068] in [0] : vector<16xi32>, vector<16xi32> -> vector<16xi32>
    %mul3A_2070 = arith.constant 16 : i32
    %mul3A_2071 = vector.broadcast %mul3A_2070 : i32 to vector<16xi32>
    %mul3A_2072 = arith.muli %mul3A_2071, %gather3A_2069 : vector<16xi32>
    %mul3A_2073 = arith.constant 2 : i32
    %mul3A_2074 = vector.broadcast %mul3A_2073 : i32 to vector<16xi32>
    %mul3A_2075 = arith.muli %select_n3A_19, %mul3A_2074 : vector<16xi32>
    %add3A_2076 = arith.constant 1 : i32
    %add3A_2077 = vector.broadcast %add3A_2076 : i32 to vector<16xi32>
    %add3A_2078 = arith.addi %mul3A_2075, %add3A_2077 : vector<16xi32>
    %broadcast_in_dim3A_2079 = vector.shape_cast %add3A_2078 : vector<16xi32> to vector<16x1xi32>
    %gather3A_2080 = vector.shape_cast %broadcast_in_dim3A_2079 : vector<16x1xi32> to vector<16xi32>
    %gather3A_2081 = tpu.dynamic_gather %get3A_2060[%gather3A_2080] in [0] : vector<16xi32>, vector<16xi32> -> vector<16xi32>
    %add3A_2082 = arith.addi %mul3A_2072, %gather3A_2081 : vector<16xi32>
    %mul3A_2083 = arith.constant 2 : i32
    %mul3A_2084 = vector.broadcast %mul3A_2083 : i32 to vector<16xi32>
    %mul3A_2085 = arith.muli %select_n3A_19, %mul3A_2084 : vector<16xi32>
    %broadcast_in_dim3A_2086 = vector.shape_cast %mul3A_2085 : vector<16xi32> to vector<16x1xi32>
    %gather3A_2087 = vector.shape_cast %broadcast_in_dim3A_2086 : vector<16x1xi32> to vector<16xi32>
    %gather3A_2088 = tpu.dynamic_gather %get3A_2063[%gather3A_2087] in [0] : vector<16xi32>, vector<16xi32> -> vector<16xi32>
    %mul3A_2089 = arith.constant 16 : i32
    %mul3A_2090 = vector.broadcast %mul3A_2089 : i32 to vector<16xi32>
    %mul3A_2091 = arith.muli %mul3A_2090, %gather3A_2088 : vector<16xi32>
    %mul3A_2092 = arith.constant 2 : i32
    %mul3A_2093 = vector.broadcast %mul3A_2092 : i32 to vector<16xi32>
    %mul3A_2094 = arith.muli %select_n3A_19, %mul3A_2093 : vector<16xi32>
    %add3A_2095 = arith.constant 1 : i32
    %add3A_2096 = vector.broadcast %add3A_2095 : i32 to vector<16xi32>
    %add3A_2097 = arith.addi %mul3A_2094, %add3A_2096 : vector<16xi32>
    %broadcast_in_dim3A_2098 = vector.shape_cast %add3A_2097 : vector<16xi32> to vector<16x1xi32>
    %gather3A_2099 = vector.shape_cast %broadcast_in_dim3A_2098 : vector<16x1xi32> to vector<16xi32>
    %gather3A_2100 = tpu.dynamic_gather %get3A_2063[%gather3A_2099] in [0] : vector<16xi32>, vector<16xi32> -> vector<16xi32>
    %add3A_2101 = arith.addi %mul3A_2091, %gather3A_2100 : vector<16xi32>
    %lt3A_2102 = arith.constant 8 : i32
    %lt3A_2103 = vector.broadcast %lt3A_2102 : i32 to vector<16xi32>
    %lt3A_2104 = arith.cmpi slt, %iota3A, %lt3A_2103 : vector<16xi32>
    %select_n3A_2105 = arith.select %lt3A_2104, %add3A_2082, %add3A_2101 : vector<16xi1>, vector<16xi32>
    %swap3A_2106 = arith.constant 96 : index
    %swap3A_2107 = tpu.vector_load %arg10[%swap3A_2106] {strides = array<i32>} : memref<128xi32, #tpu.memory_space<vmem>>, vector<16xi32>,
    %swap3A_2108 = vector.shape_cast %swap3A_2107 : vector<16xi32> to vector<16xi32>
    %swap3A_2109 = vector.shape_cast %select_n3A_2105 : vector<16xi32> to vector<16xi32>
    tpu.vector_store %arg10[%swap3A_2106], %swap3A_2109 {strides = array<i32>} : memref<128xi32, #tpu.memory_space<vmem>>, vector<16xi32>,
    %get3A_2110 = arith.constant 224 : index
    %get3A_2111 = tpu.vector_load %arg6[%get3A_2110] {strides = array<i32>} : memref<512xi32, #tpu.memory_space<vmem>>, vector<16xi32>,
    %get3A_2112 = vector.shape_cast %get3A_2111 : vector<16xi32> to vector<16xi32>
    %get3A_2113 = arith.constant 240 : index
    %get3A_2114 = tpu.vector_load %arg6[%get3A_2113] {strides = array<i32>} : memref<512xi32, #tpu.memory_space<vmem>>, vector<16xi32>,
    %get3A_2115 = vector.shape_cast %get3A_2114 : vector<16xi32> to vector<16xi32>
    %mul3A_2116 = arith.constant 2 : i32
    %mul3A_2117 = vector.broadcast %mul3A_2116 : i32 to vector<16xi32>
    %mul3A_2118 = arith.muli %select_n3A_19, %mul3A_2117 : vector<16xi32>
    %broadcast_in_dim3A_2119 = vector.shape_cast %mul3A_2118 : vector<16xi32> to vector<16x1xi32>
    %gather3A_2120 = vector.shape_cast %broadcast_in_dim3A_2119 : vector<16x1xi32> to vector<16xi32>
    %gather3A_2121 = tpu.dynamic_gather %get3A_2112[%gather3A_2120] in [0] : vector<16xi32>, vector<16xi32> -> vector<16xi32>
    %mul3A_2122 = arith.constant 16 : i32
    %mul3A_2123 = vector.broadcast %mul3A_2122 : i32 to vector<16xi32>
    %mul3A_2124 = arith.muli %mul3A_2123, %gather3A_2121 : vector<16xi32>
    %mul3A_2125 = arith.constant 2 : i32
    %mul3A_2126 = vector.broadcast %mul3A_2125 : i32 to vector<16xi32>
    %mul3A_2127 = arith.muli %select_n3A_19, %mul3A_2126 : vector<16xi32>
    %add3A_2128 = arith.constant 1 : i32
    %add3A_2129 = vector.broadcast %add3A_2128 : i32 to vector<16xi32>
    %add3A_2130 = arith.addi %mul3A_2127, %add3A_2129 : vector<16xi32>
    %broadcast_in_dim3A_2131 = vector.shape_cast %add3A_2130 : vector<16xi32> to vector<16x1xi32>
    %gather3A_2132 = vector.shape_cast %broadcast_in_dim3A_2131 : vector<16x1xi32> to vector<16xi32>
    %gather3A_2133 = tpu.dynamic_gather %get3A_2112[%gather3A_2132] in [0] : vector<16xi32>, vector<16xi32> -> vector<16xi32>
    %add3A_2134 = arith.addi %mul3A_2124, %gather3A_2133 : vector<16xi32>
    %mul3A_2135 = arith.constant 2 : i32
    %mul3A_2136 = vector.broadcast %mul3A_2135 : i32 to vector<16xi32>
    %mul3A_2137 = arith.muli %select_n3A_19, %mul3A_2136 : vector<16xi32>
    %broadcast_in_dim3A_2138 = vector.shape_cast %mul3A_2137 : vector<16xi32> to vector<16x1xi32>
    %gather3A_2139 = vector.shape_cast %broadcast_in_dim3A_2138 : vector<16x1xi32> to vector<16xi32>
    %gather3A_2140 = tpu.dynamic_gather %get3A_2115[%gather3A_2139] in [0] : vector<16xi32>, vector<16xi32> -> vector<16xi32>
    %mul3A_2141 = arith.constant 16 : i32
    %mul3A_2142 = vector.broadcast %mul3A_2141 : i32 to vector<16xi32>
    %mul3A_2143 = arith.muli %mul3A_2142, %gather3A_2140 : vector<16xi32>
    %mul3A_2144 = arith.constant 2 : i32
    %mul3A_2145 = vector.broadcast %mul3A_2144 : i32 to vector<16xi32>
    %mul3A_2146 = arith.muli %select_n3A_19, %mul3A_2145 : vector<16xi32>
    %add3A_2147 = arith.constant 1 : i32
    %add3A_2148 = vector.broadcast %add3A_2147 : i32 to vector<16xi32>
    %add3A_2149 = arith.addi %mul3A_2146, %add3A_2148 : vector<16xi32>
    %broadcast_in_dim3A_2150 = vector.shape_cast %add3A_2149 : vector<16xi32> to vector<16x1xi32>
    %gather3A_2151 = vector.shape_cast %broadcast_in_dim3A_2150 : vector<16x1xi32> to vector<16xi32>
    %gather3A_2152 = tpu.dynamic_gather %get3A_2115[%gather3A_2151] in [0] : vector<16xi32>, vector<16xi32> -> vector<16xi32>
    %add3A_2153 = arith.addi %mul3A_2143, %gather3A_2152 : vector<16xi32>
    %lt3A_2154 = arith.constant 8 : i32
    %lt3A_2155 = vector.broadcast %lt3A_2154 : i32 to vector<16xi32>
    %lt3A_2156 = arith.cmpi slt, %iota3A, %lt3A_2155 : vector<16xi32>
    %select_n3A_2157 = arith.select %lt3A_2156, %add3A_2134, %add3A_2153 : vector<16xi1>, vector<16xi32>
    %swap3A_2158 = arith.constant 112 : index
    %swap3A_2159 = tpu.vector_load %arg10[%swap3A_2158] {strides = array<i32>} : memref<128xi32, #tpu.memory_space<vmem>>, vector<16xi32>,
    %swap3A_2160 = vector.shape_cast %swap3A_2159 : vector<16xi32> to vector<16xi32>
    %swap3A_2161 = vector.shape_cast %select_n3A_2157 : vector<16xi32> to vector<16xi32>
    tpu.vector_store %arg10[%swap3A_2158], %swap3A_2161 {strides = array<i32>} : memref<128xi32, #tpu.memory_space<vmem>>, vector<16xi32>,
    %get3A_2162 = arith.constant 256 : index
    %get3A_2163 = tpu.vector_load %arg6[%get3A_2162] {strides = array<i32>} : memref<512xi32, #tpu.memory_space<vmem>>, vector<16xi32>,
    %get3A_2164 = vector.shape_cast %get3A_2163 : vector<16xi32> to vector<16xi32>
    %get3A_2165 = arith.constant 272 : index
    %get3A_2166 = tpu.vector_load %arg6[%get3A_2165] {strides = array<i32>} : memref<512xi32, #tpu.memory_space<vmem>>, vector<16xi32>,
    %get3A_2167 = vector.shape_cast %get3A_2166 : vector<16xi32> to vector<16xi32>
    %mul3A_2168 = arith.constant 2 : i32
    %mul3A_2169 = vector.broadcast %mul3A_2168 : i32 to vector<16xi32>
    %mul3A_2170 = arith.muli %select_n3A_19, %mul3A_2169 : vector<16xi32>
    %broadcast_in_dim3A_2171 = vector.shape_cast %mul3A_2170 : vector<16xi32> to vector<16x1xi32>
    %gather3A_2172 = vector.shape_cast %broadcast_in_dim3A_2171 : vector<16x1xi32> to vector<16xi32>
    %gather3A_2173 = tpu.dynamic_gather %get3A_2164[%gather3A_2172] in [0] : vector<16xi32>, vector<16xi32> -> vector<16xi32>
    %mul3A_2174 = arith.constant 16 : i32
    %mul3A_2175 = vector.broadcast %mul3A_2174 : i32 to vector<16xi32>
    %mul3A_2176 = arith.muli %mul3A_2175, %gather3A_2173 : vector<16xi32>
    %mul3A_2177 = arith.constant 2 : i32
    %mul3A_2178 = vector.broadcast %mul3A_2177 : i32 to vector<16xi32>
    %mul3A_2179 = arith.muli %select_n3A_19, %mul3A_2178 : vector<16xi32>
    %add3A_2180 = arith.constant 1 : i32
    %add3A_2181 = vector.broadcast %add3A_2180 : i32 to vector<16xi32>
    %add3A_2182 = arith.addi %mul3A_2179, %add3A_2181 : vector<16xi32>
    %broadcast_in_dim3A_2183 = vector.shape_cast %add3A_2182 : vector<16xi32> to vector<16x1xi32>
    %gather3A_2184 = vector.shape_cast %broadcast_in_dim3A_2183 : vector<16x1xi32> to vector<16xi32>
    %gather3A_2185 = tpu.dynamic_gather %get3A_2164[%gather3A_2184] in [0] : vector<16xi32>, vector<16xi32> -> vector<16xi32>
    %add3A_2186 = arith.addi %mul3A_2176, %gather3A_2185 : vector<16xi32>
    %mul3A_2187 = arith.constant 2 : i32
    %mul3A_2188 = vector.broadcast %mul3A_2187 : i32 to vector<16xi32>
    %mul3A_2189 = arith.muli %select_n3A_19, %mul3A_2188 : vector<16xi32>
    %broadcast_in_dim3A_2190 = vector.shape_cast %mul3A_2189 : vector<16xi32> to vector<16x1xi32>
    %gather3A_2191 = vector.shape_cast %broadcast_in_dim3A_2190 : vector<16x1xi32> to vector<16xi32>
    %gather3A_2192 = tpu.dynamic_gather %get3A_2167[%gather3A_2191] in [0] : vector<16xi32>, vector<16xi32> -> vector<16xi32>
    %mul3A_2193 = arith.constant 16 : i32
    %mul3A_2194 = vector.broadcast %mul3A_2193 : i32 to vector<16xi32>
    %mul3A_2195 = arith.muli %mul3A_2194, %gather3A_2192 : vector<16xi32>
    %mul3A_2196 = arith.constant 2 : i32
    %mul3A_2197 = vector.broadcast %mul3A_2196 : i32 to vector<16xi32>
    %mul3A_2198 = arith.muli %select_n3A_19, %mul3A_2197 : vector<16xi32>
    %add3A_2199 = arith.constant 1 : i32
    %add3A_2200 = vector.broadcast %add3A_2199 : i32 to vector<16xi32>
    %add3A_2201 = arith.addi %mul3A_2198, %add3A_2200 : vector<16xi32>
    %broadcast_in_dim3A_2202 = vector.shape_cast %add3A_2201 : vector<16xi32> to vector<16x1xi32>
    %gather3A_2203 = vector.shape_cast %broadcast_in_dim3A_2202 : vector<16x1xi32> to vector<16xi32>
    %gather3A_2204 = tpu.dynamic_gather %get3A_2167[%gather3A_2203] in [0] : vector<16xi32>, vector<16xi32> -> vector<16xi32>
    %add3A_2205 = arith.addi %mul3A_2195, %gather3A_2204 : vector<16xi32>
    %lt3A_2206 = arith.constant 8 : i32
    %lt3A_2207 = vector.broadcast %lt3A_2206 : i32 to vector<16xi32>
    %lt3A_2208 = arith.cmpi slt, %iota3A, %lt3A_2207 : vector<16xi32>
    %select_n3A_2209 = arith.select %lt3A_2208, %add3A_2186, %add3A_2205 : vector<16xi1>, vector<16xi32>
    %swap3A_2210 = arith.constant 0 : index
    %swap3A_2211 = tpu.vector_load %arg11[%swap3A_2210] {strides = array<i32>} : memref<128xi32, #tpu.memory_space<vmem>>, vector<16xi32>,
    %swap3A_2212 = vector.shape_cast %swap3A_2211 : vector<16xi32> to vector<16xi32>
    %swap3A_2213 = vector.shape_cast %select_n3A_2209 : vector<16xi32> to vector<16xi32>
    tpu.vector_store %arg11[%swap3A_2210], %swap3A_2213 {strides = array<i32>} : memref<128xi32, #tpu.memory_space<vmem>>, vector<16xi32>,
    %get3A_2214 = arith.constant 288 : index
    %get3A_2215 = tpu.vector_load %arg6[%get3A_2214] {strides = array<i32>} : memref<512xi32, #tpu.memory_space<vmem>>, vector<16xi32>,
    %get3A_2216 = vector.shape_cast %get3A_2215 : vector<16xi32> to vector<16xi32>
    %get3A_2217 = arith.constant 304 : index
    %get3A_2218 = tpu.vector_load %arg6[%get3A_2217] {strides = array<i32>} : memref<512xi32, #tpu.memory_space<vmem>>, vector<16xi32>,
    %get3A_2219 = vector.shape_cast %get3A_2218 : vector<16xi32> to vector<16xi32>
    %mul3A_2220 = arith.constant 2 : i32
    %mul3A_2221 = vector.broadcast %mul3A_2220 : i32 to vector<16xi32>
    %mul3A_2222 = arith.muli %select_n3A_19, %mul3A_2221 : vector<16xi32>
    %broadcast_in_dim3A_2223 = vector.shape_cast %mul3A_2222 : vector<16xi32> to vector<16x1xi32>
    %gather3A_2224 = vector.shape_cast %broadcast_in_dim3A_2223 : vector<16x1xi32> to vector<16xi32>
    %gather3A_2225 = tpu.dynamic_gather %get3A_2216[%gather3A_2224] in [0] : vector<16xi32>, vector<16xi32> -> vector<16xi32>
    %mul3A_2226 = arith.constant 16 : i32
    %mul3A_2227 = vector.broadcast %mul3A_2226 : i32 to vector<16xi32>
    %mul3A_2228 = arith.muli %mul3A_2227, %gather3A_2225 : vector<16xi32>
    %mul3A_2229 = arith.constant 2 : i32
    %mul3A_2230 = vector.broadcast %mul3A_2229 : i32 to vector<16xi32>
    %mul3A_2231 = arith.muli %select_n3A_19, %mul3A_2230 : vector<16xi32>
    %add3A_2232 = arith.constant 1 : i32
    %add3A_2233 = vector.broadcast %add3A_2232 : i32 to vector<16xi32>
    %add3A_2234 = arith.addi %mul3A_2231, %add3A_2233 : vector<16xi32>
    %broadcast_in_dim3A_2235 = vector.shape_cast %add3A_2234 : vector<16xi32> to vector<16x1xi32>
    %gather3A_2236 = vector.shape_cast %broadcast_in_dim3A_2235 : vector<16x1xi32> to vector<16xi32>
    %gather3A_2237 = tpu.dynamic_gather %get3A_2216[%gather3A_2236] in [0] : vector<16xi32>, vector<16xi32> -> vector<16xi32>
    %add3A_2238 = arith.addi %mul3A_2228, %gather3A_2237 : vector<16xi32>
    %mul3A_2239 = arith.constant 2 : i32
    %mul3A_2240 = vector.broadcast %mul3A_2239 : i32 to vector<16xi32>
    %mul3A_2241 = arith.muli %select_n3A_19, %mul3A_2240 : vector<16xi32>
    %broadcast_in_dim3A_2242 = vector.shape_cast %mul3A_2241 : vector<16xi32> to vector<16x1xi32>
    %gather3A_2243 = vector.shape_cast %broadcast_in_dim3A_2242 : vector<16x1xi32> to vector<16xi32>
    %gather3A_2244 = tpu.dynamic_gather %get3A_2219[%gather3A_2243] in [0] : vector<16xi32>, vector<16xi32> -> vector<16xi32>
    %mul3A_2245 = arith.constant 16 : i32
    %mul3A_2246 = vector.broadcast %mul3A_2245 : i32 to vector<16xi32>
    %mul3A_2247 = arith.muli %mul3A_2246, %gather3A_2244 : vector<16xi32>
    %mul3A_2248 = arith.constant 2 : i32
    %mul3A_2249 = vector.broadcast %mul3A_2248 : i32 to vector<16xi32>
    %mul3A_2250 = arith.muli %select_n3A_19, %mul3A_2249 : vector<16xi32>
    %add3A_2251 = arith.constant 1 : i32
    %add3A_2252 = vector.broadcast %add3A_2251 : i32 to vector<16xi32>
    %add3A_2253 = arith.addi %mul3A_2250, %add3A_2252 : vector<16xi32>
    %broadcast_in_dim3A_2254 = vector.shape_cast %add3A_2253 : vector<16xi32> to vector<16x1xi32>
    %gather3A_2255 = vector.shape_cast %broadcast_in_dim3A_2254 : vector<16x1xi32> to vector<16xi32>
    %gather3A_2256 = tpu.dynamic_gather %get3A_2219[%gather3A_2255] in [0] : vector<16xi32>, vector<16xi32> -> vector<16xi32>
    %add3A_2257 = arith.addi %mul3A_2247, %gather3A_2256 : vector<16xi32>
    %lt3A_2258 = arith.constant 8 : i32
    %lt3A_2259 = vector.broadcast %lt3A_2258 : i32 to vector<16xi32>
    %lt3A_2260 = arith.cmpi slt, %iota3A, %lt3A_2259 : vector<16xi32>
    %select_n3A_2261 = arith.select %lt3A_2260, %add3A_2238, %add3A_2257 : vector<16xi1>, vector<16xi32>
    %swap3A_2262 = arith.constant 16 : index
    %swap3A_2263 = tpu.vector_load %arg11[%swap3A_2262] {strides = array<i32>} : memref<128xi32, #tpu.memory_space<vmem>>, vector<16xi32>,
    %swap3A_2264 = vector.shape_cast %swap3A_2263 : vector<16xi32> to vector<16xi32>
    %swap3A_2265 = vector.shape_cast %select_n3A_2261 : vector<16xi32> to vector<16xi32>
    tpu.vector_store %arg11[%swap3A_2262], %swap3A_2265 {strides = array<i32>} : memref<128xi32, #tpu.memory_space<vmem>>, vector<16xi32>,
    %get3A_2266 = arith.constant 320 : index
    %get3A_2267 = tpu.vector_load %arg6[%get3A_2266] {strides = array<i32>} : memref<512xi32, #tpu.memory_space<vmem>>, vector<16xi32>,
    %get3A_2268 = vector.shape_cast %get3A_2267 : vector<16xi32> to vector<16xi32>
    %get3A_2269 = arith.constant 336 : index
    %get3A_2270 = tpu.vector_load %arg6[%get3A_2269] {strides = array<i32>} : memref<512xi32, #tpu.memory_space<vmem>>, vector<16xi32>,
    %get3A_2271 = vector.shape_cast %get3A_2270 : vector<16xi32> to vector<16xi32>
    %mul3A_2272 = arith.constant 2 : i32
    %mul3A_2273 = vector.broadcast %mul3A_2272 : i32 to vector<16xi32>
    %mul3A_2274 = arith.muli %select_n3A_19, %mul3A_2273 : vector<16xi32>
    %broadcast_in_dim3A_2275 = vector.shape_cast %mul3A_2274 : vector<16xi32> to vector<16x1xi32>
    %gather3A_2276 = vector.shape_cast %broadcast_in_dim3A_2275 : vector<16x1xi32> to vector<16xi32>
    %gather3A_2277 = tpu.dynamic_gather %get3A_2268[%gather3A_2276] in [0] : vector<16xi32>, vector<16xi32> -> vector<16xi32>
    %mul3A_2278 = arith.constant 16 : i32
    %mul3A_2279 = vector.broadcast %mul3A_2278 : i32 to vector<16xi32>
    %mul3A_2280 = arith.muli %mul3A_2279, %gather3A_2277 : vector<16xi32>
    %mul3A_2281 = arith.constant 2 : i32
    %mul3A_2282 = vector.broadcast %mul3A_2281 : i32 to vector<16xi32>
    %mul3A_2283 = arith.muli %select_n3A_19, %mul3A_2282 : vector<16xi32>
    %add3A_2284 = arith.constant 1 : i32
    %add3A_2285 = vector.broadcast %add3A_2284 : i32 to vector<16xi32>
    %add3A_2286 = arith.addi %mul3A_2283, %add3A_2285 : vector<16xi32>
    %broadcast_in_dim3A_2287 = vector.shape_cast %add3A_2286 : vector<16xi32> to vector<16x1xi32>
    %gather3A_2288 = vector.shape_cast %broadcast_in_dim3A_2287 : vector<16x1xi32> to vector<16xi32>
    %gather3A_2289 = tpu.dynamic_gather %get3A_2268[%gather3A_2288] in [0] : vector<16xi32>, vector<16xi32> -> vector<16xi32>
    %add3A_2290 = arith.addi %mul3A_2280, %gather3A_2289 : vector<16xi32>
    %mul3A_2291 = arith.constant 2 : i32
    %mul3A_2292 = vector.broadcast %mul3A_2291 : i32 to vector<16xi32>
    %mul3A_2293 = arith.muli %select_n3A_19, %mul3A_2292 : vector<16xi32>
    %broadcast_in_dim3A_2294 = vector.shape_cast %mul3A_2293 : vector<16xi32> to vector<16x1xi32>
    %gather3A_2295 = vector.shape_cast %broadcast_in_dim3A_2294 : vector<16x1xi32> to vector<16xi32>
    %gather3A_2296 = tpu.dynamic_gather %get3A_2271[%gather3A_2295] in [0] : vector<16xi32>, vector<16xi32> -> vector<16xi32>
    %mul3A_2297 = arith.constant 16 : i32
    %mul3A_2298 = vector.broadcast %mul3A_2297 : i32 to vector<16xi32>
    %mul3A_2299 = arith.muli %mul3A_2298, %gather3A_2296 : vector<16xi32>
    %mul3A_2300 = arith.constant 2 : i32
    %mul3A_2301 = vector.broadcast %mul3A_2300 : i32 to vector<16xi32>
    %mul3A_2302 = arith.muli %select_n3A_19, %mul3A_2301 : vector<16xi32>
    %add3A_2303 = arith.constant 1 : i32
    %add3A_2304 = vector.broadcast %add3A_2303 : i32 to vector<16xi32>
    %add3A_2305 = arith.addi %mul3A_2302, %add3A_2304 : vector<16xi32>
    %broadcast_in_dim3A_2306 = vector.shape_cast %add3A_2305 : vector<16xi32> to vector<16x1xi32>
    %gather3A_2307 = vector.shape_cast %broadcast_in_dim3A_2306 : vector<16x1xi32> to vector<16xi32>
    %gather3A_2308 = tpu.dynamic_gather %get3A_2271[%gather3A_2307] in [0] : vector<16xi32>, vector<16xi32> -> vector<16xi32>
    %add3A_2309 = arith.addi %mul3A_2299, %gather3A_2308 : vector<16xi32>
    %lt3A_2310 = arith.constant 8 : i32
    %lt3A_2311 = vector.broadcast %lt3A_2310 : i32 to vector<16xi32>
    %lt3A_2312 = arith.cmpi slt, %iota3A, %lt3A_2311 : vector<16xi32>
    %select_n3A_2313 = arith.select %lt3A_2312, %add3A_2290, %add3A_2309 : vector<16xi1>, vector<16xi32>
    %swap3A_2314 = arith.constant 32 : index
    %swap3A_2315 = tpu.vector_load %arg11[%swap3A_2314] {strides = array<i32>} : memref<128xi32, #tpu.memory_space<vmem>>, vector<16xi32>,
    %swap3A_2316 = vector.shape_cast %swap3A_2315 : vector<16xi32> to vector<16xi32>
    %swap3A_2317 = vector.shape_cast %select_n3A_2313 : vector<16xi32> to vector<16xi32>
    tpu.vector_store %arg11[%swap3A_2314], %swap3A_2317 {strides = array<i32>} : memref<128xi32, #tpu.memory_space<vmem>>, vector<16xi32>,
    %get3A_2318 = arith.constant 352 : index
    %get3A_2319 = tpu.vector_load %arg6[%get3A_2318] {strides = array<i32>} : memref<512xi32, #tpu.memory_space<vmem>>, vector<16xi32>,
    %get3A_2320 = vector.shape_cast %get3A_2319 : vector<16xi32> to vector<16xi32>
    %get3A_2321 = arith.constant 368 : index
    %get3A_2322 = tpu.vector_load %arg6[%get3A_2321] {strides = array<i32>} : memref<512xi32, #tpu.memory_space<vmem>>, vector<16xi32>,
    %get3A_2323 = vector.shape_cast %get3A_2322 : vector<16xi32> to vector<16xi32>
    %mul3A_2324 = arith.constant 2 : i32
    %mul3A_2325 = vector.broadcast %mul3A_2324 : i32 to vector<16xi32>
    %mul3A_2326 = arith.muli %select_n3A_19, %mul3A_2325 : vector<16xi32>
    %broadcast_in_dim3A_2327 = vector.shape_cast %mul3A_2326 : vector<16xi32> to vector<16x1xi32>
    %gather3A_2328 = vector.shape_cast %broadcast_in_dim3A_2327 : vector<16x1xi32> to vector<16xi32>
    %gather3A_2329 = tpu.dynamic_gather %get3A_2320[%gather3A_2328] in [0] : vector<16xi32>, vector<16xi32> -> vector<16xi32>
    %mul3A_2330 = arith.constant 16 : i32
    %mul3A_2331 = vector.broadcast %mul3A_2330 : i32 to vector<16xi32>
    %mul3A_2332 = arith.muli %mul3A_2331, %gather3A_2329 : vector<16xi32>
    %mul3A_2333 = arith.constant 2 : i32
    %mul3A_2334 = vector.broadcast %mul3A_2333 : i32 to vector<16xi32>
    %mul3A_2335 = arith.muli %select_n3A_19, %mul3A_2334 : vector<16xi32>
    %add3A_2336 = arith.constant 1 : i32
    %add3A_2337 = vector.broadcast %add3A_2336 : i32 to vector<16xi32>
    %add3A_2338 = arith.addi %mul3A_2335, %add3A_2337 : vector<16xi32>
    %broadcast_in_dim3A_2339 = vector.shape_cast %add3A_2338 : vector<16xi32> to vector<16x1xi32>
    %gather3A_2340 = vector.shape_cast %broadcast_in_dim3A_2339 : vector<16x1xi32> to vector<16xi32>
    %gather3A_2341 = tpu.dynamic_gather %get3A_2320[%gather3A_2340] in [0] : vector<16xi32>, vector<16xi32> -> vector<16xi32>
    %add3A_2342 = arith.addi %mul3A_2332, %gather3A_2341 : vector<16xi32>
    %mul3A_2343 = arith.constant 2 : i32
    %mul3A_2344 = vector.broadcast %mul3A_2343 : i32 to vector<16xi32>
    %mul3A_2345 = arith.muli %select_n3A_19, %mul3A_2344 : vector<16xi32>
    %broadcast_in_dim3A_2346 = vector.shape_cast %mul3A_2345 : vector<16xi32> to vector<16x1xi32>
    %gather3A_2347 = vector.shape_cast %broadcast_in_dim3A_2346 : vector<16x1xi32> to vector<16xi32>
    %gather3A_2348 = tpu.dynamic_gather %get3A_2323[%gather3A_2347] in [0] : vector<16xi32>, vector<16xi32> -> vector<16xi32>
    %mul3A_2349 = arith.constant 16 : i32
    %mul3A_2350 = vector.broadcast %mul3A_2349 : i32 to vector<16xi32>
    %mul3A_2351 = arith.muli %mul3A_2350, %gather3A_2348 : vector<16xi32>
    %mul3A_2352 = arith.constant 2 : i32
    %mul3A_2353 = vector.broadcast %mul3A_2352 : i32 to vector<16xi32>
    %mul3A_2354 = arith.muli %select_n3A_19, %mul3A_2353 : vector<16xi32>
    %add3A_2355 = arith.constant 1 : i32
    %add3A_2356 = vector.broadcast %add3A_2355 : i32 to vector<16xi32>
    %add3A_2357 = arith.addi %mul3A_2354, %add3A_2356 : vector<16xi32>
    %broadcast_in_dim3A_2358 = vector.shape_cast %add3A_2357 : vector<16xi32> to vector<16x1xi32>
    %gather3A_2359 = vector.shape_cast %broadcast_in_dim3A_2358 : vector<16x1xi32> to vector<16xi32>
    %gather3A_2360 = tpu.dynamic_gather %get3A_2323[%gather3A_2359] in [0] : vector<16xi32>, vector<16xi32> -> vector<16xi32>
    %add3A_2361 = arith.addi %mul3A_2351, %gather3A_2360 : vector<16xi32>
    %lt3A_2362 = arith.constant 8 : i32
    %lt3A_2363 = vector.broadcast %lt3A_2362 : i32 to vector<16xi32>
    %lt3A_2364 = arith.cmpi slt, %iota3A, %lt3A_2363 : vector<16xi32>
    %select_n3A_2365 = arith.select %lt3A_2364, %add3A_2342, %add3A_2361 : vector<16xi1>, vector<16xi32>
    %swap3A_2366 = arith.constant 48 : index
    %swap3A_2367 = tpu.vector_load %arg11[%swap3A_2366] {strides = array<i32>} : memref<128xi32, #tpu.memory_space<vmem>>, vector<16xi32>,
    %swap3A_2368 = vector.shape_cast %swap3A_2367 : vector<16xi32> to vector<16xi32>
    %swap3A_2369 = vector.shape_cast %select_n3A_2365 : vector<16xi32> to vector<16xi32>
    tpu.vector_store %arg11[%swap3A_2366], %swap3A_2369 {strides = array<i32>} : memref<128xi32, #tpu.memory_space<vmem>>, vector<16xi32>,
    %get3A_2370 = arith.constant 384 : index
    %get3A_2371 = tpu.vector_load %arg6[%get3A_2370] {strides = array<i32>} : memref<512xi32, #tpu.memory_space<vmem>>, vector<16xi32>,
    %get3A_2372 = vector.shape_cast %get3A_2371 : vector<16xi32> to vector<16xi32>
    %get3A_2373 = arith.constant 400 : index
    %get3A_2374 = tpu.vector_load %arg6[%get3A_2373] {strides = array<i32>} : memref<512xi32, #tpu.memory_space<vmem>>, vector<16xi32>,
    %get3A_2375 = vector.shape_cast %get3A_2374 : vector<16xi32> to vector<16xi32>
    %mul3A_2376 = arith.constant 2 : i32
    %mul3A_2377 = vector.broadcast %mul3A_2376 : i32 to vector<16xi32>
    %mul3A_2378 = arith.muli %select_n3A_19, %mul3A_2377 : vector<16xi32>
    %broadcast_in_dim3A_2379 = vector.shape_cast %mul3A_2378 : vector<16xi32> to vector<16x1xi32>
    %gather3A_2380 = vector.shape_cast %broadcast_in_dim3A_2379 : vector<16x1xi32> to vector<16xi32>
    %gather3A_2381 = tpu.dynamic_gather %get3A_2372[%gather3A_2380] in [0] : vector<16xi32>, vector<16xi32> -> vector<16xi32>
    %mul3A_2382 = arith.constant 16 : i32
    %mul3A_2383 = vector.broadcast %mul3A_2382 : i32 to vector<16xi32>
    %mul3A_2384 = arith.muli %mul3A_2383, %gather3A_2381 : vector<16xi32>
    %mul3A_2385 = arith.constant 2 : i32
    %mul3A_2386 = vector.broadcast %mul3A_2385 : i32 to vector<16xi32>
    %mul3A_2387 = arith.muli %select_n3A_19, %mul3A_2386 : vector<16xi32>
    %add3A_2388 = arith.constant 1 : i32
    %add3A_2389 = vector.broadcast %add3A_2388 : i32 to vector<16xi32>
    %add3A_2390 = arith.addi %mul3A_2387, %add3A_2389 : vector<16xi32>
    %broadcast_in_dim3A_2391 = vector.shape_cast %add3A_2390 : vector<16xi32> to vector<16x1xi32>
    %gather3A_2392 = vector.shape_cast %broadcast_in_dim3A_2391 : vector<16x1xi32> to vector<16xi32>
    %gather3A_2393 = tpu.dynamic_gather %get3A_2372[%gather3A_2392] in [0] : vector<16xi32>, vector<16xi32> -> vector<16xi32>
    %add3A_2394 = arith.addi %mul3A_2384, %gather3A_2393 : vector<16xi32>
    %mul3A_2395 = arith.constant 2 : i32
    %mul3A_2396 = vector.broadcast %mul3A_2395 : i32 to vector<16xi32>
    %mul3A_2397 = arith.muli %select_n3A_19, %mul3A_2396 : vector<16xi32>
    %broadcast_in_dim3A_2398 = vector.shape_cast %mul3A_2397 : vector<16xi32> to vector<16x1xi32>
    %gather3A_2399 = vector.shape_cast %broadcast_in_dim3A_2398 : vector<16x1xi32> to vector<16xi32>
    %gather3A_2400 = tpu.dynamic_gather %get3A_2375[%gather3A_2399] in [0] : vector<16xi32>, vector<16xi32> -> vector<16xi32>
    %mul3A_2401 = arith.constant 16 : i32
    %mul3A_2402 = vector.broadcast %mul3A_2401 : i32 to vector<16xi32>
    %mul3A_2403 = arith.muli %mul3A_2402, %gather3A_2400 : vector<16xi32>
    %mul3A_2404 = arith.constant 2 : i32
    %mul3A_2405 = vector.broadcast %mul3A_2404 : i32 to vector<16xi32>
    %mul3A_2406 = arith.muli %select_n3A_19, %mul3A_2405 : vector<16xi32>
    %add3A_2407 = arith.constant 1 : i32
    %add3A_2408 = vector.broadcast %add3A_2407 : i32 to vector<16xi32>
    %add3A_2409 = arith.addi %mul3A_2406, %add3A_2408 : vector<16xi32>
    %broadcast_in_dim3A_2410 = vector.shape_cast %add3A_2409 : vector<16xi32> to vector<16x1xi32>
    %gather3A_2411 = vector.shape_cast %broadcast_in_dim3A_2410 : vector<16x1xi32> to vector<16xi32>
    %gather3A_2412 = tpu.dynamic_gather %get3A_2375[%gather3A_2411] in [0] : vector<16xi32>, vector<16xi32> -> vector<16xi32>
    %add3A_2413 = arith.addi %mul3A_2403, %gather3A_2412 : vector<16xi32>
    %lt3A_2414 = arith.constant 8 : i32
    %lt3A_2415 = vector.broadcast %lt3A_2414 : i32 to vector<16xi32>
    %lt3A_2416 = arith.cmpi slt, %iota3A, %lt3A_2415 : vector<16xi32>
    %select_n3A_2417 = arith.select %lt3A_2416, %add3A_2394, %add3A_2413 : vector<16xi1>, vector<16xi32>
    %swap3A_2418 = arith.constant 64 : index
    %swap3A_2419 = tpu.vector_load %arg11[%swap3A_2418] {strides = array<i32>} : memref<128xi32, #tpu.memory_space<vmem>>, vector<16xi32>,
    %swap3A_2420 = vector.shape_cast %swap3A_2419 : vector<16xi32> to vector<16xi32>
    %swap3A_2421 = vector.shape_cast %select_n3A_2417 : vector<16xi32> to vector<16xi32>
    tpu.vector_store %arg11[%swap3A_2418], %swap3A_2421 {strides = array<i32>} : memref<128xi32, #tpu.memory_space<vmem>>, vector<16xi32>,
    %get3A_2422 = arith.constant 416 : index
    %get3A_2423 = tpu.vector_load %arg6[%get3A_2422] {strides = array<i32>} : memref<512xi32, #tpu.memory_space<vmem>>, vector<16xi32>,
    %get3A_2424 = vector.shape_cast %get3A_2423 : vector<16xi32> to vector<16xi32>
    %get3A_2425 = arith.constant 432 : index
    %get3A_2426 = tpu.vector_load %arg6[%get3A_2425] {strides = array<i32>} : memref<512xi32, #tpu.memory_space<vmem>>, vector<16xi32>,
    %get3A_2427 = vector.shape_cast %get3A_2426 : vector<16xi32> to vector<16xi32>
    %mul3A_2428 = arith.constant 2 : i32
    %mul3A_2429 = vector.broadcast %mul3A_2428 : i32 to vector<16xi32>
    %mul3A_2430 = arith.muli %select_n3A_19, %mul3A_2429 : vector<16xi32>
    %broadcast_in_dim3A_2431 = vector.shape_cast %mul3A_2430 : vector<16xi32> to vector<16x1xi32>
    %gather3A_2432 = vector.shape_cast %broadcast_in_dim3A_2431 : vector<16x1xi32> to vector<16xi32>
    %gather3A_2433 = tpu.dynamic_gather %get3A_2424[%gather3A_2432] in [0] : vector<16xi32>, vector<16xi32> -> vector<16xi32>
    %mul3A_2434 = arith.constant 16 : i32
    %mul3A_2435 = vector.broadcast %mul3A_2434 : i32 to vector<16xi32>
    %mul3A_2436 = arith.muli %mul3A_2435, %gather3A_2433 : vector<16xi32>
    %mul3A_2437 = arith.constant 2 : i32
    %mul3A_2438 = vector.broadcast %mul3A_2437 : i32 to vector<16xi32>
    %mul3A_2439 = arith.muli %select_n3A_19, %mul3A_2438 : vector<16xi32>
    %add3A_2440 = arith.constant 1 : i32
    %add3A_2441 = vector.broadcast %add3A_2440 : i32 to vector<16xi32>
    %add3A_2442 = arith.addi %mul3A_2439, %add3A_2441 : vector<16xi32>
    %broadcast_in_dim3A_2443 = vector.shape_cast %add3A_2442 : vector<16xi32> to vector<16x1xi32>
    %gather3A_2444 = vector.shape_cast %broadcast_in_dim3A_2443 : vector<16x1xi32> to vector<16xi32>
    %gather3A_2445 = tpu.dynamic_gather %get3A_2424[%gather3A_2444] in [0] : vector<16xi32>, vector<16xi32> -> vector<16xi32>
    %add3A_2446 = arith.addi %mul3A_2436, %gather3A_2445 : vector<16xi32>
    %mul3A_2447 = arith.constant 2 : i32
    %mul3A_2448 = vector.broadcast %mul3A_2447 : i32 to vector<16xi32>
    %mul3A_2449 = arith.muli %select_n3A_19, %mul3A_2448 : vector<16xi32>
    %broadcast_in_dim3A_2450 = vector.shape_cast %mul3A_2449 : vector<16xi32> to vector<16x1xi32>
    %gather3A_2451 = vector.shape_cast %broadcast_in_dim3A_2450 : vector<16x1xi32> to vector<16xi32>
    %gather3A_2452 = tpu.dynamic_gather %get3A_2427[%gather3A_2451] in [0] : vector<16xi32>, vector<16xi32> -> vector<16xi32>
    %mul3A_2453 = arith.constant 16 : i32
    %mul3A_2454 = vector.broadcast %mul3A_2453 : i32 to vector<16xi32>
    %mul3A_2455 = arith.muli %mul3A_2454, %gather3A_2452 : vector<16xi32>
    %mul3A_2456 = arith.constant 2 : i32
    %mul3A_2457 = vector.broadcast %mul3A_2456 : i32 to vector<16xi32>
    %mul3A_2458 = arith.muli %select_n3A_19, %mul3A_2457 : vector<16xi32>
    %add3A_2459 = arith.constant 1 : i32
    %add3A_2460 = vector.broadcast %add3A_2459 : i32 to vector<16xi32>
    %add3A_2461 = arith.addi %mul3A_2458, %add3A_2460 : vector<16xi32>
    %broadcast_in_dim3A_2462 = vector.shape_cast %add3A_2461 : vector<16xi32> to vector<16x1xi32>
    %gather3A_2463 = vector.shape_cast %broadcast_in_dim3A_2462 : vector<16x1xi32> to vector<16xi32>
    %gather3A_2464 = tpu.dynamic_gather %get3A_2427[%gather3A_2463] in [0] : vector<16xi32>, vector<16xi32> -> vector<16xi32>
    %add3A_2465 = arith.addi %mul3A_2455, %gather3A_2464 : vector<16xi32>
    %lt3A_2466 = arith.constant 8 : i32
    %lt3A_2467 = vector.broadcast %lt3A_2466 : i32 to vector<16xi32>
    %lt3A_2468 = arith.cmpi slt, %iota3A, %lt3A_2467 : vector<16xi32>
    %select_n3A_2469 = arith.select %lt3A_2468, %add3A_2446, %add3A_2465 : vector<16xi1>, vector<16xi32>
    %swap3A_2470 = arith.constant 80 : index
    %swap3A_2471 = tpu.vector_load %arg11[%swap3A_2470] {strides = array<i32>} : memref<128xi32, #tpu.memory_space<vmem>>, vector<16xi32>,
    %swap3A_2472 = vector.shape_cast %swap3A_2471 : vector<16xi32> to vector<16xi32>
    %swap3A_2473 = vector.shape_cast %select_n3A_2469 : vector<16xi32> to vector<16xi32>
    tpu.vector_store %arg11[%swap3A_2470], %swap3A_2473 {strides = array<i32>} : memref<128xi32, #tpu.memory_space<vmem>>, vector<16xi32>,
    %get3A_2474 = arith.constant 448 : index
    %get3A_2475 = tpu.vector_load %arg6[%get3A_2474] {strides = array<i32>} : memref<512xi32, #tpu.memory_space<vmem>>, vector<16xi32>,
    %get3A_2476 = vector.shape_cast %get3A_2475 : vector<16xi32> to vector<16xi32>
    %get3A_2477 = arith.constant 464 : index
    %get3A_2478 = tpu.vector_load %arg6[%get3A_2477] {strides = array<i32>} : memref<512xi32, #tpu.memory_space<vmem>>, vector<16xi32>,
    %get3A_2479 = vector.shape_cast %get3A_2478 : vector<16xi32> to vector<16xi32>
    %mul3A_2480 = arith.constant 2 : i32
    %mul3A_2481 = vector.broadcast %mul3A_2480 : i32 to vector<16xi32>
    %mul3A_2482 = arith.muli %select_n3A_19, %mul3A_2481 : vector<16xi32>
    %broadcast_in_dim3A_2483 = vector.shape_cast %mul3A_2482 : vector<16xi32> to vector<16x1xi32>
    %gather3A_2484 = vector.shape_cast %broadcast_in_dim3A_2483 : vector<16x1xi32> to vector<16xi32>
    %gather3A_2485 = tpu.dynamic_gather %get3A_2476[%gather3A_2484] in [0] : vector<16xi32>, vector<16xi32> -> vector<16xi32>
    %mul3A_2486 = arith.constant 16 : i32
    %mul3A_2487 = vector.broadcast %mul3A_2486 : i32 to vector<16xi32>
    %mul3A_2488 = arith.muli %mul3A_2487, %gather3A_2485 : vector<16xi32>
    %mul3A_2489 = arith.constant 2 : i32
    %mul3A_2490 = vector.broadcast %mul3A_2489 : i32 to vector<16xi32>
    %mul3A_2491 = arith.muli %select_n3A_19, %mul3A_2490 : vector<16xi32>
    %add3A_2492 = arith.constant 1 : i32
    %add3A_2493 = vector.broadcast %add3A_2492 : i32 to vector<16xi32>
    %add3A_2494 = arith.addi %mul3A_2491, %add3A_2493 : vector<16xi32>
    %broadcast_in_dim3A_2495 = vector.shape_cast %add3A_2494 : vector<16xi32> to vector<16x1xi32>
    %gather3A_2496 = vector.shape_cast %broadcast_in_dim3A_2495 : vector<16x1xi32> to vector<16xi32>
    %gather3A_2497 = tpu.dynamic_gather %get3A_2476[%gather3A_2496] in [0] : vector<16xi32>, vector<16xi32> -> vector<16xi32>
    %add3A_2498 = arith.addi %mul3A_2488, %gather3A_2497 : vector<16xi32>
    %mul3A_2499 = arith.constant 2 : i32
    %mul3A_2500 = vector.broadcast %mul3A_2499 : i32 to vector<16xi32>
    %mul3A_2501 = arith.muli %select_n3A_19, %mul3A_2500 : vector<16xi32>
    %broadcast_in_dim3A_2502 = vector.shape_cast %mul3A_2501 : vector<16xi32> to vector<16x1xi32>
    %gather3A_2503 = vector.shape_cast %broadcast_in_dim3A_2502 : vector<16x1xi32> to vector<16xi32>
    %gather3A_2504 = tpu.dynamic_gather %get3A_2479[%gather3A_2503] in [0] : vector<16xi32>, vector<16xi32> -> vector<16xi32>
    %mul3A_2505 = arith.constant 16 : i32
    %mul3A_2506 = vector.broadcast %mul3A_2505 : i32 to vector<16xi32>
    %mul3A_2507 = arith.muli %mul3A_2506, %gather3A_2504 : vector<16xi32>
    %mul3A_2508 = arith.constant 2 : i32
    %mul3A_2509 = vector.broadcast %mul3A_2508 : i32 to vector<16xi32>
    %mul3A_2510 = arith.muli %select_n3A_19, %mul3A_2509 : vector<16xi32>
    %add3A_2511 = arith.constant 1 : i32
    %add3A_2512 = vector.broadcast %add3A_2511 : i32 to vector<16xi32>
    %add3A_2513 = arith.addi %mul3A_2510, %add3A_2512 : vector<16xi32>
    %broadcast_in_dim3A_2514 = vector.shape_cast %add3A_2513 : vector<16xi32> to vector<16x1xi32>
    %gather3A_2515 = vector.shape_cast %broadcast_in_dim3A_2514 : vector<16x1xi32> to vector<16xi32>
    %gather3A_2516 = tpu.dynamic_gather %get3A_2479[%gather3A_2515] in [0] : vector<16xi32>, vector<16xi32> -> vector<16xi32>
    %add3A_2517 = arith.addi %mul3A_2507, %gather3A_2516 : vector<16xi32>
    %lt3A_2518 = arith.constant 8 : i32
    %lt3A_2519 = vector.broadcast %lt3A_2518 : i32 to vector<16xi32>
    %lt3A_2520 = arith.cmpi slt, %iota3A, %lt3A_2519 : vector<16xi32>
    %select_n3A_2521 = arith.select %lt3A_2520, %add3A_2498, %add3A_2517 : vector<16xi1>, vector<16xi32>
    %swap3A_2522 = arith.constant 96 : index
    %swap3A_2523 = tpu.vector_load %arg11[%swap3A_2522] {strides = array<i32>} : memref<128xi32, #tpu.memory_space<vmem>>, vector<16xi32>,
    %swap3A_2524 = vector.shape_cast %swap3A_2523 : vector<16xi32> to vector<16xi32>
    %swap3A_2525 = vector.shape_cast %select_n3A_2521 : vector<16xi32> to vector<16xi32>
    tpu.vector_store %arg11[%swap3A_2522], %swap3A_2525 {strides = array<i32>} : memref<128xi32, #tpu.memory_space<vmem>>, vector<16xi32>,
    %get3A_2526 = arith.constant 480 : index
    %get3A_2527 = tpu.vector_load %arg6[%get3A_2526] {strides = array<i32>} : memref<512xi32, #tpu.memory_space<vmem>>, vector<16xi32>,
    %get3A_2528 = vector.shape_cast %get3A_2527 : vector<16xi32> to vector<16xi32>
    %get3A_2529 = arith.constant 496 : index
    %get3A_2530 = tpu.vector_load %arg6[%get3A_2529] {strides = array<i32>} : memref<512xi32, #tpu.memory_space<vmem>>, vector<16xi32>,
    %get3A_2531 = vector.shape_cast %get3A_2530 : vector<16xi32> to vector<16xi32>
    %mul3A_2532 = arith.constant 2 : i32
    %mul3A_2533 = vector.broadcast %mul3A_2532 : i32 to vector<16xi32>
    %mul3A_2534 = arith.muli %select_n3A_19, %mul3A_2533 : vector<16xi32>
    %broadcast_in_dim3A_2535 = vector.shape_cast %mul3A_2534 : vector<16xi32> to vector<16x1xi32>
    %gather3A_2536 = vector.shape_cast %broadcast_in_dim3A_2535 : vector<16x1xi32> to vector<16xi32>
    %gather3A_2537 = tpu.dynamic_gather %get3A_2528[%gather3A_2536] in [0] : vector<16xi32>, vector<16xi32> -> vector<16xi32>
    %mul3A_2538 = arith.constant 16 : i32
    %mul3A_2539 = vector.broadcast %mul3A_2538 : i32 to vector<16xi32>
    %mul3A_2540 = arith.muli %mul3A_2539, %gather3A_2537 : vector<16xi32>
    %mul3A_2541 = arith.constant 2 : i32
    %mul3A_2542 = vector.broadcast %mul3A_2541 : i32 to vector<16xi32>
    %mul3A_2543 = arith.muli %select_n3A_19, %mul3A_2542 : vector<16xi32>
    %add3A_2544 = arith.constant 1 : i32
    %add3A_2545 = vector.broadcast %add3A_2544 : i32 to vector<16xi32>
    %add3A_2546 = arith.addi %mul3A_2543, %add3A_2545 : vector<16xi32>
    %broadcast_in_dim3A_2547 = vector.shape_cast %add3A_2546 : vector<16xi32> to vector<16x1xi32>
    %gather3A_2548 = vector.shape_cast %broadcast_in_dim3A_2547 : vector<16x1xi32> to vector<16xi32>
    %gather3A_2549 = tpu.dynamic_gather %get3A_2528[%gather3A_2548] in [0] : vector<16xi32>, vector<16xi32> -> vector<16xi32>
    %add3A_2550 = arith.addi %mul3A_2540, %gather3A_2549 : vector<16xi32>
    %mul3A_2551 = arith.constant 2 : i32
    %mul3A_2552 = vector.broadcast %mul3A_2551 : i32 to vector<16xi32>
    %mul3A_2553 = arith.muli %select_n3A_19, %mul3A_2552 : vector<16xi32>
    %broadcast_in_dim3A_2554 = vector.shape_cast %mul3A_2553 : vector<16xi32> to vector<16x1xi32>
    %gather3A_2555 = vector.shape_cast %broadcast_in_dim3A_2554 : vector<16x1xi32> to vector<16xi32>
    %gather3A_2556 = tpu.dynamic_gather %get3A_2531[%gather3A_2555] in [0] : vector<16xi32>, vector<16xi32> -> vector<16xi32>
    %mul3A_2557 = arith.constant 16 : i32
    %mul3A_2558 = vector.broadcast %mul3A_2557 : i32 to vector<16xi32>
    %mul3A_2559 = arith.muli %mul3A_2558, %gather3A_2556 : vector<16xi32>
    %mul3A_2560 = arith.constant 2 : i32
    %mul3A_2561 = vector.broadcast %mul3A_2560 : i32 to vector<16xi32>
    %mul3A_2562 = arith.muli %select_n3A_19, %mul3A_2561 : vector<16xi32>
    %add3A_2563 = arith.constant 1 : i32
    %add3A_2564 = vector.broadcast %add3A_2563 : i32 to vector<16xi32>
    %add3A_2565 = arith.addi %mul3A_2562, %add3A_2564 : vector<16xi32>
    %broadcast_in_dim3A_2566 = vector.shape_cast %add3A_2565 : vector<16xi32> to vector<16x1xi32>
    %gather3A_2567 = vector.shape_cast %broadcast_in_dim3A_2566 : vector<16x1xi32> to vector<16xi32>
    %gather3A_2568 = tpu.dynamic_gather %get3A_2531[%gather3A_2567] in [0] : vector<16xi32>, vector<16xi32> -> vector<16xi32>
    %add3A_2569 = arith.addi %mul3A_2559, %gather3A_2568 : vector<16xi32>
    %lt3A_2570 = arith.constant 8 : i32
    %lt3A_2571 = vector.broadcast %lt3A_2570 : i32 to vector<16xi32>
    %lt3A_2572 = arith.cmpi slt, %iota3A, %lt3A_2571 : vector<16xi32>
    %select_n3A_2573 = arith.select %lt3A_2572, %add3A_2550, %add3A_2569 : vector<16xi1>, vector<16xi32>
    %swap3A_2574 = arith.constant 112 : index
    %swap3A_2575 = tpu.vector_load %arg11[%swap3A_2574] {strides = array<i32>} : memref<128xi32, #tpu.memory_space<vmem>>, vector<16xi32>,
    %swap3A_2576 = vector.shape_cast %swap3A_2575 : vector<16xi32> to vector<16xi32>
    %swap3A_2577 = vector.shape_cast %select_n3A_2573 : vector<16xi32> to vector<16xi32>
    tpu.vector_store %arg11[%swap3A_2574], %swap3A_2577 {strides = array<i32>} : memref<128xi32, #tpu.memory_space<vmem>>, vector<16xi32>,
    %add3A_2578 = arith.constant 101888 : i32
    %add3A_2579 = arith.addi %mul3A_2, %add3A_2578 : i32
    %dma_start3A_2580 = tpu.memref_slice %arg2[%add3A_2579] : memref<3276800xi32, #tpu.memory_space<hbm>> -> memref<512xi32, #tpu.memory_space<hbm>>
    %dma_start3A_2581 = tpu.memref_slice %arg2[%add3A_2579] : memref<3276800xi32, #tpu.memory_space<hbm>> -> memref<512xi32, #tpu.memory_space<hbm>>
    tpu.enqueue_dma source(%dma_start3A_2581 : memref<512xi32, #tpu.memory_space<hbm>>) target(%arg7 : memref<512xi32, #tpu.memory_space<vmem>>) target_semaphore(%arg15 : memref<!tpu.dma_semaphore, #tpu.memory_space<semaphore_mem>>)
    %dma_wait3A_2582 = arith.constant 0 : i32
    %dma_wait3A_2583 = tpu.memref_slice %arg4[%mul3A_4, %dma_wait3A_2582] : memref<1638400x128xf32, #tpu.memory_space<hbm>> -> memref<256x128xf32, #tpu.memory_space<hbm>>
    %dma_wait3A_2584 = arith.constant 0 : i32
    %dma_wait3A_2585 = tpu.memref_slice %arg4[%mul3A_4, %dma_wait3A_2584] : memref<1638400x128xf32, #tpu.memory_space<hbm>> -> memref<256x128xf32, #tpu.memory_space<hbm>>
    tpu.wait_dma2 semaphore(%arg18 : memref<!tpu.dma_semaphore, #tpu.memory_space<semaphore_mem>>) src(%arg8 : memref<256x128xf32, #tpu.memory_space<vmem>>) dst(%dma_wait3A_2585 : memref<256x128xf32, #tpu.memory_space<hbm>>)
    %dma_wait3A_2586 = arith.constant 0 : i32
    %dma_wait3A_2587 = arith.constant 0 : i32
    %dma_wait3A_2588 = tpu.memref_slice %arg9[%dma_wait3A_2586, %dma_wait3A_2587] : memref<256x128xf32, #tpu.memory_space<vmem>> -> memref<128x128xf32, #tpu.memory_space<vmem>>
    %dma_wait3A_2589 = arith.constant 0 : i32
    %dma_wait3A_2590 = arith.constant 0 : i32
    %dma_wait3A_2591 = tpu.memref_slice %arg5[%dma_wait3A_2589, %dma_wait3A_2590] : memref<256x128xf32, #tpu.memory_space<vmem_shared>> -> memref<256x128xf32, #tpu.memory_space<vmem_shared>>
    tpu.wait_indirect_dma semaphore(%arg17 : memref<!tpu.dma_semaphore, #tpu.memory_space<semaphore_mem>>) src(%dma_wait3A_2591 : memref<256x128xf32, #tpu.memory_space<vmem_shared>>) dst(%dma_wait3A_2588 : memref<128x128xf32, #tpu.memory_space<vmem>>)
    %dma_wait3A_2592 = arith.constant 128 : i32
    %dma_wait3A_2593 = arith.constant 0 : i32
    %dma_wait3A_2594 = tpu.memref_slice %arg9[%dma_wait3A_2592, %dma_wait3A_2593] : memref<256x128xf32, #tpu.memory_space<vmem>> -> memref<128x128xf32, #tpu.memory_space<vmem>>
    %dma_wait3A_2595 = arith.constant 0 : i32
    %dma_wait3A_2596 = arith.constant 0 : i32
    %dma_wait3A_2597 = tpu.memref_slice %arg5[%dma_wait3A_2595, %dma_wait3A_2596] : memref<256x128xf32, #tpu.memory_space<vmem_shared>> -> memref<256x128xf32, #tpu.memory_space<vmem_shared>>
    tpu.wait_indirect_dma semaphore(%arg17 : memref<!tpu.dma_semaphore, #tpu.memory_space<semaphore_mem>>) src(%dma_wait3A_2597 : memref<256x128xf32, #tpu.memory_space<vmem_shared>>) dst(%dma_wait3A_2594 : memref<128x128xf32, #tpu.memory_space<vmem>>)
    %dma_start3A_2598 = arith.constant 0 : i32
    %dma_start3A_2599 = arith.constant 0 : i32
    %dma_start3A_2600 = tpu.memref_slice %arg8[%dma_start3A_2598, %dma_start3A_2599] : memref<256x128xf32, #tpu.memory_space<vmem>> -> memref<128x128xf32, #tpu.memory_space<vmem>>
    %dma_start3A_2601 = arith.constant 0 : i32
    %dma_start3A_2602 = arith.constant 0 : i32
    %dma_start3A_2603 = tpu.memref_slice %arg5[%dma_start3A_2601, %dma_start3A_2602] : memref<256x128xf32, #tpu.memory_space<vmem_shared>> -> memref<256x128xf32, #tpu.memory_space<vmem_shared>>
    tpu.enqueue_indirect_dma source(%dma_start3A_2603 : memref<256x128xf32, #tpu.memory_space<vmem_shared>>) target(%dma_start3A_2600 : memref<128x128xf32, #tpu.memory_space<vmem>>) offsets(%arg10 : memref<128xi32, #tpu.memory_space<vmem>>) semaphore(%arg16 : memref<!tpu.dma_semaphore, #tpu.memory_space<semaphore_mem>>)
    %dma_start3A_2604 = arith.constant 128 : i32
    %dma_start3A_2605 = arith.constant 0 : i32
    %dma_start3A_2606 = tpu.memref_slice %arg8[%dma_start3A_2604, %dma_start3A_2605] : memref<256x128xf32, #tpu.memory_space<vmem>> -> memref<128x128xf32, #tpu.memory_space<vmem>>
    %dma_start3A_2607 = arith.constant 0 : i32
    %dma_start3A_2608 = arith.constant 0 : i32
    %dma_start3A_2609 = tpu.memref_slice %arg5[%dma_start3A_2607, %dma_start3A_2608] : memref<256x128xf32, #tpu.memory_space<vmem_shared>> -> memref<256x128xf32, #tpu.memory_space<vmem_shared>>
    tpu.enqueue_indirect_dma source(%dma_start3A_2609 : memref<256x128xf32, #tpu.memory_space<vmem_shared>>) target(%dma_start3A_2606 : memref<128x128xf32, #tpu.memory_space<vmem>>) offsets(%arg11 : memref<128xi32, #tpu.memory_space<vmem>>) semaphore(%arg16 : memref<!tpu.dma_semaphore, #tpu.memory_space<semaphore_mem>>)
    %add3A_2610 = arith.constant 50432 : i32
    %add3A_2611 = arith.addi %mul3A_4, %add3A_2610 : i32
    %dma_start3A_2612 = arith.constant 0 : i32
    %dma_start3A_2613 = tpu.memref_slice %arg4[%add3A_2611, %dma_start3A_2612] : memref<1638400x128xf32, #tpu.memory_space<hbm>> -> memref<256x128xf32, #tpu.memory_space<hbm>>
    %dma_start3A_2614 = arith.constant 0 : i32
    %dma_start3A_2615 = tpu.memref_slice %arg4[%add3A_2611, %dma_start3A_2614] : memref<1638400x128xf32, #tpu.memory_space<hbm>> -> memref<256x128xf32, #tpu.memory_space<hbm>>
    tpu.enqueue_dma source(%arg9 : memref<256x128xf32, #tpu.memory_space<vmem>>) target(%dma_start3A_2615 : memref<256x128xf32, #tpu.memory_space<hbm>>) target_semaphore(%arg19 : memref<!tpu.dma_semaphore, #tpu.memory_space<semaphore_mem>>)
    %add3A_2616 = arith.constant 0 : i32
    %add3A_2617 = arith.addi %mul3A_2, %add3A_2616 : i32
    %dma_wait3A_2618 = tpu.memref_slice %arg2[%add3A_2617] : memref<3276800xi32, #tpu.memory_space<hbm>> -> memref<512xi32, #tpu.memory_space<hbm>>
    %dma_wait3A_2619 = tpu.memref_slice %arg2[%add3A_2617] : memref<3276800xi32, #tpu.memory_space<hbm>> -> memref<512xi32, #tpu.memory_space<hbm>>
    tpu.wait_dma2 semaphore(%arg15 : memref<!tpu.dma_semaphore, #tpu.memory_space<semaphore_mem>>) src(%dma_wait3A_2619 : memref<512xi32, #tpu.memory_space<hbm>>) dst(%arg7 : memref<512xi32, #tpu.memory_space<vmem>>)
    %get3A_2620 = arith.constant 0 : index
    %get3A_2621 = tpu.vector_load %arg7[%get3A_2620] {strides = array<i32>} : memref<512xi32, #tpu.memory_space<vmem>>, vector<16xi32>,
    %get3A_2622 = vector.shape_cast %get3A_2621 : vector<16xi32> to vector<16xi32>
    %get3A_2623 = arith.constant 16 : index
    %get3A_2624 = tpu.vector_load %arg7[%get3A_2623] {strides = array<i32>} : memref<512xi32, #tpu.memory_space<vmem>>, vector<16xi32>,
    %get3A_2625 = vector.shape_cast %get3A_2624 : vector<16xi32> to vector<16xi32>
    %mul3A_2626 = arith.constant 2 : i32
    %mul3A_2627 = vector.broadcast %mul3A_2626 : i32 to vector<16xi32>
    %mul3A_2628 = arith.muli %select_n3A_19, %mul3A_2627 : vector<16xi32>
    %broadcast_in_dim3A_2629 = vector.shape_cast %mul3A_2628 : vector<16xi32> to vector<16x1xi32>
    %gather3A_2630 = vector.shape_cast %broadcast_in_dim3A_2629 : vector<16x1xi32> to vector<16xi32>
    %gather3A_2631 = tpu.dynamic_gather %get3A_2622[%gather3A_2630] in [0] : vector<16xi32>, vector<16xi32> -> vector<16xi32>
    %mul3A_2632 = arith.constant 16 : i32
    %mul3A_2633 = vector.broadcast %mul3A_2632 : i32 to vector<16xi32>
    %mul3A_2634 = arith.muli %mul3A_2633, %gather3A_2631 : vector<16xi32>
    %mul3A_2635 = arith.constant 2 : i32
    %mul3A_2636 = vector.broadcast %mul3A_2635 : i32 to vector<16xi32>
    %mul3A_2637 = arith.muli %select_n3A_19, %mul3A_2636 : vector<16xi32>
    %add3A_2638 = arith.constant 1 : i32
    %add3A_2639 = vector.broadcast %add3A_2638 : i32 to vector<16xi32>
    %add3A_2640 = arith.addi %mul3A_2637, %add3A_2639 : vector<16xi32>
    %broadcast_in_dim3A_2641 = vector.shape_cast %add3A_2640 : vector<16xi32> to vector<16x1xi32>
    %gather3A_2642 = vector.shape_cast %broadcast_in_dim3A_2641 : vector<16x1xi32> to vector<16xi32>
    %gather3A_2643 = tpu.dynamic_gather %get3A_2622[%gather3A_2642] in [0] : vector<16xi32>, vector<16xi32> -> vector<16xi32>
    %add3A_2644 = arith.addi %mul3A_2634, %gather3A_2643 : vector<16xi32>
    %mul3A_2645 = arith.constant 2 : i32
    %mul3A_2646 = vector.broadcast %mul3A_2645 : i32 to vector<16xi32>
    %mul3A_2647 = arith.muli %select_n3A_19, %mul3A_2646 : vector<16xi32>
    %broadcast_in_dim3A_2648 = vector.shape_cast %mul3A_2647 : vector<16xi32> to vector<16x1xi32>
    %gather3A_2649 = vector.shape_cast %broadcast_in_dim3A_2648 : vector<16x1xi32> to vector<16xi32>
    %gather3A_2650 = tpu.dynamic_gather %get3A_2625[%gather3A_2649] in [0] : vector<16xi32>, vector<16xi32> -> vector<16xi32>
    %mul3A_2651 = arith.constant 16 : i32
    %mul3A_2652 = vector.broadcast %mul3A_2651 : i32 to vector<16xi32>
    %mul3A_2653 = arith.muli %mul3A_2652, %gather3A_2650 : vector<16xi32>
    %mul3A_2654 = arith.constant 2 : i32
    %mul3A_2655 = vector.broadcast %mul3A_2654 : i32 to vector<16xi32>
    %mul3A_2656 = arith.muli %select_n3A_19, %mul3A_2655 : vector<16xi32>
    %add3A_2657 = arith.constant 1 : i32
    %add3A_2658 = vector.broadcast %add3A_2657 : i32 to vector<16xi32>
    %add3A_2659 = arith.addi %mul3A_2656, %add3A_2658 : vector<16xi32>
    %broadcast_in_dim3A_2660 = vector.shape_cast %add3A_2659 : vector<16xi32> to vector<16x1xi32>
    %gather3A_2661 = vector.shape_cast %broadcast_in_dim3A_2660 : vector<16x1xi32> to vector<16xi32>
    %gather3A_2662 = tpu.dynamic_gather %get3A_2625[%gather3A_2661] in [0] : vector<16xi32>, vector<16xi32> -> vector<16xi32>
    %add3A_2663 = arith.addi %mul3A_2653, %gather3A_2662 : vector<16xi32>
    %lt3A_2664 = arith.constant 8 : i32
    %lt3A_2665 = vector.broadcast %lt3A_2664 : i32 to vector<16xi32>
    %lt3A_2666 = arith.cmpi slt, %iota3A, %lt3A_2665 : vector<16xi32>
    %select_n3A_2667 = arith.select %lt3A_2666, %add3A_2644, %add3A_2663 : vector<16xi1>, vector<16xi32>
    %swap3A_2668 = arith.constant 0 : index
    %swap3A_2669 = tpu.vector_load %arg12[%swap3A_2668] {strides = array<i32>} : memref<128xi32, #tpu.memory_space<vmem>>, vector<16xi32>,
    %swap3A_2670 = vector.shape_cast %swap3A_2669 : vector<16xi32> to vector<16xi32>
    %swap3A_2671 = vector.shape_cast %select_n3A_2667 : vector<16xi32> to vector<16xi32>
    tpu.vector_store %arg12[%swap3A_2668], %swap3A_2671 {strides = array<i32>} : memref<128xi32, #tpu.memory_space<vmem>>, vector<16xi32>,
    %get3A_2672 = arith.constant 32 : index
    %get3A_2673 = tpu.vector_load %arg7[%get3A_2672] {strides = array<i32>} : memref<512xi32, #tpu.memory_space<vmem>>, vector<16xi32>,
    %get3A_2674 = vector.shape_cast %get3A_2673 : vector<16xi32> to vector<16xi32>
    %get3A_2675 = arith.constant 48 : index
    %get3A_2676 = tpu.vector_load %arg7[%get3A_2675] {strides = array<i32>} : memref<512xi32, #tpu.memory_space<vmem>>, vector<16xi32>,
    %get3A_2677 = vector.shape_cast %get3A_2676 : vector<16xi32> to vector<16xi32>
    %mul3A_2678 = arith.constant 2 : i32
    %mul3A_2679 = vector.broadcast %mul3A_2678 : i32 to vector<16xi32>
    %mul3A_2680 = arith.muli %select_n3A_19, %mul3A_2679 : vector<16xi32>
    %broadcast_in_dim3A_2681 = vector.shape_cast %mul3A_2680 : vector<16xi32> to vector<16x1xi32>
    %gather3A_2682 = vector.shape_cast %broadcast_in_dim3A_2681 : vector<16x1xi32> to vector<16xi32>
    %gather3A_2683 = tpu.dynamic_gather %get3A_2674[%gather3A_2682] in [0] : vector<16xi32>, vector<16xi32> -> vector<16xi32>
    %mul3A_2684 = arith.constant 16 : i32
    %mul3A_2685 = vector.broadcast %mul3A_2684 : i32 to vector<16xi32>
    %mul3A_2686 = arith.muli %mul3A_2685, %gather3A_2683 : vector<16xi32>
    %mul3A_2687 = arith.constant 2 : i32
    %mul3A_2688 = vector.broadcast %mul3A_2687 : i32 to vector<16xi32>
    %mul3A_2689 = arith.muli %select_n3A_19, %mul3A_2688 : vector<16xi32>
    %add3A_2690 = arith.constant 1 : i32
    %add3A_2691 = vector.broadcast %add3A_2690 : i32 to vector<16xi32>
    %add3A_2692 = arith.addi %mul3A_2689, %add3A_2691 : vector<16xi32>
    %broadcast_in_dim3A_2693 = vector.shape_cast %add3A_2692 : vector<16xi32> to vector<16x1xi32>
    %gather3A_2694 = vector.shape_cast %broadcast_in_dim3A_2693 : vector<16x1xi32> to vector<16xi32>
    %gather3A_2695 = tpu.dynamic_gather %get3A_2674[%gather3A_2694] in [0] : vector<16xi32>, vector<16xi32> -> vector<16xi32>
    %add3A_2696 = arith.addi %mul3A_2686, %gather3A_2695 : vector<16xi32>
    %mul3A_2697 = arith.constant 2 : i32
    %mul3A_2698 = vector.broadcast %mul3A_2697 : i32 to vector<16xi32>
    %mul3A_2699 = arith.muli %select_n3A_19, %mul3A_2698 : vector<16xi32>
    %broadcast_in_dim3A_2700 = vector.shape_cast %mul3A_2699 : vector<16xi32> to vector<16x1xi32>
    %gather3A_2701 = vector.shape_cast %broadcast_in_dim3A_2700 : vector<16x1xi32> to vector<16xi32>
    %gather3A_2702 = tpu.dynamic_gather %get3A_2677[%gather3A_2701] in [0] : vector<16xi32>, vector<16xi32> -> vector<16xi32>
    %mul3A_2703 = arith.constant 16 : i32
    %mul3A_2704 = vector.broadcast %mul3A_2703 : i32 to vector<16xi32>
    %mul3A_2705 = arith.muli %mul3A_2704, %gather3A_2702 : vector<16xi32>
    %mul3A_2706 = arith.constant 2 : i32
    %mul3A_2707 = vector.broadcast %mul3A_2706 : i32 to vector<16xi32>
    %mul3A_2708 = arith.muli %select_n3A_19, %mul3A_2707 : vector<16xi32>
    %add3A_2709 = arith.constant 1 : i32
    %add3A_2710 = vector.broadcast %add3A_2709 : i32 to vector<16xi32>
    %add3A_2711 = arith.addi %mul3A_2708, %add3A_2710 : vector<16xi32>
    %broadcast_in_dim3A_2712 = vector.shape_cast %add3A_2711 : vector<16xi32> to vector<16x1xi32>
    %gather3A_2713 = vector.shape_cast %broadcast_in_dim3A_2712 : vector<16x1xi32> to vector<16xi32>
    %gather3A_2714 = tpu.dynamic_gather %get3A_2677[%gather3A_2713] in [0] : vector<16xi32>, vector<16xi32> -> vector<16xi32>
    %add3A_2715 = arith.addi %mul3A_2705, %gather3A_2714 : vector<16xi32>
    %lt3A_2716 = arith.constant 8 : i32
    %lt3A_2717 = vector.broadcast %lt3A_2716 : i32 to vector<16xi32>
    %lt3A_2718 = arith.cmpi slt, %iota3A, %lt3A_2717 : vector<16xi32>
    %select_n3A_2719 = arith.select %lt3A_2718, %add3A_2696, %add3A_2715 : vector<16xi1>, vector<16xi32>
    %swap3A_2720 = arith.constant 16 : index
    %swap3A_2721 = tpu.vector_load %arg12[%swap3A_2720] {strides = array<i32>} : memref<128xi32, #tpu.memory_space<vmem>>, vector<16xi32>,
    %swap3A_2722 = vector.shape_cast %swap3A_2721 : vector<16xi32> to vector<16xi32>
    %swap3A_2723 = vector.shape_cast %select_n3A_2719 : vector<16xi32> to vector<16xi32>
    tpu.vector_store %arg12[%swap3A_2720], %swap3A_2723 {strides = array<i32>} : memref<128xi32, #tpu.memory_space<vmem>>, vector<16xi32>,
    %get3A_2724 = arith.constant 64 : index
    %get3A_2725 = tpu.vector_load %arg7[%get3A_2724] {strides = array<i32>} : memref<512xi32, #tpu.memory_space<vmem>>, vector<16xi32>,
    %get3A_2726 = vector.shape_cast %get3A_2725 : vector<16xi32> to vector<16xi32>
    %get3A_2727 = arith.constant 80 : index
    %get3A_2728 = tpu.vector_load %arg7[%get3A_2727] {strides = array<i32>} : memref<512xi32, #tpu.memory_space<vmem>>, vector<16xi32>,
    %get3A_2729 = vector.shape_cast %get3A_2728 : vector<16xi32> to vector<16xi32>
    %mul3A_2730 = arith.constant 2 : i32
    %mul3A_2731 = vector.broadcast %mul3A_2730 : i32 to vector<16xi32>
    %mul3A_2732 = arith.muli %select_n3A_19, %mul3A_2731 : vector<16xi32>
    %broadcast_in_dim3A_2733 = vector.shape_cast %mul3A_2732 : vector<16xi32> to vector<16x1xi32>
    %gather3A_2734 = vector.shape_cast %broadcast_in_dim3A_2733 : vector<16x1xi32> to vector<16xi32>
    %gather3A_2735 = tpu.dynamic_gather %get3A_2726[%gather3A_2734] in [0] : vector<16xi32>, vector<16xi32> -> vector<16xi32>
    %mul3A_2736 = arith.constant 16 : i32
    %mul3A_2737 = vector.broadcast %mul3A_2736 : i32 to vector<16xi32>
    %mul3A_2738 = arith.muli %mul3A_2737, %gather3A_2735 : vector<16xi32>
    %mul3A_2739 = arith.constant 2 : i32
    %mul3A_2740 = vector.broadcast %mul3A_2739 : i32 to vector<16xi32>
    %mul3A_2741 = arith.muli %select_n3A_19, %mul3A_2740 : vector<16xi32>
    %add3A_2742 = arith.constant 1 : i32
    %add3A_2743 = vector.broadcast %add3A_2742 : i32 to vector<16xi32>
    %add3A_2744 = arith.addi %mul3A_2741, %add3A_2743 : vector<16xi32>
    %broadcast_in_dim3A_2745 = vector.shape_cast %add3A_2744 : vector<16xi32> to vector<16x1xi32>
    %gather3A_2746 = vector.shape_cast %broadcast_in_dim3A_2745 : vector<16x1xi32> to vector<16xi32>
    %gather3A_2747 = tpu.dynamic_gather %get3A_2726[%gather3A_2746] in [0] : vector<16xi32>, vector<16xi32> -> vector<16xi32>
    %add3A_2748 = arith.addi %mul3A_2738, %gather3A_2747 : vector<16xi32>
    %mul3A_2749 = arith.constant 2 : i32
    %mul3A_2750 = vector.broadcast %mul3A_2749 : i32 to vector<16xi32>
    %mul3A_2751 = arith.muli %select_n3A_19, %mul3A_2750 : vector<16xi32>
    %broadcast_in_dim3A_2752 = vector.shape_cast %mul3A_2751 : vector<16xi32> to vector<16x1xi32>
    %gather3A_2753 = vector.shape_cast %broadcast_in_dim3A_2752 : vector<16x1xi32> to vector<16xi32>
    %gather3A_2754 = tpu.dynamic_gather %get3A_2729[%gather3A_2753] in [0] : vector<16xi32>, vector<16xi32> -> vector<16xi32>
    %mul3A_2755 = arith.constant 16 : i32
    %mul3A_2756 = vector.broadcast %mul3A_2755 : i32 to vector<16xi32>
    %mul3A_2757 = arith.muli %mul3A_2756, %gather3A_2754 : vector<16xi32>
    %mul3A_2758 = arith.constant 2 : i32
    %mul3A_2759 = vector.broadcast %mul3A_2758 : i32 to vector<16xi32>
    %mul3A_2760 = arith.muli %select_n3A_19, %mul3A_2759 : vector<16xi32>
    %add3A_2761 = arith.constant 1 : i32
    %add3A_2762 = vector.broadcast %add3A_2761 : i32 to vector<16xi32>
    %add3A_2763 = arith.addi %mul3A_2760, %add3A_2762 : vector<16xi32>
    %broadcast_in_dim3A_2764 = vector.shape_cast %add3A_2763 : vector<16xi32> to vector<16x1xi32>
    %gather3A_2765 = vector.shape_cast %broadcast_in_dim3A_2764 : vector<16x1xi32> to vector<16xi32>
    %gather3A_2766 = tpu.dynamic_gather %get3A_2729[%gather3A_2765] in [0] : vector<16xi32>, vector<16xi32> -> vector<16xi32>
    %add3A_2767 = arith.addi %mul3A_2757, %gather3A_2766 : vector<16xi32>
    %lt3A_2768 = arith.constant 8 : i32
    %lt3A_2769 = vector.broadcast %lt3A_2768 : i32 to vector<16xi32>
    %lt3A_2770 = arith.cmpi slt, %iota3A, %lt3A_2769 : vector<16xi32>
    %select_n3A_2771 = arith.select %lt3A_2770, %add3A_2748, %add3A_2767 : vector<16xi1>, vector<16xi32>
    %swap3A_2772 = arith.constant 32 : index
    %swap3A_2773 = tpu.vector_load %arg12[%swap3A_2772] {strides = array<i32>} : memref<128xi32, #tpu.memory_space<vmem>>, vector<16xi32>,
    %swap3A_2774 = vector.shape_cast %swap3A_2773 : vector<16xi32> to vector<16xi32>
    %swap3A_2775 = vector.shape_cast %select_n3A_2771 : vector<16xi32> to vector<16xi32>
    tpu.vector_store %arg12[%swap3A_2772], %swap3A_2775 {strides = array<i32>} : memref<128xi32, #tpu.memory_space<vmem>>, vector<16xi32>,
    %get3A_2776 = arith.constant 96 : index
    %get3A_2777 = tpu.vector_load %arg7[%get3A_2776] {strides = array<i32>} : memref<512xi32, #tpu.memory_space<vmem>>, vector<16xi32>,
    %get3A_2778 = vector.shape_cast %get3A_2777 : vector<16xi32> to vector<16xi32>
    %get3A_2779 = arith.constant 112 : index
    %get3A_2780 = tpu.vector_load %arg7[%get3A_2779] {strides = array<i32>} : memref<512xi32, #tpu.memory_space<vmem>>, vector<16xi32>,
    %get3A_2781 = vector.shape_cast %get3A_2780 : vector<16xi32> to vector<16xi32>
    %mul3A_2782 = arith.constant 2 : i32
    %mul3A_2783 = vector.broadcast %mul3A_2782 : i32 to vector<16xi32>
    %mul3A_2784 = arith.muli %select_n3A_19, %mul3A_2783 : vector<16xi32>
    %broadcast_in_dim3A_2785 = vector.shape_cast %mul3A_2784 : vector<16xi32> to vector<16x1xi32>
    %gather3A_2786 = vector.shape_cast %broadcast_in_dim3A_2785 : vector<16x1xi32> to vector<16xi32>
    %gather3A_2787 = tpu.dynamic_gather %get3A_2778[%gather3A_2786] in [0] : vector<16xi32>, vector<16xi32> -> vector<16xi32>
    %mul3A_2788 = arith.constant 16 : i32
    %mul3A_2789 = vector.broadcast %mul3A_2788 : i32 to vector<16xi32>
    %mul3A_2790 = arith.muli %mul3A_2789, %gather3A_2787 : vector<16xi32>
    %mul3A_2791 = arith.constant 2 : i32
    %mul3A_2792 = vector.broadcast %mul3A_2791 : i32 to vector<16xi32>
    %mul3A_2793 = arith.muli %select_n3A_19, %mul3A_2792 : vector<16xi32>
    %add3A_2794 = arith.constant 1 : i32
    %add3A_2795 = vector.broadcast %add3A_2794 : i32 to vector<16xi32>
    %add3A_2796 = arith.addi %mul3A_2793, %add3A_2795 : vector<16xi32>
    %broadcast_in_dim3A_2797 = vector.shape_cast %add3A_2796 : vector<16xi32> to vector<16x1xi32>
    %gather3A_2798 = vector.shape_cast %broadcast_in_dim3A_2797 : vector<16x1xi32> to vector<16xi32>
    %gather3A_2799 = tpu.dynamic_gather %get3A_2778[%gather3A_2798] in [0] : vector<16xi32>, vector<16xi32> -> vector<16xi32>
    %add3A_2800 = arith.addi %mul3A_2790, %gather3A_2799 : vector<16xi32>
    %mul3A_2801 = arith.constant 2 : i32
    %mul3A_2802 = vector.broadcast %mul3A_2801 : i32 to vector<16xi32>
    %mul3A_2803 = arith.muli %select_n3A_19, %mul3A_2802 : vector<16xi32>
    %broadcast_in_dim3A_2804 = vector.shape_cast %mul3A_2803 : vector<16xi32> to vector<16x1xi32>
    %gather3A_2805 = vector.shape_cast %broadcast_in_dim3A_2804 : vector<16x1xi32> to vector<16xi32>
    %gather3A_2806 = tpu.dynamic_gather %get3A_2781[%gather3A_2805] in [0] : vector<16xi32>, vector<16xi32> -> vector<16xi32>
    %mul3A_2807 = arith.constant 16 : i32
    %mul3A_2808 = vector.broadcast %mul3A_2807 : i32 to vector<16xi32>
    %mul3A_2809 = arith.muli %mul3A_2808, %gather3A_2806 : vector<16xi32>
    %mul3A_2810 = arith.constant 2 : i32
    %mul3A_2811 = vector.broadcast %mul3A_2810 : i32 to vector<16xi32>
    %mul3A_2812 = arith.muli %select_n3A_19, %mul3A_2811 : vector<16xi32>
    %add3A_2813 = arith.constant 1 : i32
    %add3A_2814 = vector.broadcast %add3A_2813 : i32 to vector<16xi32>
    %add3A_2815 = arith.addi %mul3A_2812, %add3A_2814 : vector<16xi32>
    %broadcast_in_dim3A_2816 = vector.shape_cast %add3A_2815 : vector<16xi32> to vector<16x1xi32>
    %gather3A_2817 = vector.shape_cast %broadcast_in_dim3A_2816 : vector<16x1xi32> to vector<16xi32>
    %gather3A_2818 = tpu.dynamic_gather %get3A_2781[%gather3A_2817] in [0] : vector<16xi32>, vector<16xi32> -> vector<16xi32>
    %add3A_2819 = arith.addi %mul3A_2809, %gather3A_2818 : vector<16xi32>
    %lt3A_2820 = arith.constant 8 : i32
    %lt3A_2821 = vector.broadcast %lt3A_2820 : i32 to vector<16xi32>
    %lt3A_2822 = arith.cmpi slt, %iota3A, %lt3A_2821 : vector<16xi32>
    %select_n3A_2823 = arith.select %lt3A_2822, %add3A_2800, %add3A_2819 : vector<16xi1>, vector<16xi32>
    %swap3A_2824 = arith.constant 48 : index
    %swap3A_2825 = tpu.vector_load %arg12[%swap3A_2824] {strides = array<i32>} : memref<128xi32, #tpu.memory_space<vmem>>, vector<16xi32>,
    %swap3A_2826 = vector.shape_cast %swap3A_2825 : vector<16xi32> to vector<16xi32>
    %swap3A_2827 = vector.shape_cast %select_n3A_2823 : vector<16xi32> to vector<16xi32>
    tpu.vector_store %arg12[%swap3A_2824], %swap3A_2827 {strides = array<i32>} : memref<128xi32, #tpu.memory_space<vmem>>, vector<16xi32>,
    %get3A_2828 = arith.constant 128 : index
    %get3A_2829 = tpu.vector_load %arg7[%get3A_2828] {strides = array<i32>} : memref<512xi32, #tpu.memory_space<vmem>>, vector<16xi32>,
    %get3A_2830 = vector.shape_cast %get3A_2829 : vector<16xi32> to vector<16xi32>
    %get3A_2831 = arith.constant 144 : index
    %get3A_2832 = tpu.vector_load %arg7[%get3A_2831] {strides = array<i32>} : memref<512xi32, #tpu.memory_space<vmem>>, vector<16xi32>,
    %get3A_2833 = vector.shape_cast %get3A_2832 : vector<16xi32> to vector<16xi32>
    %mul3A_2834 = arith.constant 2 : i32
    %mul3A_2835 = vector.broadcast %mul3A_2834 : i32 to vector<16xi32>
    %mul3A_2836 = arith.muli %select_n3A_19, %mul3A_2835 : vector<16xi32>
    %broadcast_in_dim3A_2837 = vector.shape_cast %mul3A_2836 : vector<16xi32> to vector<16x1xi32>
    %gather3A_2838 = vector.shape_cast %broadcast_in_dim3A_2837 : vector<16x1xi32> to vector<16xi32>
    %gather3A_2839 = tpu.dynamic_gather %get3A_2830[%gather3A_2838] in [0] : vector<16xi32>, vector<16xi32> -> vector<16xi32>
    %mul3A_2840 = arith.constant 16 : i32
    %mul3A_2841 = vector.broadcast %mul3A_2840 : i32 to vector<16xi32>
    %mul3A_2842 = arith.muli %mul3A_2841, %gather3A_2839 : vector<16xi32>
    %mul3A_2843 = arith.constant 2 : i32
    %mul3A_2844 = vector.broadcast %mul3A_2843 : i32 to vector<16xi32>
    %mul3A_2845 = arith.muli %select_n3A_19, %mul3A_2844 : vector<16xi32>
    %add3A_2846 = arith.constant 1 : i32
    %add3A_2847 = vector.broadcast %add3A_2846 : i32 to vector<16xi32>
    %add3A_2848 = arith.addi %mul3A_2845, %add3A_2847 : vector<16xi32>
    %broadcast_in_dim3A_2849 = vector.shape_cast %add3A_2848 : vector<16xi32> to vector<16x1xi32>
    %gather3A_2850 = vector.shape_cast %broadcast_in_dim3A_2849 : vector<16x1xi32> to vector<16xi32>
    %gather3A_2851 = tpu.dynamic_gather %get3A_2830[%gather3A_2850] in [0] : vector<16xi32>, vector<16xi32> -> vector<16xi32>
    %add3A_2852 = arith.addi %mul3A_2842, %gather3A_2851 : vector<16xi32>
    %mul3A_2853 = arith.constant 2 : i32
    %mul3A_2854 = vector.broadcast %mul3A_2853 : i32 to vector<16xi32>
    %mul3A_2855 = arith.muli %select_n3A_19, %mul3A_2854 : vector<16xi32>
    %broadcast_in_dim3A_2856 = vector.shape_cast %mul3A_2855 : vector<16xi32> to vector<16x1xi32>
    %gather3A_2857 = vector.shape_cast %broadcast_in_dim3A_2856 : vector<16x1xi32> to vector<16xi32>
    %gather3A_2858 = tpu.dynamic_gather %get3A_2833[%gather3A_2857] in [0] : vector<16xi32>, vector<16xi32> -> vector<16xi32>
    %mul3A_2859 = arith.constant 16 : i32
    %mul3A_2860 = vector.broadcast %mul3A_2859 : i32 to vector<16xi32>
    %mul3A_2861 = arith.muli %mul3A_2860, %gather3A_2858 : vector<16xi32>
    %mul3A_2862 = arith.constant 2 : i32
    %mul3A_2863 = vector.broadcast %mul3A_2862 : i32 to vector<16xi32>
    %mul3A_2864 = arith.muli %select_n3A_19, %mul3A_2863 : vector<16xi32>
    %add3A_2865 = arith.constant 1 : i32
    %add3A_2866 = vector.broadcast %add3A_2865 : i32 to vector<16xi32>
    %add3A_2867 = arith.addi %mul3A_2864, %add3A_2866 : vector<16xi32>
    %broadcast_in_dim3A_2868 = vector.shape_cast %add3A_2867 : vector<16xi32> to vector<16x1xi32>
    %gather3A_2869 = vector.shape_cast %broadcast_in_dim3A_2868 : vector<16x1xi32> to vector<16xi32>
    %gather3A_2870 = tpu.dynamic_gather %get3A_2833[%gather3A_2869] in [0] : vector<16xi32>, vector<16xi32> -> vector<16xi32>
    %add3A_2871 = arith.addi %mul3A_2861, %gather3A_2870 : vector<16xi32>
    %lt3A_2872 = arith.constant 8 : i32
    %lt3A_2873 = vector.broadcast %lt3A_2872 : i32 to vector<16xi32>
    %lt3A_2874 = arith.cmpi slt, %iota3A, %lt3A_2873 : vector<16xi32>
    %select_n3A_2875 = arith.select %lt3A_2874, %add3A_2852, %add3A_2871 : vector<16xi1>, vector<16xi32>
    %swap3A_2876 = arith.constant 64 : index
    %swap3A_2877 = tpu.vector_load %arg12[%swap3A_2876] {strides = array<i32>} : memref<128xi32, #tpu.memory_space<vmem>>, vector<16xi32>,
    %swap3A_2878 = vector.shape_cast %swap3A_2877 : vector<16xi32> to vector<16xi32>
    %swap3A_2879 = vector.shape_cast %select_n3A_2875 : vector<16xi32> to vector<16xi32>
    tpu.vector_store %arg12[%swap3A_2876], %swap3A_2879 {strides = array<i32>} : memref<128xi32, #tpu.memory_space<vmem>>, vector<16xi32>,
    %get3A_2880 = arith.constant 160 : index
    %get3A_2881 = tpu.vector_load %arg7[%get3A_2880] {strides = array<i32>} : memref<512xi32, #tpu.memory_space<vmem>>, vector<16xi32>,
    %get3A_2882 = vector.shape_cast %get3A_2881 : vector<16xi32> to vector<16xi32>
    %get3A_2883 = arith.constant 176 : index
    %get3A_2884 = tpu.vector_load %arg7[%get3A_2883] {strides = array<i32>} : memref<512xi32, #tpu.memory_space<vmem>>, vector<16xi32>,
    %get3A_2885 = vector.shape_cast %get3A_2884 : vector<16xi32> to vector<16xi32>
    %mul3A_2886 = arith.constant 2 : i32
    %mul3A_2887 = vector.broadcast %mul3A_2886 : i32 to vector<16xi32>
    %mul3A_2888 = arith.muli %select_n3A_19, %mul3A_2887 : vector<16xi32>
    %broadcast_in_dim3A_2889 = vector.shape_cast %mul3A_2888 : vector<16xi32> to vector<16x1xi32>
    %gather3A_2890 = vector.shape_cast %broadcast_in_dim3A_2889 : vector<16x1xi32> to vector<16xi32>
    %gather3A_2891 = tpu.dynamic_gather %get3A_2882[%gather3A_2890] in [0] : vector<16xi32>, vector<16xi32> -> vector<16xi32>
    %mul3A_2892 = arith.constant 16 : i32
    %mul3A_2893 = vector.broadcast %mul3A_2892 : i32 to vector<16xi32>
    %mul3A_2894 = arith.muli %mul3A_2893, %gather3A_2891 : vector<16xi32>
    %mul3A_2895 = arith.constant 2 : i32
    %mul3A_2896 = vector.broadcast %mul3A_2895 : i32 to vector<16xi32>
    %mul3A_2897 = arith.muli %select_n3A_19, %mul3A_2896 : vector<16xi32>
    %add3A_2898 = arith.constant 1 : i32
    %add3A_2899 = vector.broadcast %add3A_2898 : i32 to vector<16xi32>
    %add3A_2900 = arith.addi %mul3A_2897, %add3A_2899 : vector<16xi32>
    %broadcast_in_dim3A_2901 = vector.shape_cast %add3A_2900 : vector<16xi32> to vector<16x1xi32>
    %gather3A_2902 = vector.shape_cast %broadcast_in_dim3A_2901 : vector<16x1xi32> to vector<16xi32>
    %gather3A_2903 = tpu.dynamic_gather %get3A_2882[%gather3A_2902] in [0] : vector<16xi32>, vector<16xi32> -> vector<16xi32>
    %add3A_2904 = arith.addi %mul3A_2894, %gather3A_2903 : vector<16xi32>
    %mul3A_2905 = arith.constant 2 : i32
    %mul3A_2906 = vector.broadcast %mul3A_2905 : i32 to vector<16xi32>
    %mul3A_2907 = arith.muli %select_n3A_19, %mul3A_2906 : vector<16xi32>
    %broadcast_in_dim3A_2908 = vector.shape_cast %mul3A_2907 : vector<16xi32> to vector<16x1xi32>
    %gather3A_2909 = vector.shape_cast %broadcast_in_dim3A_2908 : vector<16x1xi32> to vector<16xi32>
    %gather3A_2910 = tpu.dynamic_gather %get3A_2885[%gather3A_2909] in [0] : vector<16xi32>, vector<16xi32> -> vector<16xi32>
    %mul3A_2911 = arith.constant 16 : i32
    %mul3A_2912 = vector.broadcast %mul3A_2911 : i32 to vector<16xi32>
    %mul3A_2913 = arith.muli %mul3A_2912, %gather3A_2910 : vector<16xi32>
    %mul3A_2914 = arith.constant 2 : i32
    %mul3A_2915 = vector.broadcast %mul3A_2914 : i32 to vector<16xi32>
    %mul3A_2916 = arith.muli %select_n3A_19, %mul3A_2915 : vector<16xi32>
    %add3A_2917 = arith.constant 1 : i32
    %add3A_2918 = vector.broadcast %add3A_2917 : i32 to vector<16xi32>
    %add3A_2919 = arith.addi %mul3A_2916, %add3A_2918 : vector<16xi32>
    %broadcast_in_dim3A_2920 = vector.shape_cast %add3A_2919 : vector<16xi32> to vector<16x1xi32>
    %gather3A_2921 = vector.shape_cast %broadcast_in_dim3A_2920 : vector<16x1xi32> to vector<16xi32>
    %gather3A_2922 = tpu.dynamic_gather %get3A_2885[%gather3A_2921] in [0] : vector<16xi32>, vector<16xi32> -> vector<16xi32>
    %add3A_2923 = arith.addi %mul3A_2913, %gather3A_2922 : vector<16xi32>
    %lt3A_2924 = arith.constant 8 : i32
    %lt3A_2925 = vector.broadcast %lt3A_2924 : i32 to vector<16xi32>
    %lt3A_2926 = arith.cmpi slt, %iota3A, %lt3A_2925 : vector<16xi32>
    %select_n3A_2927 = arith.select %lt3A_2926, %add3A_2904, %add3A_2923 : vector<16xi1>, vector<16xi32>
    %swap3A_2928 = arith.constant 80 : index
    %swap3A_2929 = tpu.vector_load %arg12[%swap3A_2928] {strides = array<i32>} : memref<128xi32, #tpu.memory_space<vmem>>, vector<16xi32>,
    %swap3A_2930 = vector.shape_cast %swap3A_2929 : vector<16xi32> to vector<16xi32>
    %swap3A_2931 = vector.shape_cast %select_n3A_2927 : vector<16xi32> to vector<16xi32>
    tpu.vector_store %arg12[%swap3A_2928], %swap3A_2931 {strides = array<i32>} : memref<128xi32, #tpu.memory_space<vmem>>, vector<16xi32>,
    %get3A_2932 = arith.constant 192 : index
    %get3A_2933 = tpu.vector_load %arg7[%get3A_2932] {strides = array<i32>} : memref<512xi32, #tpu.memory_space<vmem>>, vector<16xi32>,
    %get3A_2934 = vector.shape_cast %get3A_2933 : vector<16xi32> to vector<16xi32>
    %get3A_2935 = arith.constant 208 : index
    %get3A_2936 = tpu.vector_load %arg7[%get3A_2935] {strides = array<i32>} : memref<512xi32, #tpu.memory_space<vmem>>, vector<16xi32>,
    %get3A_2937 = vector.shape_cast %get3A_2936 : vector<16xi32> to vector<16xi32>
    %mul3A_2938 = arith.constant 2 : i32
    %mul3A_2939 = vector.broadcast %mul3A_2938 : i32 to vector<16xi32>
    %mul3A_2940 = arith.muli %select_n3A_19, %mul3A_2939 : vector<16xi32>
    %broadcast_in_dim3A_2941 = vector.shape_cast %mul3A_2940 : vector<16xi32> to vector<16x1xi32>
    %gather3A_2942 = vector.shape_cast %broadcast_in_dim3A_2941 : vector<16x1xi32> to vector<16xi32>
    %gather3A_2943 = tpu.dynamic_gather %get3A_2934[%gather3A_2942] in [0] : vector<16xi32>, vector<16xi32> -> vector<16xi32>
    %mul3A_2944 = arith.constant 16 : i32
    %mul3A_2945 = vector.broadcast %mul3A_2944 : i32 to vector<16xi32>
    %mul3A_2946 = arith.muli %mul3A_2945, %gather3A_2943 : vector<16xi32>
    %mul3A_2947 = arith.constant 2 : i32
    %mul3A_2948 = vector.broadcast %mul3A_2947 : i32 to vector<16xi32>
    %mul3A_2949 = arith.muli %select_n3A_19, %mul3A_2948 : vector<16xi32>
    %add3A_2950 = arith.constant 1 : i32
    %add3A_2951 = vector.broadcast %add3A_2950 : i32 to vector<16xi32>
    %add3A_2952 = arith.addi %mul3A_2949, %add3A_2951 : vector<16xi32>
    %broadcast_in_dim3A_2953 = vector.shape_cast %add3A_2952 : vector<16xi32> to vector<16x1xi32>
    %gather3A_2954 = vector.shape_cast %broadcast_in_dim3A_2953 : vector<16x1xi32> to vector<16xi32>
    %gather3A_2955 = tpu.dynamic_gather %get3A_2934[%gather3A_2954] in [0] : vector<16xi32>, vector<16xi32> -> vector<16xi32>
    %add3A_2956 = arith.addi %mul3A_2946, %gather3A_2955 : vector<16xi32>
    %mul3A_2957 = arith.constant 2 : i32
    %mul3A_2958 = vector.broadcast %mul3A_2957 : i32 to vector<16xi32>
    %mul3A_2959 = arith.muli %select_n3A_19, %mul3A_2958 : vector<16xi32>
    %broadcast_in_dim3A_2960 = vector.shape_cast %mul3A_2959 : vector<16xi32> to vector<16x1xi32>
    %gather3A_2961 = vector.shape_cast %broadcast_in_dim3A_2960 : vector<16x1xi32> to vector<16xi32>
    %gather3A_2962 = tpu.dynamic_gather %get3A_2937[%gather3A_2961] in [0] : vector<16xi32>, vector<16xi32> -> vector<16xi32>
    %mul3A_2963 = arith.constant 16 : i32
    %mul3A_2964 = vector.broadcast %mul3A_2963 : i32 to vector<16xi32>
    %mul3A_2965 = arith.muli %mul3A_2964, %gather3A_2962 : vector<16xi32>
    %mul3A_2966 = arith.constant 2 : i32
    %mul3A_2967 = vector.broadcast %mul3A_2966 : i32 to vector<16xi32>
    %mul3A_2968 = arith.muli %select_n3A_19, %mul3A_2967 : vector<16xi32>
    %add3A_2969 = arith.constant 1 : i32
    %add3A_2970 = vector.broadcast %add3A_2969 : i32 to vector<16xi32>
    %add3A_2971 = arith.addi %mul3A_2968, %add3A_2970 : vector<16xi32>
    %broadcast_in_dim3A_2972 = vector.shape_cast %add3A_2971 : vector<16xi32> to vector<16x1xi32>
    %gather3A_2973 = vector.shape_cast %broadcast_in_dim3A_2972 : vector<16x1xi32> to vector<16xi32>
    %gather3A_2974 = tpu.dynamic_gather %get3A_2937[%gather3A_2973] in [0] : vector<16xi32>, vector<16xi32> -> vector<16xi32>
    %add3A_2975 = arith.addi %mul3A_2965, %gather3A_2974 : vector<16xi32>
    %lt3A_2976 = arith.constant 8 : i32
    %lt3A_2977 = vector.broadcast %lt3A_2976 : i32 to vector<16xi32>
    %lt3A_2978 = arith.cmpi slt, %iota3A, %lt3A_2977 : vector<16xi32>
    %select_n3A_2979 = arith.select %lt3A_2978, %add3A_2956, %add3A_2975 : vector<16xi1>, vector<16xi32>
    %swap3A_2980 = arith.constant 96 : index
    %swap3A_2981 = tpu.vector_load %arg12[%swap3A_2980] {strides = array<i32>} : memref<128xi32, #tpu.memory_space<vmem>>, vector<16xi32>,
    %swap3A_2982 = vector.shape_cast %swap3A_2981 : vector<16xi32> to vector<16xi32>
    %swap3A_2983 = vector.shape_cast %select_n3A_2979 : vector<16xi32> to vector<16xi32>
    tpu.vector_store %arg12[%swap3A_2980], %swap3A_2983 {strides = array<i32>} : memref<128xi32, #tpu.memory_space<vmem>>, vector<16xi32>,
    %get3A_2984 = arith.constant 224 : index
    %get3A_2985 = tpu.vector_load %arg7[%get3A_2984] {strides = array<i32>} : memref<512xi32, #tpu.memory_space<vmem>>, vector<16xi32>,
    %get3A_2986 = vector.shape_cast %get3A_2985 : vector<16xi32> to vector<16xi32>
    %get3A_2987 = arith.constant 240 : index
    %get3A_2988 = tpu.vector_load %arg7[%get3A_2987] {strides = array<i32>} : memref<512xi32, #tpu.memory_space<vmem>>, vector<16xi32>,
    %get3A_2989 = vector.shape_cast %get3A_2988 : vector<16xi32> to vector<16xi32>
    %mul3A_2990 = arith.constant 2 : i32
    %mul3A_2991 = vector.broadcast %mul3A_2990 : i32 to vector<16xi32>
    %mul3A_2992 = arith.muli %select_n3A_19, %mul3A_2991 : vector<16xi32>
    %broadcast_in_dim3A_2993 = vector.shape_cast %mul3A_2992 : vector<16xi32> to vector<16x1xi32>
    %gather3A_2994 = vector.shape_cast %broadcast_in_dim3A_2993 : vector<16x1xi32> to vector<16xi32>
    %gather3A_2995 = tpu.dynamic_gather %get3A_2986[%gather3A_2994] in [0] : vector<16xi32>, vector<16xi32> -> vector<16xi32>
    %mul3A_2996 = arith.constant 16 : i32
    %mul3A_2997 = vector.broadcast %mul3A_2996 : i32 to vector<16xi32>
    %mul3A_2998 = arith.muli %mul3A_2997, %gather3A_2995 : vector<16xi32>
    %mul3A_2999 = arith.constant 2 : i32
    %mul3A_3000 = vector.broadcast %mul3A_2999 : i32 to vector<16xi32>
    %mul3A_3001 = arith.muli %select_n3A_19, %mul3A_3000 : vector<16xi32>
    %add3A_3002 = arith.constant 1 : i32
    %add3A_3003 = vector.broadcast %add3A_3002 : i32 to vector<16xi32>
    %add3A_3004 = arith.addi %mul3A_3001, %add3A_3003 : vector<16xi32>
    %broadcast_in_dim3A_3005 = vector.shape_cast %add3A_3004 : vector<16xi32> to vector<16x1xi32>
    %gather3A_3006 = vector.shape_cast %broadcast_in_dim3A_3005 : vector<16x1xi32> to vector<16xi32>
    %gather3A_3007 = tpu.dynamic_gather %get3A_2986[%gather3A_3006] in [0] : vector<16xi32>, vector<16xi32> -> vector<16xi32>
    %add3A_3008 = arith.addi %mul3A_2998, %gather3A_3007 : vector<16xi32>
    %mul3A_3009 = arith.constant 2 : i32
    %mul3A_3010 = vector.broadcast %mul3A_3009 : i32 to vector<16xi32>
    %mul3A_3011 = arith.muli %select_n3A_19, %mul3A_3010 : vector<16xi32>
    %broadcast_in_dim3A_3012 = vector.shape_cast %mul3A_3011 : vector<16xi32> to vector<16x1xi32>
    %gather3A_3013 = vector.shape_cast %broadcast_in_dim3A_3012 : vector<16x1xi32> to vector<16xi32>
    %gather3A_3014 = tpu.dynamic_gather %get3A_2989[%gather3A_3013] in [0] : vector<16xi32>, vector<16xi32> -> vector<16xi32>
    %mul3A_3015 = arith.constant 16 : i32
    %mul3A_3016 = vector.broadcast %mul3A_3015 : i32 to vector<16xi32>
    %mul3A_3017 = arith.muli %mul3A_3016, %gather3A_3014 : vector<16xi32>
    %mul3A_3018 = arith.constant 2 : i32
    %mul3A_3019 = vector.broadcast %mul3A_3018 : i32 to vector<16xi32>
    %mul3A_3020 = arith.muli %select_n3A_19, %mul3A_3019 : vector<16xi32>
    %add3A_3021 = arith.constant 1 : i32
    %add3A_3022 = vector.broadcast %add3A_3021 : i32 to vector<16xi32>
    %add3A_3023 = arith.addi %mul3A_3020, %add3A_3022 : vector<16xi32>
    %broadcast_in_dim3A_3024 = vector.shape_cast %add3A_3023 : vector<16xi32> to vector<16x1xi32>
    %gather3A_3025 = vector.shape_cast %broadcast_in_dim3A_3024 : vector<16x1xi32> to vector<16xi32>
    %gather3A_3026 = tpu.dynamic_gather %get3A_2989[%gather3A_3025] in [0] : vector<16xi32>, vector<16xi32> -> vector<16xi32>
    %add3A_3027 = arith.addi %mul3A_3017, %gather3A_3026 : vector<16xi32>
    %lt3A_3028 = arith.constant 8 : i32
    %lt3A_3029 = vector.broadcast %lt3A_3028 : i32 to vector<16xi32>
    %lt3A_3030 = arith.cmpi slt, %iota3A, %lt3A_3029 : vector<16xi32>
    %select_n3A_3031 = arith.select %lt3A_3030, %add3A_3008, %add3A_3027 : vector<16xi1>, vector<16xi32>
    %swap3A_3032 = arith.constant 112 : index
    %swap3A_3033 = tpu.vector_load %arg12[%swap3A_3032] {strides = array<i32>} : memref<128xi32, #tpu.memory_space<vmem>>, vector<16xi32>,
    %swap3A_3034 = vector.shape_cast %swap3A_3033 : vector<16xi32> to vector<16xi32>
    %swap3A_3035 = vector.shape_cast %select_n3A_3031 : vector<16xi32> to vector<16xi32>
    tpu.vector_store %arg12[%swap3A_3032], %swap3A_3035 {strides = array<i32>} : memref<128xi32, #tpu.memory_space<vmem>>, vector<16xi32>,
    %get3A_3036 = arith.constant 256 : index
    %get3A_3037 = tpu.vector_load %arg7[%get3A_3036] {strides = array<i32>} : memref<512xi32, #tpu.memory_space<vmem>>, vector<16xi32>,
    %get3A_3038 = vector.shape_cast %get3A_3037 : vector<16xi32> to vector<16xi32>
    %get3A_3039 = arith.constant 272 : index
    %get3A_3040 = tpu.vector_load %arg7[%get3A_3039] {strides = array<i32>} : memref<512xi32, #tpu.memory_space<vmem>>, vector<16xi32>,
    %get3A_3041 = vector.shape_cast %get3A_3040 : vector<16xi32> to vector<16xi32>
    %mul3A_3042 = arith.constant 2 : i32
    %mul3A_3043 = vector.broadcast %mul3A_3042 : i32 to vector<16xi32>
    %mul3A_3044 = arith.muli %select_n3A_19, %mul3A_3043 : vector<16xi32>
    %broadcast_in_dim3A_3045 = vector.shape_cast %mul3A_3044 : vector<16xi32> to vector<16x1xi32>
    %gather3A_3046 = vector.shape_cast %broadcast_in_dim3A_3045 : vector<16x1xi32> to vector<16xi32>
    %gather3A_3047 = tpu.dynamic_gather %get3A_3038[%gather3A_3046] in [0] : vector<16xi32>, vector<16xi32> -> vector<16xi32>
    %mul3A_3048 = arith.constant 16 : i32
    %mul3A_3049 = vector.broadcast %mul3A_3048 : i32 to vector<16xi32>
    %mul3A_3050 = arith.muli %mul3A_3049, %gather3A_3047 : vector<16xi32>
    %mul3A_3051 = arith.constant 2 : i32
    %mul3A_3052 = vector.broadcast %mul3A_3051 : i32 to vector<16xi32>
    %mul3A_3053 = arith.muli %select_n3A_19, %mul3A_3052 : vector<16xi32>
    %add3A_3054 = arith.constant 1 : i32
    %add3A_3055 = vector.broadcast %add3A_3054 : i32 to vector<16xi32>
    %add3A_3056 = arith.addi %mul3A_3053, %add3A_3055 : vector<16xi32>
    %broadcast_in_dim3A_3057 = vector.shape_cast %add3A_3056 : vector<16xi32> to vector<16x1xi32>
    %gather3A_3058 = vector.shape_cast %broadcast_in_dim3A_3057 : vector<16x1xi32> to vector<16xi32>
    %gather3A_3059 = tpu.dynamic_gather %get3A_3038[%gather3A_3058] in [0] : vector<16xi32>, vector<16xi32> -> vector<16xi32>
    %add3A_3060 = arith.addi %mul3A_3050, %gather3A_3059 : vector<16xi32>
    %mul3A_3061 = arith.constant 2 : i32
    %mul3A_3062 = vector.broadcast %mul3A_3061 : i32 to vector<16xi32>
    %mul3A_3063 = arith.muli %select_n3A_19, %mul3A_3062 : vector<16xi32>
    %broadcast_in_dim3A_3064 = vector.shape_cast %mul3A_3063 : vector<16xi32> to vector<16x1xi32>
    %gather3A_3065 = vector.shape_cast %broadcast_in_dim3A_3064 : vector<16x1xi32> to vector<16xi32>
    %gather3A_3066 = tpu.dynamic_gather %get3A_3041[%gather3A_3065] in [0] : vector<16xi32>, vector<16xi32> -> vector<16xi32>
    %mul3A_3067 = arith.constant 16 : i32
    %mul3A_3068 = vector.broadcast %mul3A_3067 : i32 to vector<16xi32>
    %mul3A_3069 = arith.muli %mul3A_3068, %gather3A_3066 : vector<16xi32>
    %mul3A_3070 = arith.constant 2 : i32
    %mul3A_3071 = vector.broadcast %mul3A_3070 : i32 to vector<16xi32>
    %mul3A_3072 = arith.muli %select_n3A_19, %mul3A_3071 : vector<16xi32>
    %add3A_3073 = arith.constant 1 : i32
    %add3A_3074 = vector.broadcast %add3A_3073 : i32 to vector<16xi32>
    %add3A_3075 = arith.addi %mul3A_3072, %add3A_3074 : vector<16xi32>
    %broadcast_in_dim3A_3076 = vector.shape_cast %add3A_3075 : vector<16xi32> to vector<16x1xi32>
    %gather3A_3077 = vector.shape_cast %broadcast_in_dim3A_3076 : vector<16x1xi32> to vector<16xi32>
    %gather3A_3078 = tpu.dynamic_gather %get3A_3041[%gather3A_3077] in [0] : vector<16xi32>, vector<16xi32> -> vector<16xi32>
    %add3A_3079 = arith.addi %mul3A_3069, %gather3A_3078 : vector<16xi32>
    %lt3A_3080 = arith.constant 8 : i32
    %lt3A_3081 = vector.broadcast %lt3A_3080 : i32 to vector<16xi32>
    %lt3A_3082 = arith.cmpi slt, %iota3A, %lt3A_3081 : vector<16xi32>
    %select_n3A_3083 = arith.select %lt3A_3082, %add3A_3060, %add3A_3079 : vector<16xi1>, vector<16xi32>
    %swap3A_3084 = arith.constant 0 : index
    %swap3A_3085 = tpu.vector_load %arg13[%swap3A_3084] {strides = array<i32>} : memref<128xi32, #tpu.memory_space<vmem>>, vector<16xi32>,
    %swap3A_3086 = vector.shape_cast %swap3A_3085 : vector<16xi32> to vector<16xi32>
    %swap3A_3087 = vector.shape_cast %select_n3A_3083 : vector<16xi32> to vector<16xi32>
    tpu.vector_store %arg13[%swap3A_3084], %swap3A_3087 {strides = array<i32>} : memref<128xi32, #tpu.memory_space<vmem>>, vector<16xi32>,
    %get3A_3088 = arith.constant 288 : index
    %get3A_3089 = tpu.vector_load %arg7[%get3A_3088] {strides = array<i32>} : memref<512xi32, #tpu.memory_space<vmem>>, vector<16xi32>,
    %get3A_3090 = vector.shape_cast %get3A_3089 : vector<16xi32> to vector<16xi32>
    %get3A_3091 = arith.constant 304 : index
    %get3A_3092 = tpu.vector_load %arg7[%get3A_3091] {strides = array<i32>} : memref<512xi32, #tpu.memory_space<vmem>>, vector<16xi32>,
    %get3A_3093 = vector.shape_cast %get3A_3092 : vector<16xi32> to vector<16xi32>
    %mul3A_3094 = arith.constant 2 : i32
    %mul3A_3095 = vector.broadcast %mul3A_3094 : i32 to vector<16xi32>
    %mul3A_3096 = arith.muli %select_n3A_19, %mul3A_3095 : vector<16xi32>
    %broadcast_in_dim3A_3097 = vector.shape_cast %mul3A_3096 : vector<16xi32> to vector<16x1xi32>
    %gather3A_3098 = vector.shape_cast %broadcast_in_dim3A_3097 : vector<16x1xi32> to vector<16xi32>
    %gather3A_3099 = tpu.dynamic_gather %get3A_3090[%gather3A_3098] in [0] : vector<16xi32>, vector<16xi32> -> vector<16xi32>
    %mul3A_3100 = arith.constant 16 : i32
    %mul3A_3101 = vector.broadcast %mul3A_3100 : i32 to vector<16xi32>
    %mul3A_3102 = arith.muli %mul3A_3101, %gather3A_3099 : vector<16xi32>
    %mul3A_3103 = arith.constant 2 : i32
    %mul3A_3104 = vector.broadcast %mul3A_3103 : i32 to vector<16xi32>
    %mul3A_3105 = arith.muli %select_n3A_19, %mul3A_3104 : vector<16xi32>
    %add3A_3106 = arith.constant 1 : i32
    %add3A_3107 = vector.broadcast %add3A_3106 : i32 to vector<16xi32>
    %add3A_3108 = arith.addi %mul3A_3105, %add3A_3107 : vector<16xi32>
    %broadcast_in_dim3A_3109 = vector.shape_cast %add3A_3108 : vector<16xi32> to vector<16x1xi32>
    %gather3A_3110 = vector.shape_cast %broadcast_in_dim3A_3109 : vector<16x1xi32> to vector<16xi32>
    %gather3A_3111 = tpu.dynamic_gather %get3A_3090[%gather3A_3110] in [0] : vector<16xi32>, vector<16xi32> -> vector<16xi32>
    %add3A_3112 = arith.addi %mul3A_3102, %gather3A_3111 : vector<16xi32>
    %mul3A_3113 = arith.constant 2 : i32
    %mul3A_3114 = vector.broadcast %mul3A_3113 : i32 to vector<16xi32>
    %mul3A_3115 = arith.muli %select_n3A_19, %mul3A_3114 : vector<16xi32>
    %broadcast_in_dim3A_3116 = vector.shape_cast %mul3A_3115 : vector<16xi32> to vector<16x1xi32>
    %gather3A_3117 = vector.shape_cast %broadcast_in_dim3A_3116 : vector<16x1xi32> to vector<16xi32>
    %gather3A_3118 = tpu.dynamic_gather %get3A_3093[%gather3A_3117] in [0] : vector<16xi32>, vector<16xi32> -> vector<16xi32>
    %mul3A_3119 = arith.constant 16 : i32
    %mul3A_3120 = vector.broadcast %mul3A_3119 : i32 to vector<16xi32>
    %mul3A_3121 = arith.muli %mul3A_3120, %gather3A_3118 : vector<16xi32>
    %mul3A_3122 = arith.constant 2 : i32
    %mul3A_3123 = vector.broadcast %mul3A_3122 : i32 to vector<16xi32>
    %mul3A_3124 = arith.muli %select_n3A_19, %mul3A_3123 : vector<16xi32>
    %add3A_3125 = arith.constant 1 : i32
    %add3A_3126 = vector.broadcast %add3A_3125 : i32 to vector<16xi32>
    %add3A_3127 = arith.addi %mul3A_3124, %add3A_3126 : vector<16xi32>
    %broadcast_in_dim3A_3128 = vector.shape_cast %add3A_3127 : vector<16xi32> to vector<16x1xi32>
    %gather3A_3129 = vector.shape_cast %broadcast_in_dim3A_3128 : vector<16x1xi32> to vector<16xi32>
    %gather3A_3130 = tpu.dynamic_gather %get3A_3093[%gather3A_3129] in [0] : vector<16xi32>, vector<16xi32> -> vector<16xi32>
    %add3A_3131 = arith.addi %mul3A_3121, %gather3A_3130 : vector<16xi32>
    %lt3A_3132 = arith.constant 8 : i32
    %lt3A_3133 = vector.broadcast %lt3A_3132 : i32 to vector<16xi32>
    %lt3A_3134 = arith.cmpi slt, %iota3A, %lt3A_3133 : vector<16xi32>
    %select_n3A_3135 = arith.select %lt3A_3134, %add3A_3112, %add3A_3131 : vector<16xi1>, vector<16xi32>
    %swap3A_3136 = arith.constant 16 : index
    %swap3A_3137 = tpu.vector_load %arg13[%swap3A_3136] {strides = array<i32>} : memref<128xi32, #tpu.memory_space<vmem>>, vector<16xi32>,
    %swap3A_3138 = vector.shape_cast %swap3A_3137 : vector<16xi32> to vector<16xi32>
    %swap3A_3139 = vector.shape_cast %select_n3A_3135 : vector<16xi32> to vector<16xi32>
    tpu.vector_store %arg13[%swap3A_3136], %swap3A_3139 {strides = array<i32>} : memref<128xi32, #tpu.memory_space<vmem>>, vector<16xi32>,
    %get3A_3140 = arith.constant 320 : index
    %get3A_3141 = tpu.vector_load %arg7[%get3A_3140] {strides = array<i32>} : memref<512xi32, #tpu.memory_space<vmem>>, vector<16xi32>,
    %get3A_3142 = vector.shape_cast %get3A_3141 : vector<16xi32> to vector<16xi32>
    %get3A_3143 = arith.constant 336 : index
    %get3A_3144 = tpu.vector_load %arg7[%get3A_3143] {strides = array<i32>} : memref<512xi32, #tpu.memory_space<vmem>>, vector<16xi32>,
    %get3A_3145 = vector.shape_cast %get3A_3144 : vector<16xi32> to vector<16xi32>
    %mul3A_3146 = arith.constant 2 : i32
    %mul3A_3147 = vector.broadcast %mul3A_3146 : i32 to vector<16xi32>
    %mul3A_3148 = arith.muli %select_n3A_19, %mul3A_3147 : vector<16xi32>
    %broadcast_in_dim3A_3149 = vector.shape_cast %mul3A_3148 : vector<16xi32> to vector<16x1xi32>
    %gather3A_3150 = vector.shape_cast %broadcast_in_dim3A_3149 : vector<16x1xi32> to vector<16xi32>
    %gather3A_3151 = tpu.dynamic_gather %get3A_3142[%gather3A_3150] in [0] : vector<16xi32>, vector<16xi32> -> vector<16xi32>
    %mul3A_3152 = arith.constant 16 : i32
    %mul3A_3153 = vector.broadcast %mul3A_3152 : i32 to vector<16xi32>
    %mul3A_3154 = arith.muli %mul3A_3153, %gather3A_3151 : vector<16xi32>
    %mul3A_3155 = arith.constant 2 : i32
    %mul3A_3156 = vector.broadcast %mul3A_3155 : i32 to vector<16xi32>
    %mul3A_3157 = arith.muli %select_n3A_19, %mul3A_3156 : vector<16xi32>
    %add3A_3158 = arith.constant 1 : i32
    %add3A_3159 = vector.broadcast %add3A_3158 : i32 to vector<16xi32>
    %add3A_3160 = arith.addi %mul3A_3157, %add3A_3159 : vector<16xi32>
    %broadcast_in_dim3A_3161 = vector.shape_cast %add3A_3160 : vector<16xi32> to vector<16x1xi32>
    %gather3A_3162 = vector.shape_cast %broadcast_in_dim3A_3161 : vector<16x1xi32> to vector<16xi32>
    %gather3A_3163 = tpu.dynamic_gather %get3A_3142[%gather3A_3162] in [0] : vector<16xi32>, vector<16xi32> -> vector<16xi32>
    %add3A_3164 = arith.addi %mul3A_3154, %gather3A_3163 : vector<16xi32>
    %mul3A_3165 = arith.constant 2 : i32
    %mul3A_3166 = vector.broadcast %mul3A_3165 : i32 to vector<16xi32>
    %mul3A_3167 = arith.muli %select_n3A_19, %mul3A_3166 : vector<16xi32>
    %broadcast_in_dim3A_3168 = vector.shape_cast %mul3A_3167 : vector<16xi32> to vector<16x1xi32>
    %gather3A_3169 = vector.shape_cast %broadcast_in_dim3A_3168 : vector<16x1xi32> to vector<16xi32>
    %gather3A_3170 = tpu.dynamic_gather %get3A_3145[%gather3A_3169] in [0] : vector<16xi32>, vector<16xi32> -> vector<16xi32>
    %mul3A_3171 = arith.constant 16 : i32
    %mul3A_3172 = vector.broadcast %mul3A_3171 : i32 to vector<16xi32>
    %mul3A_3173 = arith.muli %mul3A_3172, %gather3A_3170 : vector<16xi32>
    %mul3A_3174 = arith.constant 2 : i32
    %mul3A_3175 = vector.broadcast %mul3A_3174 : i32 to vector<16xi32>
    %mul3A_3176 = arith.muli %select_n3A_19, %mul3A_3175 : vector<16xi32>
    %add3A_3177 = arith.constant 1 : i32
    %add3A_3178 = vector.broadcast %add3A_3177 : i32 to vector<16xi32>
    %add3A_3179 = arith.addi %mul3A_3176, %add3A_3178 : vector<16xi32>
    %broadcast_in_dim3A_3180 = vector.shape_cast %add3A_3179 : vector<16xi32> to vector<16x1xi32>
    %gather3A_3181 = vector.shape_cast %broadcast_in_dim3A_3180 : vector<16x1xi32> to vector<16xi32>
    %gather3A_3182 = tpu.dynamic_gather %get3A_3145[%gather3A_3181] in [0] : vector<16xi32>, vector<16xi32> -> vector<16xi32>
    %add3A_3183 = arith.addi %mul3A_3173, %gather3A_3182 : vector<16xi32>
    %lt3A_3184 = arith.constant 8 : i32
    %lt3A_3185 = vector.broadcast %lt3A_3184 : i32 to vector<16xi32>
    %lt3A_3186 = arith.cmpi slt, %iota3A, %lt3A_3185 : vector<16xi32>
    %select_n3A_3187 = arith.select %lt3A_3186, %add3A_3164, %add3A_3183 : vector<16xi1>, vector<16xi32>
    %swap3A_3188 = arith.constant 32 : index
    %swap3A_3189 = tpu.vector_load %arg13[%swap3A_3188] {strides = array<i32>} : memref<128xi32, #tpu.memory_space<vmem>>, vector<16xi32>,
    %swap3A_3190 = vector.shape_cast %swap3A_3189 : vector<16xi32> to vector<16xi32>
    %swap3A_3191 = vector.shape_cast %select_n3A_3187 : vector<16xi32> to vector<16xi32>
    tpu.vector_store %arg13[%swap3A_3188], %swap3A_3191 {strides = array<i32>} : memref<128xi32, #tpu.memory_space<vmem>>, vector<16xi32>,
    %get3A_3192 = arith.constant 352 : index
    %get3A_3193 = tpu.vector_load %arg7[%get3A_3192] {strides = array<i32>} : memref<512xi32, #tpu.memory_space<vmem>>, vector<16xi32>,
    %get3A_3194 = vector.shape_cast %get3A_3193 : vector<16xi32> to vector<16xi32>
    %get3A_3195 = arith.constant 368 : index
    %get3A_3196 = tpu.vector_load %arg7[%get3A_3195] {strides = array<i32>} : memref<512xi32, #tpu.memory_space<vmem>>, vector<16xi32>,
    %get3A_3197 = vector.shape_cast %get3A_3196 : vector<16xi32> to vector<16xi32>
    %mul3A_3198 = arith.constant 2 : i32
    %mul3A_3199 = vector.broadcast %mul3A_3198 : i32 to vector<16xi32>
    %mul3A_3200 = arith.muli %select_n3A_19, %mul3A_3199 : vector<16xi32>
    %broadcast_in_dim3A_3201 = vector.shape_cast %mul3A_3200 : vector<16xi32> to vector<16x1xi32>
    %gather3A_3202 = vector.shape_cast %broadcast_in_dim3A_3201 : vector<16x1xi32> to vector<16xi32>
    %gather3A_3203 = tpu.dynamic_gather %get3A_3194[%gather3A_3202] in [0] : vector<16xi32>, vector<16xi32> -> vector<16xi32>
    %mul3A_3204 = arith.constant 16 : i32
    %mul3A_3205 = vector.broadcast %mul3A_3204 : i32 to vector<16xi32>
    %mul3A_3206 = arith.muli %mul3A_3205, %gather3A_3203 : vector<16xi32>
    %mul3A_3207 = arith.constant 2 : i32
    %mul3A_3208 = vector.broadcast %mul3A_3207 : i32 to vector<16xi32>
    %mul3A_3209 = arith.muli %select_n3A_19, %mul3A_3208 : vector<16xi32>
    %add3A_3210 = arith.constant 1 : i32
    %add3A_3211 = vector.broadcast %add3A_3210 : i32 to vector<16xi32>
    %add3A_3212 = arith.addi %mul3A_3209, %add3A_3211 : vector<16xi32>
    %broadcast_in_dim3A_3213 = vector.shape_cast %add3A_3212 : vector<16xi32> to vector<16x1xi32>
    %gather3A_3214 = vector.shape_cast %broadcast_in_dim3A_3213 : vector<16x1xi32> to vector<16xi32>
    %gather3A_3215 = tpu.dynamic_gather %get3A_3194[%gather3A_3214] in [0] : vector<16xi32>, vector<16xi32> -> vector<16xi32>
    %add3A_3216 = arith.addi %mul3A_3206, %gather3A_3215 : vector<16xi32>
    %mul3A_3217 = arith.constant 2 : i32
    %mul3A_3218 = vector.broadcast %mul3A_3217 : i32 to vector<16xi32>
    %mul3A_3219 = arith.muli %select_n3A_19, %mul3A_3218 : vector<16xi32>
    %broadcast_in_dim3A_3220 = vector.shape_cast %mul3A_3219 : vector<16xi32> to vector<16x1xi32>
    %gather3A_3221 = vector.shape_cast %broadcast_in_dim3A_3220 : vector<16x1xi32> to vector<16xi32>
    %gather3A_3222 = tpu.dynamic_gather %get3A_3197[%gather3A_3221] in [0] : vector<16xi32>, vector<16xi32> -> vector<16xi32>
    %mul3A_3223 = arith.constant 16 : i32
    %mul3A_3224 = vector.broadcast %mul3A_3223 : i32 to vector<16xi32>
    %mul3A_3225 = arith.muli %mul3A_3224, %gather3A_3222 : vector<16xi32>
    %mul3A_3226 = arith.constant 2 : i32
    %mul3A_3227 = vector.broadcast %mul3A_3226 : i32 to vector<16xi32>
    %mul3A_3228 = arith.muli %select_n3A_19, %mul3A_3227 : vector<16xi32>
    %add3A_3229 = arith.constant 1 : i32
    %add3A_3230 = vector.broadcast %add3A_3229 : i32 to vector<16xi32>
    %add3A_3231 = arith.addi %mul3A_3228, %add3A_3230 : vector<16xi32>
    %broadcast_in_dim3A_3232 = vector.shape_cast %add3A_3231 : vector<16xi32> to vector<16x1xi32>
    %gather3A_3233 = vector.shape_cast %broadcast_in_dim3A_3232 : vector<16x1xi32> to vector<16xi32>
    %gather3A_3234 = tpu.dynamic_gather %get3A_3197[%gather3A_3233] in [0] : vector<16xi32>, vector<16xi32> -> vector<16xi32>
    %add3A_3235 = arith.addi %mul3A_3225, %gather3A_3234 : vector<16xi32>
    %lt3A_3236 = arith.constant 8 : i32
    %lt3A_3237 = vector.broadcast %lt3A_3236 : i32 to vector<16xi32>
    %lt3A_3238 = arith.cmpi slt, %iota3A, %lt3A_3237 : vector<16xi32>
    %select_n3A_3239 = arith.select %lt3A_3238, %add3A_3216, %add3A_3235 : vector<16xi1>, vector<16xi32>
    %swap3A_3240 = arith.constant 48 : index
    %swap3A_3241 = tpu.vector_load %arg13[%swap3A_3240] {strides = array<i32>} : memref<128xi32, #tpu.memory_space<vmem>>, vector<16xi32>,
    %swap3A_3242 = vector.shape_cast %swap3A_3241 : vector<16xi32> to vector<16xi32>
    %swap3A_3243 = vector.shape_cast %select_n3A_3239 : vector<16xi32> to vector<16xi32>
    tpu.vector_store %arg13[%swap3A_3240], %swap3A_3243 {strides = array<i32>} : memref<128xi32, #tpu.memory_space<vmem>>, vector<16xi32>,
    %get3A_3244 = arith.constant 384 : index
    %get3A_3245 = tpu.vector_load %arg7[%get3A_3244] {strides = array<i32>} : memref<512xi32, #tpu.memory_space<vmem>>, vector<16xi32>,
    %get3A_3246 = vector.shape_cast %get3A_3245 : vector<16xi32> to vector<16xi32>
    %get3A_3247 = arith.constant 400 : index
    %get3A_3248 = tpu.vector_load %arg7[%get3A_3247] {strides = array<i32>} : memref<512xi32, #tpu.memory_space<vmem>>, vector<16xi32>,
    %get3A_3249 = vector.shape_cast %get3A_3248 : vector<16xi32> to vector<16xi32>
    %mul3A_3250 = arith.constant 2 : i32
    %mul3A_3251 = vector.broadcast %mul3A_3250 : i32 to vector<16xi32>
    %mul3A_3252 = arith.muli %select_n3A_19, %mul3A_3251 : vector<16xi32>
    %broadcast_in_dim3A_3253 = vector.shape_cast %mul3A_3252 : vector<16xi32> to vector<16x1xi32>
    %gather3A_3254 = vector.shape_cast %broadcast_in_dim3A_3253 : vector<16x1xi32> to vector<16xi32>
    %gather3A_3255 = tpu.dynamic_gather %get3A_3246[%gather3A_3254] in [0] : vector<16xi32>, vector<16xi32> -> vector<16xi32>
    %mul3A_3256 = arith.constant 16 : i32
    %mul3A_3257 = vector.broadcast %mul3A_3256 : i32 to vector<16xi32>
    %mul3A_3258 = arith.muli %mul3A_3257, %gather3A_3255 : vector<16xi32>
    %mul3A_3259 = arith.constant 2 : i32
    %mul3A_3260 = vector.broadcast %mul3A_3259 : i32 to vector<16xi32>
    %mul3A_3261 = arith.muli %select_n3A_19, %mul3A_3260 : vector<16xi32>
    %add3A_3262 = arith.constant 1 : i32
    %add3A_3263 = vector.broadcast %add3A_3262 : i32 to vector<16xi32>
    %add3A_3264 = arith.addi %mul3A_3261, %add3A_3263 : vector<16xi32>
    %broadcast_in_dim3A_3265 = vector.shape_cast %add3A_3264 : vector<16xi32> to vector<16x1xi32>
    %gather3A_3266 = vector.shape_cast %broadcast_in_dim3A_3265 : vector<16x1xi32> to vector<16xi32>
    %gather3A_3267 = tpu.dynamic_gather %get3A_3246[%gather3A_3266] in [0] : vector<16xi32>, vector<16xi32> -> vector<16xi32>
    %add3A_3268 = arith.addi %mul3A_3258, %gather3A_3267 : vector<16xi32>
    %mul3A_3269 = arith.constant 2 : i32
    %mul3A_3270 = vector.broadcast %mul3A_3269 : i32 to vector<16xi32>
    %mul3A_3271 = arith.muli %select_n3A_19, %mul3A_3270 : vector<16xi32>
    %broadcast_in_dim3A_3272 = vector.shape_cast %mul3A_3271 : vector<16xi32> to vector<16x1xi32>
    %gather3A_3273 = vector.shape_cast %broadcast_in_dim3A_3272 : vector<16x1xi32> to vector<16xi32>
    %gather3A_3274 = tpu.dynamic_gather %get3A_3249[%gather3A_3273] in [0] : vector<16xi32>, vector<16xi32> -> vector<16xi32>
    %mul3A_3275 = arith.constant 16 : i32
    %mul3A_3276 = vector.broadcast %mul3A_3275 : i32 to vector<16xi32>
    %mul3A_3277 = arith.muli %mul3A_3276, %gather3A_3274 : vector<16xi32>
    %mul3A_3278 = arith.constant 2 : i32
    %mul3A_3279 = vector.broadcast %mul3A_3278 : i32 to vector<16xi32>
    %mul3A_3280 = arith.muli %select_n3A_19, %mul3A_3279 : vector<16xi32>
    %add3A_3281 = arith.constant 1 : i32
    %add3A_3282 = vector.broadcast %add3A_3281 : i32 to vector<16xi32>
    %add3A_3283 = arith.addi %mul3A_3280, %add3A_3282 : vector<16xi32>
    %broadcast_in_dim3A_3284 = vector.shape_cast %add3A_3283 : vector<16xi32> to vector<16x1xi32>
    %gather3A_3285 = vector.shape_cast %broadcast_in_dim3A_3284 : vector<16x1xi32> to vector<16xi32>
    %gather3A_3286 = tpu.dynamic_gather %get3A_3249[%gather3A_3285] in [0] : vector<16xi32>, vector<16xi32> -> vector<16xi32>
    %add3A_3287 = arith.addi %mul3A_3277, %gather3A_3286 : vector<16xi32>
    %lt3A_3288 = arith.constant 8 : i32
    %lt3A_3289 = vector.broadcast %lt3A_3288 : i32 to vector<16xi32>
    %lt3A_3290 = arith.cmpi slt, %iota3A, %lt3A_3289 : vector<16xi32>
    %select_n3A_3291 = arith.select %lt3A_3290, %add3A_3268, %add3A_3287 : vector<16xi1>, vector<16xi32>
    %swap3A_3292 = arith.constant 64 : index
    %swap3A_3293 = tpu.vector_load %arg13[%swap3A_3292] {strides = array<i32>} : memref<128xi32, #tpu.memory_space<vmem>>, vector<16xi32>,
    %swap3A_3294 = vector.shape_cast %swap3A_3293 : vector<16xi32> to vector<16xi32>
    %swap3A_3295 = vector.shape_cast %select_n3A_3291 : vector<16xi32> to vector<16xi32>
    tpu.vector_store %arg13[%swap3A_3292], %swap3A_3295 {strides = array<i32>} : memref<128xi32, #tpu.memory_space<vmem>>, vector<16xi32>,
    %get3A_3296 = arith.constant 416 : index
    %get3A_3297 = tpu.vector_load %arg7[%get3A_3296] {strides = array<i32>} : memref<512xi32, #tpu.memory_space<vmem>>, vector<16xi32>,
    %get3A_3298 = vector.shape_cast %get3A_3297 : vector<16xi32> to vector<16xi32>
    %get3A_3299 = arith.constant 432 : index
    %get3A_3300 = tpu.vector_load %arg7[%get3A_3299] {strides = array<i32>} : memref<512xi32, #tpu.memory_space<vmem>>, vector<16xi32>,
    %get3A_3301 = vector.shape_cast %get3A_3300 : vector<16xi32> to vector<16xi32>
    %mul3A_3302 = arith.constant 2 : i32
    %mul3A_3303 = vector.broadcast %mul3A_3302 : i32 to vector<16xi32>
    %mul3A_3304 = arith.muli %select_n3A_19, %mul3A_3303 : vector<16xi32>
    %broadcast_in_dim3A_3305 = vector.shape_cast %mul3A_3304 : vector<16xi32> to vector<16x1xi32>
    %gather3A_3306 = vector.shape_cast %broadcast_in_dim3A_3305 : vector<16x1xi32> to vector<16xi32>
    %gather3A_3307 = tpu.dynamic_gather %get3A_3298[%gather3A_3306] in [0] : vector<16xi32>, vector<16xi32> -> vector<16xi32>
    %mul3A_3308 = arith.constant 16 : i32
    %mul3A_3309 = vector.broadcast %mul3A_3308 : i32 to vector<16xi32>
    %mul3A_3310 = arith.muli %mul3A_3309, %gather3A_3307 : vector<16xi32>
    %mul3A_3311 = arith.constant 2 : i32
    %mul3A_3312 = vector.broadcast %mul3A_3311 : i32 to vector<16xi32>
    %mul3A_3313 = arith.muli %select_n3A_19, %mul3A_3312 : vector<16xi32>
    %add3A_3314 = arith.constant 1 : i32
    %add3A_3315 = vector.broadcast %add3A_3314 : i32 to vector<16xi32>
    %add3A_3316 = arith.addi %mul3A_3313, %add3A_3315 : vector<16xi32>
    %broadcast_in_dim3A_3317 = vector.shape_cast %add3A_3316 : vector<16xi32> to vector<16x1xi32>
    %gather3A_3318 = vector.shape_cast %broadcast_in_dim3A_3317 : vector<16x1xi32> to vector<16xi32>
    %gather3A_3319 = tpu.dynamic_gather %get3A_3298[%gather3A_3318] in [0] : vector<16xi32>, vector<16xi32> -> vector<16xi32>
    %add3A_3320 = arith.addi %mul3A_3310, %gather3A_3319 : vector<16xi32>
    %mul3A_3321 = arith.constant 2 : i32
    %mul3A_3322 = vector.broadcast %mul3A_3321 : i32 to vector<16xi32>
    %mul3A_3323 = arith.muli %select_n3A_19, %mul3A_3322 : vector<16xi32>
    %broadcast_in_dim3A_3324 = vector.shape_cast %mul3A_3323 : vector<16xi32> to vector<16x1xi32>
    %gather3A_3325 = vector.shape_cast %broadcast_in_dim3A_3324 : vector<16x1xi32> to vector<16xi32>
    %gather3A_3326 = tpu.dynamic_gather %get3A_3301[%gather3A_3325] in [0] : vector<16xi32>, vector<16xi32> -> vector<16xi32>
    %mul3A_3327 = arith.constant 16 : i32
    %mul3A_3328 = vector.broadcast %mul3A_3327 : i32 to vector<16xi32>
    %mul3A_3329 = arith.muli %mul3A_3328, %gather3A_3326 : vector<16xi32>
    %mul3A_3330 = arith.constant 2 : i32
    %mul3A_3331 = vector.broadcast %mul3A_3330 : i32 to vector<16xi32>
    %mul3A_3332 = arith.muli %select_n3A_19, %mul3A_3331 : vector<16xi32>
    %add3A_3333 = arith.constant 1 : i32
    %add3A_3334 = vector.broadcast %add3A_3333 : i32 to vector<16xi32>
    %add3A_3335 = arith.addi %mul3A_3332, %add3A_3334 : vector<16xi32>
    %broadcast_in_dim3A_3336 = vector.shape_cast %add3A_3335 : vector<16xi32> to vector<16x1xi32>
    %gather3A_3337 = vector.shape_cast %broadcast_in_dim3A_3336 : vector<16x1xi32> to vector<16xi32>
    %gather3A_3338 = tpu.dynamic_gather %get3A_3301[%gather3A_3337] in [0] : vector<16xi32>, vector<16xi32> -> vector<16xi32>
    %add3A_3339 = arith.addi %mul3A_3329, %gather3A_3338 : vector<16xi32>
    %lt3A_3340 = arith.constant 8 : i32
    %lt3A_3341 = vector.broadcast %lt3A_3340 : i32 to vector<16xi32>
    %lt3A_3342 = arith.cmpi slt, %iota3A, %lt3A_3341 : vector<16xi32>
    %select_n3A_3343 = arith.select %lt3A_3342, %add3A_3320, %add3A_3339 : vector<16xi1>, vector<16xi32>
    %swap3A_3344 = arith.constant 80 : index
    %swap3A_3345 = tpu.vector_load %arg13[%swap3A_3344] {strides = array<i32>} : memref<128xi32, #tpu.memory_space<vmem>>, vector<16xi32>,
    %swap3A_3346 = vector.shape_cast %swap3A_3345 : vector<16xi32> to vector<16xi32>
    %swap3A_3347 = vector.shape_cast %select_n3A_3343 : vector<16xi32> to vector<16xi32>
    tpu.vector_store %arg13[%swap3A_3344], %swap3A_3347 {strides = array<i32>} : memref<128xi32, #tpu.memory_space<vmem>>, vector<16xi32>,
    %get3A_3348 = arith.constant 448 : index
    %get3A_3349 = tpu.vector_load %arg7[%get3A_3348] {strides = array<i32>} : memref<512xi32, #tpu.memory_space<vmem>>, vector<16xi32>,
    %get3A_3350 = vector.shape_cast %get3A_3349 : vector<16xi32> to vector<16xi32>
    %get3A_3351 = arith.constant 464 : index
    %get3A_3352 = tpu.vector_load %arg7[%get3A_3351] {strides = array<i32>} : memref<512xi32, #tpu.memory_space<vmem>>, vector<16xi32>,
    %get3A_3353 = vector.shape_cast %get3A_3352 : vector<16xi32> to vector<16xi32>
    %mul3A_3354 = arith.constant 2 : i32
    %mul3A_3355 = vector.broadcast %mul3A_3354 : i32 to vector<16xi32>
    %mul3A_3356 = arith.muli %select_n3A_19, %mul3A_3355 : vector<16xi32>
    %broadcast_in_dim3A_3357 = vector.shape_cast %mul3A_3356 : vector<16xi32> to vector<16x1xi32>
    %gather3A_3358 = vector.shape_cast %broadcast_in_dim3A_3357 : vector<16x1xi32> to vector<16xi32>
    %gather3A_3359 = tpu.dynamic_gather %get3A_3350[%gather3A_3358] in [0] : vector<16xi32>, vector<16xi32> -> vector<16xi32>
    %mul3A_3360 = arith.constant 16 : i32
    %mul3A_3361 = vector.broadcast %mul3A_3360 : i32 to vector<16xi32>
    %mul3A_3362 = arith.muli %mul3A_3361, %gather3A_3359 : vector<16xi32>
    %mul3A_3363 = arith.constant 2 : i32
    %mul3A_3364 = vector.broadcast %mul3A_3363 : i32 to vector<16xi32>
    %mul3A_3365 = arith.muli %select_n3A_19, %mul3A_3364 : vector<16xi32>
    %add3A_3366 = arith.constant 1 : i32
    %add3A_3367 = vector.broadcast %add3A_3366 : i32 to vector<16xi32>
    %add3A_3368 = arith.addi %mul3A_3365, %add3A_3367 : vector<16xi32>
    %broadcast_in_dim3A_3369 = vector.shape_cast %add3A_3368 : vector<16xi32> to vector<16x1xi32>
    %gather3A_3370 = vector.shape_cast %broadcast_in_dim3A_3369 : vector<16x1xi32> to vector<16xi32>
    %gather3A_3371 = tpu.dynamic_gather %get3A_3350[%gather3A_3370] in [0] : vector<16xi32>, vector<16xi32> -> vector<16xi32>
    %add3A_3372 = arith.addi %mul3A_3362, %gather3A_3371 : vector<16xi32>
    %mul3A_3373 = arith.constant 2 : i32
    %mul3A_3374 = vector.broadcast %mul3A_3373 : i32 to vector<16xi32>
    %mul3A_3375 = arith.muli %select_n3A_19, %mul3A_3374 : vector<16xi32>
    %broadcast_in_dim3A_3376 = vector.shape_cast %mul3A_3375 : vector<16xi32> to vector<16x1xi32>
    %gather3A_3377 = vector.shape_cast %broadcast_in_dim3A_3376 : vector<16x1xi32> to vector<16xi32>
    %gather3A_3378 = tpu.dynamic_gather %get3A_3353[%gather3A_3377] in [0] : vector<16xi32>, vector<16xi32> -> vector<16xi32>
    %mul3A_3379 = arith.constant 16 : i32
    %mul3A_3380 = vector.broadcast %mul3A_3379 : i32 to vector<16xi32>
    %mul3A_3381 = arith.muli %mul3A_3380, %gather3A_3378 : vector<16xi32>
    %mul3A_3382 = arith.constant 2 : i32
    %mul3A_3383 = vector.broadcast %mul3A_3382 : i32 to vector<16xi32>
    %mul3A_3384 = arith.muli %select_n3A_19, %mul3A_3383 : vector<16xi32>
    %add3A_3385 = arith.constant 1 : i32
    %add3A_3386 = vector.broadcast %add3A_3385 : i32 to vector<16xi32>
    %add3A_3387 = arith.addi %mul3A_3384, %add3A_3386 : vector<16xi32>
    %broadcast_in_dim3A_3388 = vector.shape_cast %add3A_3387 : vector<16xi32> to vector<16x1xi32>
    %gather3A_3389 = vector.shape_cast %broadcast_in_dim3A_3388 : vector<16x1xi32> to vector<16xi32>
    %gather3A_3390 = tpu.dynamic_gather %get3A_3353[%gather3A_3389] in [0] : vector<16xi32>, vector<16xi32> -> vector<16xi32>
    %add3A_3391 = arith.addi %mul3A_3381, %gather3A_3390 : vector<16xi32>
    %lt3A_3392 = arith.constant 8 : i32
    %lt3A_3393 = vector.broadcast %lt3A_3392 : i32 to vector<16xi32>
    %lt3A_3394 = arith.cmpi slt, %iota3A, %lt3A_3393 : vector<16xi32>
    %select_n3A_3395 = arith.select %lt3A_3394, %add3A_3372, %add3A_3391 : vector<16xi1>, vector<16xi32>
    %swap3A_3396 = arith.constant 96 : index
    %swap3A_3397 = tpu.vector_load %arg13[%swap3A_3396] {strides = array<i32>} : memref<128xi32, #tpu.memory_space<vmem>>, vector<16xi32>,
    %swap3A_3398 = vector.shape_cast %swap3A_3397 : vector<16xi32> to vector<16xi32>
    %swap3A_3399 = vector.shape_cast %select_n3A_3395 : vector<16xi32> to vector<16xi32>
    tpu.vector_store %arg13[%swap3A_3396], %swap3A_3399 {strides = array<i32>} : memref<128xi32, #tpu.memory_space<vmem>>, vector<16xi32>,
    %get3A_3400 = arith.constant 480 : index
    %get3A_3401 = tpu.vector_load %arg7[%get3A_3400] {strides = array<i32>} : memref<512xi32, #tpu.memory_space<vmem>>, vector<16xi32>,
    %get3A_3402 = vector.shape_cast %get3A_3401 : vector<16xi32> to vector<16xi32>
    %get3A_3403 = arith.constant 496 : index
    %get3A_3404 = tpu.vector_load %arg7[%get3A_3403] {strides = array<i32>} : memref<512xi32, #tpu.memory_space<vmem>>, vector<16xi32>,
    %get3A_3405 = vector.shape_cast %get3A_3404 : vector<16xi32> to vector<16xi32>
    %mul3A_3406 = arith.constant 2 : i32
    %mul3A_3407 = vector.broadcast %mul3A_3406 : i32 to vector<16xi32>
    %mul3A_3408 = arith.muli %select_n3A_19, %mul3A_3407 : vector<16xi32>
    %broadcast_in_dim3A_3409 = vector.shape_cast %mul3A_3408 : vector<16xi32> to vector<16x1xi32>
    %gather3A_3410 = vector.shape_cast %broadcast_in_dim3A_3409 : vector<16x1xi32> to vector<16xi32>
    %gather3A_3411 = tpu.dynamic_gather %get3A_3402[%gather3A_3410] in [0] : vector<16xi32>, vector<16xi32> -> vector<16xi32>
    %mul3A_3412 = arith.constant 16 : i32
    %mul3A_3413 = vector.broadcast %mul3A_3412 : i32 to vector<16xi32>
    %mul3A_3414 = arith.muli %mul3A_3413, %gather3A_3411 : vector<16xi32>
    %mul3A_3415 = arith.constant 2 : i32
    %mul3A_3416 = vector.broadcast %mul3A_3415 : i32 to vector<16xi32>
    %mul3A_3417 = arith.muli %select_n3A_19, %mul3A_3416 : vector<16xi32>
    %add3A_3418 = arith.constant 1 : i32
    %add3A_3419 = vector.broadcast %add3A_3418 : i32 to vector<16xi32>
    %add3A_3420 = arith.addi %mul3A_3417, %add3A_3419 : vector<16xi32>
    %broadcast_in_dim3A_3421 = vector.shape_cast %add3A_3420 : vector<16xi32> to vector<16x1xi32>
    %gather3A_3422 = vector.shape_cast %broadcast_in_dim3A_3421 : vector<16x1xi32> to vector<16xi32>
    %gather3A_3423 = tpu.dynamic_gather %get3A_3402[%gather3A_3422] in [0] : vector<16xi32>, vector<16xi32> -> vector<16xi32>
    %add3A_3424 = arith.addi %mul3A_3414, %gather3A_3423 : vector<16xi32>
    %mul3A_3425 = arith.constant 2 : i32
    %mul3A_3426 = vector.broadcast %mul3A_3425 : i32 to vector<16xi32>
    %mul3A_3427 = arith.muli %select_n3A_19, %mul3A_3426 : vector<16xi32>
    %broadcast_in_dim3A_3428 = vector.shape_cast %mul3A_3427 : vector<16xi32> to vector<16x1xi32>
    %gather3A_3429 = vector.shape_cast %broadcast_in_dim3A_3428 : vector<16x1xi32> to vector<16xi32>
    %gather3A_3430 = tpu.dynamic_gather %get3A_3405[%gather3A_3429] in [0] : vector<16xi32>, vector<16xi32> -> vector<16xi32>
    %mul3A_3431 = arith.constant 16 : i32
    %mul3A_3432 = vector.broadcast %mul3A_3431 : i32 to vector<16xi32>
    %mul3A_3433 = arith.muli %mul3A_3432, %gather3A_3430 : vector<16xi32>
    %mul3A_3434 = arith.constant 2 : i32
    %mul3A_3435 = vector.broadcast %mul3A_3434 : i32 to vector<16xi32>
    %mul3A_3436 = arith.muli %select_n3A_19, %mul3A_3435 : vector<16xi32>
    %add3A_3437 = arith.constant 1 : i32
    %add3A_3438 = vector.broadcast %add3A_3437 : i32 to vector<16xi32>
    %add3A_3439 = arith.addi %mul3A_3436, %add3A_3438 : vector<16xi32>
    %broadcast_in_dim3A_3440 = vector.shape_cast %add3A_3439 : vector<16xi32> to vector<16x1xi32>
    %gather3A_3441 = vector.shape_cast %broadcast_in_dim3A_3440 : vector<16x1xi32> to vector<16xi32>
    %gather3A_3442 = tpu.dynamic_gather %get3A_3405[%gather3A_3441] in [0] : vector<16xi32>, vector<16xi32> -> vector<16xi32>
    %add3A_3443 = arith.addi %mul3A_3433, %gather3A_3442 : vector<16xi32>
    %lt3A_3444 = arith.constant 8 : i32
    %lt3A_3445 = vector.broadcast %lt3A_3444 : i32 to vector<16xi32>
    %lt3A_3446 = arith.cmpi slt, %iota3A, %lt3A_3445 : vector<16xi32>
    %select_n3A_3447 = arith.select %lt3A_3446, %add3A_3424, %add3A_3443 : vector<16xi1>, vector<16xi32>
    %swap3A_3448 = arith.constant 112 : index
    %swap3A_3449 = tpu.vector_load %arg13[%swap3A_3448] {strides = array<i32>} : memref<128xi32, #tpu.memory_space<vmem>>, vector<16xi32>,
    %swap3A_3450 = vector.shape_cast %swap3A_3449 : vector<16xi32> to vector<16xi32>
    %swap3A_3451 = vector.shape_cast %select_n3A_3447 : vector<16xi32> to vector<16xi32>
    tpu.vector_store %arg13[%swap3A_3448], %swap3A_3451 {strides = array<i32>} : memref<128xi32, #tpu.memory_space<vmem>>, vector<16xi32>,
    %dma_wait3A_3452 = arith.constant 0 : i32
    %dma_wait3A_3453 = tpu.memref_slice %arg4[%mul3A_4, %dma_wait3A_3452] : memref<1638400x128xf32, #tpu.memory_space<hbm>> -> memref<256x128xf32, #tpu.memory_space<hbm>>
    %dma_wait3A_3454 = arith.constant 0 : i32
    %dma_wait3A_3455 = tpu.memref_slice %arg4[%mul3A_4, %dma_wait3A_3454] : memref<1638400x128xf32, #tpu.memory_space<hbm>> -> memref<256x128xf32, #tpu.memory_space<hbm>>
    tpu.wait_dma2 semaphore(%arg19 : memref<!tpu.dma_semaphore, #tpu.memory_space<semaphore_mem>>) src(%arg9 : memref<256x128xf32, #tpu.memory_space<vmem>>) dst(%dma_wait3A_3455 : memref<256x128xf32, #tpu.memory_space<hbm>>)
    %dma_wait3A_3456 = arith.constant 0 : i32
    %dma_wait3A_3457 = arith.constant 0 : i32
    %dma_wait3A_3458 = tpu.memref_slice %arg8[%dma_wait3A_3456, %dma_wait3A_3457] : memref<256x128xf32, #tpu.memory_space<vmem>> -> memref<128x128xf32, #tpu.memory_space<vmem>>
    %dma_wait3A_3459 = arith.constant 0 : i32
    %dma_wait3A_3460 = arith.constant 0 : i32
    %dma_wait3A_3461 = tpu.memref_slice %arg5[%dma_wait3A_3459, %dma_wait3A_3460] : memref<256x128xf32, #tpu.memory_space<vmem_shared>> -> memref<256x128xf32, #tpu.memory_space<vmem_shared>>
    tpu.wait_indirect_dma semaphore(%arg16 : memref<!tpu.dma_semaphore, #tpu.memory_space<semaphore_mem>>) src(%dma_wait3A_3461 : memref<256x128xf32, #tpu.memory_space<vmem_shared>>) dst(%dma_wait3A_3458 : memref<128x128xf32, #tpu.memory_space<vmem>>)
    %dma_wait3A_3462 = arith.constant 128 : i32
    %dma_wait3A_3463 = arith.constant 0 : i32
    %dma_wait3A_3464 = tpu.memref_slice %arg8[%dma_wait3A_3462, %dma_wait3A_3463] : memref<256x128xf32, #tpu.memory_space<vmem>> -> memref<128x128xf32, #tpu.memory_space<vmem>>
    %dma_wait3A_3465 = arith.constant 0 : i32
    %dma_wait3A_3466 = arith.constant 0 : i32
    %dma_wait3A_3467 = tpu.memref_slice %arg5[%dma_wait3A_3465, %dma_wait3A_3466] : memref<256x128xf32, #tpu.memory_space<vmem_shared>> -> memref<256x128xf32, #tpu.memory_space<vmem_shared>>
    tpu.wait_indirect_dma semaphore(%arg16 : memref<!tpu.dma_semaphore, #tpu.memory_space<semaphore_mem>>) src(%dma_wait3A_3467 : memref<256x128xf32, #tpu.memory_space<vmem_shared>>) dst(%dma_wait3A_3464 : memref<128x128xf32, #tpu.memory_space<vmem>>)
    %dma_start3A_3468 = arith.constant 0 : i32
    %dma_start3A_3469 = arith.constant 0 : i32
    %dma_start3A_3470 = tpu.memref_slice %arg9[%dma_start3A_3468, %dma_start3A_3469] : memref<256x128xf32, #tpu.memory_space<vmem>> -> memref<128x128xf32, #tpu.memory_space<vmem>>
    %dma_start3A_3471 = arith.constant 0 : i32
    %dma_start3A_3472 = arith.constant 0 : i32
    %dma_start3A_3473 = tpu.memref_slice %arg5[%dma_start3A_3471, %dma_start3A_3472] : memref<256x128xf32, #tpu.memory_space<vmem_shared>> -> memref<256x128xf32, #tpu.memory_space<vmem_shared>>
    tpu.enqueue_indirect_dma source(%dma_start3A_3473 : memref<256x128xf32, #tpu.memory_space<vmem_shared>>) target(%dma_start3A_3470 : memref<128x128xf32, #tpu.memory_space<vmem>>) offsets(%arg12 : memref<128xi32, #tpu.memory_space<vmem>>) semaphore(%arg17 : memref<!tpu.dma_semaphore, #tpu.memory_space<semaphore_mem>>)
    %dma_start3A_3474 = arith.constant 128 : i32
    %dma_start3A_3475 = arith.constant 0 : i32
    %dma_start3A_3476 = tpu.memref_slice %arg9[%dma_start3A_3474, %dma_start3A_3475] : memref<256x128xf32, #tpu.memory_space<vmem>> -> memref<128x128xf32, #tpu.memory_space<vmem>>
    %dma_start3A_3477 = arith.constant 0 : i32
    %dma_start3A_3478 = arith.constant 0 : i32
    %dma_start3A_3479 = tpu.memref_slice %arg5[%dma_start3A_3477, %dma_start3A_3478] : memref<256x128xf32, #tpu.memory_space<vmem_shared>> -> memref<256x128xf32, #tpu.memory_space<vmem_shared>>
    tpu.enqueue_indirect_dma source(%dma_start3A_3479 : memref<256x128xf32, #tpu.memory_space<vmem_shared>>) target(%dma_start3A_3476 : memref<128x128xf32, #tpu.memory_space<vmem>>) offsets(%arg13 : memref<128xi32, #tpu.memory_space<vmem>>) semaphore(%arg17 : memref<!tpu.dma_semaphore, #tpu.memory_space<semaphore_mem>>)
    %add3A_3480 = arith.constant 50688 : i32
    %add3A_3481 = arith.addi %mul3A_4, %add3A_3480 : i32
    %dma_start3A_3482 = arith.constant 0 : i32
    %dma_start3A_3483 = tpu.memref_slice %arg4[%add3A_3481, %dma_start3A_3482] : memref<1638400x128xf32, #tpu.memory_space<hbm>> -> memref<256x128xf32, #tpu.memory_space<hbm>>
    %dma_start3A_3484 = arith.constant 0 : i32
    %dma_start3A_3485 = tpu.memref_slice %arg4[%add3A_3481, %dma_start3A_3484] : memref<1638400x128xf32, #tpu.memory_space<hbm>> -> memref<256x128xf32, #tpu.memory_space<hbm>>
    tpu.enqueue_dma source(%arg8 : memref<256x128xf32, #tpu.memory_space<vmem>>) target(%dma_start3A_3485 : memref<256x128xf32, #tpu.memory_space<hbm>>) target_semaphore(%arg18 : memref<!tpu.dma_semaphore, #tpu.memory_space<semaphore_mem>>)
    %dma_wait3A_3486 = arith.constant 0 : i32
    %dma_wait3A_3487 = tpu.memref_slice %arg4[%mul3A_4, %dma_wait3A_3486] : memref<1638400x128xf32, #tpu.memory_space<hbm>> -> memref<256x128xf32, #tpu.memory_space<hbm>>
    %dma_wait3A_3488 = arith.constant 0 : i32
    %dma_wait3A_3489 = tpu.memref_slice %arg4[%mul3A_4, %dma_wait3A_3488] : memref<1638400x128xf32, #tpu.memory_space<hbm>> -> memref<256x128xf32, #tpu.memory_space<hbm>>
    tpu.wait_dma2 semaphore(%arg18 : memref<!tpu.dma_semaphore, #tpu.memory_space<semaphore_mem>>) src(%arg8 : memref<256x128xf32, #tpu.memory_space<vmem>>) dst(%dma_wait3A_3489 : memref<256x128xf32, #tpu.memory_space<hbm>>)
    %dma_wait3A_3490 = arith.constant 0 : i32
    %dma_wait3A_3491 = arith.constant 0 : i32
    %dma_wait3A_3492 = tpu.memref_slice %arg9[%dma_wait3A_3490, %dma_wait3A_3491] : memref<256x128xf32, #tpu.memory_space<vmem>> -> memref<128x128xf32, #tpu.memory_space<vmem>>
    %dma_wait3A_3493 = arith.constant 0 : i32
    %dma_wait3A_3494 = arith.constant 0 : i32
    %dma_wait3A_3495 = tpu.memref_slice %arg5[%dma_wait3A_3493, %dma_wait3A_3494] : memref<256x128xf32, #tpu.memory_space<vmem_shared>> -> memref<256x128xf32, #tpu.memory_space<vmem_shared>>
    tpu.wait_indirect_dma semaphore(%arg17 : memref<!tpu.dma_semaphore, #tpu.memory_space<semaphore_mem>>) src(%dma_wait3A_3495 : memref<256x128xf32, #tpu.memory_space<vmem_shared>>) dst(%dma_wait3A_3492 : memref<128x128xf32, #tpu.memory_space<vmem>>)
    %dma_wait3A_3496 = arith.constant 128 : i32
    %dma_wait3A_3497 = arith.constant 0 : i32
    %dma_wait3A_3498 = tpu.memref_slice %arg9[%dma_wait3A_3496, %dma_wait3A_3497] : memref<256x128xf32, #tpu.memory_space<vmem>> -> memref<128x128xf32, #tpu.memory_space<vmem>>
    %dma_wait3A_3499 = arith.constant 0 : i32
    %dma_wait3A_3500 = arith.constant 0 : i32
    %dma_wait3A_3501 = tpu.memref_slice %arg5[%dma_wait3A_3499, %dma_wait3A_3500] : memref<256x128xf32, #tpu.memory_space<vmem_shared>> -> memref<256x128xf32, #tpu.memory_space<vmem_shared>>
    tpu.wait_indirect_dma semaphore(%arg17 : memref<!tpu.dma_semaphore, #tpu.memory_space<semaphore_mem>>) src(%dma_wait3A_3501 : memref<256x128xf32, #tpu.memory_space<vmem_shared>>) dst(%dma_wait3A_3498 : memref<128x128xf32, #tpu.memory_space<vmem>>)
    %add3A_3502 = arith.constant 50944 : i32
    %add3A_3503 = arith.addi %mul3A_4, %add3A_3502 : i32
    %dma_start3A_3504 = arith.constant 0 : i32
    %dma_start3A_3505 = tpu.memref_slice %arg4[%add3A_3503, %dma_start3A_3504] : memref<1638400x128xf32, #tpu.memory_space<hbm>> -> memref<256x128xf32, #tpu.memory_space<hbm>>
    %dma_start3A_3506 = arith.constant 0 : i32
    %dma_start3A_3507 = tpu.memref_slice %arg4[%add3A_3503, %dma_start3A_3506] : memref<1638400x128xf32, #tpu.memory_space<hbm>> -> memref<256x128xf32, #tpu.memory_space<hbm>>
    tpu.enqueue_dma source(%arg9 : memref<256x128xf32, #tpu.memory_space<vmem>>) target(%dma_start3A_3507 : memref<256x128xf32, #tpu.memory_space<hbm>>) target_semaphore(%arg19 : memref<!tpu.dma_semaphore, #tpu.memory_space<semaphore_mem>>)
    %dma_wait3A_3508 = arith.constant 0 : i32
    %dma_wait3A_3509 = tpu.memref_slice %arg4[%mul3A_4, %dma_wait3A_3508] : memref<1638400x128xf32, #tpu.memory_space<hbm>> -> memref<256x128xf32, #tpu.memory_space<hbm>>
    %dma_wait3A_3510 = arith.constant 0 : i32
    %dma_wait3A_3511 = tpu.memref_slice %arg4[%mul3A_4, %dma_wait3A_3510] : memref<1638400x128xf32, #tpu.memory_space<hbm>> -> memref<256x128xf32, #tpu.memory_space<hbm>>
    tpu.wait_dma2 semaphore(%arg19 : memref<!tpu.dma_semaphore, #tpu.memory_space<semaphore_mem>>) src(%arg9 : memref<256x128xf32, #tpu.memory_space<vmem>>) dst(%dma_wait3A_3511 : memref<256x128xf32, #tpu.memory_space<hbm>>)
    return
  }
}

</mosaic_0001>

<sc_bundles>
// kernel: kernel.3.cloned.1.call-start
scs
__scs_entry_jumppad:
0x0: {  	(pc) =	sbr.rel $0x88, $3  }
0x1: {  	(tag) =	ssettag $0x0;
	lr =	simm.s32 $0x1  }
0x2: {  	[smem:$0x3F9F] =	sst lr;
	_ =	strace $0xD0000000  }
0x3: {  	_ = 	snop  }
0x4: {  	_ = 	snop  }
0x5: {  	_ = 	snop  }
0x6: {  	_ = 	snop  }
0x7: {  	_ = 	snop  }
__scs_overlays_trampoline_lowered:
0x8: {  	[smem:$0x3FAE] =	sst s0  }
0x9: {  	[smem:$0x3FAF] =	sst s1  }
0xa: {  	[smem:$0x3FB0] =	sst s2  }
0xb: {  	[smem:$0x3FB1] =	sst s3  }
0xc: {  	[smem:$0x3FB2] =	sst s4  }
0xd: {  	[smem:$0x3FB3] =	sst s5  }
0xe: {  	[smem:$0x3FB4] =	sst s6  }
0xf: {  	[smem:$0x3FB5] =	sst s7  }
0x10: {  	[smem:$0x3FB6] =	sst s8  }
0x11: {  	[smem:$0x3FB7] =	sst s9;
	s0 =	simm.s32 @!p0 $0x0  }
0x12: {  	s1 =	sld [smem:$0x3F9D];
	s0 =	simm.s32 @p0 $0x1  }
0x13: {  	[smem:$0x3FB8] =	sst s0;
	s0 =	simm.s32 @!p1 $0x0  }
0x14: {  	s2 =	sld [smem:$0x3F9C];
	s0 =	simm.s32 @p1 $0x1  }
0x15: {  	[smem:$0x3FB9] =	sst s0;
	s0 =	simm.s32 @!p2 $0x0  }
0x16: {  	s3 =	sld [smem:$0x3FDB];
	s0 =	simm.s32 @p2 $0x1  }
0x17: {  	s4 =	simm.s32 $0x1BF5;
	[smem:$0x3FBB] =	sst s0  }
0x18: {  	s0 =	sld [smem:$0x3F9E];
	_ =	swait.ge [sflag:s4], $0x0  }
0x19: {  	s7 =	sld [smem:$0x3F9F]  }
0x1a: {  	s8 =	sadd.s32 $0xFFFFE003, lr  }
0x1b: {  	s9 =	sadd.s32 $0xFFFFFEF7, lr;
	s5 =	simm.s32 $0xFFFFFFFF;
	p2 =	slt.u32 s8, $0xFFFFF086  }
0x1c: {  	p1 =	slt.u32 s9, $0xF7A;
	s5 =	simm.s32 @!p2 $0x0  }
0x1d: {  	s5 =	simm.s32 @p1 $0x1;
	p0 =	seq.s32 s7, s2  }
0x1e: {  	s7 =	smul.u32 @!p0 $0xF7A, s2;
	p2 =	seq.s32 @!p0 s5, $0x0  }
0x1f: {  	s9 =	smul.u32 $0xF7A, s1;
	s8 =	simm.s32 @!p0 $0x1BF5;
	p2 =	por !p2, p0  }
0x20: {  	[sflag:s8] =	ssyncset.s32 @!p0 $0xFFFFF086;
	s6 =	sadd.s32 @!p0 s3, s7;
	s7 =	simm.s32 @!p0 $0x108  }
0x21: {  	s3 =	sadd.s32 s3, s9;
	s6 =	sadd.s32 @!p0 $0x88, s6;
	s7 =	simm.s32 @p2 $0x1082  }
0x22: {  	[simem:s7], [sflag:s8] =	dma.local @!p0 [hbm:s6], $0xF7A  }
0x23: {  	s9 =	sor.u32 $0xD0000000, s2;
	s6 =	simm.s32 $0x108;
	_ =	swait.ge @!p0 [sflag:s8], $0x0  }
0x24: {  	s3 =	sadd.s32 $0x88, s3;
	s6 =	simm.s32 @!p1 $0x1082;
	[sflag:s4] =	ssyncset.s32 $0xFFFFF086  }
0x25: {  	[simem:s6], [sflag:s4] =	dma.local [hbm:s3], $0xF7A  }
0x26: {  	[smem:$0x3F9F] =	sst s1;
	(tag) =	ssettag s2;
	_ =	strace s9  }
0x27: {  	s1 =	sld [smem:$0x3FAF]  }
0x28: {  	s2 =	sld [smem:$0x3FB0]  }
0x29: {  	s4 =	sld [smem:$0x3FB2]  }
0x2a: {  	p0 =	seq.s32 s5, $0x0;
	s5 =	sld [smem:$0x3FB3]  }
0x2b: {  	s6 =	sld [smem:$0x3FB4]  }
0x2c: {  	s7 =	sld [smem:$0x3FB5]  }
0x2d: {  	s3 =	simm.s32 $0x108;
	s8 =	sld [smem:$0x3FB6]  }
0x2e: {  	s3 =	simm.s32 @!p0 $0x1082;
	s9 =	sld [smem:$0x3FB7]  }
0x2f: {  	lr =	sadd.s32 s0, s3;
	s0 =	sld [smem:$0x3FAE]  }
0x30: {  	s3 =	sld [smem:$0x3FB1]  }
0x31: {  	[smem:$0x3FBA] =	sst s10  }
0x32: {  	s10 =	sld [smem:$0x3FB8];
	_ =	sdelay $0x3  }
0x33: {  	p0 =	seq.s32 s10, $0x1;
	s10 =	sld [smem:$0x3FBA];
	_ =	sdelay $0x3  }
0x34: {  	[smem:$0x3FBA] =	sst s10  }
0x35: {  	s10 =	sld [smem:$0x3FB9];
	_ =	sdelay $0x3  }
0x36: {  	p1 =	seq.s32 s10, $0x1;
	s10 =	sld [smem:$0x3FBA];
	_ =	sdelay $0x3  }
0x37: {  	[smem:$0x3FBA] =	sst s10  }
0x38: {  	s10 =	sld [smem:$0x3FBB]  }
0x39: {  	_ = 	snop;
	(pc) =	sbr.ind lr, $3  }
0x3a: {  	_ = 	snop  }
0x3b: {  	_ = 	snop  }
0x3c: {  	p2 =	seq.s32 s10, $0x1;
	s10 =	sld [smem:$0x3FBA]  }
0x3d: {  	_ =	shalt  }
0x3e: {  	_ =	shalt  }
0x3f: {  	_ =	shalt  }
0x40: {  	_ =	shalt  }
0x41: {  	_ =	shalt  }
0x42: {  	_ =	shalt  }
0x43: {  	_ =	shalt  }
0x44: {  	_ =	shalt  }
0x45: {  	_ =	shalt  }
0x46: {  	_ =	shalt  }
0x47: {  	_ =	shalt  }
0x48: {  	_ =	shalt  }
0x49: {  	_ =	shalt  }
0x4a: {  	_ =	shalt  }
0x4b: {  	_ =	shalt  }
0x4c: {  	_ =	shalt  }
0x4d: {  	_ =	shalt  }
0x4e: {  	_ =	shalt  }
0x4f: {  	_ =	shalt  }
0x50: {  	_ =	shalt  }
0x51: {  	_ =	shalt  }
0x52: {  	_ =	shalt  }
0x53: {  	_ =	shalt  }
0x54: {  	_ =	shalt  }
0x55: {  	_ =	shalt  }
0x56: {  	_ =	shalt  }
0x57: {  	_ =	shalt  }
0x58: {  	_ =	shalt  }
0x59: {  	_ =	shalt  }
0x5a: {  	_ =	shalt  }
0x5b: {  	_ =	shalt  }
0x5c: {  	_ =	shalt  }
0x5d: {  	_ =	shalt  }
0x5e: {  	_ =	shalt  }
0x5f: {  	_ =	shalt  }
0x60: {  	_ =	shalt  }
0x61: {  	_ =	shalt  }
0x62: {  	_ =	shalt  }
0x63: {  	_ =	shalt  }
0x64: {  	_ =	shalt  }
0x65: {  	_ =	shalt  }
0x66: {  	_ =	shalt  }
0x67: {  	_ =	shalt  }
0x68: {  	_ =	shalt  }
0x69: {  	_ =	shalt  }
0x6a: {  	_ =	shalt  }
0x6b: {  	_ =	shalt  }
0x6c: {  	_ =	shalt  }
0x6d: {  	_ =	shalt  }
0x6e: {  	_ =	shalt  }
0x6f: {  	_ =	shalt  }
0x70: {  	_ =	shalt  }
0x71: {  	_ =	shalt  }
0x72: {  	_ =	shalt  }
0x73: {  	_ =	shalt  }
0x74: {  	_ =	shalt  }
0x75: {  	_ =	shalt  }
0x76: {  	_ =	shalt  }
0x77: {  	_ =	shalt  }
0x78: {  	_ =	shalt  }
0x79: {  	_ =	shalt  }
0x7a: {  	_ =	shalt  }
0x7b: {  	_ =	shalt  }
0x7c: {  	_ =	shalt  }
0x7d: {  	_ =	shalt  }
0x7e: {  	_ =	shalt  }
0x7f: {  	_ =	shalt  }
0x80: {  	_ =	shalt  }
0x81: {  	_ =	shalt  }
0x82: {  	_ =	shalt  }
0x83: {  	_ =	shalt  }
0x84: {  	_ =	shalt  }
0x85: {  	_ =	shalt  }
0x86: {  	_ =	shalt  }
0x87: {  	_ =	shalt  }
.Lfunc_end0:
.L_simem_size_0:
called_computation.1_lowered:
.L_overlay_start_0:
0x88: {  	s2 =	sld [smem:$0x3FD9]  }
0x89: {  	s3 =	sld [smem:$0x3FFE];
	_ =	sdelay $0x1  }
0x8a: {  	s1 =	srdreg.scid  }
0x8b: {  	s0 =	sand.u32 $0x1, s1  }
0x8c: {  	s17 =	sshll.u32 s0, $0xA;
	s2 =	sadd.s32 s3, s2  }
0x8d: {  	s2 =	sadd.s32 s2, s17  }
0x8e: {  	[smem:$0x3FC6] =	sst s2  }
0x8f: {  	_ = 	snop  }
0x90: {  	s2 =	sld [smem:$0x3FC9]  }
0x91: {  	s18 =	sld [smem:$0x3FD0];
	(tm) =	ssettm $0x1  }
0x92: {  	s4 =	sld [smem:$0x3FFB];
	_ =	sdelay $0x3  }
0x93: {  	_ =	strace s4  }
0x94: {  	s4 =	sld [smem:$0x3FFC];
	_ =	sdelay $0x3  }
0x95: {  	_ =	strace s4  }
0x96: {  	s4 =	sld [smem:$0x3FFD];
	_ =	sdelay $0x3  }
0x97: {  	_ =	strace s4  }
0x98: {  	_ =	strace $0x8FFFFFFF  }
0x99: {  	s19 =	sld [smem:$0x3FDB];
	_ =	sdelay $0x1  }
0x9a: {  	s5 =	simm.s32 $_scs_section_size  }
0x9b: {  	s6 =	simm.s32 $_size__tile_overlayer_lowered;
	s7 =	simm.s32 $_tile_overlayer_lowered  }
0x9c: {  	s22 =	simm.s32 $0x1BFF;
	s21 =	sshll.u32 s7, $0x1;
	s4 =	sadd.s32 s5, s19  }
0x9d: {  	s8 =	simm.s32 $0x0;
	s20 =	sshll.u32 s6, $0x1;
	s6 =	sadd.s32 s21, s4  }
0x9e: {  	[timem:s8], [sflag:s22] =	dma.local [hbm:s6], s20  }
0x9f: {  	_ =	swait.ge [sflag:s22], s20  }
0xa0: {  	s5 =	ssub.s32 $0x0, s20;
	[sflag:s22] =	ssyncset.done $0x0  }
0xa1: {  	[sflag:s22] =	ssyncadd.s32 s5;
	_ =	sdelay $0x1  }
0xa2: {  	s23 =	simm.s32 $0x1B8B  }
0xa3: {  	_ =	swait.ge [sflag:s23], $0x1  }
0xa4: {  	[sflag:s23] =	ssyncset.done $0x0  }
0xa5: {  	s25 =	simm.s32 $0x1B8E;
	s24 =	sld [smem:$0x3FFE];
	[sflag:s23] =	ssyncadd.s32 $0xFFFFFFFF  }
0xa6: {  	s26 =	simm.s32 $execute0_lowered;
	[smem:$0x3FD2] =	sst s25  }
0xa7: {  	s6 =	sshll.u32 s26, $0x1;
	_ =	strace $0x80000046;
	[dreg:$0x1] =	wrdreg $0xFFFFFFFF  }
0xa8: {  	s28 =	simm.s32 $_size_execute0_lowered;
	s4 =	sadd.s32 s4, s6;
	[dreg:$0x0] =	wrdreg $0x0  }
0xa9: {  	s6 =	sshll.u32 s28, $0x1;
	[dreg:$0x2] =	wrdreg s4  }
0xaa: {  	[dreg:$0x3] =	wrdreg s6  }
0xab: {  	[dreg:$0x4] =	wrdreg $0xC0  }
0xac: {  	_ =	task [dreg:s8], $0x5FFFF  }
0xad: {  	[dreg:$0x1] =	wrdreg $0xFFFFFFFF  }
0xae: {  	[dreg:$0x0] =	wrdreg $0x60  }
0xaf: {  	[dreg:$0x2] =	wrdreg s2  }
0xb0: {  	[dreg:$0x3] =	wrdreg s24  }
0xb1: {  	[dreg:$0x4] =	wrdreg s18  }
0xb2: {  	[dreg:$0x5] =	wrdreg $0x0  }
0xb3: {  	[dreg:$0x6] =	wrdreg $0x9  }
0xb4: {  	_ =	task.clear_ibuf [dreg:s8], $0x7FFFF;
	_ =	strace $0x90000046  }
0xb5: {  	s29 =	simm.s32 $0x9;
	_ =	strace $0x80000048  }
0xb6: {  	_ =	swait.ge [sflag:s29], $0x1  }
0xb7: {  	[sflag:s29] =	ssyncadd.s32 $0xFFFFFFFF  }
0xb8: {  	_ =	strace $0x90000048  }
0xb9: {  	_ =	sfence  }
0xba: {  	s30 =	sld [smem:$0x0];
	_ =	sdelay $0x2  }
0xbb: {  	s31 =	sshll.u32 s1, $0xD;
	s1 =	sshrl.u32 s1, $0x2  }
0xbc: {  	s3 =	sand.u32 $0x4000, s31;
	s1 =	sadd.s32 s1, s30  }
0xbd: {  	s0 =	sor.u32 s3, s0;
	s1 =	sshll.u32 s1, $0x11  }
0xbe: {  	s0 =	sor.u32 s1, s0  }
0xbf: {  	s0 =	sadd.s32 $0x8F2B, s0  }
0xc0: {  	[sflag:s0] =	ssyncadd.remote.s32 $0x1  }
0xc1: {  	_ =	sfence.sel $0xFFFF  }
0xc2: {  	[dreg:$0x0] =	wrdreg $0xFFFFFFFF;
	(pc) =	sbr.abs _section_cstart, $3  }
0xc3: {  	[dreg:$0x1] =	wrdreg $0xFFFFFFFF  }
0xc4: {  	_ =	task.clear_ibuf [dreg:s8], $0x2FFFF;
	_ =	strace $0x9FFFFFFF  }
0xc5: {  	(tm) =	ssettm $0x7FFFFFFF  }
tec
execute0_lowered:
.L_overlay_start_1:
0x0: {  	(tag) =	ssettag $0x1  }
0x1: {  	s0 =	rddreg [dreg:$0x0]  }
0x2: {  	s3 =	rddreg [dreg:$0x1]  }
0x3: {  	s5 =	rddreg [dreg:$0x2];
	s2 =	srdreg.scid  }
0x4: {  	s6 =	stileid.u32;
	s1 =	rddreg [dreg:$0x3];
	s28 =	simm.s32 $0x10D00  }
0x5: {  	s29 =	simm.s32 $0x8C00;
	s30 =	simm.s32 $0x10D80;
	s12 =	smul.u32 $0x32000, s6  }
0x6: {  	s31 =	simm.s32 $0xCC00;
	s7 =	sand.u32 $0x1, s2;
	s24 =	smul.u32 $0x190000, s6  }
0x7: {  	s4 =	sshll.u32 s6, $0x1;
	s2 =	simm.s32 $0x0;
	s13 =	smul.u32 $0x19000, s7  }
0x8: {  	s8 =	sor.u32 s7, s4;
	s15 =	ssub.s32 $0x2, s7;
	s7 =	smul.u32 $0xC8000, s7  }
0x9: {  	s3 =	sadd.s32 $0x800, s3;
	p0 =	sne.s32 s6, $0x0;
	s4 =	smul.u32 $0x19000, s8  }
0xa: {  	s6 =	simm.s32 $0x6;
	[smem:$0x7FF] =	sst s2;
	s10 =	smul.u32 $0x640000, s8  }
0xb: {  	_ =	strace $0x80000047;
	s9 =	sshrl.u32 s15, $0x1;
	s8 =	smul.u32 $0xC8000, s8  }
0xc: {  	[dreg:$0x5] =	wrdreg s3;
	s3 =	ssub.s32 s15, s9;
	s22 =	sadd.s32 s13, s12  }
0xd: {  	s4 =	sshrl.u32 s4, $0x3;
	s17 =	sshrl.u32 s10, $0x3;
	s8 =	sadd.s32 s5, s8  }
0xe: {  	s12 =	smax.u32 s3, $0x1;
	s23 =	sor.u32 $0x800, s22;
	s4 =	sadd.s32 s0, s4  }
0xf: {  	s9 =	sadd.s32 s5, s17;
	[dreg:$0x8] =	wrdreg s8;
	s3 =	sshrl.u32 s23, $0x3  }
0x10: {  	s8 =	sor.u32 $0x600, s22;
	s5 =	sadd.s32 s24, s5;
	s17 =	simm.s32 $0x800  }
0x11: {  	s22 =	simm.s32 $0x10C80;
	s23 =	simm.s32 $0x4C00;
	s24 =	simm.s32 $0xA00  }
0x12: {  	s16 =	sadd.s32 $0x40, s4;
	s18 =	sadd.s32 $0x80, s4;
	s19 =	sadd.s32 $0x31C0, s4  }
0x13: {  	s20 =	sadd.s32 $0xC5000, s9;
	s21 =	sadd.s32 $0xC6000, s9;
	[dreg:$0x6] =	wrdreg s16  }
0x14: {  	s11 =	sadd.s32 $0xC7000, s9;
	s13 =	sadd.s32 s3, s0;
	[dreg:$0x7] =	wrdreg s18  }
0x15: {  	s25 =	sshrl.u32 s8, $0x3;
	s26 =	sadd.s32 s7, s5;
	[dreg:$0x9] =	wrdreg s19  }
0x16: {  	v0 =	vlaneseq.u32;
	s3 =	simm.s32 $0x5;
	s5 =	simm.s32 $0x4;
	[dreg:$0xa] =	wrdreg s20  }
0x17: {  	v0 =	vand.u32 $0x7, v0;
	s7 =	simm.s32 $0x0;
	[dreg:$0xb] =	wrdreg s21;
	s14 =	sadd.s32 s25, s0  }
0x18: {  	v0 =	vmul.u32 $0x2, v0;
	s8 =	sadd.s32 $0x2000, s26;
	s16 =	sshrl.u32 @!p0 s1, $0x3;
	s18 =	simm.s32 $0x7  }
0x19: {  	s19 =	simm.s32 $0x80;
	s20 =	simm.s32 $0x10C00;
	s21 =	simm.s32 $0xC00  }
0x1a: {  	vm0 =	vmmov $0xff;
	v1 =	vor.u32 $0x1, v0;
	s25 =	simm.s32 $0x2;
	s26 =	simm.s32 $0x3;
	s0 =	simm.s32 $0x1  }
.LBB2_1:
0x1b: {  	s9 =	simm.s32 @!p0 $0x1C07;
	s10 =	rddreg [dreg:$0x5]  }
0x1c: {  	[spmem:s16], [sflag:s9] =	dma.local @!p0 [hbm:s10], $0x1000  }
0x1d: {  	s9 =	simm.s32 @!p0 $0x7  }
0x1e: {  	_ =	swait.ge @!p0 [sflag:s9], $0x1000  }
0x1f: {  	[sflag:s9] =	ssyncset.done @!p0 $0x0  }
0x20: {  	[sflag:s9] =	ssyncadd.s32 @!p0 $0xFFFFF000  }
0x21: {  	[bflag:$0x0] =	sbarrier.arrive $0xFFFF  }
0x22: {  	[tilespmem:s17], [sflag:$0x7] =	stream.linear.gather [hbm4b:s4+s2], $0x200, $0x38;
	[tilespmem:$0x10E00] =	vst v63  }
0x23: {  	_ =	swait.ge [sflag:s18], $0x200  }
0x24: {  	[sflag:s18] =	ssyncset.done $0x0  }
0x25: {  	[sflag:s18] =	ssyncadd.s32 $0xFFFFFE00  }
0x26: {  	v2 =	vld [tilespmem:$0x800]  }
0x27: {  	v3 =	vld [tilespmem:$0x810]  }
0x28: {  	v4 =	vld [tilespmem:$0x820]  }
0x29: {  	v5 =	vld [tilespmem:$0x830]  }
0x2a: {  	v7 =	vld [tilespmem:$0x840]  }
0x2b: {  	v9 =	vld [tilespmem:$0x850]  }
0x2c: {  	v11 =	vld [tilespmem:$0x860]  }
0x2d: {  	v12 =	vld [tilespmem:$0x870]  }
0x2e: {  	v43 =	vld [tilespmem:$0x880]  }
0x2f: {  	v46 =	vld [tilespmem:$0x890];
	v6 =	vperm.xlane v2, v0  }
0x30: {  	v13 =	vld [tilespmem:$0x8A0];
	v2 =	vperm.xlane v2, v1;
	v8 =	vperm.xlane v3, v0  }
0x31: {  	v14 =	vld [tilespmem:$0x8B0];
	v3 =	vperm.xlane v3, v1;
	v39 =	vperm.xlane v4, v0  }
0x32: {  	v51 =	vld [tilespmem:$0x8C0];
	v10 =	vperm.xlane v5, v0;
	v4 =	vperm.xlane v4, v1  }
0x33: {  	v54 =	vld [tilespmem:$0x8D0];
	v5 =	vperm.xlane v5, v1;
	v41 =	vperm.xlane v7, v0  }
0x34: {  	v15 =	vld [tilespmem:$0x8E0];
	v42 =	vperm.xlane v7, v1;
	v44 =	vperm.xlane v9, v0  }
0x35: {  	v16 =	vld [tilespmem:$0x8F0];
	v45 =	vperm.xlane v9, v1;
	v47 =	vperm.xlane v11, v0  }
0x36: {  	v59 =	vld [tilespmem:$0x900];
	v48 =	vperm.xlane v12, v0;
	v11 =	vperm.xlane v11, v1  }
0x37: {  	v62 =	vld [tilespmem:$0x910];
	v12 =	vperm.xlane v12, v1;
	v50 =	vperm.xlane v43, v0  }
0x38: {  	v17 =	vld [tilespmem:$0x920];
	v53 =	vperm.xlane v46, v0;
	v9 =	vperm.xlane v46, v1  }
0x39: {  	v18 =	vld [tilespmem:$0x930];
	v55 =	vperm.xlane v13, v0;
	v56 =	vperm.xlane v14, v0  }
0x3a: {  	v24 =	vld [tilespmem:$0x940];
	v13 =	vperm.xlane v13, v1;
	v14 =	vperm.xlane v14, v1  }
0x3b: {  	v27 =	vld [tilespmem:$0x950];
	v58 =	vperm.xlane v51, v0;
	v61 =	vperm.xlane v54, v0  }
0x3c: {  	v19 =	vld [tilespmem:$0x960];
	v63 =	vperm.xlane v15, v0;
	v21 =	vperm.xlane v16, v0  }
0x3d: {  	v20 =	vld [tilespmem:$0x970];
	v15 =	vperm.xlane v15, v1;
	v16 =	vperm.xlane v16, v1  }
0x3e: {  	v23 =	vperm.xlane v59, v0;
	v26 =	vperm.xlane v62, v0  }
0x3f: {  	v28 =	vperm.xlane v17, v0;
	v29 =	vperm.xlane v18, v0  }
0x40: {  	v17 =	vperm.xlane v17, v1;
	v18 =	vperm.xlane v18, v1  }
0x41: {  	v31 =	vperm.xlane v24, v0;
	v34 =	vperm.xlane v27, v0  }
0x42: {  	v36 =	vperm.xlane v19, v0;
	v37 =	vperm.xlane v20, v0  }
0x43: {  	v35 =	vld [tilespmem:$0x990];
	v19 =	vperm.xlane v19, v1;
	v20 =	vperm.xlane v20, v1  }
0x44: {  	v6 =	vshll.u32 v6, $0x4;
	v8 =	vshll.u32 v8, $0x4;
	v40 =	vshll.u32 v10, $0x4  }
0x45: {  	v7 =	vshll.u32 v44, $0x4;
	v49 =	vshll.u32 v48, $0x4;
	v52 =	vshll.u32 v50, $0x4  }
0x46: {  	v10 =	vshll.u32 v53, $0x4;
	v57 =	vshll.u32 v56, $0x4;
	v60 =	vshll.u32 v58, $0x4  }
0x47: {  	v32 =	vld [tilespmem:$0x980];
	v22 =	vshll.u32 v21, $0x4;
	v25 =	vshll.u32 v23, $0x4;
	v30 =	vshll.u32 v29, $0x4  }
0x48: {  	v33 =	vshll.u32 v31, $0x4;
	v38 =	vshll.u32 v37, $0x4;
	v44 =	vperm.xlane v35, v0  }
0x49: {  	v2 =	vadd.s32 v2, v6;
	v3 =	vadd.s32 v3, v8;
	v6 =	vshll.u32 v39, $0x4  }
0x4a: {  	v5 =	vadd.s32 v5, v40;
	v7 =	vadd.s32 v45, v7;
	v8 =	vadd.s32 v12, v49  }
0x4b: {  	v46 =	vld [tilespmem:$0x9D0];
	v9 =	vadd.s32 v9, v10;
	v10 =	vadd.s32 v14, v57;
	v12 =	vshll.u32 v61, $0x4  }
0x4c: {  	v14 =	vshll.u32 v26, $0x4;
	v39 =	vadd.s32 v20, v38;
	v40 =	vperm.xlane v32, v0  }
0x4d: {  	v45 =	vperm.xlane v35, v1;
	v4 =	vadd.s32 v4, v6;
	v2 =	vsel vm0, v2, v3  }
0x4e: {  	v21 =	vld [tilespmem:$0x9A0];
	v6 =	vshll.u32 v41, $0x4;
	v41 =	vperm.xlane v32, v1;
	v50 =	vshll.u32 v44, $0x4  }
0x4f: {  	v53 =	vld [tilespmem:$0x9F0];
	v3 =	vsel vm0, v4, v5;
	v4 =	vadd.s32 v42, v6;
	v6 =	vshll.u32 v47, $0x4  }
0x50: {  	v5 =	vperm.xlane v43, v1;
	v43 =	vshll.u32 v40, $0x4;
	v58 =	vperm.xlane v46, v0  }
0x51: {  	v6 =	vadd.s32 v11, v6;
	v4 =	vsel vm0, v4, v7;
	v7 =	vperm.xlane v51, v1  }
0x52: {  	v11 =	vperm.xlane v54, v1;
	v54 =	vadd.s32 v45, v50;
	v6 =	vsel vm0, v6, v8  }
0x53: {  	v49 =	vld [tilespmem:$0x9E0];
	v5 =	vadd.s32 v5, v52;
	v8 =	vshll.u32 v55, $0x4;
	v47 =	vperm.xlane v21, v0  }
0x54: {  	[tilespmem:$0x10C20] =	vst v4;
	v4 =	vadd.s32 v41, v43;
	v51 =	vperm.xlane v21, v1;
	v61 =	vperm.xlane v53, v0  }
0x55: {  	v8 =	vadd.s32 v13, v8;
	v5 =	vsel vm0, v5, v9;
	v7 =	vadd.s32 v7, v60  }
0x56: {  	v11 =	vadd.s32 v11, v12;
	v12 =	vadd.s32 v16, v22;
	v9 =	vperm.xlane v59, v1  }
0x57: {  	v13 =	vperm.xlane v62, v1;
	v16 =	vshll.u32 v34, $0x4;
	v59 =	vperm.xlane v46, v1  }
0x58: {  	v42 =	vld [tilespmem:$0x9C0];
	v4 =	vsel vm0, v4, v54;
	v60 =	vperm.xlane v49, v0;
	v62 =	vperm.xlane v49, v1  }
0x59: {  	[tilespmem:$0x10C00] =	vst v2;
	v8 =	vsel vm0, v8, v10;
	v10 =	vshll.u32 v63, $0x4;
	v7 =	vsel vm0, v7, v11  }
0x5a: {  	v11 =	vperm.xlane v24, v1;
	[tilespmem:$0x10C40] =	vst v5;
	v5 =	vshll.u32 v47, $0x4;
	v63 =	vperm.xlane v53, v1  }
0x5b: {  	[tilespmem:$0x10C10] =	vst v3;
	v22 =	vld [tilespmem:$0x9B0];
	v10 =	vadd.s32 v15, v10;
	v9 =	vadd.s32 v9, v25;
	v13 =	vadd.s32 v13, v14  }
0x5c: {  	[tilespmem:$0x10C30] =	vst v6;
	v14 =	vadd.s32 v18, v30;
	v15 =	vperm.xlane v27, v1;
	v5 =	vadd.s32 v51, v5  }
0x5d: {  	[tilespmem:$0x10CC0] =	vst v4;
	v55 =	vperm.xlane v42, v0;
	v56 =	vperm.xlane v42, v1;
	v10 =	vsel vm0, v10, v12  }
0x5e: {  	[tilespmem:$0x10C50] =	vst v8;
	v12 =	vshll.u32 v28, $0x4;
	v9 =	vsel vm0, v9, v13;
	v11 =	vadd.s32 v11, v33  }
0x5f: {  	[tilespmem:$0x10C60] =	vst v7;
	v12 =	vadd.s32 v17, v12;
	v2 =	vadd.s32 v15, v16;
	v57 =	vshll.u32 v55, $0x4  }
0x60: {  	[tilespmem:$0x10C70] =	vst v10;
	v12 =	vsel vm0, v12, v14;
	v14 =	vshll.u32 v36, $0x4;
	v48 =	vperm.xlane v22, v0  }
0x61: {  	[tilespmem:$0x10C80] =	vst v9;
	v2 =	vsel vm0, v11, v2;
	v52 =	vperm.xlane v22, v1;
	v3 =	vadd.s32 v19, v14  }
0x62: {  	v11 =	vshll.u32 v60, $0x4;
	[tilespmem:$0x10CA0] =	vst v2;
	v3 =	vsel vm0, v3, v39;
	v6 =	vshll.u32 v48, $0x4  }
0x63: {  	v2 =	vadd.s32 v56, v57;
	v6 =	vadd.s32 v52, v6;
	[tilespmem:$0x10CB0] =	vst v3;
	v3 =	vshll.u32 v58, $0x4  }
0x64: {  	[tilespmem:$0x10C90] =	vst v12;
	v12 =	vshll.u32 v61, $0x4;
	v5 =	vsel vm0, v5, v6;
	v3 =	vadd.s32 v59, v3  }
0x65: {  	v13 =	vadd.s32 v63, v12;
	[tilespmem:$0x10CD0] =	vst v5;
	v2 =	vsel vm0, v2, v3;
	v3 =	vadd.s32 v62, v11  }
0x66: {  	[tilespmem:$0x10CE0] =	vst v2;
	v2 =	vsel vm0, v3, v13  }
0x67: {  	[tilespmem:$0x10CF0] =	vst v2  }
0x68: {  	[tilespmem:s21], [sflag:$0x3] =	stream.indirect.gather [spmem:s1], $0x80, s20, s19, $0xb8;
	[tilespmem:$0x10E00] =	vst v63  }
0x69: {  	_ = 	snop  }
0x6a: {  	[tilespmem:s23], [sflag:$0x3] =	stream.indirect.gather [spmem:s1], $0x80, s22, s19, $0xb8;
	[tilespmem:$0x10E00] =	vst v63  }
0x6b: {  	s15 =	rddreg [dreg:$0x6]  }
0x6c: {  	[tilespmem:s24], [sflag:$0x2] =	stream.linear.gather [hbm4b:s15+s2], $0x200, $0x38;
	[tilespmem:$0x10E00] =	vst v63  }
0x6d: {  	_ =	swait.ge [sflag:s25], $0x200  }
0x6e: {  	[sflag:s25] =	ssyncset.done $0x0  }
0x6f: {  	[sflag:s25] =	ssyncadd.s32 $0xFFFFFE00  }
0x70: {  	v2 =	vld [tilespmem:$0xA00]  }
0x71: {  	v3 =	vld [tilespmem:$0xA10]  }
0x72: {  	v14 =	vld [tilespmem:$0xA20]  }
0x73: {  	v15 =	vld [tilespmem:$0xA30]  }
0x74: {  	v17 =	vld [tilespmem:$0xA40]  }
0x75: {  	v19 =	vld [tilespmem:$0xA50]  }
0x76: {  	v22 =	vld [tilespmem:$0xA60]  }
0x77: {  	v23 =	vld [tilespmem:$0xA70]  }
0x78: {  	v27 =	vld [tilespmem:$0xA80]  }
0x79: {  	v30 =	vld [tilespmem:$0xA90];
	v16 =	vperm.xlane v2, v0;
	v2 =	vperm.xlane v2, v1  }
0x7a: {  	v33 =	vld [tilespmem:$0xAA0];
	v18 =	vperm.xlane v3, v0;
	v3 =	vperm.xlane v3, v1  }
0x7b: {  	v34 =	vld [tilespmem:$0xAB0];
	v20 =	vperm.xlane v14, v0;
	v21 =	vperm.xlane v15, v0  }
0x7c: {  	v37 =	vld [tilespmem:$0xAC0];
	v4 =	vperm.xlane v14, v1;
	v5 =	vperm.xlane v15, v1  }
0x7d: {  	v40 =	vld [tilespmem:$0xAD0];
	v25 =	vperm.xlane v17, v0;
	v26 =	vperm.xlane v17, v1  }
0x7e: {  	v43 =	vld [tilespmem:$0xAE0];
	v28 =	vperm.xlane v19, v0;
	v29 =	vperm.xlane v19, v1  }
0x7f: {  	v44 =	vld [tilespmem:$0xAF0];
	v31 =	vperm.xlane v22, v0;
	v32 =	vperm.xlane v23, v0  }
0x80: {  	v47 =	vld [tilespmem:$0xB00];
	v11 =	vperm.xlane v22, v1;
	v12 =	vperm.xlane v23, v1  }
0x81: {  	v50 =	vld [tilespmem:$0xB10];
	v36 =	vperm.xlane v27, v0;
	v39 =	vperm.xlane v30, v0  }
0x82: {  	v53 =	vld [tilespmem:$0xB20];
	v9 =	vperm.xlane v30, v1;
	v41 =	vperm.xlane v33, v0  }
0x83: {  	v54 =	vld [tilespmem:$0xB30];
	v42 =	vperm.xlane v34, v0;
	v13 =	vperm.xlane v33, v1  }
0x84: {  	v63 =	vld [tilespmem:$0xB60];
	v14 =	vperm.xlane v34, v1;
	v46 =	vperm.xlane v37, v0  }
0x85: {  	v49 =	vperm.xlane v40, v0;
	v51 =	vperm.xlane v43, v0  }
0x86: {  	v52 =	vperm.xlane v44, v0;
	v15 =	vperm.xlane v43, v1  }
0x87: {  	v56 =	vperm.xlane v47, v0;
	v59 =	vperm.xlane v50, v0  }
0x88: {  	v61 =	vperm.xlane v53, v0;
	v62 =	vperm.xlane v54, v0  }
0x89: {  	v17 =	vperm.xlane v53, v1;
	v19 =	vperm.xlane v63, v1;
	v6 =	vshll.u32 v16, $0x4  }
0x8a: {  	v8 =	vshll.u32 v18, $0x4;
	v24 =	vshll.u32 v21, $0x4;
	v7 =	vshll.u32 v28, $0x4  }
0x8b: {  	v35 =	vshll.u32 v32, $0x4;
	v38 =	vshll.u32 v36, $0x4;
	v10 =	vshll.u32 v39, $0x4  }
0x8c: {  	v60 =	vld [tilespmem:$0xB50];
	v45 =	vshll.u32 v42, $0x4;
	v48 =	vshll.u32 v46, $0x4;
	v16 =	vperm.xlane v44, v1  }
0x8d: {  	v57 =	vld [tilespmem:$0xB40];
	v55 =	vshll.u32 v52, $0x4;
	v58 =	vshll.u32 v56, $0x4;
	v18 =	vperm.xlane v54, v1  }
0x8e: {  	v30 =	vld [tilespmem:$0xB90];
	v2 =	vadd.s32 v2, v6;
	v3 =	vadd.s32 v3, v8;
	v6 =	vshll.u32 v20, $0x4  }
0x8f: {  	v33 =	vld [tilespmem:$0xBA0];
	v5 =	vadd.s32 v5, v24;
	v7 =	vadd.s32 v29, v7;
	v8 =	vadd.s32 v12, v35  }
0x90: {  	v34 =	vld [tilespmem:$0xBB0];
	v9 =	vadd.s32 v9, v10;
	v10 =	vadd.s32 v14, v45;
	v12 =	vshll.u32 v49, $0x4  }
0x91: {  	v43 =	vld [tilespmem:$0xBD0];
	v14 =	vshll.u32 v59, $0x4;
	v29 =	vperm.xlane v60, v0;
	v4 =	vadd.s32 v4, v6  }
0x92: {  	v2 =	vsel vm0, v2, v3;
	v6 =	vshll.u32 v25, $0x4;
	v3 =	vsel vm0, v4, v5  }
0x93: {  	v4 =	vadd.s32 v26, v6;
	v5 =	vperm.xlane v27, v1;
	v26 =	vperm.xlane v57, v0  }
0x94: {  	v39 =	vld [tilespmem:$0xBC0];
	v6 =	vshll.u32 v31, $0x4;
	v31 =	vperm.xlane v63, v0;
	v42 =	vperm.xlane v30, v1  }
0x95: {  	v46 =	vld [tilespmem:$0xBE0];
	v25 =	vshll.u32 v62, $0x4;
	v44 =	vperm.xlane v33, v0;
	v45 =	vperm.xlane v34, v0  }
0x96: {  	v49 =	vperm.xlane v34, v1;
	v56 =	vperm.xlane v43, v1;
	v6 =	vadd.s32 v11, v6  }
0x97: {  	v4 =	vsel vm0, v4, v7;
	v7 =	vperm.xlane v37, v1;
	v11 =	vperm.xlane v40, v1  }
0x98: {  	v24 =	vld [tilespmem:$0xB70];
	v6 =	vsel vm0, v6, v8;
	v5 =	vadd.s32 v5, v38;
	v8 =	vshll.u32 v41, $0x4  }
0x99: {  	v28 =	vshll.u32 v26, $0x4;
	v41 =	vperm.xlane v30, v0;
	v52 =	vperm.xlane v39, v0  }
0x9a: {  	v53 =	vperm.xlane v39, v1;
	v59 =	vperm.xlane v46, v1;
	v8 =	vadd.s32 v13, v8  }
0x9b: {  	v5 =	vsel vm0, v5, v9;
	v7 =	vadd.s32 v7, v48;
	v11 =	vadd.s32 v11, v12  }
0x9c: {  	v12 =	vadd.s32 v16, v55;
	v9 =	vperm.xlane v47, v1;
	v13 =	vperm.xlane v50, v1  }
0x9d: {  	v32 =	vperm.xlane v24, v0;
	v16 =	vshll.u32 v29, $0x4;
	v20 =	vperm.xlane v24, v1  }
0x9e: {  	[tilespmem:$0x10D30] =	vst v6;
	v48 =	vperm.xlane v33, v1;
	v6 =	vshll.u32 v45, $0x4;
	v55 =	vperm.xlane v43, v0  }
0x9f: {  	v27 =	vld [tilespmem:$0xB80];
	v8 =	vsel vm0, v8, v10;
	v10 =	vshll.u32 v51, $0x4;
	v7 =	vsel vm0, v7, v11  }
0xa0: {  	v11 =	vperm.xlane v57, v1;
	[tilespmem:$0x10D40] =	vst v5;
	v47 =	vshll.u32 v41, $0x4;
	v5 =	vshll.u32 v44, $0x4  }
0xa1: {  	v6 =	vadd.s32 v49, v6;
	v54 =	vshll.u32 v52, $0x4;
	v57 =	vperm.xlane v46, v0  }
0xa2: {  	[tilespmem:$0x10D00] =	vst v2;
	v10 =	vadd.s32 v15, v10;
	v9 =	vadd.s32 v9, v58;
	v13 =	vadd.s32 v13, v14  }
0xa3: {  	[tilespmem:$0x10D10] =	vst v3;
	v14 =	vadd.s32 v18, v25;
	v15 =	vperm.xlane v60, v1;
	v35 =	vshll.u32 v32, $0x4  }
0xa4: {  	[tilespmem:$0x10D20] =	vst v4;
	v37 =	vperm.xlane v27, v0;
	v38 =	vperm.xlane v27, v1;
	v51 =	vadd.s32 v42, v47  }
0xa5: {  	v50 =	vld [tilespmem:$0xBF0];
	[tilespmem:$0x10D50] =	vst v8;
	v5 =	vadd.s32 v48, v5;
	v10 =	vsel vm0, v10, v12;
	v12 =	vshll.u32 v61, $0x4  }
0xa6: {  	[tilespmem:$0x10D60] =	vst v7;
	v9 =	vsel vm0, v9, v13;
	v11 =	vadd.s32 v11, v28;
	v36 =	vadd.s32 v20, v35  }
0xa7: {  	v5 =	vsel vm0, v5, v6;
	v61 =	vshll.u32 v57, $0x4;
	v12 =	vadd.s32 v17, v12;
	[tilespmem:$0x10D70] =	vst v10  }
0xa8: {  	v2 =	vadd.s32 v15, v16;
	[tilespmem:$0x10D80] =	vst v9;
	v12 =	vsel vm0, v12, v14;
	v14 =	vshll.u32 v31, $0x4  }
0xa9: {  	v40 =	vshll.u32 v37, $0x4;
	[tilespmem:$0x10DD0] =	vst v5;
	v2 =	vsel vm0, v11, v2;
	v3 =	vadd.s32 v19, v14  }
0xaa: {  	v4 =	vadd.s32 v38, v40;
	v58 =	vperm.xlane v50, v0;
	[tilespmem:$0x10D90] =	vst v12;
	v3 =	vsel vm0, v3, v36  }
0xab: {  	v60 =	vperm.xlane v50, v1;
	v4 =	vsel vm0, v4, v51;
	[tilespmem:$0x10DB0] =	vst v3;
	v3 =	vshll.u32 v55, $0x4  }
0xac: {  	[tilespmem:$0x10DA0] =	vst v2;
	v2 =	vadd.s32 v53, v54;
	v62 =	vshll.u32 v58, $0x4;
	v3 =	vadd.s32 v56, v3  }
0xad: {  	[tilespmem:$0x10DC0] =	vst v4;
	v63 =	vadd.s32 v60, v62;
	v2 =	vsel vm0, v2, v3;
	v3 =	vadd.s32 v59, v61  }
0xae: {  	[tilespmem:$0x10DE0] =	vst v2;
	v2 =	vsel vm0, v3, v63  }
0xaf: {  	s10 =	rddreg [dreg:$0x7];
	[tilespmem:$0x10DF0] =	vst v2  }
0xb0: {  	[tilespmem:s17], [sflag:$0x1] =	stream.linear.gather [hbm4b:s10+s2], $0x200, $0x38;
	[tilespmem:$0x10E00] =	vst v63  }
0xb1: {  	_ =	swait.ge [sflag:s26], $0x4000  }
0xb2: {  	[sflag:s26] =	ssyncset.done $0x0  }
0xb3: {  	[sflag:s26] =	ssyncadd.s32 $0xFFFFC000  }
0xb4: {  	_ =	swait.ge [sflag:s26], $0x4000  }
0xb5: {  	[sflag:s26] =	ssyncset.done $0x0  }
0xb6: {  	[sflag:s26] =	ssyncadd.s32 $0xFFFFC000  }
0xb7: {  	[tilespmem:s29], [sflag:$0x4] =	stream.indirect.gather [spmem:s1], $0x80, s28, s19, $0xb8;
	[tilespmem:$0x10E00] =	vst v63  }
0xb8: {  	_ = 	snop  }
0xb9: {  	[tilespmem:s31], [sflag:$0x4] =	stream.indirect.gather [spmem:s1], $0x80, s30, s19, $0xb8;
	[tilespmem:$0x10E00] =	vst v63  }
0xba: {  	s15 =	rddreg [dreg:$0x8]  }
0xbb: {  	[hbm4b:s15+s2] =	stream.linear.scatter [tilespmem:s21], [sflag:$0x5], $0x8000, $0x38;
	[tilespmem:$0x10E00] =	vst v63  }
0xbc: {  	s9 =	simm.s32 $0x0;
	s15 =	smov.u32 s8  }
.LBB2_2:
0xbd: {  	_ =	swait.ge [sflag:s0], $0x200  }
0xbe: {  	[sflag:s0] =	ssyncset.done $0x0  }
0xbf: {  	[sflag:s0] =	ssyncadd.s32 $0xFFFFFE00  }
0xc0: {  	v2 =	vld [tilespmem:$0x800]  }
0xc1: {  	v3 =	vld [tilespmem:$0x810]  }
0xc2: {  	v4 =	vld [tilespmem:$0x820]  }
0xc3: {  	v5 =	vld [tilespmem:$0x830]  }
0xc4: {  	v7 =	vld [tilespmem:$0x840]  }
0xc5: {  	v9 =	vld [tilespmem:$0x850]  }
0xc6: {  	v11 =	vld [tilespmem:$0x860]  }
0xc7: {  	v12 =	vld [tilespmem:$0x870]  }
0xc8: {  	v43 =	vld [tilespmem:$0x880]  }
0xc9: {  	v46 =	vld [tilespmem:$0x890];
	v6 =	vperm.xlane v2, v0  }
0xca: {  	v13 =	vld [tilespmem:$0x8A0];
	v2 =	vperm.xlane v2, v1;
	v8 =	vperm.xlane v3, v0  }
0xcb: {  	v14 =	vld [tilespmem:$0x8B0];
	v3 =	vperm.xlane v3, v1;
	v39 =	vperm.xlane v4, v0  }
0xcc: {  	v51 =	vld [tilespmem:$0x8C0];
	v10 =	vperm.xlane v5, v0;
	v4 =	vperm.xlane v4, v1  }
0xcd: {  	v54 =	vld [tilespmem:$0x8D0];
	v5 =	vperm.xlane v5, v1;
	v41 =	vperm.xlane v7, v0  }
0xce: {  	v15 =	vld [tilespmem:$0x8E0];
	v42 =	vperm.xlane v7, v1;
	v44 =	vperm.xlane v9, v0  }
0xcf: {  	v16 =	vld [tilespmem:$0x8F0];
	v45 =	vperm.xlane v9, v1;
	v47 =	vperm.xlane v11, v0  }
0xd0: {  	v59 =	vld [tilespmem:$0x900];
	v48 =	vperm.xlane v12, v0;
	v11 =	vperm.xlane v11, v1  }
0xd1: {  	v62 =	vld [tilespmem:$0x910];
	v12 =	vperm.xlane v12, v1;
	v50 =	vperm.xlane v43, v0  }
0xd2: {  	v17 =	vld [tilespmem:$0x920];
	v53 =	vperm.xlane v46, v0;
	v9 =	vperm.xlane v46, v1  }
0xd3: {  	v18 =	vld [tilespmem:$0x930];
	v55 =	vperm.xlane v13, v0;
	v56 =	vperm.xlane v14, v0  }
0xd4: {  	v24 =	vld [tilespmem:$0x940];
	v13 =	vperm.xlane v13, v1;
	v14 =	vperm.xlane v14, v1  }
0xd5: {  	v27 =	vld [tilespmem:$0x950];
	v58 =	vperm.xlane v51, v0;
	v61 =	vperm.xlane v54, v0  }
0xd6: {  	v19 =	vld [tilespmem:$0x960];
	v63 =	vperm.xlane v15, v0;
	v21 =	vperm.xlane v16, v0  }
0xd7: {  	v20 =	vld [tilespmem:$0x970];
	v15 =	vperm.xlane v15, v1;
	v16 =	vperm.xlane v16, v1  }
0xd8: {  	v23 =	vperm.xlane v59, v0;
	v26 =	vperm.xlane v62, v0  }
0xd9: {  	v28 =	vperm.xlane v17, v0;
	v29 =	vperm.xlane v18, v0  }
0xda: {  	v17 =	vperm.xlane v17, v1;
	v18 =	vperm.xlane v18, v1  }
0xdb: {  	v31 =	vperm.xlane v24, v0;
	v34 =	vperm.xlane v27, v0  }
0xdc: {  	v36 =	vperm.xlane v19, v0;
	v37 =	vperm.xlane v20, v0  }
0xdd: {  	v35 =	vld [tilespmem:$0x990];
	v19 =	vperm.xlane v19, v1;
	v20 =	vperm.xlane v20, v1  }
0xde: {  	v6 =	vshll.u32 v6, $0x4;
	v8 =	vshll.u32 v8, $0x4;
	v40 =	vshll.u32 v10, $0x4  }
0xdf: {  	v7 =	vshll.u32 v44, $0x4;
	v49 =	vshll.u32 v48, $0x4;
	v52 =	vshll.u32 v50, $0x4  }
0xe0: {  	v10 =	vshll.u32 v53, $0x4;
	v57 =	vshll.u32 v56, $0x4;
	v60 =	vshll.u32 v58, $0x4  }
0xe1: {  	v32 =	vld [tilespmem:$0x980];
	v22 =	vshll.u32 v21, $0x4;
	v25 =	vshll.u32 v23, $0x4;
	v30 =	vshll.u32 v29, $0x4  }
0xe2: {  	v33 =	vshll.u32 v31, $0x4;
	v38 =	vshll.u32 v37, $0x4;
	v44 =	vperm.xlane v35, v0  }
0xe3: {  	v2 =	vadd.s32 v2, v6;
	v3 =	vadd.s32 v3, v8;
	v6 =	vshll.u32 v39, $0x4  }
0xe4: {  	v5 =	vadd.s32 v5, v40;
	v7 =	vadd.s32 v45, v7;
	v8 =	vadd.s32 v12, v49  }
0xe5: {  	v46 =	vld [tilespmem:$0x9D0];
	v9 =	vadd.s32 v9, v10;
	v10 =	vadd.s32 v14, v57;
	v12 =	vshll.u32 v61, $0x4  }
0xe6: {  	v14 =	vshll.u32 v26, $0x4;
	v39 =	vadd.s32 v20, v38;
	v40 =	vperm.xlane v32, v0  }
0xe7: {  	v45 =	vperm.xlane v35, v1;
	v4 =	vadd.s32 v4, v6;
	v2 =	vsel vm0, v2, v3  }
0xe8: {  	v21 =	vld [tilespmem:$0x9A0];
	v6 =	vshll.u32 v41, $0x4;
	v41 =	vperm.xlane v32, v1;
	v50 =	vshll.u32 v44, $0x4  }
0xe9: {  	v53 =	vld [tilespmem:$0x9F0];
	v3 =	vsel vm0, v4, v5;
	v4 =	vadd.s32 v42, v6;
	v6 =	vshll.u32 v47, $0x4  }
0xea: {  	v5 =	vperm.xlane v43, v1;
	v43 =	vshll.u32 v40, $0x4;
	v58 =	vperm.xlane v46, v0  }
0xeb: {  	v6 =	vadd.s32 v11, v6;
	v4 =	vsel vm0, v4, v7;
	v7 =	vperm.xlane v51, v1  }
0xec: {  	v11 =	vperm.xlane v54, v1;
	v54 =	vadd.s32 v45, v50;
	v6 =	vsel vm0, v6, v8  }
0xed: {  	v49 =	vld [tilespmem:$0x9E0];
	v5 =	vadd.s32 v5, v52;
	v8 =	vshll.u32 v55, $0x4;
	v47 =	vperm.xlane v21, v0  }
0xee: {  	[tilespmem:$0x10C20] =	vst v4;
	v4 =	vadd.s32 v41, v43;
	v51 =	vperm.xlane v21, v1;
	v61 =	vperm.xlane v53, v0  }
0xef: {  	v8 =	vadd.s32 v13, v8;
	v5 =	vsel vm0, v5, v9;
	v7 =	vadd.s32 v7, v60  }
0xf0: {  	v11 =	vadd.s32 v11, v12;
	v12 =	vadd.s32 v16, v22;
	v9 =	vperm.xlane v59, v1  }
0xf1: {  	v13 =	vperm.xlane v62, v1;
	v16 =	vshll.u32 v34, $0x4;
	v59 =	vperm.xlane v46, v1  }
0xf2: {  	v42 =	vld [tilespmem:$0x9C0];
	v4 =	vsel vm0, v4, v54;
	v60 =	vperm.xlane v49, v0;
	v62 =	vperm.xlane v49, v1  }
0xf3: {  	[tilespmem:$0x10C00] =	vst v2;
	v8 =	vsel vm0, v8, v10;
	v10 =	vshll.u32 v63, $0x4;
	v7 =	vsel vm0, v7, v11  }
0xf4: {  	v11 =	vperm.xlane v24, v1;
	[tilespmem:$0x10C40] =	vst v5;
	v5 =	vshll.u32 v47, $0x4;
	v63 =	vperm.xlane v53, v1  }
0xf5: {  	[tilespmem:$0x10C10] =	vst v3;
	v22 =	vld [tilespmem:$0x9B0];
	v10 =	vadd.s32 v15, v10;
	v9 =	vadd.s32 v9, v25;
	v13 =	vadd.s32 v13, v14  }
0xf6: {  	[tilespmem:$0x10C30] =	vst v6;
	v14 =	vadd.s32 v18, v30;
	v15 =	vperm.xlane v27, v1;
	v5 =	vadd.s32 v51, v5  }
0xf7: {  	[tilespmem:$0x10CC0] =	vst v4;
	v55 =	vperm.xlane v42, v0;
	v56 =	vperm.xlane v42, v1;
	v10 =	vsel vm0, v10, v12  }
0xf8: {  	[tilespmem:$0x10C50] =	vst v8;
	v12 =	vshll.u32 v28, $0x4;
	v9 =	vsel vm0, v9, v13;
	v11 =	vadd.s32 v11, v33  }
0xf9: {  	[tilespmem:$0x10C60] =	vst v7;
	v12 =	vadd.s32 v17, v12;
	v2 =	vadd.s32 v15, v16;
	v57 =	vshll.u32 v55, $0x4  }
0xfa: {  	[tilespmem:$0x10C70] =	vst v10;
	v12 =	vsel vm0, v12, v14;
	v14 =	vshll.u32 v36, $0x4;
	v48 =	vperm.xlane v22, v0  }
0xfb: {  	[tilespmem:$0x10C80] =	vst v9;
	v2 =	vsel vm0, v11, v2;
	v52 =	vperm.xlane v22, v1;
	v3 =	vadd.s32 v19, v14  }
0xfc: {  	v11 =	vshll.u32 v60, $0x4;
	[tilespmem:$0x10CA0] =	vst v2;
	v3 =	vsel vm0, v3, v39;
	v6 =	vshll.u32 v48, $0x4  }
0xfd: {  	v2 =	vadd.s32 v56, v57;
	v6 =	vadd.s32 v52, v6;
	[tilespmem:$0x10CB0] =	vst v3;
	v3 =	vshll.u32 v58, $0x4  }
0xfe: {  	[tilespmem:$0x10C90] =	vst v12;
	v12 =	vshll.u32 v61, $0x4;
	v5 =	vsel vm0, v5, v6;
	v3 =	vadd.s32 v59, v3  }
0xff: {  	v13 =	vadd.s32 v63, v12;
	[tilespmem:$0x10CD0] =	vst v5;
	v2 =	vsel vm0, v2, v3;
	v3 =	vadd.s32 v62, v11  }
0x100: {  	[tilespmem:$0x10CE0] =	vst v2;
	v2 =	vsel vm0, v3, v13  }
0x101: {  	s10 =	sadd.s32 s9, s14;
	[tilespmem:$0x10CF0] =	vst v2  }
0x102: {  	[tilespmem:s24], [sflag:$0x2] =	stream.linear.gather [hbm4b:s10+s2], $0x200, $0x38;
	[tilespmem:$0x10E00] =	vst v63  }
0x103: {  	_ =	swait.ge [sflag:s3], $0x8000  }
0x104: {  	[sflag:s3] =	ssyncset.done $0x0  }
0x105: {  	[sflag:s3] =	ssyncadd.s32 $0xFFFF8000  }
0x106: {  	_ =	swait.ge [sflag:s5], $0x4000  }
0x107: {  	[sflag:s5] =	ssyncset.done $0x0  }
0x108: {  	[sflag:s5] =	ssyncadd.s32 $0xFFFFC000  }
0x109: {  	_ =	swait.ge [sflag:s5], $0x4000  }
0x10a: {  	[sflag:s5] =	ssyncset.done $0x0  }
0x10b: {  	[sflag:s5] =	ssyncadd.s32 $0xFFFFC000  }
0x10c: {  	[tilespmem:s21], [sflag:$0x3] =	stream.indirect.gather [spmem:s1], $0x80, s20, s19, $0xb8;
	[tilespmem:$0x10E00] =	vst v63  }
0x10d: {  	_ = 	snop  }
0x10e: {  	[tilespmem:s23], [sflag:$0x3] =	stream.indirect.gather [spmem:s1], $0x80, s22, s19, $0xb8;
	[tilespmem:$0x10E00] =	vst v63  }
0x10f: {  	s10 =	sadd.s32 $0xFFFFF000, s15  }
0x110: {  	[hbm4b:s10+s2] =	stream.linear.scatter [tilespmem:s29], [sflag:$0x6], $0x8000, $0x38;
	[tilespmem:$0x10E00] =	vst v63  }
0x111: {  	_ =	swait.ge [sflag:s25], $0x200  }
0x112: {  	[sflag:s25] =	ssyncset.done $0x0  }
0x113: {  	[sflag:s25] =	ssyncadd.s32 $0xFFFFFE00  }
0x114: {  	v2 =	vld [tilespmem:$0xA00]  }
0x115: {  	v3 =	vld [tilespmem:$0xA10]  }
0x116: {  	v14 =	vld [tilespmem:$0xA20]  }
0x117: {  	v15 =	vld [tilespmem:$0xA30]  }
0x118: {  	v17 =	vld [tilespmem:$0xA40]  }
0x119: {  	v19 =	vld [tilespmem:$0xA50]  }
0x11a: {  	v22 =	vld [tilespmem:$0xA60]  }
0x11b: {  	v23 =	vld [tilespmem:$0xA70]  }
0x11c: {  	v27 =	vld [tilespmem:$0xA80]  }
0x11d: {  	v30 =	vld [tilespmem:$0xA90];
	v16 =	vperm.xlane v2, v0;
	v2 =	vperm.xlane v2, v1  }
0x11e: {  	v33 =	vld [tilespmem:$0xAA0];
	v18 =	vperm.xlane v3, v0;
	v3 =	vperm.xlane v3, v1  }
0x11f: {  	v34 =	vld [tilespmem:$0xAB0];
	v20 =	vperm.xlane v14, v0;
	v21 =	vperm.xlane v15, v0  }
0x120: {  	v37 =	vld [tilespmem:$0xAC0];
	v4 =	vperm.xlane v14, v1;
	v5 =	vperm.xlane v15, v1  }
0x121: {  	v40 =	vld [tilespmem:$0xAD0];
	v25 =	vperm.xlane v17, v0;
	v26 =	vperm.xlane v17, v1  }
0x122: {  	v43 =	vld [tilespmem:$0xAE0];
	v28 =	vperm.xlane v19, v0;
	v29 =	vperm.xlane v19, v1  }
0x123: {  	v44 =	vld [tilespmem:$0xAF0];
	v31 =	vperm.xlane v22, v0;
	v32 =	vperm.xlane v23, v0  }
0x124: {  	v47 =	vld [tilespmem:$0xB00];
	v11 =	vperm.xlane v22, v1;
	v12 =	vperm.xlane v23, v1  }
0x125: {  	v50 =	vld [tilespmem:$0xB10];
	v36 =	vperm.xlane v27, v0;
	v39 =	vperm.xlane v30, v0  }
0x126: {  	v53 =	vld [tilespmem:$0xB20];
	v9 =	vperm.xlane v30, v1;
	v41 =	vperm.xlane v33, v0  }
0x127: {  	v54 =	vld [tilespmem:$0xB30];
	v42 =	vperm.xlane v34, v0;
	v13 =	vperm.xlane v33, v1  }
0x128: {  	v63 =	vld [tilespmem:$0xB60];
	v14 =	vperm.xlane v34, v1;
	v46 =	vperm.xlane v37, v0  }
0x129: {  	v49 =	vperm.xlane v40, v0;
	v51 =	vperm.xlane v43, v0  }
0x12a: {  	v52 =	vperm.xlane v44, v0;
	v15 =	vperm.xlane v43, v1  }
0x12b: {  	v56 =	vperm.xlane v47, v0;
	v59 =	vperm.xlane v50, v0  }
0x12c: {  	v61 =	vperm.xlane v53, v0;
	v62 =	vperm.xlane v54, v0  }
0x12d: {  	v17 =	vperm.xlane v53, v1;
	v19 =	vperm.xlane v63, v1;
	v6 =	vshll.u32 v16, $0x4  }
0x12e: {  	v8 =	vshll.u32 v18, $0x4;
	v24 =	vshll.u32 v21, $0x4;
	v7 =	vshll.u32 v28, $0x4  }
0x12f: {  	v35 =	vshll.u32 v32, $0x4;
	v38 =	vshll.u32 v36, $0x4;
	v10 =	vshll.u32 v39, $0x4  }
0x130: {  	v60 =	vld [tilespmem:$0xB50];
	v45 =	vshll.u32 v42, $0x4;
	v48 =	vshll.u32 v46, $0x4;
	v16 =	vperm.xlane v44, v1  }
0x131: {  	v57 =	vld [tilespmem:$0xB40];
	v55 =	vshll.u32 v52, $0x4;
	v58 =	vshll.u32 v56, $0x4;
	v18 =	vperm.xlane v54, v1  }
0x132: {  	v30 =	vld [tilespmem:$0xB90];
	v2 =	vadd.s32 v2, v6;
	v3 =	vadd.s32 v3, v8;
	v6 =	vshll.u32 v20, $0x4  }
0x133: {  	v33 =	vld [tilespmem:$0xBA0];
	v5 =	vadd.s32 v5, v24;
	v7 =	vadd.s32 v29, v7;
	v8 =	vadd.s32 v12, v35  }
0x134: {  	v34 =	vld [tilespmem:$0xBB0];
	v9 =	vadd.s32 v9, v10;
	v10 =	vadd.s32 v14, v45;
	v12 =	vshll.u32 v49, $0x4  }
0x135: {  	v43 =	vld [tilespmem:$0xBD0];
	v14 =	vshll.u32 v59, $0x4;
	v29 =	vperm.xlane v60, v0;
	v4 =	vadd.s32 v4, v6  }
0x136: {  	v2 =	vsel vm0, v2, v3;
	v6 =	vshll.u32 v25, $0x4;
	v3 =	vsel vm0, v4, v5  }
0x137: {  	v4 =	vadd.s32 v26, v6;
	v5 =	vperm.xlane v27, v1;
	v26 =	vperm.xlane v57, v0  }
0x138: {  	v39 =	vld [tilespmem:$0xBC0];
	v6 =	vshll.u32 v31, $0x4;
	v31 =	vperm.xlane v63, v0;
	v42 =	vperm.xlane v30, v1  }
0x139: {  	v46 =	vld [tilespmem:$0xBE0];
	v25 =	vshll.u32 v62, $0x4;
	v44 =	vperm.xlane v33, v0;
	v45 =	vperm.xlane v34, v0  }
0x13a: {  	v49 =	vperm.xlane v34, v1;
	v56 =	vperm.xlane v43, v1;
	v6 =	vadd.s32 v11, v6  }
0x13b: {  	v4 =	vsel vm0, v4, v7;
	v7 =	vperm.xlane v37, v1;
	v11 =	vperm.xlane v40, v1  }
0x13c: {  	v24 =	vld [tilespmem:$0xB70];
	v6 =	vsel vm0, v6, v8;
	v5 =	vadd.s32 v5, v38;
	v8 =	vshll.u32 v41, $0x4  }
0x13d: {  	v28 =	vshll.u32 v26, $0x4;
	v41 =	vperm.xlane v30, v0;
	v52 =	vperm.xlane v39, v0  }
0x13e: {  	v53 =	vperm.xlane v39, v1;
	v59 =	vperm.xlane v46, v1;
	v8 =	vadd.s32 v13, v8  }
0x13f: {  	v5 =	vsel vm0, v5, v9;
	v7 =	vadd.s32 v7, v48;
	v11 =	vadd.s32 v11, v12  }
0x140: {  	v12 =	vadd.s32 v16, v55;
	v9 =	vperm.xlane v47, v1;
	v13 =	vperm.xlane v50, v1  }
0x141: {  	v32 =	vperm.xlane v24, v0;
	v16 =	vshll.u32 v29, $0x4;
	v20 =	vperm.xlane v24, v1  }
0x142: {  	[tilespmem:$0x10D30] =	vst v6;
	v48 =	vperm.xlane v33, v1;
	v6 =	vshll.u32 v45, $0x4;
	v55 =	vperm.xlane v43, v0  }
0x143: {  	v27 =	vld [tilespmem:$0xB80];
	v8 =	vsel vm0, v8, v10;
	v10 =	vshll.u32 v51, $0x4;
	v7 =	vsel vm0, v7, v11  }
0x144: {  	v11 =	vperm.xlane v57, v1;
	[tilespmem:$0x10D40] =	vst v5;
	v47 =	vshll.u32 v41, $0x4;
	v5 =	vshll.u32 v44, $0x4  }
0x145: {  	v6 =	vadd.s32 v49, v6;
	v54 =	vshll.u32 v52, $0x4;
	v57 =	vperm.xlane v46, v0  }
0x146: {  	[tilespmem:$0x10D00] =	vst v2;
	v10 =	vadd.s32 v15, v10;
	v9 =	vadd.s32 v9, v58;
	v13 =	vadd.s32 v13, v14  }
0x147: {  	[tilespmem:$0x10D10] =	vst v3;
	v14 =	vadd.s32 v18, v25;
	v15 =	vperm.xlane v60, v1;
	v35 =	vshll.u32 v32, $0x4  }
0x148: {  	[tilespmem:$0x10D20] =	vst v4;
	v37 =	vperm.xlane v27, v0;
	v38 =	vperm.xlane v27, v1;
	v51 =	vadd.s32 v42, v47  }
0x149: {  	v50 =	vld [tilespmem:$0xBF0];
	[tilespmem:$0x10D50] =	vst v8;
	v5 =	vadd.s32 v48, v5;
	v10 =	vsel vm0, v10, v12;
	v12 =	vshll.u32 v61, $0x4  }
0x14a: {  	[tilespmem:$0x10D60] =	vst v7;
	v9 =	vsel vm0, v9, v13;
	v11 =	vadd.s32 v11, v28;
	v36 =	vadd.s32 v20, v35  }
0x14b: {  	v5 =	vsel vm0, v5, v6;
	v61 =	vshll.u32 v57, $0x4;
	v12 =	vadd.s32 v17, v12;
	[tilespmem:$0x10D70] =	vst v10  }
0x14c: {  	v2 =	vadd.s32 v15, v16;
	[tilespmem:$0x10D80] =	vst v9;
	v12 =	vsel vm0, v12, v14;
	v14 =	vshll.u32 v31, $0x4  }
0x14d: {  	v40 =	vshll.u32 v37, $0x4;
	[tilespmem:$0x10DD0] =	vst v5;
	v2 =	vsel vm0, v11, v2;
	v3 =	vadd.s32 v19, v14  }
0x14e: {  	v4 =	vadd.s32 v38, v40;
	v58 =	vperm.xlane v50, v0;
	[tilespmem:$0x10D90] =	vst v12;
	v3 =	vsel vm0, v3, v36  }
0x14f: {  	v60 =	vperm.xlane v50, v1;
	v4 =	vsel vm0, v4, v51;
	[tilespmem:$0x10DB0] =	vst v3;
	v3 =	vshll.u32 v55, $0x4  }
0x150: {  	[tilespmem:$0x10DA0] =	vst v2;
	v2 =	vadd.s32 v53, v54;
	v62 =	vshll.u32 v58, $0x4;
	v3 =	vadd.s32 v56, v3  }
0x151: {  	[tilespmem:$0x10DC0] =	vst v4;
	v63 =	vadd.s32 v60, v62;
	v2 =	vsel vm0, v2, v3;
	v3 =	vadd.s32 v59, v61  }
0x152: {  	[tilespmem:$0x10DE0] =	vst v2;
	v2 =	vsel vm0, v3, v63  }
0x153: {  	s10 =	sadd.s32 s9, s13;
	[tilespmem:$0x10DF0] =	vst v2  }
0x154: {  	[tilespmem:s17], [sflag:$0x1] =	stream.linear.gather [hbm4b:s10+s2], $0x200, $0x38;
	[tilespmem:$0x10E00] =	vst v63  }
0x155: {  	_ =	swait.ge [sflag:s6], $0x8000  }
0x156: {  	[sflag:s6] =	ssyncset.done $0x0  }
0x157: {  	[sflag:s6] =	ssyncadd.s32 $0xFFFF8000  }
0x158: {  	_ =	swait.ge [sflag:s26], $0x4000  }
0x159: {  	[sflag:s26] =	ssyncset.done $0x0  }
0x15a: {  	[sflag:s26] =	ssyncadd.s32 $0xFFFFC000  }
0x15b: {  	_ =	swait.ge [sflag:s26], $0x4000  }
0x15c: {  	[sflag:s26] =	ssyncset.done $0x0  }
0x15d: {  	p1 =	sne.s32 s9, $0x3080;
	[sflag:s26] =	ssyncadd.s32 $0xFFFFC000  }
0x15e: {  	[tilespmem:s29], [sflag:$0x4] =	stream.indirect.gather [spmem:s1], $0x80, s28, s19, $0xb8;
	[tilespmem:$0x10E00] =	vst v63  }
.Ltmp0:
0x15f: {  	_ = 	snop;
	(pc) =	sbr.rel @p1 .LBB2_2-.Ltmp0, $4  }
0x160: {  	[tilespmem:s31], [sflag:$0x4] =	stream.indirect.gather [spmem:s1], $0x80, s30, s19, $0xb8;
	[tilespmem:$0x10E00] =	vst v63  }
0x161: {  	_ = 	snop  }
0x162: {  	[hbm4b:s15+s2] =	stream.linear.scatter [tilespmem:s21], [sflag:$0x5], $0x8000, $0x38;
	[tilespmem:$0x10E00] =	vst v63  }
0x163: {  	s9 =	sadd.s32 $0x80, s9;
	s15 =	sadd.s32 $0x2000, s15  }
0x164: {  	_ =	swait.ge [sflag:s0], $0x200  }
0x165: {  	[sflag:s0] =	ssyncset.done $0x0  }
0x166: {  	[sflag:s0] =	ssyncadd.s32 $0xFFFFFE00  }
0x167: {  	v2 =	vld [tilespmem:$0x800]  }
0x168: {  	v3 =	vld [tilespmem:$0x810]  }
0x169: {  	v4 =	vld [tilespmem:$0x820]  }
0x16a: {  	v5 =	vld [tilespmem:$0x830]  }
0x16b: {  	v7 =	vld [tilespmem:$0x840]  }
0x16c: {  	v9 =	vld [tilespmem:$0x850]  }
0x16d: {  	v11 =	vld [tilespmem:$0x860]  }
0x16e: {  	v12 =	vld [tilespmem:$0x870]  }
0x16f: {  	v43 =	vld [tilespmem:$0x880]  }
0x170: {  	v46 =	vld [tilespmem:$0x890];
	v6 =	vperm.xlane v2, v0  }
0x171: {  	v13 =	vld [tilespmem:$0x8A0];
	v2 =	vperm.xlane v2, v1;
	v8 =	vperm.xlane v3, v0  }
0x172: {  	v14 =	vld [tilespmem:$0x8B0];
	v3 =	vperm.xlane v3, v1;
	v39 =	vperm.xlane v4, v0  }
0x173: {  	v51 =	vld [tilespmem:$0x8C0];
	v10 =	vperm.xlane v5, v0;
	v4 =	vperm.xlane v4, v1  }
0x174: {  	v54 =	vld [tilespmem:$0x8D0];
	v5 =	vperm.xlane v5, v1;
	v41 =	vperm.xlane v7, v0  }
0x175: {  	v15 =	vld [tilespmem:$0x8E0];
	v42 =	vperm.xlane v7, v1;
	v44 =	vperm.xlane v9, v0  }
0x176: {  	v16 =	vld [tilespmem:$0x8F0];
	v45 =	vperm.xlane v9, v1;
	v47 =	vperm.xlane v11, v0  }
0x177: {  	v59 =	vld [tilespmem:$0x900];
	v48 =	vperm.xlane v12, v0;
	v11 =	vperm.xlane v11, v1  }
0x178: {  	v62 =	vld [tilespmem:$0x910];
	v12 =	vperm.xlane v12, v1;
	v50 =	vperm.xlane v43, v0  }
0x179: {  	v17 =	vld [tilespmem:$0x920];
	v53 =	vperm.xlane v46, v0;
	v9 =	vperm.xlane v46, v1  }
0x17a: {  	v18 =	vld [tilespmem:$0x930];
	v55 =	vperm.xlane v13, v0;
	v56 =	vperm.xlane v14, v0  }
0x17b: {  	v24 =	vld [tilespmem:$0x940];
	v13 =	vperm.xlane v13, v1;
	v14 =	vperm.xlane v14, v1  }
0x17c: {  	v27 =	vld [tilespmem:$0x950];
	v58 =	vperm.xlane v51, v0;
	v61 =	vperm.xlane v54, v0  }
0x17d: {  	v19 =	vld [tilespmem:$0x960];
	v63 =	vperm.xlane v15, v0;
	v21 =	vperm.xlane v16, v0  }
0x17e: {  	v20 =	vld [tilespmem:$0x970];
	v15 =	vperm.xlane v15, v1;
	v16 =	vperm.xlane v16, v1  }
0x17f: {  	v23 =	vperm.xlane v59, v0;
	v26 =	vperm.xlane v62, v0  }
0x180: {  	v28 =	vperm.xlane v17, v0;
	v29 =	vperm.xlane v18, v0  }
0x181: {  	v17 =	vperm.xlane v17, v1;
	v18 =	vperm.xlane v18, v1  }
0x182: {  	v31 =	vperm.xlane v24, v0;
	v34 =	vperm.xlane v27, v0  }
0x183: {  	v36 =	vperm.xlane v19, v0;
	v37 =	vperm.xlane v20, v0  }
0x184: {  	v35 =	vld [tilespmem:$0x990];
	v19 =	vperm.xlane v19, v1;
	v20 =	vperm.xlane v20, v1  }
0x185: {  	v6 =	vshll.u32 v6, $0x4;
	v8 =	vshll.u32 v8, $0x4;
	v40 =	vshll.u32 v10, $0x4  }
0x186: {  	v7 =	vshll.u32 v44, $0x4;
	v49 =	vshll.u32 v48, $0x4;
	v52 =	vshll.u32 v50, $0x4  }
0x187: {  	v10 =	vshll.u32 v53, $0x4;
	v57 =	vshll.u32 v56, $0x4;
	v60 =	vshll.u32 v58, $0x4  }
0x188: {  	v32 =	vld [tilespmem:$0x980];
	v22 =	vshll.u32 v21, $0x4;
	v25 =	vshll.u32 v23, $0x4;
	v30 =	vshll.u32 v29, $0x4  }
0x189: {  	v33 =	vshll.u32 v31, $0x4;
	v38 =	vshll.u32 v37, $0x4;
	v44 =	vperm.xlane v35, v0  }
0x18a: {  	v2 =	vadd.s32 v2, v6;
	v3 =	vadd.s32 v3, v8;
	v6 =	vshll.u32 v39, $0x4  }
0x18b: {  	v5 =	vadd.s32 v5, v40;
	v7 =	vadd.s32 v45, v7;
	v8 =	vadd.s32 v12, v49  }
0x18c: {  	v46 =	vld [tilespmem:$0x9D0];
	v9 =	vadd.s32 v9, v10;
	v10 =	vadd.s32 v14, v57;
	v12 =	vshll.u32 v61, $0x4  }
0x18d: {  	v14 =	vshll.u32 v26, $0x4;
	v39 =	vadd.s32 v20, v38;
	v40 =	vperm.xlane v32, v0  }
0x18e: {  	v45 =	vperm.xlane v35, v1;
	v4 =	vadd.s32 v4, v6;
	v2 =	vsel vm0, v2, v3  }
0x18f: {  	v21 =	vld [tilespmem:$0x9A0];
	v6 =	vshll.u32 v41, $0x4;
	v41 =	vperm.xlane v32, v1;
	v50 =	vshll.u32 v44, $0x4  }
0x190: {  	v53 =	vld [tilespmem:$0x9F0];
	v3 =	vsel vm0, v4, v5;
	v4 =	vadd.s32 v42, v6;
	v6 =	vshll.u32 v47, $0x4  }
0x191: {  	v5 =	vperm.xlane v43, v1;
	v43 =	vshll.u32 v40, $0x4;
	v58 =	vperm.xlane v46, v0  }
0x192: {  	v6 =	vadd.s32 v11, v6;
	v4 =	vsel vm0, v4, v7;
	v7 =	vperm.xlane v51, v1  }
0x193: {  	v11 =	vperm.xlane v54, v1;
	v54 =	vadd.s32 v45, v50;
	v6 =	vsel vm0, v6, v8  }
0x194: {  	v49 =	vld [tilespmem:$0x9E0];
	v5 =	vadd.s32 v5, v52;
	v8 =	vshll.u32 v55, $0x4;
	v47 =	vperm.xlane v21, v0  }
0x195: {  	[tilespmem:$0x10C20] =	vst v4;
	v4 =	vadd.s32 v41, v43;
	v51 =	vperm.xlane v21, v1;
	v61 =	vperm.xlane v53, v0  }
0x196: {  	v8 =	vadd.s32 v13, v8;
	v5 =	vsel vm0, v5, v9;
	v7 =	vadd.s32 v7, v60  }
0x197: {  	v11 =	vadd.s32 v11, v12;
	v12 =	vadd.s32 v16, v22;
	v9 =	vperm.xlane v59, v1  }
0x198: {  	v13 =	vperm.xlane v62, v1;
	v16 =	vshll.u32 v34, $0x4;
	v59 =	vperm.xlane v46, v1  }
0x199: {  	v42 =	vld [tilespmem:$0x9C0];
	v4 =	vsel vm0, v4, v54;
	v60 =	vperm.xlane v49, v0;
	v62 =	vperm.xlane v49, v1  }
0x19a: {  	[tilespmem:$0x10C00] =	vst v2;
	v8 =	vsel vm0, v8, v10;
	v10 =	vshll.u32 v63, $0x4;
	v7 =	vsel vm0, v7, v11  }
0x19b: {  	v11 =	vperm.xlane v24, v1;
	[tilespmem:$0x10C40] =	vst v5;
	v5 =	vshll.u32 v47, $0x4;
	v63 =	vperm.xlane v53, v1  }
0x19c: {  	[tilespmem:$0x10C10] =	vst v3;
	v22 =	vld [tilespmem:$0x9B0];
	v10 =	vadd.s32 v15, v10;
	v9 =	vadd.s32 v9, v25;
	v13 =	vadd.s32 v13, v14  }
0x19d: {  	[tilespmem:$0x10C30] =	vst v6;
	v14 =	vadd.s32 v18, v30;
	v15 =	vperm.xlane v27, v1;
	v5 =	vadd.s32 v51, v5  }
0x19e: {  	[tilespmem:$0x10CC0] =	vst v4;
	v55 =	vperm.xlane v42, v0;
	v56 =	vperm.xlane v42, v1;
	v10 =	vsel vm0, v10, v12  }
0x19f: {  	[tilespmem:$0x10C50] =	vst v8;
	v12 =	vshll.u32 v28, $0x4;
	v9 =	vsel vm0, v9, v13;
	v11 =	vadd.s32 v11, v33  }
0x1a0: {  	[tilespmem:$0x10C60] =	vst v7;
	v12 =	vadd.s32 v17, v12;
	v2 =	vadd.s32 v15, v16;
	v57 =	vshll.u32 v55, $0x4  }
0x1a1: {  	[tilespmem:$0x10C70] =	vst v10;
	v12 =	vsel vm0, v12, v14;
	v14 =	vshll.u32 v36, $0x4;
	v48 =	vperm.xlane v22, v0  }
0x1a2: {  	[tilespmem:$0x10C80] =	vst v9;
	v2 =	vsel vm0, v11, v2;
	v52 =	vperm.xlane v22, v1;
	v3 =	vadd.s32 v19, v14  }
0x1a3: {  	v11 =	vshll.u32 v60, $0x4;
	[tilespmem:$0x10CA0] =	vst v2;
	v3 =	vsel vm0, v3, v39;
	v6 =	vshll.u32 v48, $0x4  }
0x1a4: {  	v2 =	vadd.s32 v56, v57;
	v6 =	vadd.s32 v52, v6;
	[tilespmem:$0x10CB0] =	vst v3;
	v3 =	vshll.u32 v58, $0x4  }
0x1a5: {  	[tilespmem:$0x10C90] =	vst v12;
	v12 =	vshll.u32 v61, $0x4;
	v5 =	vsel vm0, v5, v6;
	v3 =	vadd.s32 v59, v3  }
0x1a6: {  	v13 =	vadd.s32 v63, v12;
	[tilespmem:$0x10CD0] =	vst v5;
	v2 =	vsel vm0, v2, v3;
	v3 =	vadd.s32 v62, v11  }
0x1a7: {  	[tilespmem:$0x10CE0] =	vst v2;
	v2 =	vsel vm0, v3, v13  }
0x1a8: {  	s9 =	rddreg [dreg:$0x9];
	[tilespmem:$0x10CF0] =	vst v2  }
0x1a9: {  	[tilespmem:s24], [sflag:$0x2] =	stream.linear.gather [hbm4b:s9+s2], $0x200, $0x38;
	[tilespmem:$0x10E00] =	vst v63  }
0x1aa: {  	_ =	swait.ge [sflag:s3], $0x8000  }
0x1ab: {  	[sflag:s3] =	ssyncset.done $0x0  }
0x1ac: {  	[sflag:s3] =	ssyncadd.s32 $0xFFFF8000  }
0x1ad: {  	_ =	swait.ge [sflag:s5], $0x4000  }
0x1ae: {  	[sflag:s5] =	ssyncset.done $0x0  }
0x1af: {  	[sflag:s5] =	ssyncadd.s32 $0xFFFFC000  }
0x1b0: {  	_ =	swait.ge [sflag:s5], $0x4000  }
0x1b1: {  	[sflag:s5] =	ssyncset.done $0x0  }
0x1b2: {  	[sflag:s5] =	ssyncadd.s32 $0xFFFFC000  }
0x1b3: {  	[tilespmem:s21], [sflag:$0x3] =	stream.indirect.gather [spmem:s1], $0x80, s20, s19, $0xb8;
	[tilespmem:$0x10E00] =	vst v63  }
0x1b4: {  	_ = 	snop  }
0x1b5: {  	[tilespmem:s23], [sflag:$0x3] =	stream.indirect.gather [spmem:s1], $0x80, s22, s19, $0xb8;
	[tilespmem:$0x10E00] =	vst v63  }
0x1b6: {  	s10 =	rddreg [dreg:$0xa]  }
0x1b7: {  	[hbm4b:s10+s2] =	stream.linear.scatter [tilespmem:s29], [sflag:$0x6], $0x8000, $0x38;
	[tilespmem:$0x10E00] =	vst v63  }
0x1b8: {  	_ =	swait.ge [sflag:s25], $0x200  }
0x1b9: {  	[sflag:s25] =	ssyncset.done $0x0  }
0x1ba: {  	[sflag:s25] =	ssyncadd.s32 $0xFFFFFE00  }
0x1bb: {  	v2 =	vld [tilespmem:$0xA00]  }
0x1bc: {  	v3 =	vld [tilespmem:$0xA10]  }
0x1bd: {  	v14 =	vld [tilespmem:$0xA20]  }
0x1be: {  	v15 =	vld [tilespmem:$0xA30]  }
0x1bf: {  	v17 =	vld [tilespmem:$0xA40]  }
0x1c0: {  	v19 =	vld [tilespmem:$0xA50]  }
0x1c1: {  	v22 =	vld [tilespmem:$0xA60]  }
0x1c2: {  	v23 =	vld [tilespmem:$0xA70]  }
0x1c3: {  	v27 =	vld [tilespmem:$0xA80]  }
0x1c4: {  	v30 =	vld [tilespmem:$0xA90];
	v16 =	vperm.xlane v2, v0;
	v2 =	vperm.xlane v2, v1  }
0x1c5: {  	v33 =	vld [tilespmem:$0xAA0];
	v18 =	vperm.xlane v3, v0;
	v3 =	vperm.xlane v3, v1  }
0x1c6: {  	v34 =	vld [tilespmem:$0xAB0];
	v20 =	vperm.xlane v14, v0;
	v21 =	vperm.xlane v15, v0  }
0x1c7: {  	v37 =	vld [tilespmem:$0xAC0];
	v4 =	vperm.xlane v14, v1;
	v5 =	vperm.xlane v15, v1  }
0x1c8: {  	v40 =	vld [tilespmem:$0xAD0];
	v25 =	vperm.xlane v17, v0;
	v26 =	vperm.xlane v17, v1  }
0x1c9: {  	v43 =	vld [tilespmem:$0xAE0];
	v28 =	vperm.xlane v19, v0;
	v29 =	vperm.xlane v19, v1  }
0x1ca: {  	v44 =	vld [tilespmem:$0xAF0];
	v31 =	vperm.xlane v22, v0;
	v32 =	vperm.xlane v23, v0  }
0x1cb: {  	v47 =	vld [tilespmem:$0xB00];
	v11 =	vperm.xlane v22, v1;
	v12 =	vperm.xlane v23, v1  }
0x1cc: {  	v50 =	vld [tilespmem:$0xB10];
	v36 =	vperm.xlane v27, v0;
	v39 =	vperm.xlane v30, v0  }
0x1cd: {  	v53 =	vld [tilespmem:$0xB20];
	v9 =	vperm.xlane v30, v1;
	v41 =	vperm.xlane v33, v0  }
0x1ce: {  	v54 =	vld [tilespmem:$0xB30];
	v42 =	vperm.xlane v34, v0;
	v13 =	vperm.xlane v33, v1  }
0x1cf: {  	v63 =	vld [tilespmem:$0xB60];
	v14 =	vperm.xlane v34, v1;
	v46 =	vperm.xlane v37, v0  }
0x1d0: {  	v49 =	vperm.xlane v40, v0;
	v51 =	vperm.xlane v43, v0  }
0x1d1: {  	v52 =	vperm.xlane v44, v0;
	v15 =	vperm.xlane v43, v1  }
0x1d2: {  	v56 =	vperm.xlane v47, v0;
	v59 =	vperm.xlane v50, v0  }
0x1d3: {  	v61 =	vperm.xlane v53, v0;
	v62 =	vperm.xlane v54, v0  }
0x1d4: {  	v17 =	vperm.xlane v53, v1;
	v19 =	vperm.xlane v63, v1;
	v6 =	vshll.u32 v16, $0x4  }
0x1d5: {  	v8 =	vshll.u32 v18, $0x4;
	v24 =	vshll.u32 v21, $0x4;
	v7 =	vshll.u32 v28, $0x4  }
0x1d6: {  	v35 =	vshll.u32 v32, $0x4;
	v38 =	vshll.u32 v36, $0x4;
	v10 =	vshll.u32 v39, $0x4  }
0x1d7: {  	v60 =	vld [tilespmem:$0xB50];
	v45 =	vshll.u32 v42, $0x4;
	v48 =	vshll.u32 v46, $0x4;
	v16 =	vperm.xlane v44, v1  }
0x1d8: {  	v57 =	vld [tilespmem:$0xB40];
	v55 =	vshll.u32 v52, $0x4;
	v58 =	vshll.u32 v56, $0x4;
	v18 =	vperm.xlane v54, v1  }
0x1d9: {  	v30 =	vld [tilespmem:$0xB90];
	v2 =	vadd.s32 v2, v6;
	v3 =	vadd.s32 v3, v8;
	v6 =	vshll.u32 v20, $0x4  }
0x1da: {  	v33 =	vld [tilespmem:$0xBA0];
	v5 =	vadd.s32 v5, v24;
	v7 =	vadd.s32 v29, v7;
	v8 =	vadd.s32 v12, v35  }
0x1db: {  	v34 =	vld [tilespmem:$0xBB0];
	v9 =	vadd.s32 v9, v10;
	v10 =	vadd.s32 v14, v45;
	v12 =	vshll.u32 v49, $0x4  }
0x1dc: {  	v43 =	vld [tilespmem:$0xBD0];
	v14 =	vshll.u32 v59, $0x4;
	v29 =	vperm.xlane v60, v0;
	v4 =	vadd.s32 v4, v6  }
0x1dd: {  	v2 =	vsel vm0, v2, v3;
	v6 =	vshll.u32 v25, $0x4;
	v3 =	vsel vm0, v4, v5  }
0x1de: {  	v4 =	vadd.s32 v26, v6;
	v5 =	vperm.xlane v27, v1;
	v26 =	vperm.xlane v57, v0  }
0x1df: {  	v39 =	vld [tilespmem:$0xBC0];
	v6 =	vshll.u32 v31, $0x4;
	v31 =	vperm.xlane v63, v0;
	v42 =	vperm.xlane v30, v1  }
0x1e0: {  	v46 =	vld [tilespmem:$0xBE0];
	v25 =	vshll.u32 v62, $0x4;
	v44 =	vperm.xlane v33, v0;
	v45 =	vperm.xlane v34, v0  }
0x1e1: {  	v49 =	vperm.xlane v34, v1;
	v56 =	vperm.xlane v43, v1;
	v6 =	vadd.s32 v11, v6  }
0x1e2: {  	v4 =	vsel vm0, v4, v7;
	v7 =	vperm.xlane v37, v1;
	v11 =	vperm.xlane v40, v1  }
0x1e3: {  	v24 =	vld [tilespmem:$0xB70];
	v6 =	vsel vm0, v6, v8;
	v5 =	vadd.s32 v5, v38;
	v8 =	vshll.u32 v41, $0x4  }
0x1e4: {  	v28 =	vshll.u32 v26, $0x4;
	v41 =	vperm.xlane v30, v0;
	v52 =	vperm.xlane v39, v0  }
0x1e5: {  	v53 =	vperm.xlane v39, v1;
	v59 =	vperm.xlane v46, v1;
	v8 =	vadd.s32 v13, v8  }
0x1e6: {  	v5 =	vsel vm0, v5, v9;
	v7 =	vadd.s32 v7, v48;
	v11 =	vadd.s32 v11, v12  }
0x1e7: {  	v12 =	vadd.s32 v16, v55;
	v9 =	vperm.xlane v47, v1;
	v13 =	vperm.xlane v50, v1  }
0x1e8: {  	v32 =	vperm.xlane v24, v0;
	v16 =	vshll.u32 v29, $0x4;
	v20 =	vperm.xlane v24, v1  }
0x1e9: {  	[tilespmem:$0x10D30] =	vst v6;
	v48 =	vperm.xlane v33, v1;
	v6 =	vshll.u32 v45, $0x4;
	v55 =	vperm.xlane v43, v0  }
0x1ea: {  	v27 =	vld [tilespmem:$0xB80];
	v8 =	vsel vm0, v8, v10;
	v10 =	vshll.u32 v51, $0x4;
	v7 =	vsel vm0, v7, v11  }
0x1eb: {  	v11 =	vperm.xlane v57, v1;
	[tilespmem:$0x10D40] =	vst v5;
	v47 =	vshll.u32 v41, $0x4;
	v5 =	vshll.u32 v44, $0x4  }
0x1ec: {  	v6 =	vadd.s32 v49, v6;
	v54 =	vshll.u32 v52, $0x4;
	v57 =	vperm.xlane v46, v0  }
0x1ed: {  	[tilespmem:$0x10D00] =	vst v2;
	v10 =	vadd.s32 v15, v10;
	v9 =	vadd.s32 v9, v58;
	v13 =	vadd.s32 v13, v14  }
0x1ee: {  	[tilespmem:$0x10D10] =	vst v3;
	v14 =	vadd.s32 v18, v25;
	v15 =	vperm.xlane v60, v1;
	v35 =	vshll.u32 v32, $0x4  }
0x1ef: {  	[tilespmem:$0x10D20] =	vst v4;
	v37 =	vperm.xlane v27, v0;
	v38 =	vperm.xlane v27, v1;
	v51 =	vadd.s32 v42, v47  }
0x1f0: {  	v50 =	vld [tilespmem:$0xBF0];
	[tilespmem:$0x10D50] =	vst v8;
	v5 =	vadd.s32 v48, v5;
	v10 =	vsel vm0, v10, v12;
	v12 =	vshll.u32 v61, $0x4  }
0x1f1: {  	[tilespmem:$0x10D60] =	vst v7;
	v9 =	vsel vm0, v9, v13;
	v11 =	vadd.s32 v11, v28;
	v36 =	vadd.s32 v20, v35  }
0x1f2: {  	v5 =	vsel vm0, v5, v6;
	v61 =	vshll.u32 v57, $0x4;
	v12 =	vadd.s32 v17, v12;
	[tilespmem:$0x10D70] =	vst v10  }
0x1f3: {  	v2 =	vadd.s32 v15, v16;
	[tilespmem:$0x10D80] =	vst v9;
	v12 =	vsel vm0, v12, v14;
	v14 =	vshll.u32 v31, $0x4  }
0x1f4: {  	v40 =	vshll.u32 v37, $0x4;
	[tilespmem:$0x10DD0] =	vst v5;
	v2 =	vsel vm0, v11, v2;
	v3 =	vadd.s32 v19, v14  }
0x1f5: {  	v4 =	vadd.s32 v38, v40;
	v58 =	vperm.xlane v50, v0;
	[tilespmem:$0x10D90] =	vst v12;
	v3 =	vsel vm0, v3, v36  }
0x1f6: {  	v60 =	vperm.xlane v50, v1;
	v4 =	vsel vm0, v4, v51;
	[tilespmem:$0x10DB0] =	vst v3;
	v3 =	vshll.u32 v55, $0x4  }
0x1f7: {  	[tilespmem:$0x10DA0] =	vst v2;
	v2 =	vadd.s32 v53, v54;
	v62 =	vshll.u32 v58, $0x4;
	v3 =	vadd.s32 v56, v3  }
0x1f8: {  	[tilespmem:$0x10DC0] =	vst v4;
	v63 =	vadd.s32 v60, v62;
	v2 =	vsel vm0, v2, v3;
	v3 =	vadd.s32 v59, v61  }
0x1f9: {  	[tilespmem:$0x10DE0] =	vst v2;
	v2 =	vsel vm0, v3, v63  }
0x1fa: {  	[tilespmem:$0x10DF0] =	vst v2  }
0x1fb: {  	_ =	swait.ge [sflag:s6], $0x8000  }
0x1fc: {  	[sflag:s6] =	ssyncset.done $0x0  }
0x1fd: {  	[sflag:s6] =	ssyncadd.s32 $0xFFFF8000  }
0x1fe: {  	_ =	swait.ge [sflag:s26], $0x4000  }
0x1ff: {  	[sflag:s26] =	ssyncset.done $0x0  }
0x200: {  	[sflag:s26] =	ssyncadd.s32 $0xFFFFC000  }
0x201: {  	_ =	swait.ge [sflag:s26], $0x4000  }
0x202: {  	[sflag:s26] =	ssyncset.done $0x0  }
0x203: {  	[sflag:s26] =	ssyncadd.s32 $0xFFFFC000  }
0x204: {  	[tilespmem:s29], [sflag:$0x4] =	stream.indirect.gather [spmem:s1], $0x80, s28, s19, $0xb8;
	[tilespmem:$0x10E00] =	vst v63  }
0x205: {  	_ = 	snop  }
0x206: {  	[tilespmem:s31], [sflag:$0x4] =	stream.indirect.gather [spmem:s1], $0x80, s30, s19, $0xb8;
	[tilespmem:$0x10E00] =	vst v63  }
0x207: {  	s15 =	rddreg [dreg:$0xb]  }
0x208: {  	[hbm4b:s15+s2] =	stream.linear.scatter [tilespmem:s21], [sflag:$0x5], $0x8000, $0x38;
	[tilespmem:$0x10E00] =	vst v63  }
0x209: {  	_ =	swait.ge [sflag:s3], $0x8000  }
0x20a: {  	[sflag:s3] =	ssyncset.done $0x0  }
0x20b: {  	[sflag:s3] =	ssyncadd.s32 $0xFFFF8000  }
0x20c: {  	_ =	swait.ge [sflag:s5], $0x4000  }
0x20d: {  	[sflag:s5] =	ssyncset.done $0x0  }
0x20e: {  	[sflag:s5] =	ssyncadd.s32 $0xFFFFC000  }
0x20f: {  	s7 =	sadd.s32 $0x1, s7;
	_ =	swait.ge [sflag:s5], $0x4000  }
0x210: {  	p1 =	sne.s32 s7, s12;
	[sflag:s5] =	ssyncset.done $0x0  }
.Ltmp1:
0x211: {  	[sflag:s5] =	ssyncadd.s32 $0xFFFFC000;
	(pc) =	sbr.rel @p1 .LBB2_1-.Ltmp1, $4  }
0x212: {  	[hbm4b:s11+s2] =	stream.linear.scatter [tilespmem:s29], [sflag:$0x6], $0x8000, $0x38;
	[tilespmem:$0x10E00] =	vst v63  }
0x213: {  	_ =	swait.ge [sflag:s6], $0x8000  }
0x214: {  	[sflag:s6] =	ssyncset.done $0x0  }
0x215: {  	[sflag:s6] =	ssyncadd.s32 $0xFFFF8000  }
0x216: {  	_ =	sfence.sel $0x180000  }
0x217: {  	[bflag:$0x0] =	sbarrier.arrive $0xFFFF  }
0x218: {  	_ =	strace $0x90000047  }
0x219: {  	[bflag:$0x2] =	sbarrier.arrive $0xFFFF  }
0x21a: {  	s0 =	rddreg [dreg:$0x4]  }
0x21b: {  	s0 =	sadd.s32 @!p0 $0x100000, s0  }
0x21c: {  	[sflag:s0] =	ssyncadd.tile.s32 @!p0 $0x1;
	_ =	shalt  }
.Lfunc_end2:
_tile_overlayer_lowered:
.L_overlay_start_2:
0x21d: {  	(tag) =	ssettag $0x2  }
0x21e: {  	s0 =	rddreg [dreg:$0x0];
	s2 =	stileid.u32  }
0x21f: {  	s1 =	rddreg [dreg:$0x1];
	p0 =	sne.s32 s2, $0x0  }
0x220: {  	s3 =	rddreg [dreg:$0x2];
	[bflag:$0x3] =	sbarrier.arrive $0xFFFF;
	s2 =	simm.s32 @!p0 $0x1C07  }
0x221: {  	[timem:s3], [sflag:s2] =	dma.local @!p0 [hbm:s0], s1  }
0x222: {  	s0 =	simm.s32 @!p0 $0x7  }
0x223: {  	_ =	swait.ge @!p0 [sflag:s0], s1  }
0x224: {  	s1 =	ssub.s32 @!p0 $0x0, s1;
	[sflag:s0] =	ssyncset.done @!p0 $0x0  }
0x225: {  	[sflag:s0] =	ssyncadd.s32 @!p0 s1  }
0x226: {  	[bflag:$0x3] =	sbarrier.arrive $0xFFFF  }
0x227: {  	_ =	shalt  }

// kernel: sparse-core-data-format-call.cloned.1.call-start
scs
called_computation_lowered:
.L_overlay_start_0:
0x0: {  	s2 =	sld [smem:$0x3FD9]  }
0x1: {  	s3 =	sld [smem:$0x3FFE];
	_ =	sdelay $0x1  }
0x2: {  	s1 =	srdreg.scid  }
0x3: {  	s0 =	sand.u32 $0x1, s1  }
0x4: {  	s18 =	sshll.u32 s0, $0xA;
	s2 =	sadd.s32 s3, s2  }
0x5: {  	s2 =	sadd.s32 s2, s18  }
0x6: {  	[smem:$0x3FC6] =	sst s2  }
0x7: {  	_ = 	snop  }
0x8: {  	s2 =	sld [smem:$0x3FD0];
	(tm) =	ssettm $0x1  }
0x9: {  	s19 =	sld [smem:$0x3FFB];
	_ =	sdelay $0x3  }
0xa: {  	_ =	strace s19  }
0xb: {  	s3 =	sld [smem:$0x3FFC];
	_ =	sdelay $0x3  }
0xc: {  	_ =	strace s3  }
0xd: {  	s3 =	sld [smem:$0x3FFD];
	_ =	sdelay $0x3  }
0xe: {  	_ =	strace s3  }
0xf: {  	_ =	strace $0x8FFFFFFF  }
0x10: {  	s20 =	sld [smem:$0x3FDB];
	_ =	sdelay $0x1  }
0x11: {  	s4 =	simm.s32 $_scs_section_size  }
0x12: {  	s5 =	simm.s32 $_size__tile_overlayer_lowered;
	s6 =	simm.s32 $_tile_overlayer_lowered  }
0x13: {  	s23 =	simm.s32 $0x1BFF;
	s22 =	sshll.u32 s6, $0x1;
	s3 =	sadd.s32 s4, s20  }
0x14: {  	s7 =	simm.s32 $0x0;
	s21 =	sshll.u32 s5, $0x1;
	s5 =	sadd.s32 s22, s3  }
0x15: {  	[timem:s7], [sflag:s23] =	dma.local [hbm:s5], s21  }
0x16: {  	_ =	swait.ge [sflag:s23], s21  }
0x17: {  	s4 =	ssub.s32 $0x0, s21;
	[sflag:s23] =	ssyncset.done $0x0  }
0x18: {  	[sflag:s23] =	ssyncadd.s32 s4;
	_ =	sdelay $0x1  }
0x19: {  	s24 =	simm.s32 $0x1B8B  }
0x1a: {  	_ =	swait.ge [sflag:s24], $0x1  }
0x1b: {  	[sflag:s24] =	ssyncset.done $0x0  }
0x1c: {  	s26 =	simm.s32 $0x1B8E;
	s25 =	sld [smem:$0x3FFE];
	[sflag:s24] =	ssyncadd.s32 $0xFFFFFFFF  }
0x1d: {  	s27 =	simm.s32 $execute0_lowered;
	[smem:$0x3FD2] =	sst s26  }
0x1e: {  	s5 =	sshll.u32 s27, $0x1;
	_ =	strace $0x80000049;
	[dreg:$0x1] =	wrdreg $0xFFFFFFFF  }
0x1f: {  	s28 =	simm.s32 $_size_execute0_lowered;
	s3 =	sadd.s32 s3, s5;
	[dreg:$0x0] =	wrdreg $0x0  }
0x20: {  	s5 =	sshll.u32 s28, $0x1;
	[dreg:$0x2] =	wrdreg s3  }
0x21: {  	[dreg:$0x3] =	wrdreg s5  }
0x22: {  	[dreg:$0x4] =	wrdreg $0xC0  }
0x23: {  	_ =	task [dreg:s7], $0x5FFFF  }
0x24: {  	[dreg:$0x1] =	wrdreg $0xFFFFFFFF  }
0x25: {  	[dreg:$0x0] =	wrdreg $0x60  }
0x26: {  	[dreg:$0x2] =	wrdreg s25  }
0x27: {  	[dreg:$0x3] =	wrdreg s2  }
0x28: {  	[dreg:$0x4] =	wrdreg $0x9  }
0x29: {  	_ =	task.clear_ibuf [dreg:s7], $0x5FFFF;
	_ =	strace $0x90000049  }
0x2a: {  	s29 =	simm.s32 $0x9;
	_ =	strace $0x8000004B  }
0x2b: {  	_ =	swait.ge [sflag:s29], $0x1  }
0x2c: {  	[sflag:s29] =	ssyncadd.s32 $0xFFFFFFFF  }
0x2d: {  	_ =	strace $0x9000004B  }
0x2e: {  	_ =	sfence  }
0x2f: {  	s30 =	sld [smem:$0x0];
	_ =	sdelay $0x2  }
0x30: {  	s31 =	sshll.u32 s1, $0xD;
	s1 =	sshrl.u32 s1, $0x2  }
0x31: {  	s3 =	sand.u32 $0x4000, s31;
	s1 =	sadd.s32 s1, s30  }
0x32: {  	s0 =	sor.u32 s3, s0;
	s1 =	sshll.u32 s1, $0x11  }
0x33: {  	s0 =	sor.u32 s1, s0  }
0x34: {  	s0 =	sadd.s32 $0x8F2B, s0  }
0x35: {  	[sflag:s0] =	ssyncadd.remote.s32 $0x1  }
0x36: {  	_ =	sfence.sel $0xFFFF  }
0x37: {  	[dreg:$0x0] =	wrdreg $0xFFFFFFFF;
	(pc) =	sbr.abs _section_cstart, $3  }
0x38: {  	[dreg:$0x1] =	wrdreg $0xFFFFFFFF  }
0x39: {  	_ =	task.clear_ibuf [dreg:s7], $0x2FFFF;
	_ =	strace $0x9FFFFFFF  }
0x3a: {  	(tm) =	ssettm $0x7FFFFFFF  }
0x3b: {  	_ =	shalt  }
tec
execute0_lowered:
.L_overlay_start_1:
0x0: {  	(tag) =	ssettag $0x1  }
0x1: {  	s0 =	srdreg.scid  }
0x2: {  	s1 =	sshll.u32 s0, $0x4  }
0x3: {  	s4 =	rddreg [dreg:$0x0];
	s0 =	stileid.u32;
	s1 =	sand.u32 $0x10, s1  }
0x4: {  	s2 =	rddreg [dreg:$0x1];
	s7 =	simm.s32 $0x1;
	s1 =	sor.u32 s0, s1  }
0x5: {  	s8 =	simm.s32 $0x2;
	s11 =	simm.s32 $0x0;
	s3 =	sshll.u32 s1, $0x7  }
0x6: {  	s10 =	simm.s32 $0x0;
	s4 =	sadd.s32 $0x800, s4;
	s6 =	ssub.s32 $0x320000, s3  }
.Ltmp0:
0x7: {  	s1 =	rddreg [dreg:$0x2];
	s5 =	sand.u32 $0xF80, s6;
	(pc) =	sbr.rel .LBB1_1-.Ltmp0, $4  }
0x8: {  	_ =	strace $0x8000004A;
	s9 =	smov.u32 s3;
	p0 =	sne.s32 s5, $0x0  }
0x9: {  	s6 =	sshrl.u32 s6, $0xC;
	s5 =	simm.s32 $0x1;
	s7 =	simm.s32 @!p0 $0x0  }
0xa: {  	[sflag:s5] =	ssyncpa.u1 $0x0;
	p0 =	por $0x0, $0x0;
	s6 =	sadd.s32 s7, s6  }
0xb: {  	[sflag:s8] =	ssyncpa.u1 $0x0;
	s8 =	simm.s32 $0x1900000;
	s7 =	sadd.s32 $0x1, s6  }
.LBB1_4:
0xc: {  	s14 =	sshll.u32 s11, $0x3  }
0xd: {  	s30 =	sand.u32 $0x7F, s11;
	s15 =	sand.u32 $0xFFFFFC00, s14  }
0xe: {  	s11 =	sor.u32 s30, s15  }
0xf: {  	s15 =	smulhi.u32 $0x51EB851F, s11  }
0x10: {  	s14 =	smulhi.u32 $0x51EB851F, s14  }
0x11: {  	s15 =	sshrl.u32 s15, $0x14  }
0x12: {  	s14 =	sshrl.u32 s14, $0x14;
	s15 =	smul.u32 $0x320000, s15  }
0x13: {  	s14 =	sand.u32 $0x3F, s14  }
0x14: {  	s14 =	smul.u32 $0x64000, s14;
	s11 =	ssub.s32 s11, s15  }
0x15: {  	[tilespmem:s13+$0x810 ss:$0x81] =	vst.msk $0xffff, v2;
	s15 =	sand.u32 $0x7, s11  }
0x16: {  	[tilespmem:s13+$0x1020 ss:$0x81] =	vst.msk $0xffff, v0;
	s14 =	sadd.s32 s2, s14;
	s11 =	sshrl.u32 s11, $0x3;
	s15 =	sshll.u32 s15, $0x12  }
0x17: {  	[tilespmem:s13+$0x0 ss:$0x81] =	vst.msk $0xffff, v1;
	s11 =	sadd.s32 s11, s14;
	s31 =	sor.u32 $0x400, s15  }
0x18: {  	[hbm4b:s11+s31] =	stream.strided.scatter [tilespmem:s12], [sflag:$0x2], $0x2000, s8, s31, $0x20;
	[tilespmem:$0x8080] =	vst v63  }
.LBB1_5:
0x19: {  	s13 =	sadd.s32 $0x1000, s9  }
0x1a: {  	p2 =	sgt.s32 s13, $0x31FFFF  }
0x1b: {  	s13 =	smov.u32 @p2 s3;
	p2 =	sne.s32 s10, s7  }
.Ltmp1:
0x1c: {  	p1 =	slt.u32 s10, $0x2;
	(pc) =	sbr.rel @!p2 .LBB1_6-.Ltmp1, $4  }
0x1d: {  	s12 =	simm.s32 @!p1 $0x2  }
0x1e: {  	s14 =	sadd.s32 $0x1, s10;
	_ =	swait.ge @!p1 [sflag:s12], $0x2000  }
0x1f: {  	s11 =	smov.u32 s9;
	p0 =	por !p0, !p0;
	[sflag:s12] =	ssyncset.done @!p1 $0x0  }
0x20: {  	s10 =	smov.u32 s14;
	s9 =	smov.u32 s13;
	[sflag:s12] =	ssyncadd.s32 @!p1 $0xFFFFE000  }
.LBB1_1:
0x21: {  	p1 =	sge.u32 s10, s6  }
0x22: {  	s12 =	sand.u32 @!p1 $0x1FFFFFF, s9  }
0x23: {  	s13 =	smulhi.u32 @!p1 $0x147AE15, s12;
	_ =	sdelay $0x1  }
0x24: {  	s13 =	sshrl.u32 @!p1 s13, $0xE  }
0x25: {  	s13 =	smul.u32 @!p1 $0x320000, s13;
	_ =	sdelay $0x1  }
0x26: {  	s31 =	sadd.s32 $0xFFFFFFFF, s10;
	s14 =	sxor.u32 @!p1 $0xFFFFFFFF, s10;
	s12 =	ssub.s32 @!p1 s12, s13  }
0x27: {  	s15 =	simm.s32 @!p1 $0x80;
	s14 =	sshll.u32 @!p1 s14, $0xD;
	s12 =	sshll.u32 @!p1 s12, $0x4  }
0x28: {  	s13 =	sand.u32 @!p1 $0x2000, s14;
	s14 =	simm.s32 @!p1 $0x40;
	s12 =	sadd.s32 @!p1 s4, s12  }
0x29: {  	[tilespmem:s13], [sflag:$0x1] =	stream.strided.gather @!p1 [hbm4b:s12+s14], $0x2000, s15, s14, $0x38;
	[tilespmem:$0x8080] =	vst v63  }
0x2a: {  	p1 =	sge.u32 s31, s6  }
.Ltmp2:
0x2b: {  	_ = 	snop;
	(pc) =	sbr.rel @p1 .LBB1_5-.Ltmp2, $1  }
0x2c: {  	_ =	sdelay $0x3  }
0x2d: {  	s12 =	simm.s32 $0x1  }
0x2e: {  	_ =	swait.ge [sflag:s5], $0x2000;
	s12 =	simm.s32 @!p0 $0x0  }
0x2f: {  	[sflag:s5] =	ssyncset.done $0x0;
	s13 =	sshll.u32 s12, $0xD  }
0x30: {  	[sflag:s5] =	ssyncadd.s32 $0xFFFFE000;
	s16 =	sor.u32 $0x20, s13  }
0x31: {  	s12 =	smul.u32 $0x8100, s12;
	v3 =	vld [tilespmem:s16+$0x10]  }
0x32: {  	s30 =	sand.u32 $0x1, s10;
	v2 =	vld [tilespmem:s16+$0xFFFFFFF0]  }
0x33: {  	s13 =	smul.u32 $0x8100, s30;
	s12 =	sshrl.u32 s12, $0x2;
	v0 =	vld [tilespmem:s16+$0x0]  }
0x34: {  	v1 =	vld [tilespmem:s16+$0xFFFFFFE0];
	s14 =	sor.u32 $0x4000, s12  }
0x35: {  	s31 =	sshrl.u32 s13, $0x2;
	s13 =	sadd.s32 $0x0, s14  }
0x36: {  	s15 =	simm.s32 $0x4;
	s16 =	sadd.s32 $0x40, s16;
	s12 =	sor.u32 $0x4000, s31;
	[tilespmem:s13+$0x1830 ss:$0x81] =	vst.msk $0xffff, v3  }
.LBB1_3:
0x37: {  	v3 =	vld [tilespmem:s16+$0x10];
	p1 =	sne.s32 s15, $0x1FC;
	[tilespmem:s13+$0x810 ss:$0x81] =	vst.msk $0xffff, v2;
	s17 =	smov.u32 s15;
	s15 =	sadd.s32 $0x4, s15  }
.Ltmp3:
0x38: {  	v2 =	vld [tilespmem:s16+$0xFFFFFFF0];
	[tilespmem:s13+$0x1020 ss:$0x81] =	vst.msk $0xffff, v0;
	(pc) =	sbr.rel @p1 .LBB1_3-.Ltmp3, $4  }
0x39: {  	v0 =	vld [tilespmem:s16+$0x0];
	[tilespmem:s13+$0x0 ss:$0x81] =	vst.msk $0xffff, v1  }
0x3a: {  	s13 =	sshra.s32 s17, $0x2;
	v1 =	vld [tilespmem:s16+$0xFFFFFFE0]  }
0x3b: {  	s13 =	sadd.s32 s13, s14  }
0x3c: {  	s16 =	sadd.s32 $0x40, s16;
	[tilespmem:s13+$0x1830 ss:$0x81] =	vst.msk $0xffff, v3  }
.Ltmp4:
0x3d: {  	_ = 	snop;
	(pc) =	sbr.rel .LBB1_4-.Ltmp4, $1  }
0x3e: {  	_ =	sdelay $0x3  }
.LBB1_6:
0x3f: {  	_ =	sfence.sel $0x180000  }
0x40: {  	s2 =	simm.s32 $0x1;
	[bflag:$0x0] =	sbarrier.arrive $0xFFFF  }
0x41: {  	s31 =	simm.s32 $0x2;
	[sflag:s2] =	ssyncpa.u1 $0x1  }
0x42: {  	[sflag:s31] =	ssyncpa.u1 $0x1  }
0x43: {  	p0 =	sne.s32 s0, $0x0;
	_ =	strace $0x9000004A  }
0x44: {  	s0 =	sadd.s32 @!p0 $0x100000, s1;
	[bflag:$0x2] =	sbarrier.arrive $0xFFFF  }
0x45: {  	[sflag:s0] =	ssyncadd.tile.s32 @!p0 $0x1;
	_ =	shalt  }
.Lfunc_end1:
_tile_overlayer_lowered:
.L_overlay_start_2:
0x46: {  	(tag) =	ssettag $0x2  }
0x47: {  	s0 =	rddreg [dreg:$0x0];
	s2 =	stileid.u32  }
0x48: {  	s1 =	rddreg [dreg:$0x1];
	p0 =	sne.s32 s2, $0x0  }
0x49: {  	s3 =	rddreg [dreg:$0x2];
	[bflag:$0x3] =	sbarrier.arrive $0xFFFF;
	s2 =	simm.s32 @!p0 $0x1C01  }
0x4a: {  	[timem:s3], [sflag:s2] =	dma.local @!p0 [hbm:s0], s1  }
0x4b: {  	s0 =	simm.s32 @!p0 $0x1  }
0x4c: {  	_ =	swait.ge @!p0 [sflag:s0], s1  }
0x4d: {  	s1 =	ssub.s32 @!p0 $0x0, s1;
	[sflag:s0] =	ssyncset.done @!p0 $0x0  }
0x4e: {  	[sflag:s0] =	ssyncadd.s32 @!p0 s1  }
0x4f: {  	[bflag:$0x3] =	sbarrier.arrive $0xFFFF  }
0x50: {  	_ =	shalt  }

</sc_bundles>
